<compile_context>
chip_gen: v7x
topology: tpu7x:2x2x1
jax: 0.10.2.dev20260603
libtpu: 0.0.44.dev20260713+nightly
codegen_flags: <defaults>
</compile_context>

<pallas_src>
import jax
import jax.numpy as jnp
from jax import lax
from jax.experimental import pallas as pl
from jax.experimental.pallas import tpu as pltpu
from jax.experimental.pallas import tpu_sc as plsc

B, L, VOCAB, STYLE = 16, 2048, 100000, 18
EPS = 1e-7

HALF = 1024
STAGE = 1040
IDXN = 2 * STAGE
GB = 104
NBLK = IDXN // GB
NG = HALF // 16
PAD = STAGE + 112
VROWS = (VOCAB * STYLE) // 16


def _sc_body(wids_hbm, mids_hbm, cnt_hbm, mc_hbm, xl_hbm, xr_hbm,
             part_hbm, head_hbm,
             wids_v, mids_v, cnt_v, mc_v, headidx_v, headidx2, idxbuf,
             xlbuf, xrbuf, headrows,
             row_ref, head_pad,
             sem_l, sem_r, sem_h):
    k = lax.axis_index("c")
    b = lax.axis_index("s")
    start = k * HALF
    base = b * L + start

    pltpu.sync_copy(wids_hbm.at[pl.ds(base, STAGE)], wids_v)
    pltpu.sync_copy(mids_hbm.at[pl.ds(base, STAGE)], mids_v)
    pltpu.sync_copy(cnt_hbm, cnt_v)
    pltpu.sync_copy(mc_hbm, mc_v)
    pltpu.sync_copy(wids_hbm.at[pl.ds(b * L, 16)], headidx_v)

    iota = lax.iota(jnp.int32, 16)
    zeros16 = jnp.zeros((16,), jnp.int32)

    def build(g, carry):
        l = g * 16 + iota
        w = plsc.load_gather(wids_v, [l])
        r0 = (w * STYLE) >> 4
        plsc.store_scatter(idxbuf, [l * 2], r0)
        plsc.store_scatter(idxbuf, [l * 2 + 1], r0 + 1)
        return carry

    lax.fori_loop(0, STAGE // 16, build, jnp.int32(0))

    hw_all = plsc.load_gather(headidx_v, [iota])
    w0 = jnp.sum(jnp.where(iota == 0, hw_all, 0))
    hw = jnp.full((16,), w0, jnp.int32)
    hr0 = (hw * STYLE) >> 4
    off0 = (hw * STYLE) & 15
    plsc.store_scatter(headidx2, [iota],
                       jnp.where(iota == 1, hr0 + 1, hr0))

    pltpu.async_copy(xl_hbm.at[headidx2], headrows, sem_h).wait()
    copies = []
    for blk in range(NBLK):
        idx = idxbuf.at[pl.ds(blk * GB, GB)]
        copies.append(pltpu.async_copy(
            xl_hbm.at[idx], xlbuf.at[pl.ds(blk * GB, GB)], sem_l))
        copies.append(pltpu.async_copy(
            xr_hbm.at[idx], xrbuf.at[pl.ds(blk * GB, GB)], sem_r))
    for c_ in copies:
        c_.wait()

    cv = plsc.load_gather(cnt_v, [jnp.full((16,), b, jnp.int32)])

    def head_at(t):
        return plsc.load_gather(headrows, [t >> 4, t & 15])

    hd = [head_at(off0 + d) for d in range(STYLE)]

    zf = jnp.zeros((16,), jnp.float32)
    init = tuple([zf] * (2 * STYLE))

    def body(g, acc):
        ri = g * 16 + iota
        rn = ri + 1
        w_i = plsc.load_gather(wids_v, [ri])
        w_n = plsc.load_gather(wids_v, [rn])
        mids_i = plsc.load_gather(mids_v, [ri])
        mids_n = plsc.load_gather(mids_v, [rn])
        off_i = (w_i * STYLE) & 15
        off_n = (w_n * STYLE) & 15
        bri = ri * 2
        brn = rn * 2
        pos = ri + start
        mv = (pos >= 1) & (pos < cv - 1)
        mh = (pos >= 1) & (pos < cv)
        acc = list(acc)
        for d in range(STYLE):
            t_i = off_i + d
            t_n = off_n + d
            rri = bri + (t_i >> 4)
            cci = t_i & 15
            rrn = brn + (t_n >> 4)
            ccn = t_n & 15
            xl_i = plsc.load_gather(xlbuf, [rri, cci])
            xr_i = plsc.load_gather(xrbuf, [rri, cci])
            xl_n = plsc.load_gather(xlbuf, [rrn, ccn])
            mb_i = plsc.load_gather(mc_v, [mids_i * STYLE + d])
            mb_n = plsc.load_gather(mc_v, [mids_n * STYLE + d])
            dv = mb_i * xr_i - mb_n * xl_n
            acc[d] = acc[d] + jnp.where(mv, dv * dv, 0.0)
            dh = mb_i * (0.5 * (xl_i + xr_i) - hd[d])
            acc[STYLE + d] = acc[STYLE + d] + jnp.where(mh, dh * dh, 0.0)
        return tuple(acc)

    acc = lax.fori_loop(0, NG, body, init)

    for w in range(2):
        lo = jnp.zeros((16,), jnp.float32)
        hi = jnp.zeros((16,), jnp.float32)
        for d in range(STYLE):
            s = jnp.sum(acc[w * STYLE + d])
            sp = jnp.full((16,), s, jnp.float32)
            if d < 16:
                lo = jnp.where(iota == d, sp, lo)
            else:
                hi = jnp.where(iota == (d - 16), sp, hi)
        plsc.store_scatter(row_ref, [iota + 32 * w], lo)
        plsc.store_scatter(row_ref, [iota + 32 * w + 16], hi)
    r = k * B + b
    pltpu.sync_copy(row_ref, part_hbm.at[r])

    @pl.when(k == 0)
    def _():
        plsc.store_scatter(head_pad, [iota], head_at(off0 + iota))
        plsc.store_scatter(head_pad, [iota + 16],
                           head_at(off0 + jnp.minimum(iota + 16, STYLE - 1)))
        pltpu.sync_copy(head_pad, head_hbm.at[b])


RP_UNITS = (VOCAB // 8)
RP_PER_TILE = -(-RP_UNITS // 32)
RP_SUB = 48


def _repack_body(src_hbm, out_hbm, buf_in, buf_out):
    k = lax.axis_index("c")
    s = lax.axis_index("s")
    t = s * 2 + k
    iota = lax.iota(jnp.int32, 16)
    u0 = t * RP_PER_TILE
    n_units = jnp.maximum(0, jnp.minimum(RP_UNITS - u0, RP_PER_TILE))
    n_sub = (n_units + RP_SUB - 1) // RP_SUB
    rowoff = [(j * 16 + iota) // STYLE for j in range(9)]
    coloff = [(j * 16 + iota) % STYLE for j in range(9)]

    def sub(i, carry):
        su = jnp.minimum(u0 + i * RP_SUB, RP_UNITS - RP_SUB)
        pltpu.sync_copy(src_hbm.at[pl.ds(su * 8, RP_SUB * 8)], buf_in)

        def unit(u, c2):
            for j in range(9):
                v = plsc.load_gather(buf_in, [u * 8 + rowoff[j], coloff[j]])
                plsc.store_scatter(
                    buf_out, [jnp.full((16,), u * 9 + j, jnp.int32), iota], v)
            return c2

        lax.fori_loop(0, RP_SUB, unit, jnp.int32(0))
        pltpu.sync_copy(buf_out, out_hbm.at[pl.ds(su * 9, RP_SUB * 9)])
        return carry

    lax.fori_loop(0, n_sub, sub, jnp.int32(0))


def _repack(table):
    mesh = plsc.VectorSubcoreMesh(core_axis_name="c", subcore_axis_name="s",
                                  num_cores=2, num_subcores=16)
    f = pl.kernel(
        _repack_body,
        out_type=jax.ShapeDtypeStruct((VROWS, 16), jnp.float32),
        mesh=mesh,
        scratch_types=[
            pltpu.VMEM((RP_SUB * 8, STYLE), jnp.float32),
            pltpu.VMEM((RP_SUB * 9, 16), jnp.float32),
        ],
        compiler_params=pltpu.CompilerParams(
            needs_layout_passes=False, use_tc_tiling_on_sc=False),
    )
    return f(table)


def _sc_call(wids_flat, mids_flat, cnt, mc_flat, xl_table, xr_table):
    xl16 = _repack(xl_table)
    xr16 = _repack(xr_table)
    mesh = plsc.VectorSubcoreMesh(core_axis_name="c", subcore_axis_name="s",
                                  num_cores=2, num_subcores=16)
    f = pl.kernel(
        _sc_body,
        out_type=(
            jax.ShapeDtypeStruct((2 * B, 64), jnp.float32),
            jax.ShapeDtypeStruct((B, 32), jnp.float32),
        ),
        mesh=mesh,
        scratch_types=[
            pltpu.VMEM((STAGE,), jnp.int32),
            pltpu.VMEM((STAGE,), jnp.int32),
            pltpu.VMEM((16,), jnp.int32),
            pltpu.VMEM((512,), jnp.float32),
            pltpu.VMEM((16,), jnp.int32),
            pltpu.VMEM((16,), jnp.int32),
            pltpu.VMEM((IDXN,), jnp.int32),
            pltpu.VMEM((IDXN, 16), jnp.float32),
            pltpu.VMEM((IDXN, 16), jnp.float32),
            pltpu.VMEM((16, 16), jnp.float32),
            pltpu.VMEM((64,), jnp.float32),
            pltpu.VMEM((32,), jnp.float32),
            pltpu.SemaphoreType.DMA,
            pltpu.SemaphoreType.DMA,
            pltpu.SemaphoreType.DMA,
        ],
        compiler_params=pltpu.CompilerParams(
            needs_layout_passes=False, use_tc_tiling_on_sc=False),
    )
    return f(wids_flat, mids_flat, cnt, mc_flat, xl16, xr16)


def kernel(input_mids, input_wids, input_cnt, mc_table, xl_table, xr_table):
    zpad = jnp.zeros((PAD,), jnp.int32)
    wids_flat = jnp.concatenate([input_wids.reshape(-1).astype(jnp.int32), zpad])
    mids_flat = jnp.concatenate([input_mids.reshape(-1).astype(jnp.int32), zpad])
    mc_flat = jnp.zeros((512,), jnp.float32).at[:STYLE * STYLE].set(
        mc_table.reshape(-1))
    part, head_p = _sc_call(wids_flat, mids_flat, input_cnt.astype(jnp.int32),
                            mc_flat, xl_table, xr_table)
    sums = part[:B] + part[B:]
    sv = sums[:, 0:STYLE]
    sh = sums[:, 32:32 + STYLE]
    cnt_f = input_cnt.astype(jnp.float32)[:, None]
    out = 0.5 * jnp.sqrt(sv / (cnt_f + EPS)) + 0.5 * jnp.sqrt(sh / (cnt_f + EPS))
    head = head_p[:, :STYLE]
    return (out, head)

# --- scband reference (transcript-rebuilt; emitter-appended) ---
"""Pipeline reference for scband-embeddings-layer-72782515798476 (READ-ONLY COPY).

The authoritative reference and input builder live on the scoring server;
editing this copy changes nothing except your own understanding.
"""

import jax, jax.numpy as jnp
import numpy as np

B, L, VOCAB, STYLE = 16, 2048, 100000, 18
EPS = 1e-7


def setup_inputs(seed: int = 0) -> dict:
    key = jax.random.key(seed)
    k1, k2, k3, k4, k5, k6 = jax.random.split(key, 6)
    input_mids = jax.random.randint(k1, (B, L), 0, STYLE, dtype=jnp.int32)
    input_wids = jax.random.randint(k2, (B, L), 0, VOCAB, dtype=jnp.int32)
    input_cnt = jax.random.randint(k3, (B,), 0, L, dtype=jnp.int32)
    mc_table = jax.random.normal(k4, (STYLE, STYLE), dtype=jnp.float32) * 0.05
    xl_table = jax.random.normal(k5, (VOCAB, STYLE), dtype=jnp.float32) * 0.05
    xr_table = jax.random.normal(k6, (VOCAB, STYLE), dtype=jnp.float32) * 0.05
    return {
        "input_mids": input_mids,
        "input_wids": input_wids,
        "input_cnt": input_cnt,
        "mc_table": mc_table,
        "xl_table": xl_table,
        "xr_table": xr_table,
    }


def reference(input_mids, input_wids, input_cnt, mc_table, xl_table, xr_table):
    mids = input_mids.astype(jnp.int32)
    wids = input_wids.astype(jnp.int32)
    # embedding lookups (gathers)
    emb_mb = jnp.take(mc_table, mids, axis=0)          # [B, L, 18]
    emb_mt = emb_mb                                     # same mc_layer applied twice in original
    emb_xl = jnp.take(xl_table, wids, axis=0)           # [B, L, 18]
    emb_xr = jnp.take(xr_table, wids, axis=0)           # [B, L, 18]
    emb_xt = (emb_xr + emb_xl) / 2.0
    emb_tb = emb_mb * emb_xt                            # [B, L, 18]
    emb_head = emb_xl[:, 0, :]                          # hlist_head: first position, [B, 18]
    cnt_f = input_cnt.astype(jnp.float32)[:, None]      # [B, 1]
    c = input_cnt[:, None]                              # [B, 1] int

    # vlist_std: while i in [1, cnt-1): diff = mt[i]*xr[i] - mt[i+1]*xl[i+1]
    dv = emb_mb[:, :-1, :] * emb_xr[:, :-1, :] - emb_mb[:, 1:, :] * emb_xl[:, 1:, :]  # [B, L-1, 18]
    idx_v = jnp.arange(L - 1)[None, :]
    mask_v = ((idx_v >= 1) & (idx_v < (c - 1))).astype(jnp.float32)[:, :, None]
    sum_v = jnp.sum(mask_v * jnp.square(dv), axis=1)    # [B, 18]
    out1 = jnp.sqrt(sum_v / (cnt_f + EPS))

    # hlist_std: while i in [1, cnt): diff = tb[i] - head * mt[i]
    dh = emb_tb - emb_head[:, None, :] * emb_mt          # [B, L, 18]
    idx_h = jnp.arange(L)[None, :]
    mask_h = ((idx_h >= 1) & (idx_h < c)).astype(jnp.float32)[:, :, None]
    sum_h = jnp.sum(mask_h * jnp.square(dh), axis=1)     # [B, 18]
    out2 = jnp.sqrt(sum_h / (cnt_f + EPS))

    return (out1 * 0.5 + out2 * 0.5, emb_head)

if __name__ == "__main__":
    import jax
    _d = setup_inputs()
    print(jax.jit(kernel)(*tuple(_d.values())))

</pallas_src>

<mosaic_0001>
#map = affine_map<(d0, d1) -> (0, 0)>
module attributes {stable_mosaic.version = 14 : i64} {
  func.func @_repack_body(%arg0: i32, %arg1: i32, %arg2: memref<100000x18xf32, #tpu.memory_space<hbm>>, %arg3: memref<112500x16xf32, #tpu.memory_space<hbm>>, %arg4: memref<384x18xf32, #tpu.memory_space<vmem>>, %arg5: memref<432x16xf32, #tpu.memory_space<vmem>>) attributes {dimension_semantics = [#tpu.dimension_semantics<core_parallel>, #tpu.dimension_semantics<subcore_parallel>], iteration_bounds = array<i64: 2, 16>, scalar_prefetch = 0 : i64, scratch_operands = 2 : i64, tpu.core_type = #tpu.core_type<sc_vector_subcore>, window_params = [{transform_indices = #map}, {transform_indices = #map}]} {
    %mul3A = arith.constant 2 : i32
    %mul3A_0 = arith.muli %arg1, %mul3A : i32
    %add3A = arith.addi %mul3A_0, %arg0 : i32
    %iota3A = tpu.iota {dimensions = array<i32: 0>} : vector<16xi32>
    %mul3A_1 = arith.constant 391 : i32
    %mul3A_2 = arith.muli %add3A, %mul3A_1 : i32
    %sub3A = arith.constant 12500 : i32
    %sub3A_3 = arith.subi %sub3A, %mul3A_2 : i32
    %min3A = arith.constant 391 : i32
    %min3A_4 = arith.minsi %sub3A_3, %min3A : i32
    %max3A = arith.constant 0 : i32
    %max3A_5 = arith.maxsi %max3A, %min3A_4 : i32
    %add3A_6 = arith.constant 48 : i32
    %add3A_7 = arith.addi %max3A_5, %add3A_6 : i32
    %sub3A_8 = arith.constant 1 : i32
    %sub3A_9 = arith.subi %add3A_7, %sub3A_8 : i32
    %jit3A = arith.constant 48 : i32
    %div3A = arith.divsi %sub3A_9, %jit3A : i32
    %sign3A = arith.constant 0 : i32
    %sign3A_10 = arith.cmpi sgt, %sub3A_9, %sign3A : i32
    %sign3A_11 = arith.extui %sign3A_10 : i1 to i32
    %sign3A_12 = arith.constant 0 : i32
    %sign3A_13 = arith.cmpi slt, %sub3A_9, %sign3A_12 : i32
    %sign3A_14 = arith.extui %sign3A_13 : i1 to i32
    %sign3A_15 = arith.subi %sign3A_11, %sign3A_14 : i32
    %sign3A_16 = arith.constant 0 : i32
    %sign3A_17 = arith.cmpi sgt, %jit3A, %sign3A_16 : i32
    %sign3A_18 = arith.extui %sign3A_17 : i1 to i32
    %sign3A_19 = arith.constant 0 : i32
    %sign3A_20 = arith.cmpi slt, %jit3A, %sign3A_19 : i32
    %sign3A_21 = arith.extui %sign3A_20 : i1 to i32
    %sign3A_22 = arith.subi %sign3A_18, %sign3A_21 : i32
    %ne3A = arith.cmpi ne, %sign3A_15, %sign3A_22 : i32
    %rem3A = arith.remsi %sub3A_9, %jit3A : i32
    %ne3A_23 = arith.constant 0 : i32
    %ne3A_24 = arith.cmpi ne, %rem3A, %ne3A_23 : i32
    %and3A = arith.andi %ne3A, %ne3A_24 : i1
    %sub3A_25 = arith.constant 1 : i32
    %sub3A_26 = arith.subi %div3A, %sub3A_25 : i32
    %select_n3A = arith.select %and3A, %sub3A_26, %div3A : i32
    %add3A_27 = arith.constant 0 : i32
    %add3A_28 = vector.broadcast %add3A_27 : i32 to vector<16xi32>
    %add3A_29 = arith.addi %add3A_28, %iota3A : vector<16xi32>
    %jit3A_30 = arith.constant 18 : i32
    %div3A_31 = vector.broadcast %jit3A_30 : i32 to vector<16xi32>
    %div3A_32 = arith.divsi %add3A_29, %div3A_31 : vector<16xi32>
    %sign3A_33 = arith.constant 0 : i32
    %sign3A_34 = vector.broadcast %sign3A_33 : i32 to vector<16xi32>
    %sign3A_35 = arith.cmpi sgt, %add3A_29, %sign3A_34 : vector<16xi32>
    %sign3A_36 = arith.extui %sign3A_35 : vector<16xi1> to vector<16xi32>
    %sign3A_37 = arith.constant 0 : i32
    %sign3A_38 = vector.broadcast %sign3A_37 : i32 to vector<16xi32>
    %sign3A_39 = arith.cmpi slt, %add3A_29, %sign3A_38 : vector<16xi32>
    %sign3A_40 = arith.extui %sign3A_39 : vector<16xi1> to vector<16xi32>
    %sign3A_41 = arith.subi %sign3A_36, %sign3A_40 : vector<16xi32>
    %sign3A_42 = arith.constant 0 : i32
    %sign3A_43 = arith.cmpi sgt, %jit3A_30, %sign3A_42 : i32
    %sign3A_44 = arith.extui %sign3A_43 : i1 to i32
    %sign3A_45 = arith.constant 0 : i32
    %sign3A_46 = arith.cmpi slt, %jit3A_30, %sign3A_45 : i32
    %sign3A_47 = arith.extui %sign3A_46 : i1 to i32
    %sign3A_48 = arith.subi %sign3A_44, %sign3A_47 : i32
    %ne3A_49 = vector.broadcast %sign3A_48 : i32 to vector<16xi32>
    %ne3A_50 = arith.cmpi ne, %sign3A_41, %ne3A_49 : vector<16xi32>
    %rem3A_51 = vector.broadcast %jit3A_30 : i32 to vector<16xi32>
    %rem3A_52 = arith.remsi %add3A_29, %rem3A_51 : vector<16xi32>
    %ne3A_53 = arith.constant 0 : i32
    %ne3A_54 = vector.broadcast %ne3A_53 : i32 to vector<16xi32>
    %ne3A_55 = arith.cmpi ne, %rem3A_52, %ne3A_54 : vector<16xi32>
    %and3A_56 = arith.andi %ne3A_50, %ne3A_55 : vector<16xi1>
    %sub3A_57 = arith.constant 1 : i32
    %sub3A_58 = vector.broadcast %sub3A_57 : i32 to vector<16xi32>
    %sub3A_59 = arith.subi %div3A_32, %sub3A_58 : vector<16xi32>
    %select_n3A_60 = arith.select %and3A_56, %sub3A_59, %div3A_32 : vector<16xi1>, vector<16xi32>
    %add3A_61 = arith.constant 16 : i32
    %add3A_62 = vector.broadcast %add3A_61 : i32 to vector<16xi32>
    %add3A_63 = arith.addi %add3A_62, %iota3A : vector<16xi32>
    %jit3A_64 = arith.constant 18 : i32
    %div3A_65 = vector.broadcast %jit3A_64 : i32 to vector<16xi32>
    %div3A_66 = arith.divsi %add3A_63, %div3A_65 : vector<16xi32>
    %sign3A_67 = arith.constant 0 : i32
    %sign3A_68 = vector.broadcast %sign3A_67 : i32 to vector<16xi32>
    %sign3A_69 = arith.cmpi sgt, %add3A_63, %sign3A_68 : vector<16xi32>
    %sign3A_70 = arith.extui %sign3A_69 : vector<16xi1> to vector<16xi32>
    %sign3A_71 = arith.constant 0 : i32
    %sign3A_72 = vector.broadcast %sign3A_71 : i32 to vector<16xi32>
    %sign3A_73 = arith.cmpi slt, %add3A_63, %sign3A_72 : vector<16xi32>
    %sign3A_74 = arith.extui %sign3A_73 : vector<16xi1> to vector<16xi32>
    %sign3A_75 = arith.subi %sign3A_70, %sign3A_74 : vector<16xi32>
    %sign3A_76 = arith.constant 0 : i32
    %sign3A_77 = arith.cmpi sgt, %jit3A_64, %sign3A_76 : i32
    %sign3A_78 = arith.extui %sign3A_77 : i1 to i32
    %sign3A_79 = arith.constant 0 : i32
    %sign3A_80 = arith.cmpi slt, %jit3A_64, %sign3A_79 : i32
    %sign3A_81 = arith.extui %sign3A_80 : i1 to i32
    %sign3A_82 = arith.subi %sign3A_78, %sign3A_81 : i32
    %ne3A_83 = vector.broadcast %sign3A_82 : i32 to vector<16xi32>
    %ne3A_84 = arith.cmpi ne, %sign3A_75, %ne3A_83 : vector<16xi32>
    %rem3A_85 = vector.broadcast %jit3A_64 : i32 to vector<16xi32>
    %rem3A_86 = arith.remsi %add3A_63, %rem3A_85 : vector<16xi32>
    %ne3A_87 = arith.constant 0 : i32
    %ne3A_88 = vector.broadcast %ne3A_87 : i32 to vector<16xi32>
    %ne3A_89 = arith.cmpi ne, %rem3A_86, %ne3A_88 : vector<16xi32>
    %and3A_90 = arith.andi %ne3A_84, %ne3A_89 : vector<16xi1>
    %sub3A_91 = arith.constant 1 : i32
    %sub3A_92 = vector.broadcast %sub3A_91 : i32 to vector<16xi32>
    %sub3A_93 = arith.subi %div3A_66, %sub3A_92 : vector<16xi32>
    %select_n3A_94 = arith.select %and3A_90, %sub3A_93, %div3A_66 : vector<16xi1>, vector<16xi32>
    %add3A_95 = arith.constant 32 : i32
    %add3A_96 = vector.broadcast %add3A_95 : i32 to vector<16xi32>
    %add3A_97 = arith.addi %add3A_96, %iota3A : vector<16xi32>
    %jit3A_98 = arith.constant 18 : i32
    %div3A_99 = vector.broadcast %jit3A_98 : i32 to vector<16xi32>
    %div3A_100 = arith.divsi %add3A_97, %div3A_99 : vector<16xi32>
    %sign3A_101 = arith.constant 0 : i32
    %sign3A_102 = vector.broadcast %sign3A_101 : i32 to vector<16xi32>
    %sign3A_103 = arith.cmpi sgt, %add3A_97, %sign3A_102 : vector<16xi32>
    %sign3A_104 = arith.extui %sign3A_103 : vector<16xi1> to vector<16xi32>
    %sign3A_105 = arith.constant 0 : i32
    %sign3A_106 = vector.broadcast %sign3A_105 : i32 to vector<16xi32>
    %sign3A_107 = arith.cmpi slt, %add3A_97, %sign3A_106 : vector<16xi32>
    %sign3A_108 = arith.extui %sign3A_107 : vector<16xi1> to vector<16xi32>
    %sign3A_109 = arith.subi %sign3A_104, %sign3A_108 : vector<16xi32>
    %sign3A_110 = arith.constant 0 : i32
    %sign3A_111 = arith.cmpi sgt, %jit3A_98, %sign3A_110 : i32
    %sign3A_112 = arith.extui %sign3A_111 : i1 to i32
    %sign3A_113 = arith.constant 0 : i32
    %sign3A_114 = arith.cmpi slt, %jit3A_98, %sign3A_113 : i32
    %sign3A_115 = arith.extui %sign3A_114 : i1 to i32
    %sign3A_116 = arith.subi %sign3A_112, %sign3A_115 : i32
    %ne3A_117 = vector.broadcast %sign3A_116 : i32 to vector<16xi32>
    %ne3A_118 = arith.cmpi ne, %sign3A_109, %ne3A_117 : vector<16xi32>
    %rem3A_119 = vector.broadcast %jit3A_98 : i32 to vector<16xi32>
    %rem3A_120 = arith.remsi %add3A_97, %rem3A_119 : vector<16xi32>
    %ne3A_121 = arith.constant 0 : i32
    %ne3A_122 = vector.broadcast %ne3A_121 : i32 to vector<16xi32>
    %ne3A_123 = arith.cmpi ne, %rem3A_120, %ne3A_122 : vector<16xi32>
    %and3A_124 = arith.andi %ne3A_118, %ne3A_123 : vector<16xi1>
    %sub3A_125 = arith.constant 1 : i32
    %sub3A_126 = vector.broadcast %sub3A_125 : i32 to vector<16xi32>
    %sub3A_127 = arith.subi %div3A_100, %sub3A_126 : vector<16xi32>
    %select_n3A_128 = arith.select %and3A_124, %sub3A_127, %div3A_100 : vector<16xi1>, vector<16xi32>
    %add3A_129 = arith.constant 48 : i32
    %add3A_130 = vector.broadcast %add3A_129 : i32 to vector<16xi32>
    %add3A_131 = arith.addi %add3A_130, %iota3A : vector<16xi32>
    %jit3A_132 = arith.constant 18 : i32
    %div3A_133 = vector.broadcast %jit3A_132 : i32 to vector<16xi32>
    %div3A_134 = arith.divsi %add3A_131, %div3A_133 : vector<16xi32>
    %sign3A_135 = arith.constant 0 : i32
    %sign3A_136 = vector.broadcast %sign3A_135 : i32 to vector<16xi32>
    %sign3A_137 = arith.cmpi sgt, %add3A_131, %sign3A_136 : vector<16xi32>
    %sign3A_138 = arith.extui %sign3A_137 : vector<16xi1> to vector<16xi32>
    %sign3A_139 = arith.constant 0 : i32
    %sign3A_140 = vector.broadcast %sign3A_139 : i32 to vector<16xi32>
    %sign3A_141 = arith.cmpi slt, %add3A_131, %sign3A_140 : vector<16xi32>
    %sign3A_142 = arith.extui %sign3A_141 : vector<16xi1> to vector<16xi32>
    %sign3A_143 = arith.subi %sign3A_138, %sign3A_142 : vector<16xi32>
    %sign3A_144 = arith.constant 0 : i32
    %sign3A_145 = arith.cmpi sgt, %jit3A_132, %sign3A_144 : i32
    %sign3A_146 = arith.extui %sign3A_145 : i1 to i32
    %sign3A_147 = arith.constant 0 : i32
    %sign3A_148 = arith.cmpi slt, %jit3A_132, %sign3A_147 : i32
    %sign3A_149 = arith.extui %sign3A_148 : i1 to i32
    %sign3A_150 = arith.subi %sign3A_146, %sign3A_149 : i32
    %ne3A_151 = vector.broadcast %sign3A_150 : i32 to vector<16xi32>
    %ne3A_152 = arith.cmpi ne, %sign3A_143, %ne3A_151 : vector<16xi32>
    %rem3A_153 = vector.broadcast %jit3A_132 : i32 to vector<16xi32>
    %rem3A_154 = arith.remsi %add3A_131, %rem3A_153 : vector<16xi32>
    %ne3A_155 = arith.constant 0 : i32
    %ne3A_156 = vector.broadcast %ne3A_155 : i32 to vector<16xi32>
    %ne3A_157 = arith.cmpi ne, %rem3A_154, %ne3A_156 : vector<16xi32>
    %and3A_158 = arith.andi %ne3A_152, %ne3A_157 : vector<16xi1>
    %sub3A_159 = arith.constant 1 : i32
    %sub3A_160 = vector.broadcast %sub3A_159 : i32 to vector<16xi32>
    %sub3A_161 = arith.subi %div3A_134, %sub3A_160 : vector<16xi32>
    %select_n3A_162 = arith.select %and3A_158, %sub3A_161, %div3A_134 : vector<16xi1>, vector<16xi32>
    %add3A_163 = arith.constant 64 : i32
    %add3A_164 = vector.broadcast %add3A_163 : i32 to vector<16xi32>
    %add3A_165 = arith.addi %add3A_164, %iota3A : vector<16xi32>
    %jit3A_166 = arith.constant 18 : i32
    %div3A_167 = vector.broadcast %jit3A_166 : i32 to vector<16xi32>
    %div3A_168 = arith.divsi %add3A_165, %div3A_167 : vector<16xi32>
    %sign3A_169 = arith.constant 0 : i32
    %sign3A_170 = vector.broadcast %sign3A_169 : i32 to vector<16xi32>
    %sign3A_171 = arith.cmpi sgt, %add3A_165, %sign3A_170 : vector<16xi32>
    %sign3A_172 = arith.extui %sign3A_171 : vector<16xi1> to vector<16xi32>
    %sign3A_173 = arith.constant 0 : i32
    %sign3A_174 = vector.broadcast %sign3A_173 : i32 to vector<16xi32>
    %sign3A_175 = arith.cmpi slt, %add3A_165, %sign3A_174 : vector<16xi32>
    %sign3A_176 = arith.extui %sign3A_175 : vector<16xi1> to vector<16xi32>
    %sign3A_177 = arith.subi %sign3A_172, %sign3A_176 : vector<16xi32>
    %sign3A_178 = arith.constant 0 : i32
    %sign3A_179 = arith.cmpi sgt, %jit3A_166, %sign3A_178 : i32
    %sign3A_180 = arith.extui %sign3A_179 : i1 to i32
    %sign3A_181 = arith.constant 0 : i32
    %sign3A_182 = arith.cmpi slt, %jit3A_166, %sign3A_181 : i32
    %sign3A_183 = arith.extui %sign3A_182 : i1 to i32
    %sign3A_184 = arith.subi %sign3A_180, %sign3A_183 : i32
    %ne3A_185 = vector.broadcast %sign3A_184 : i32 to vector<16xi32>
    %ne3A_186 = arith.cmpi ne, %sign3A_177, %ne3A_185 : vector<16xi32>
    %rem3A_187 = vector.broadcast %jit3A_166 : i32 to vector<16xi32>
    %rem3A_188 = arith.remsi %add3A_165, %rem3A_187 : vector<16xi32>
    %ne3A_189 = arith.constant 0 : i32
    %ne3A_190 = vector.broadcast %ne3A_189 : i32 to vector<16xi32>
    %ne3A_191 = arith.cmpi ne, %rem3A_188, %ne3A_190 : vector<16xi32>
    %and3A_192 = arith.andi %ne3A_186, %ne3A_191 : vector<16xi1>
    %sub3A_193 = arith.constant 1 : i32
    %sub3A_194 = vector.broadcast %sub3A_193 : i32 to vector<16xi32>
    %sub3A_195 = arith.subi %div3A_168, %sub3A_194 : vector<16xi32>
    %select_n3A_196 = arith.select %and3A_192, %sub3A_195, %div3A_168 : vector<16xi1>, vector<16xi32>
    %add3A_197 = arith.constant 80 : i32
    %add3A_198 = vector.broadcast %add3A_197 : i32 to vector<16xi32>
    %add3A_199 = arith.addi %add3A_198, %iota3A : vector<16xi32>
    %jit3A_200 = arith.constant 18 : i32
    %div3A_201 = vector.broadcast %jit3A_200 : i32 to vector<16xi32>
    %div3A_202 = arith.divsi %add3A_199, %div3A_201 : vector<16xi32>
    %sign3A_203 = arith.constant 0 : i32
    %sign3A_204 = vector.broadcast %sign3A_203 : i32 to vector<16xi32>
    %sign3A_205 = arith.cmpi sgt, %add3A_199, %sign3A_204 : vector<16xi32>
    %sign3A_206 = arith.extui %sign3A_205 : vector<16xi1> to vector<16xi32>
    %sign3A_207 = arith.constant 0 : i32
    %sign3A_208 = vector.broadcast %sign3A_207 : i32 to vector<16xi32>
    %sign3A_209 = arith.cmpi slt, %add3A_199, %sign3A_208 : vector<16xi32>
    %sign3A_210 = arith.extui %sign3A_209 : vector<16xi1> to vector<16xi32>
    %sign3A_211 = arith.subi %sign3A_206, %sign3A_210 : vector<16xi32>
    %sign3A_212 = arith.constant 0 : i32
    %sign3A_213 = arith.cmpi sgt, %jit3A_200, %sign3A_212 : i32
    %sign3A_214 = arith.extui %sign3A_213 : i1 to i32
    %sign3A_215 = arith.constant 0 : i32
    %sign3A_216 = arith.cmpi slt, %jit3A_200, %sign3A_215 : i32
    %sign3A_217 = arith.extui %sign3A_216 : i1 to i32
    %sign3A_218 = arith.subi %sign3A_214, %sign3A_217 : i32
    %ne3A_219 = vector.broadcast %sign3A_218 : i32 to vector<16xi32>
    %ne3A_220 = arith.cmpi ne, %sign3A_211, %ne3A_219 : vector<16xi32>
    %rem3A_221 = vector.broadcast %jit3A_200 : i32 to vector<16xi32>
    %rem3A_222 = arith.remsi %add3A_199, %rem3A_221 : vector<16xi32>
    %ne3A_223 = arith.constant 0 : i32
    %ne3A_224 = vector.broadcast %ne3A_223 : i32 to vector<16xi32>
    %ne3A_225 = arith.cmpi ne, %rem3A_222, %ne3A_224 : vector<16xi32>
    %and3A_226 = arith.andi %ne3A_220, %ne3A_225 : vector<16xi1>
    %sub3A_227 = arith.constant 1 : i32
    %sub3A_228 = vector.broadcast %sub3A_227 : i32 to vector<16xi32>
    %sub3A_229 = arith.subi %div3A_202, %sub3A_228 : vector<16xi32>
    %select_n3A_230 = arith.select %and3A_226, %sub3A_229, %div3A_202 : vector<16xi1>, vector<16xi32>
    %add3A_231 = arith.constant 96 : i32
    %add3A_232 = vector.broadcast %add3A_231 : i32 to vector<16xi32>
    %add3A_233 = arith.addi %add3A_232, %iota3A : vector<16xi32>
    %jit3A_234 = arith.constant 18 : i32
    %div3A_235 = vector.broadcast %jit3A_234 : i32 to vector<16xi32>
    %div3A_236 = arith.divsi %add3A_233, %div3A_235 : vector<16xi32>
    %sign3A_237 = arith.constant 0 : i32
    %sign3A_238 = vector.broadcast %sign3A_237 : i32 to vector<16xi32>
    %sign3A_239 = arith.cmpi sgt, %add3A_233, %sign3A_238 : vector<16xi32>
    %sign3A_240 = arith.extui %sign3A_239 : vector<16xi1> to vector<16xi32>
    %sign3A_241 = arith.constant 0 : i32
    %sign3A_242 = vector.broadcast %sign3A_241 : i32 to vector<16xi32>
    %sign3A_243 = arith.cmpi slt, %add3A_233, %sign3A_242 : vector<16xi32>
    %sign3A_244 = arith.extui %sign3A_243 : vector<16xi1> to vector<16xi32>
    %sign3A_245 = arith.subi %sign3A_240, %sign3A_244 : vector<16xi32>
    %sign3A_246 = arith.constant 0 : i32
    %sign3A_247 = arith.cmpi sgt, %jit3A_234, %sign3A_246 : i32
    %sign3A_248 = arith.extui %sign3A_247 : i1 to i32
    %sign3A_249 = arith.constant 0 : i32
    %sign3A_250 = arith.cmpi slt, %jit3A_234, %sign3A_249 : i32
    %sign3A_251 = arith.extui %sign3A_250 : i1 to i32
    %sign3A_252 = arith.subi %sign3A_248, %sign3A_251 : i32
    %ne3A_253 = vector.broadcast %sign3A_252 : i32 to vector<16xi32>
    %ne3A_254 = arith.cmpi ne, %sign3A_245, %ne3A_253 : vector<16xi32>
    %rem3A_255 = vector.broadcast %jit3A_234 : i32 to vector<16xi32>
    %rem3A_256 = arith.remsi %add3A_233, %rem3A_255 : vector<16xi32>
    %ne3A_257 = arith.constant 0 : i32
    %ne3A_258 = vector.broadcast %ne3A_257 : i32 to vector<16xi32>
    %ne3A_259 = arith.cmpi ne, %rem3A_256, %ne3A_258 : vector<16xi32>
    %and3A_260 = arith.andi %ne3A_254, %ne3A_259 : vector<16xi1>
    %sub3A_261 = arith.constant 1 : i32
    %sub3A_262 = vector.broadcast %sub3A_261 : i32 to vector<16xi32>
    %sub3A_263 = arith.subi %div3A_236, %sub3A_262 : vector<16xi32>
    %select_n3A_264 = arith.select %and3A_260, %sub3A_263, %div3A_236 : vector<16xi1>, vector<16xi32>
    %add3A_265 = arith.constant 112 : i32
    %add3A_266 = vector.broadcast %add3A_265 : i32 to vector<16xi32>
    %add3A_267 = arith.addi %add3A_266, %iota3A : vector<16xi32>
    %jit3A_268 = arith.constant 18 : i32
    %div3A_269 = vector.broadcast %jit3A_268 : i32 to vector<16xi32>
    %div3A_270 = arith.divsi %add3A_267, %div3A_269 : vector<16xi32>
    %sign3A_271 = arith.constant 0 : i32
    %sign3A_272 = vector.broadcast %sign3A_271 : i32 to vector<16xi32>
    %sign3A_273 = arith.cmpi sgt, %add3A_267, %sign3A_272 : vector<16xi32>
    %sign3A_274 = arith.extui %sign3A_273 : vector<16xi1> to vector<16xi32>
    %sign3A_275 = arith.constant 0 : i32
    %sign3A_276 = vector.broadcast %sign3A_275 : i32 to vector<16xi32>
    %sign3A_277 = arith.cmpi slt, %add3A_267, %sign3A_276 : vector<16xi32>
    %sign3A_278 = arith.extui %sign3A_277 : vector<16xi1> to vector<16xi32>
    %sign3A_279 = arith.subi %sign3A_274, %sign3A_278 : vector<16xi32>
    %sign3A_280 = arith.constant 0 : i32
    %sign3A_281 = arith.cmpi sgt, %jit3A_268, %sign3A_280 : i32
    %sign3A_282 = arith.extui %sign3A_281 : i1 to i32
    %sign3A_283 = arith.constant 0 : i32
    %sign3A_284 = arith.cmpi slt, %jit3A_268, %sign3A_283 : i32
    %sign3A_285 = arith.extui %sign3A_284 : i1 to i32
    %sign3A_286 = arith.subi %sign3A_282, %sign3A_285 : i32
    %ne3A_287 = vector.broadcast %sign3A_286 : i32 to vector<16xi32>
    %ne3A_288 = arith.cmpi ne, %sign3A_279, %ne3A_287 : vector<16xi32>
    %rem3A_289 = vector.broadcast %jit3A_268 : i32 to vector<16xi32>
    %rem3A_290 = arith.remsi %add3A_267, %rem3A_289 : vector<16xi32>
    %ne3A_291 = arith.constant 0 : i32
    %ne3A_292 = vector.broadcast %ne3A_291 : i32 to vector<16xi32>
    %ne3A_293 = arith.cmpi ne, %rem3A_290, %ne3A_292 : vector<16xi32>
    %and3A_294 = arith.andi %ne3A_288, %ne3A_293 : vector<16xi1>
    %sub3A_295 = arith.constant 1 : i32
    %sub3A_296 = vector.broadcast %sub3A_295 : i32 to vector<16xi32>
    %sub3A_297 = arith.subi %div3A_270, %sub3A_296 : vector<16xi32>
    %select_n3A_298 = arith.select %and3A_294, %sub3A_297, %div3A_270 : vector<16xi1>, vector<16xi32>
    %add3A_299 = arith.constant 128 : i32
    %add3A_300 = vector.broadcast %add3A_299 : i32 to vector<16xi32>
    %add3A_301 = arith.addi %add3A_300, %iota3A : vector<16xi32>
    %jit3A_302 = arith.constant 18 : i32
    %div3A_303 = vector.broadcast %jit3A_302 : i32 to vector<16xi32>
    %div3A_304 = arith.divsi %add3A_301, %div3A_303 : vector<16xi32>
    %sign3A_305 = arith.constant 0 : i32
    %sign3A_306 = vector.broadcast %sign3A_305 : i32 to vector<16xi32>
    %sign3A_307 = arith.cmpi sgt, %add3A_301, %sign3A_306 : vector<16xi32>
    %sign3A_308 = arith.extui %sign3A_307 : vector<16xi1> to vector<16xi32>
    %sign3A_309 = arith.constant 0 : i32
    %sign3A_310 = vector.broadcast %sign3A_309 : i32 to vector<16xi32>
    %sign3A_311 = arith.cmpi slt, %add3A_301, %sign3A_310 : vector<16xi32>
    %sign3A_312 = arith.extui %sign3A_311 : vector<16xi1> to vector<16xi32>
    %sign3A_313 = arith.subi %sign3A_308, %sign3A_312 : vector<16xi32>
    %sign3A_314 = arith.constant 0 : i32
    %sign3A_315 = arith.cmpi sgt, %jit3A_302, %sign3A_314 : i32
    %sign3A_316 = arith.extui %sign3A_315 : i1 to i32
    %sign3A_317 = arith.constant 0 : i32
    %sign3A_318 = arith.cmpi slt, %jit3A_302, %sign3A_317 : i32
    %sign3A_319 = arith.extui %sign3A_318 : i1 to i32
    %sign3A_320 = arith.subi %sign3A_316, %sign3A_319 : i32
    %ne3A_321 = vector.broadcast %sign3A_320 : i32 to vector<16xi32>
    %ne3A_322 = arith.cmpi ne, %sign3A_313, %ne3A_321 : vector<16xi32>
    %rem3A_323 = vector.broadcast %jit3A_302 : i32 to vector<16xi32>
    %rem3A_324 = arith.remsi %add3A_301, %rem3A_323 : vector<16xi32>
    %ne3A_325 = arith.constant 0 : i32
    %ne3A_326 = vector.broadcast %ne3A_325 : i32 to vector<16xi32>
    %ne3A_327 = arith.cmpi ne, %rem3A_324, %ne3A_326 : vector<16xi32>
    %and3A_328 = arith.andi %ne3A_322, %ne3A_327 : vector<16xi1>
    %sub3A_329 = arith.constant 1 : i32
    %sub3A_330 = vector.broadcast %sub3A_329 : i32 to vector<16xi32>
    %sub3A_331 = arith.subi %div3A_304, %sub3A_330 : vector<16xi32>
    %select_n3A_332 = arith.select %and3A_328, %sub3A_331, %div3A_304 : vector<16xi1>, vector<16xi32>
    %add3A_333 = arith.constant 0 : i32
    %add3A_334 = vector.broadcast %add3A_333 : i32 to vector<16xi32>
    %add3A_335 = arith.addi %add3A_334, %iota3A : vector<16xi32>
    %jit3A_336 = arith.constant 18 : i32
    %eq3A = arith.constant 0 : i32
    %eq3A_337 = arith.cmpi eq, %jit3A_336, %eq3A : i32
    %jit3A_338 = arith.constant 1 : i32
    %select_n3A_339 = arith.select %eq3A_337, %jit3A_338, %jit3A_336 : i32
    %rem3A_340 = vector.broadcast %select_n3A_339 : i32 to vector<16xi32>
    %rem3A_341 = arith.remsi %add3A_335, %rem3A_340 : vector<16xi32>
    %ne3A_342 = arith.constant 0 : i32
    %ne3A_343 = vector.broadcast %ne3A_342 : i32 to vector<16xi32>
    %ne3A_344 = arith.cmpi ne, %rem3A_341, %ne3A_343 : vector<16xi32>
    %lt3A = arith.constant 0 : i32
    %lt3A_345 = vector.broadcast %lt3A : i32 to vector<16xi32>
    %lt3A_346 = arith.cmpi slt, %rem3A_341, %lt3A_345 : vector<16xi32>
    %lt3A_347 = arith.constant 0 : i32
    %lt3A_348 = arith.cmpi slt, %select_n3A_339, %lt3A_347 : i32
    %ne3A_349 = vector.broadcast %lt3A_348 : i1 to vector<16xi1>
    %ne3A_350 = vector.broadcast %ne3A_349 : vector<16xi1> to vector<16xi1>
    %ne3A_351 = arith.xori %lt3A_346, %ne3A_350 : vector<16xi1>
    %and3A_352 = arith.andi %ne3A_351, %ne3A_344 : vector<16xi1>
    %add3A_353 = vector.broadcast %select_n3A_339 : i32 to vector<16xi32>
    %add3A_354 = arith.addi %rem3A_341, %add3A_353 : vector<16xi32>
    %select_n3A_355 = arith.select %and3A_352, %add3A_354, %rem3A_341 : vector<16xi1>, vector<16xi32>
    %add3A_356 = arith.constant 16 : i32
    %add3A_357 = vector.broadcast %add3A_356 : i32 to vector<16xi32>
    %add3A_358 = arith.addi %add3A_357, %iota3A : vector<16xi32>
    %jit3A_359 = arith.constant 18 : i32
    %eq3A_360 = arith.constant 0 : i32
    %eq3A_361 = arith.cmpi eq, %jit3A_359, %eq3A_360 : i32
    %jit3A_362 = arith.constant 1 : i32
    %select_n3A_363 = arith.select %eq3A_361, %jit3A_362, %jit3A_359 : i32
    %rem3A_364 = vector.broadcast %select_n3A_363 : i32 to vector<16xi32>
    %rem3A_365 = arith.remsi %add3A_358, %rem3A_364 : vector<16xi32>
    %ne3A_366 = arith.constant 0 : i32
    %ne3A_367 = vector.broadcast %ne3A_366 : i32 to vector<16xi32>
    %ne3A_368 = arith.cmpi ne, %rem3A_365, %ne3A_367 : vector<16xi32>
    %lt3A_369 = arith.constant 0 : i32
    %lt3A_370 = vector.broadcast %lt3A_369 : i32 to vector<16xi32>
    %lt3A_371 = arith.cmpi slt, %rem3A_365, %lt3A_370 : vector<16xi32>
    %lt3A_372 = arith.constant 0 : i32
    %lt3A_373 = arith.cmpi slt, %select_n3A_363, %lt3A_372 : i32
    %ne3A_374 = vector.broadcast %lt3A_373 : i1 to vector<16xi1>
    %ne3A_375 = vector.broadcast %ne3A_374 : vector<16xi1> to vector<16xi1>
    %ne3A_376 = arith.xori %lt3A_371, %ne3A_375 : vector<16xi1>
    %and3A_377 = arith.andi %ne3A_376, %ne3A_368 : vector<16xi1>
    %add3A_378 = vector.broadcast %select_n3A_363 : i32 to vector<16xi32>
    %add3A_379 = arith.addi %rem3A_365, %add3A_378 : vector<16xi32>
    %select_n3A_380 = arith.select %and3A_377, %add3A_379, %rem3A_365 : vector<16xi1>, vector<16xi32>
    %add3A_381 = arith.constant 32 : i32
    %add3A_382 = vector.broadcast %add3A_381 : i32 to vector<16xi32>
    %add3A_383 = arith.addi %add3A_382, %iota3A : vector<16xi32>
    %jit3A_384 = arith.constant 18 : i32
    %eq3A_385 = arith.constant 0 : i32
    %eq3A_386 = arith.cmpi eq, %jit3A_384, %eq3A_385 : i32
    %jit3A_387 = arith.constant 1 : i32
    %select_n3A_388 = arith.select %eq3A_386, %jit3A_387, %jit3A_384 : i32
    %rem3A_389 = vector.broadcast %select_n3A_388 : i32 to vector<16xi32>
    %rem3A_390 = arith.remsi %add3A_383, %rem3A_389 : vector<16xi32>
    %ne3A_391 = arith.constant 0 : i32
    %ne3A_392 = vector.broadcast %ne3A_391 : i32 to vector<16xi32>
    %ne3A_393 = arith.cmpi ne, %rem3A_390, %ne3A_392 : vector<16xi32>
    %lt3A_394 = arith.constant 0 : i32
    %lt3A_395 = vector.broadcast %lt3A_394 : i32 to vector<16xi32>
    %lt3A_396 = arith.cmpi slt, %rem3A_390, %lt3A_395 : vector<16xi32>
    %lt3A_397 = arith.constant 0 : i32
    %lt3A_398 = arith.cmpi slt, %select_n3A_388, %lt3A_397 : i32
    %ne3A_399 = vector.broadcast %lt3A_398 : i1 to vector<16xi1>
    %ne3A_400 = vector.broadcast %ne3A_399 : vector<16xi1> to vector<16xi1>
    %ne3A_401 = arith.xori %lt3A_396, %ne3A_400 : vector<16xi1>
    %and3A_402 = arith.andi %ne3A_401, %ne3A_393 : vector<16xi1>
    %add3A_403 = vector.broadcast %select_n3A_388 : i32 to vector<16xi32>
    %add3A_404 = arith.addi %rem3A_390, %add3A_403 : vector<16xi32>
    %select_n3A_405 = arith.select %and3A_402, %add3A_404, %rem3A_390 : vector<16xi1>, vector<16xi32>
    %add3A_406 = arith.constant 48 : i32
    %add3A_407 = vector.broadcast %add3A_406 : i32 to vector<16xi32>
    %add3A_408 = arith.addi %add3A_407, %iota3A : vector<16xi32>
    %jit3A_409 = arith.constant 18 : i32
    %eq3A_410 = arith.constant 0 : i32
    %eq3A_411 = arith.cmpi eq, %jit3A_409, %eq3A_410 : i32
    %jit3A_412 = arith.constant 1 : i32
    %select_n3A_413 = arith.select %eq3A_411, %jit3A_412, %jit3A_409 : i32
    %rem3A_414 = vector.broadcast %select_n3A_413 : i32 to vector<16xi32>
    %rem3A_415 = arith.remsi %add3A_408, %rem3A_414 : vector<16xi32>
    %ne3A_416 = arith.constant 0 : i32
    %ne3A_417 = vector.broadcast %ne3A_416 : i32 to vector<16xi32>
    %ne3A_418 = arith.cmpi ne, %rem3A_415, %ne3A_417 : vector<16xi32>
    %lt3A_419 = arith.constant 0 : i32
    %lt3A_420 = vector.broadcast %lt3A_419 : i32 to vector<16xi32>
    %lt3A_421 = arith.cmpi slt, %rem3A_415, %lt3A_420 : vector<16xi32>
    %lt3A_422 = arith.constant 0 : i32
    %lt3A_423 = arith.cmpi slt, %select_n3A_413, %lt3A_422 : i32
    %ne3A_424 = vector.broadcast %lt3A_423 : i1 to vector<16xi1>
    %ne3A_425 = vector.broadcast %ne3A_424 : vector<16xi1> to vector<16xi1>
    %ne3A_426 = arith.xori %lt3A_421, %ne3A_425 : vector<16xi1>
    %and3A_427 = arith.andi %ne3A_426, %ne3A_418 : vector<16xi1>
    %add3A_428 = vector.broadcast %select_n3A_413 : i32 to vector<16xi32>
    %add3A_429 = arith.addi %rem3A_415, %add3A_428 : vector<16xi32>
    %select_n3A_430 = arith.select %and3A_427, %add3A_429, %rem3A_415 : vector<16xi1>, vector<16xi32>
    %add3A_431 = arith.constant 64 : i32
    %add3A_432 = vector.broadcast %add3A_431 : i32 to vector<16xi32>
    %add3A_433 = arith.addi %add3A_432, %iota3A : vector<16xi32>
    %jit3A_434 = arith.constant 18 : i32
    %eq3A_435 = arith.constant 0 : i32
    %eq3A_436 = arith.cmpi eq, %jit3A_434, %eq3A_435 : i32
    %jit3A_437 = arith.constant 1 : i32
    %select_n3A_438 = arith.select %eq3A_436, %jit3A_437, %jit3A_434 : i32
    %rem3A_439 = vector.broadcast %select_n3A_438 : i32 to vector<16xi32>
    %rem3A_440 = arith.remsi %add3A_433, %rem3A_439 : vector<16xi32>
    %ne3A_441 = arith.constant 0 : i32
    %ne3A_442 = vector.broadcast %ne3A_441 : i32 to vector<16xi32>
    %ne3A_443 = arith.cmpi ne, %rem3A_440, %ne3A_442 : vector<16xi32>
    %lt3A_444 = arith.constant 0 : i32
    %lt3A_445 = vector.broadcast %lt3A_444 : i32 to vector<16xi32>
    %lt3A_446 = arith.cmpi slt, %rem3A_440, %lt3A_445 : vector<16xi32>
    %lt3A_447 = arith.constant 0 : i32
    %lt3A_448 = arith.cmpi slt, %select_n3A_438, %lt3A_447 : i32
    %ne3A_449 = vector.broadcast %lt3A_448 : i1 to vector<16xi1>
    %ne3A_450 = vector.broadcast %ne3A_449 : vector<16xi1> to vector<16xi1>
    %ne3A_451 = arith.xori %lt3A_446, %ne3A_450 : vector<16xi1>
    %and3A_452 = arith.andi %ne3A_451, %ne3A_443 : vector<16xi1>
    %add3A_453 = vector.broadcast %select_n3A_438 : i32 to vector<16xi32>
    %add3A_454 = arith.addi %rem3A_440, %add3A_453 : vector<16xi32>
    %select_n3A_455 = arith.select %and3A_452, %add3A_454, %rem3A_440 : vector<16xi1>, vector<16xi32>
    %add3A_456 = arith.constant 80 : i32
    %add3A_457 = vector.broadcast %add3A_456 : i32 to vector<16xi32>
    %add3A_458 = arith.addi %add3A_457, %iota3A : vector<16xi32>
    %jit3A_459 = arith.constant 18 : i32
    %eq3A_460 = arith.constant 0 : i32
    %eq3A_461 = arith.cmpi eq, %jit3A_459, %eq3A_460 : i32
    %jit3A_462 = arith.constant 1 : i32
    %select_n3A_463 = arith.select %eq3A_461, %jit3A_462, %jit3A_459 : i32
    %rem3A_464 = vector.broadcast %select_n3A_463 : i32 to vector<16xi32>
    %rem3A_465 = arith.remsi %add3A_458, %rem3A_464 : vector<16xi32>
    %ne3A_466 = arith.constant 0 : i32
    %ne3A_467 = vector.broadcast %ne3A_466 : i32 to vector<16xi32>
    %ne3A_468 = arith.cmpi ne, %rem3A_465, %ne3A_467 : vector<16xi32>
    %lt3A_469 = arith.constant 0 : i32
    %lt3A_470 = vector.broadcast %lt3A_469 : i32 to vector<16xi32>
    %lt3A_471 = arith.cmpi slt, %rem3A_465, %lt3A_470 : vector<16xi32>
    %lt3A_472 = arith.constant 0 : i32
    %lt3A_473 = arith.cmpi slt, %select_n3A_463, %lt3A_472 : i32
    %ne3A_474 = vector.broadcast %lt3A_473 : i1 to vector<16xi1>
    %ne3A_475 = vector.broadcast %ne3A_474 : vector<16xi1> to vector<16xi1>
    %ne3A_476 = arith.xori %lt3A_471, %ne3A_475 : vector<16xi1>
    %and3A_477 = arith.andi %ne3A_476, %ne3A_468 : vector<16xi1>
    %add3A_478 = vector.broadcast %select_n3A_463 : i32 to vector<16xi32>
    %add3A_479 = arith.addi %rem3A_465, %add3A_478 : vector<16xi32>
    %select_n3A_480 = arith.select %and3A_477, %add3A_479, %rem3A_465 : vector<16xi1>, vector<16xi32>
    %add3A_481 = arith.constant 96 : i32
    %add3A_482 = vector.broadcast %add3A_481 : i32 to vector<16xi32>
    %add3A_483 = arith.addi %add3A_482, %iota3A : vector<16xi32>
    %jit3A_484 = arith.constant 18 : i32
    %eq3A_485 = arith.constant 0 : i32
    %eq3A_486 = arith.cmpi eq, %jit3A_484, %eq3A_485 : i32
    %jit3A_487 = arith.constant 1 : i32
    %select_n3A_488 = arith.select %eq3A_486, %jit3A_487, %jit3A_484 : i32
    %rem3A_489 = vector.broadcast %select_n3A_488 : i32 to vector<16xi32>
    %rem3A_490 = arith.remsi %add3A_483, %rem3A_489 : vector<16xi32>
    %ne3A_491 = arith.constant 0 : i32
    %ne3A_492 = vector.broadcast %ne3A_491 : i32 to vector<16xi32>
    %ne3A_493 = arith.cmpi ne, %rem3A_490, %ne3A_492 : vector<16xi32>
    %lt3A_494 = arith.constant 0 : i32
    %lt3A_495 = vector.broadcast %lt3A_494 : i32 to vector<16xi32>
    %lt3A_496 = arith.cmpi slt, %rem3A_490, %lt3A_495 : vector<16xi32>
    %lt3A_497 = arith.constant 0 : i32
    %lt3A_498 = arith.cmpi slt, %select_n3A_488, %lt3A_497 : i32
    %ne3A_499 = vector.broadcast %lt3A_498 : i1 to vector<16xi1>
    %ne3A_500 = vector.broadcast %ne3A_499 : vector<16xi1> to vector<16xi1>
    %ne3A_501 = arith.xori %lt3A_496, %ne3A_500 : vector<16xi1>
    %and3A_502 = arith.andi %ne3A_501, %ne3A_493 : vector<16xi1>
    %add3A_503 = vector.broadcast %select_n3A_488 : i32 to vector<16xi32>
    %add3A_504 = arith.addi %rem3A_490, %add3A_503 : vector<16xi32>
    %select_n3A_505 = arith.select %and3A_502, %add3A_504, %rem3A_490 : vector<16xi1>, vector<16xi32>
    %add3A_506 = arith.constant 112 : i32
    %add3A_507 = vector.broadcast %add3A_506 : i32 to vector<16xi32>
    %add3A_508 = arith.addi %add3A_507, %iota3A : vector<16xi32>
    %jit3A_509 = arith.constant 18 : i32
    %eq3A_510 = arith.constant 0 : i32
    %eq3A_511 = arith.cmpi eq, %jit3A_509, %eq3A_510 : i32
    %jit3A_512 = arith.constant 1 : i32
    %select_n3A_513 = arith.select %eq3A_511, %jit3A_512, %jit3A_509 : i32
    %rem3A_514 = vector.broadcast %select_n3A_513 : i32 to vector<16xi32>
    %rem3A_515 = arith.remsi %add3A_508, %rem3A_514 : vector<16xi32>
    %ne3A_516 = arith.constant 0 : i32
    %ne3A_517 = vector.broadcast %ne3A_516 : i32 to vector<16xi32>
    %ne3A_518 = arith.cmpi ne, %rem3A_515, %ne3A_517 : vector<16xi32>
    %lt3A_519 = arith.constant 0 : i32
    %lt3A_520 = vector.broadcast %lt3A_519 : i32 to vector<16xi32>
    %lt3A_521 = arith.cmpi slt, %rem3A_515, %lt3A_520 : vector<16xi32>
    %lt3A_522 = arith.constant 0 : i32
    %lt3A_523 = arith.cmpi slt, %select_n3A_513, %lt3A_522 : i32
    %ne3A_524 = vector.broadcast %lt3A_523 : i1 to vector<16xi1>
    %ne3A_525 = vector.broadcast %ne3A_524 : vector<16xi1> to vector<16xi1>
    %ne3A_526 = arith.xori %lt3A_521, %ne3A_525 : vector<16xi1>
    %and3A_527 = arith.andi %ne3A_526, %ne3A_518 : vector<16xi1>
    %add3A_528 = vector.broadcast %select_n3A_513 : i32 to vector<16xi32>
    %add3A_529 = arith.addi %rem3A_515, %add3A_528 : vector<16xi32>
    %select_n3A_530 = arith.select %and3A_527, %add3A_529, %rem3A_515 : vector<16xi1>, vector<16xi32>
    %add3A_531 = arith.constant 128 : i32
    %add3A_532 = vector.broadcast %add3A_531 : i32 to vector<16xi32>
    %add3A_533 = arith.addi %add3A_532, %iota3A : vector<16xi32>
    %jit3A_534 = arith.constant 18 : i32
    %eq3A_535 = arith.constant 0 : i32
    %eq3A_536 = arith.cmpi eq, %jit3A_534, %eq3A_535 : i32
    %jit3A_537 = arith.constant 1 : i32
    %select_n3A_538 = arith.select %eq3A_536, %jit3A_537, %jit3A_534 : i32
    %rem3A_539 = vector.broadcast %select_n3A_538 : i32 to vector<16xi32>
    %rem3A_540 = arith.remsi %add3A_533, %rem3A_539 : vector<16xi32>
    %ne3A_541 = arith.constant 0 : i32
    %ne3A_542 = vector.broadcast %ne3A_541 : i32 to vector<16xi32>
    %ne3A_543 = arith.cmpi ne, %rem3A_540, %ne3A_542 : vector<16xi32>
    %lt3A_544 = arith.constant 0 : i32
    %lt3A_545 = vector.broadcast %lt3A_544 : i32 to vector<16xi32>
    %lt3A_546 = arith.cmpi slt, %rem3A_540, %lt3A_545 : vector<16xi32>
    %lt3A_547 = arith.constant 0 : i32
    %lt3A_548 = arith.cmpi slt, %select_n3A_538, %lt3A_547 : i32
    %ne3A_549 = vector.broadcast %lt3A_548 : i1 to vector<16xi1>
    %ne3A_550 = vector.broadcast %ne3A_549 : vector<16xi1> to vector<16xi1>
    %ne3A_551 = arith.xori %lt3A_546, %ne3A_550 : vector<16xi1>
    %and3A_552 = arith.andi %ne3A_551, %ne3A_543 : vector<16xi1>
    %add3A_553 = vector.broadcast %select_n3A_538 : i32 to vector<16xi32>
    %add3A_554 = arith.addi %rem3A_540, %add3A_553 : vector<16xi32>
    %select_n3A_555 = arith.select %and3A_552, %add3A_554, %rem3A_540 : vector<16xi1>, vector<16xi32>
    %while3A = arith.constant 0 : i32
    %while3A_556 = arith.constant 0 : i32
    %while3A_557 = arith.subi %select_n3A, %while3A_556 : i32
    %while3A_558 = arith.addi %while3A_556, %while3A_557 : i32
    %while3A_559 = arith.constant 1 : i32
    %while3A_560 = arith.divsi %while3A_557, %while3A_559 : i32
    %while3A_561 = arith.muli %while3A_560, %while3A_559 : i32
    %while3A_562 = arith.addi %while3A_556, %while3A_561 : i32
    %while3A_563 = arith.constant 1 : i32
    scf.for %while3A_565 = %while3A_556 to %while3A_562 step %while3A_563  : i32 {
      %mul3A_566 = arith.constant 48 : i32
      %mul3A_567 = arith.muli %while3A_565, %mul3A_566 : i32
      %add3A_568 = arith.addi %mul3A_2, %mul3A_567 : i32
      %min3A_569 = arith.constant 12452 : i32
      %min3A_570 = arith.minsi %add3A_568, %min3A_569 : i32
      %mul3A_571 = arith.constant 8 : i32
      %mul3A_572 = arith.muli %min3A_570, %mul3A_571 : i32
      "tpu.region"() ({
        %run_scoped3A = tpu.sem_alloc : memref<!tpu.dma_semaphore, #tpu.memory_space<semaphore_mem>>
        %dma_start3A = arith.constant 0 : i32
        %dma_start3A_580 = tpu.memref_slice %arg2[%mul3A_572, %dma_start3A] : memref<100000x18xf32, #tpu.memory_space<hbm>> -> memref<384x18xf32, #tpu.memory_space<hbm>>
        %dma_start3A_581 = arith.constant 0 : i32
        %dma_start3A_582 = tpu.memref_slice %arg2[%mul3A_572, %dma_start3A_581] : memref<100000x18xf32, #tpu.memory_space<hbm>> -> memref<384x18xf32, #tpu.memory_space<hbm>>
        tpu.enqueue_dma source(%dma_start3A_582 : memref<384x18xf32, #tpu.memory_space<hbm>>) target(%arg4 : memref<384x18xf32, #tpu.memory_space<vmem>>) target_semaphore(%run_scoped3A : memref<!tpu.dma_semaphore, #tpu.memory_space<semaphore_mem>>)
        %dma_wait3A = arith.constant 0 : i32
        %dma_wait3A_583 = tpu.memref_slice %arg2[%mul3A_572, %dma_wait3A] : memref<100000x18xf32, #tpu.memory_space<hbm>> -> memref<384x18xf32, #tpu.memory_space<hbm>>
        %dma_wait3A_584 = arith.constant 0 : i32
        %dma_wait3A_585 = tpu.memref_slice %arg2[%mul3A_572, %dma_wait3A_584] : memref<100000x18xf32, #tpu.memory_space<hbm>> -> memref<384x18xf32, #tpu.memory_space<hbm>>
        tpu.wait_dma2 semaphore(%run_scoped3A : memref<!tpu.dma_semaphore, #tpu.memory_space<semaphore_mem>>) src(%dma_wait3A_585 : memref<384x18xf32, #tpu.memory_space<hbm>>) dst(%arg4 : memref<384x18xf32, #tpu.memory_space<vmem>>)
        tpu.yield
      }) : () -> ()
      %scan3A = arith.constant 0 : i32
      %scan3A_573 = arith.constant 0 : i32
      %scan3A_574 = arith.constant 48 : i32
      %scan3A_575 = arith.addi %scan3A_573, %scan3A_574 : i32
      %scan3A_576 = arith.constant 1 : i32
      scf.for %scan3A_580 = %scan3A_573 to %scan3A_575 step %scan3A_576  : i32 {
        %mul3A_581 = arith.constant 8 : i32
        %mul3A_582 = arith.muli %scan3A_580, %mul3A_581 : i32
        %add3A_583 = vector.broadcast %mul3A_582 : i32 to vector<16xi32>
        %add3A_584 = arith.addi %add3A_583, %select_n3A_60 : vector<16xi32>
        %gather3A = tpu.vector_load_idx %arg4[%add3A_584, %select_n3A_355] : memref<384x18xf32, #tpu.memory_space<vmem>>[vector<16xi32>, vector<16xi32>], vector<16xf32>,
        %mul3A_585 = arith.constant 9 : i32
        %mul3A_586 = arith.muli %scan3A_580, %mul3A_585 : i32
        %add3A_587 = arith.constant 0 : i32
        %add3A_588 = arith.addi %mul3A_586, %add3A_587 : i32
        %broadcast_in_dim3A = vector.broadcast %add3A_588 : i32 to vector<16xi32>
        tpu.vector_store_idx %arg5[%broadcast_in_dim3A, %iota3A], %gather3A : memref<432x16xf32, #tpu.memory_space<vmem>>[vector<16xi32>, vector<16xi32>], vector<16xf32>,
        %mul3A_589 = arith.constant 8 : i32
        %mul3A_590 = arith.muli %scan3A_580, %mul3A_589 : i32
        %add3A_591 = vector.broadcast %mul3A_590 : i32 to vector<16xi32>
        %add3A_592 = arith.addi %add3A_591, %select_n3A_94 : vector<16xi32>
        %gather3A_593 = tpu.vector_load_idx %arg4[%add3A_592, %select_n3A_380] : memref<384x18xf32, #tpu.memory_space<vmem>>[vector<16xi32>, vector<16xi32>], vector<16xf32>,
        %mul3A_594 = arith.constant 9 : i32
        %mul3A_595 = arith.muli %scan3A_580, %mul3A_594 : i32
        %add3A_596 = arith.constant 1 : i32
        %add3A_597 = arith.addi %mul3A_595, %add3A_596 : i32
        %broadcast_in_dim3A_598 = vector.broadcast %add3A_597 : i32 to vector<16xi32>
        tpu.vector_store_idx %arg5[%broadcast_in_dim3A_598, %iota3A], %gather3A_593 : memref<432x16xf32, #tpu.memory_space<vmem>>[vector<16xi32>, vector<16xi32>], vector<16xf32>,
        %mul3A_599 = arith.constant 8 : i32
        %mul3A_600 = arith.muli %scan3A_580, %mul3A_599 : i32
        %add3A_601 = vector.broadcast %mul3A_600 : i32 to vector<16xi32>
        %add3A_602 = arith.addi %add3A_601, %select_n3A_128 : vector<16xi32>
        %gather3A_603 = tpu.vector_load_idx %arg4[%add3A_602, %select_n3A_405] : memref<384x18xf32, #tpu.memory_space<vmem>>[vector<16xi32>, vector<16xi32>], vector<16xf32>,
        %mul3A_604 = arith.constant 9 : i32
        %mul3A_605 = arith.muli %scan3A_580, %mul3A_604 : i32
        %add3A_606 = arith.constant 2 : i32
        %add3A_607 = arith.addi %mul3A_605, %add3A_606 : i32
        %broadcast_in_dim3A_608 = vector.broadcast %add3A_607 : i32 to vector<16xi32>
        tpu.vector_store_idx %arg5[%broadcast_in_dim3A_608, %iota3A], %gather3A_603 : memref<432x16xf32, #tpu.memory_space<vmem>>[vector<16xi32>, vector<16xi32>], vector<16xf32>,
        %mul3A_609 = arith.constant 8 : i32
        %mul3A_610 = arith.muli %scan3A_580, %mul3A_609 : i32
        %add3A_611 = vector.broadcast %mul3A_610 : i32 to vector<16xi32>
        %add3A_612 = arith.addi %add3A_611, %select_n3A_162 : vector<16xi32>
        %gather3A_613 = tpu.vector_load_idx %arg4[%add3A_612, %select_n3A_430] : memref<384x18xf32, #tpu.memory_space<vmem>>[vector<16xi32>, vector<16xi32>], vector<16xf32>,
        %mul3A_614 = arith.constant 9 : i32
        %mul3A_615 = arith.muli %scan3A_580, %mul3A_614 : i32
        %add3A_616 = arith.constant 3 : i32
        %add3A_617 = arith.addi %mul3A_615, %add3A_616 : i32
        %broadcast_in_dim3A_618 = vector.broadcast %add3A_617 : i32 to vector<16xi32>
        tpu.vector_store_idx %arg5[%broadcast_in_dim3A_618, %iota3A], %gather3A_613 : memref<432x16xf32, #tpu.memory_space<vmem>>[vector<16xi32>, vector<16xi32>], vector<16xf32>,
        %mul3A_619 = arith.constant 8 : i32
        %mul3A_620 = arith.muli %scan3A_580, %mul3A_619 : i32
        %add3A_621 = vector.broadcast %mul3A_620 : i32 to vector<16xi32>
        %add3A_622 = arith.addi %add3A_621, %select_n3A_196 : vector<16xi32>
        %gather3A_623 = tpu.vector_load_idx %arg4[%add3A_622, %select_n3A_455] : memref<384x18xf32, #tpu.memory_space<vmem>>[vector<16xi32>, vector<16xi32>], vector<16xf32>,
        %mul3A_624 = arith.constant 9 : i32
        %mul3A_625 = arith.muli %scan3A_580, %mul3A_624 : i32
        %add3A_626 = arith.constant 4 : i32
        %add3A_627 = arith.addi %mul3A_625, %add3A_626 : i32
        %broadcast_in_dim3A_628 = vector.broadcast %add3A_627 : i32 to vector<16xi32>
        tpu.vector_store_idx %arg5[%broadcast_in_dim3A_628, %iota3A], %gather3A_623 : memref<432x16xf32, #tpu.memory_space<vmem>>[vector<16xi32>, vector<16xi32>], vector<16xf32>,
        %mul3A_629 = arith.constant 8 : i32
        %mul3A_630 = arith.muli %scan3A_580, %mul3A_629 : i32
        %add3A_631 = vector.broadcast %mul3A_630 : i32 to vector<16xi32>
        %add3A_632 = arith.addi %add3A_631, %select_n3A_230 : vector<16xi32>
        %gather3A_633 = tpu.vector_load_idx %arg4[%add3A_632, %select_n3A_480] : memref<384x18xf32, #tpu.memory_space<vmem>>[vector<16xi32>, vector<16xi32>], vector<16xf32>,
        %mul3A_634 = arith.constant 9 : i32
        %mul3A_635 = arith.muli %scan3A_580, %mul3A_634 : i32
        %add3A_636 = arith.constant 5 : i32
        %add3A_637 = arith.addi %mul3A_635, %add3A_636 : i32
        %broadcast_in_dim3A_638 = vector.broadcast %add3A_637 : i32 to vector<16xi32>
        tpu.vector_store_idx %arg5[%broadcast_in_dim3A_638, %iota3A], %gather3A_633 : memref<432x16xf32, #tpu.memory_space<vmem>>[vector<16xi32>, vector<16xi32>], vector<16xf32>,
        %mul3A_639 = arith.constant 8 : i32
        %mul3A_640 = arith.muli %scan3A_580, %mul3A_639 : i32
        %add3A_641 = vector.broadcast %mul3A_640 : i32 to vector<16xi32>
        %add3A_642 = arith.addi %add3A_641, %select_n3A_264 : vector<16xi32>
        %gather3A_643 = tpu.vector_load_idx %arg4[%add3A_642, %select_n3A_505] : memref<384x18xf32, #tpu.memory_space<vmem>>[vector<16xi32>, vector<16xi32>], vector<16xf32>,
        %mul3A_644 = arith.constant 9 : i32
        %mul3A_645 = arith.muli %scan3A_580, %mul3A_644 : i32
        %add3A_646 = arith.constant 6 : i32
        %add3A_647 = arith.addi %mul3A_645, %add3A_646 : i32
        %broadcast_in_dim3A_648 = vector.broadcast %add3A_647 : i32 to vector<16xi32>
        tpu.vector_store_idx %arg5[%broadcast_in_dim3A_648, %iota3A], %gather3A_643 : memref<432x16xf32, #tpu.memory_space<vmem>>[vector<16xi32>, vector<16xi32>], vector<16xf32>,
        %mul3A_649 = arith.constant 8 : i32
        %mul3A_650 = arith.muli %scan3A_580, %mul3A_649 : i32
        %add3A_651 = vector.broadcast %mul3A_650 : i32 to vector<16xi32>
        %add3A_652 = arith.addi %add3A_651, %select_n3A_298 : vector<16xi32>
        %gather3A_653 = tpu.vector_load_idx %arg4[%add3A_652, %select_n3A_530] : memref<384x18xf32, #tpu.memory_space<vmem>>[vector<16xi32>, vector<16xi32>], vector<16xf32>,
        %mul3A_654 = arith.constant 9 : i32
        %mul3A_655 = arith.muli %scan3A_580, %mul3A_654 : i32
        %add3A_656 = arith.constant 7 : i32
        %add3A_657 = arith.addi %mul3A_655, %add3A_656 : i32
        %broadcast_in_dim3A_658 = vector.broadcast %add3A_657 : i32 to vector<16xi32>
        tpu.vector_store_idx %arg5[%broadcast_in_dim3A_658, %iota3A], %gather3A_653 : memref<432x16xf32, #tpu.memory_space<vmem>>[vector<16xi32>, vector<16xi32>], vector<16xf32>,
        %mul3A_659 = arith.constant 8 : i32
        %mul3A_660 = arith.muli %scan3A_580, %mul3A_659 : i32
        %add3A_661 = vector.broadcast %mul3A_660 : i32 to vector<16xi32>
        %add3A_662 = arith.addi %add3A_661, %select_n3A_332 : vector<16xi32>
        %gather3A_663 = tpu.vector_load_idx %arg4[%add3A_662, %select_n3A_555] : memref<384x18xf32, #tpu.memory_space<vmem>>[vector<16xi32>, vector<16xi32>], vector<16xf32>,
        %mul3A_664 = arith.constant 9 : i32
        %mul3A_665 = arith.muli %scan3A_580, %mul3A_664 : i32
        %add3A_666 = arith.constant 8 : i32
        %add3A_667 = arith.addi %mul3A_665, %add3A_666 : i32
        %broadcast_in_dim3A_668 = vector.broadcast %add3A_667 : i32 to vector<16xi32>
        tpu.vector_store_idx %arg5[%broadcast_in_dim3A_668, %iota3A], %gather3A_663 : memref<432x16xf32, #tpu.memory_space<vmem>>[vector<16xi32>, vector<16xi32>], vector<16xf32>,
      }
      %scan3A_577 = arith.constant 48 : i32
      %mul3A_578 = arith.constant 9 : i32
      %mul3A_579 = arith.muli %min3A_570, %mul3A_578 : i32
      "tpu.region"() ({
        %run_scoped3A = tpu.sem_alloc : memref<!tpu.dma_semaphore, #tpu.memory_space<semaphore_mem>>
        %dma_start3A = arith.constant 0 : i32
        %dma_start3A_580 = tpu.memref_slice %arg3[%mul3A_579, %dma_start3A] : memref<112500x16xf32, #tpu.memory_space<hbm>> -> memref<432x16xf32, #tpu.memory_space<hbm>>
        %dma_start3A_581 = arith.constant 0 : i32
        %dma_start3A_582 = tpu.memref_slice %arg3[%mul3A_579, %dma_start3A_581] : memref<112500x16xf32, #tpu.memory_space<hbm>> -> memref<432x16xf32, #tpu.memory_space<hbm>>
        tpu.enqueue_dma source(%arg5 : memref<432x16xf32, #tpu.memory_space<vmem>>) target(%dma_start3A_582 : memref<432x16xf32, #tpu.memory_space<hbm>>) target_semaphore(%run_scoped3A : memref<!tpu.dma_semaphore, #tpu.memory_space<semaphore_mem>>)
        %dma_wait3A = arith.constant 0 : i32
        %dma_wait3A_583 = tpu.memref_slice %arg3[%mul3A_579, %dma_wait3A] : memref<112500x16xf32, #tpu.memory_space<hbm>> -> memref<432x16xf32, #tpu.memory_space<hbm>>
        %dma_wait3A_584 = arith.constant 0 : i32
        %dma_wait3A_585 = tpu.memref_slice %arg3[%mul3A_579, %dma_wait3A_584] : memref<112500x16xf32, #tpu.memory_space<hbm>> -> memref<432x16xf32, #tpu.memory_space<hbm>>
        tpu.wait_dma2 semaphore(%run_scoped3A : memref<!tpu.dma_semaphore, #tpu.memory_space<semaphore_mem>>) src(%arg5 : memref<432x16xf32, #tpu.memory_space<vmem>>) dst(%dma_wait3A_585 : memref<432x16xf32, #tpu.memory_space<hbm>>)
        tpu.yield
      }) : () -> ()
    }
    %while3A_564 = arith.constant 1 : i32
    scf.for %while3A_565 = %while3A_562 to %while3A_558 step %while3A_564  : i32 {
      %mul3A_566 = arith.constant 48 : i32
      %mul3A_567 = arith.muli %while3A_565, %mul3A_566 : i32
      %add3A_568 = arith.addi %mul3A_2, %mul3A_567 : i32
      %min3A_569 = arith.constant 12452 : i32
      %min3A_570 = arith.minsi %add3A_568, %min3A_569 : i32
      %mul3A_571 = arith.constant 8 : i32
      %mul3A_572 = arith.muli %min3A_570, %mul3A_571 : i32
      "tpu.region"() ({
        %run_scoped3A = tpu.sem_alloc : memref<!tpu.dma_semaphore, #tpu.memory_space<semaphore_mem>>
        %dma_start3A = arith.constant 0 : i32
        %dma_start3A_580 = tpu.memref_slice %arg2[%mul3A_572, %dma_start3A] : memref<100000x18xf32, #tpu.memory_space<hbm>> -> memref<384x18xf32, #tpu.memory_space<hbm>>
        %dma_start3A_581 = arith.constant 0 : i32
        %dma_start3A_582 = tpu.memref_slice %arg2[%mul3A_572, %dma_start3A_581] : memref<100000x18xf32, #tpu.memory_space<hbm>> -> memref<384x18xf32, #tpu.memory_space<hbm>>
        tpu.enqueue_dma source(%dma_start3A_582 : memref<384x18xf32, #tpu.memory_space<hbm>>) target(%arg4 : memref<384x18xf32, #tpu.memory_space<vmem>>) target_semaphore(%run_scoped3A : memref<!tpu.dma_semaphore, #tpu.memory_space<semaphore_mem>>)
        %dma_wait3A = arith.constant 0 : i32
        %dma_wait3A_583 = tpu.memref_slice %arg2[%mul3A_572, %dma_wait3A] : memref<100000x18xf32, #tpu.memory_space<hbm>> -> memref<384x18xf32, #tpu.memory_space<hbm>>
        %dma_wait3A_584 = arith.constant 0 : i32
        %dma_wait3A_585 = tpu.memref_slice %arg2[%mul3A_572, %dma_wait3A_584] : memref<100000x18xf32, #tpu.memory_space<hbm>> -> memref<384x18xf32, #tpu.memory_space<hbm>>
        tpu.wait_dma2 semaphore(%run_scoped3A : memref<!tpu.dma_semaphore, #tpu.memory_space<semaphore_mem>>) src(%dma_wait3A_585 : memref<384x18xf32, #tpu.memory_space<hbm>>) dst(%arg4 : memref<384x18xf32, #tpu.memory_space<vmem>>)
        tpu.yield
      }) : () -> ()
      %scan3A = arith.constant 0 : i32
      %scan3A_573 = arith.constant 0 : i32
      %scan3A_574 = arith.constant 48 : i32
      %scan3A_575 = arith.addi %scan3A_573, %scan3A_574 : i32
      %scan3A_576 = arith.constant 1 : i32
      scf.for %scan3A_580 = %scan3A_573 to %scan3A_575 step %scan3A_576  : i32 {
        %mul3A_581 = arith.constant 8 : i32
        %mul3A_582 = arith.muli %scan3A_580, %mul3A_581 : i32
        %add3A_583 = vector.broadcast %mul3A_582 : i32 to vector<16xi32>
        %add3A_584 = arith.addi %add3A_583, %select_n3A_60 : vector<16xi32>
        %gather3A = tpu.vector_load_idx %arg4[%add3A_584, %select_n3A_355] : memref<384x18xf32, #tpu.memory_space<vmem>>[vector<16xi32>, vector<16xi32>], vector<16xf32>,
        %mul3A_585 = arith.constant 9 : i32
        %mul3A_586 = arith.muli %scan3A_580, %mul3A_585 : i32
        %add3A_587 = arith.constant 0 : i32
        %add3A_588 = arith.addi %mul3A_586, %add3A_587 : i32
        %broadcast_in_dim3A = vector.broadcast %add3A_588 : i32 to vector<16xi32>
        tpu.vector_store_idx %arg5[%broadcast_in_dim3A, %iota3A], %gather3A : memref<432x16xf32, #tpu.memory_space<vmem>>[vector<16xi32>, vector<16xi32>], vector<16xf32>,
        %mul3A_589 = arith.constant 8 : i32
        %mul3A_590 = arith.muli %scan3A_580, %mul3A_589 : i32
        %add3A_591 = vector.broadcast %mul3A_590 : i32 to vector<16xi32>
        %add3A_592 = arith.addi %add3A_591, %select_n3A_94 : vector<16xi32>
        %gather3A_593 = tpu.vector_load_idx %arg4[%add3A_592, %select_n3A_380] : memref<384x18xf32, #tpu.memory_space<vmem>>[vector<16xi32>, vector<16xi32>], vector<16xf32>,
        %mul3A_594 = arith.constant 9 : i32
        %mul3A_595 = arith.muli %scan3A_580, %mul3A_594 : i32
        %add3A_596 = arith.constant 1 : i32
        %add3A_597 = arith.addi %mul3A_595, %add3A_596 : i32
        %broadcast_in_dim3A_598 = vector.broadcast %add3A_597 : i32 to vector<16xi32>
        tpu.vector_store_idx %arg5[%broadcast_in_dim3A_598, %iota3A], %gather3A_593 : memref<432x16xf32, #tpu.memory_space<vmem>>[vector<16xi32>, vector<16xi32>], vector<16xf32>,
        %mul3A_599 = arith.constant 8 : i32
        %mul3A_600 = arith.muli %scan3A_580, %mul3A_599 : i32
        %add3A_601 = vector.broadcast %mul3A_600 : i32 to vector<16xi32>
        %add3A_602 = arith.addi %add3A_601, %select_n3A_128 : vector<16xi32>
        %gather3A_603 = tpu.vector_load_idx %arg4[%add3A_602, %select_n3A_405] : memref<384x18xf32, #tpu.memory_space<vmem>>[vector<16xi32>, vector<16xi32>], vector<16xf32>,
        %mul3A_604 = arith.constant 9 : i32
        %mul3A_605 = arith.muli %scan3A_580, %mul3A_604 : i32
        %add3A_606 = arith.constant 2 : i32
        %add3A_607 = arith.addi %mul3A_605, %add3A_606 : i32
        %broadcast_in_dim3A_608 = vector.broadcast %add3A_607 : i32 to vector<16xi32>
        tpu.vector_store_idx %arg5[%broadcast_in_dim3A_608, %iota3A], %gather3A_603 : memref<432x16xf32, #tpu.memory_space<vmem>>[vector<16xi32>, vector<16xi32>], vector<16xf32>,
        %mul3A_609 = arith.constant 8 : i32
        %mul3A_610 = arith.muli %scan3A_580, %mul3A_609 : i32
        %add3A_611 = vector.broadcast %mul3A_610 : i32 to vector<16xi32>
        %add3A_612 = arith.addi %add3A_611, %select_n3A_162 : vector<16xi32>
        %gather3A_613 = tpu.vector_load_idx %arg4[%add3A_612, %select_n3A_430] : memref<384x18xf32, #tpu.memory_space<vmem>>[vector<16xi32>, vector<16xi32>], vector<16xf32>,
        %mul3A_614 = arith.constant 9 : i32
        %mul3A_615 = arith.muli %scan3A_580, %mul3A_614 : i32
        %add3A_616 = arith.constant 3 : i32
        %add3A_617 = arith.addi %mul3A_615, %add3A_616 : i32
        %broadcast_in_dim3A_618 = vector.broadcast %add3A_617 : i32 to vector<16xi32>
        tpu.vector_store_idx %arg5[%broadcast_in_dim3A_618, %iota3A], %gather3A_613 : memref<432x16xf32, #tpu.memory_space<vmem>>[vector<16xi32>, vector<16xi32>], vector<16xf32>,
        %mul3A_619 = arith.constant 8 : i32
        %mul3A_620 = arith.muli %scan3A_580, %mul3A_619 : i32
        %add3A_621 = vector.broadcast %mul3A_620 : i32 to vector<16xi32>
        %add3A_622 = arith.addi %add3A_621, %select_n3A_196 : vector<16xi32>
        %gather3A_623 = tpu.vector_load_idx %arg4[%add3A_622, %select_n3A_455] : memref<384x18xf32, #tpu.memory_space<vmem>>[vector<16xi32>, vector<16xi32>], vector<16xf32>,
        %mul3A_624 = arith.constant 9 : i32
        %mul3A_625 = arith.muli %scan3A_580, %mul3A_624 : i32
        %add3A_626 = arith.constant 4 : i32
        %add3A_627 = arith.addi %mul3A_625, %add3A_626 : i32
        %broadcast_in_dim3A_628 = vector.broadcast %add3A_627 : i32 to vector<16xi32>
        tpu.vector_store_idx %arg5[%broadcast_in_dim3A_628, %iota3A], %gather3A_623 : memref<432x16xf32, #tpu.memory_space<vmem>>[vector<16xi32>, vector<16xi32>], vector<16xf32>,
        %mul3A_629 = arith.constant 8 : i32
        %mul3A_630 = arith.muli %scan3A_580, %mul3A_629 : i32
        %add3A_631 = vector.broadcast %mul3A_630 : i32 to vector<16xi32>
        %add3A_632 = arith.addi %add3A_631, %select_n3A_230 : vector<16xi32>
        %gather3A_633 = tpu.vector_load_idx %arg4[%add3A_632, %select_n3A_480] : memref<384x18xf32, #tpu.memory_space<vmem>>[vector<16xi32>, vector<16xi32>], vector<16xf32>,
        %mul3A_634 = arith.constant 9 : i32
        %mul3A_635 = arith.muli %scan3A_580, %mul3A_634 : i32
        %add3A_636 = arith.constant 5 : i32
        %add3A_637 = arith.addi %mul3A_635, %add3A_636 : i32
        %broadcast_in_dim3A_638 = vector.broadcast %add3A_637 : i32 to vector<16xi32>
        tpu.vector_store_idx %arg5[%broadcast_in_dim3A_638, %iota3A], %gather3A_633 : memref<432x16xf32, #tpu.memory_space<vmem>>[vector<16xi32>, vector<16xi32>], vector<16xf32>,
        %mul3A_639 = arith.constant 8 : i32
        %mul3A_640 = arith.muli %scan3A_580, %mul3A_639 : i32
        %add3A_641 = vector.broadcast %mul3A_640 : i32 to vector<16xi32>
        %add3A_642 = arith.addi %add3A_641, %select_n3A_264 : vector<16xi32>
        %gather3A_643 = tpu.vector_load_idx %arg4[%add3A_642, %select_n3A_505] : memref<384x18xf32, #tpu.memory_space<vmem>>[vector<16xi32>, vector<16xi32>], vector<16xf32>,
        %mul3A_644 = arith.constant 9 : i32
        %mul3A_645 = arith.muli %scan3A_580, %mul3A_644 : i32
        %add3A_646 = arith.constant 6 : i32
        %add3A_647 = arith.addi %mul3A_645, %add3A_646 : i32
        %broadcast_in_dim3A_648 = vector.broadcast %add3A_647 : i32 to vector<16xi32>
        tpu.vector_store_idx %arg5[%broadcast_in_dim3A_648, %iota3A], %gather3A_643 : memref<432x16xf32, #tpu.memory_space<vmem>>[vector<16xi32>, vector<16xi32>], vector<16xf32>,
        %mul3A_649 = arith.constant 8 : i32
        %mul3A_650 = arith.muli %scan3A_580, %mul3A_649 : i32
        %add3A_651 = vector.broadcast %mul3A_650 : i32 to vector<16xi32>
        %add3A_652 = arith.addi %add3A_651, %select_n3A_298 : vector<16xi32>
        %gather3A_653 = tpu.vector_load_idx %arg4[%add3A_652, %select_n3A_530] : memref<384x18xf32, #tpu.memory_space<vmem>>[vector<16xi32>, vector<16xi32>], vector<16xf32>,
        %mul3A_654 = arith.constant 9 : i32
        %mul3A_655 = arith.muli %scan3A_580, %mul3A_654 : i32
        %add3A_656 = arith.constant 7 : i32
        %add3A_657 = arith.addi %mul3A_655, %add3A_656 : i32
        %broadcast_in_dim3A_658 = vector.broadcast %add3A_657 : i32 to vector<16xi32>
        tpu.vector_store_idx %arg5[%broadcast_in_dim3A_658, %iota3A], %gather3A_653 : memref<432x16xf32, #tpu.memory_space<vmem>>[vector<16xi32>, vector<16xi32>], vector<16xf32>,
        %mul3A_659 = arith.constant 8 : i32
        %mul3A_660 = arith.muli %scan3A_580, %mul3A_659 : i32
        %add3A_661 = vector.broadcast %mul3A_660 : i32 to vector<16xi32>
        %add3A_662 = arith.addi %add3A_661, %select_n3A_332 : vector<16xi32>
        %gather3A_663 = tpu.vector_load_idx %arg4[%add3A_662, %select_n3A_555] : memref<384x18xf32, #tpu.memory_space<vmem>>[vector<16xi32>, vector<16xi32>], vector<16xf32>,
        %mul3A_664 = arith.constant 9 : i32
        %mul3A_665 = arith.muli %scan3A_580, %mul3A_664 : i32
        %add3A_666 = arith.constant 8 : i32
        %add3A_667 = arith.addi %mul3A_665, %add3A_666 : i32
        %broadcast_in_dim3A_668 = vector.broadcast %add3A_667 : i32 to vector<16xi32>
        tpu.vector_store_idx %arg5[%broadcast_in_dim3A_668, %iota3A], %gather3A_663 : memref<432x16xf32, #tpu.memory_space<vmem>>[vector<16xi32>, vector<16xi32>], vector<16xf32>,
      }
      %scan3A_577 = arith.constant 48 : i32
      %mul3A_578 = arith.constant 9 : i32
      %mul3A_579 = arith.muli %min3A_570, %mul3A_578 : i32
      "tpu.region"() ({
        %run_scoped3A = tpu.sem_alloc : memref<!tpu.dma_semaphore, #tpu.memory_space<semaphore_mem>>
        %dma_start3A = arith.constant 0 : i32
        %dma_start3A_580 = tpu.memref_slice %arg3[%mul3A_579, %dma_start3A] : memref<112500x16xf32, #tpu.memory_space<hbm>> -> memref<432x16xf32, #tpu.memory_space<hbm>>
        %dma_start3A_581 = arith.constant 0 : i32
        %dma_start3A_582 = tpu.memref_slice %arg3[%mul3A_579, %dma_start3A_581] : memref<112500x16xf32, #tpu.memory_space<hbm>> -> memref<432x16xf32, #tpu.memory_space<hbm>>
        tpu.enqueue_dma source(%arg5 : memref<432x16xf32, #tpu.memory_space<vmem>>) target(%dma_start3A_582 : memref<432x16xf32, #tpu.memory_space<hbm>>) target_semaphore(%run_scoped3A : memref<!tpu.dma_semaphore, #tpu.memory_space<semaphore_mem>>)
        %dma_wait3A = arith.constant 0 : i32
        %dma_wait3A_583 = tpu.memref_slice %arg3[%mul3A_579, %dma_wait3A] : memref<112500x16xf32, #tpu.memory_space<hbm>> -> memref<432x16xf32, #tpu.memory_space<hbm>>
        %dma_wait3A_584 = arith.constant 0 : i32
        %dma_wait3A_585 = tpu.memref_slice %arg3[%mul3A_579, %dma_wait3A_584] : memref<112500x16xf32, #tpu.memory_space<hbm>> -> memref<432x16xf32, #tpu.memory_space<hbm>>
        tpu.wait_dma2 semaphore(%run_scoped3A : memref<!tpu.dma_semaphore, #tpu.memory_space<semaphore_mem>>) src(%arg5 : memref<432x16xf32, #tpu.memory_space<vmem>>) dst(%dma_wait3A_585 : memref<432x16xf32, #tpu.memory_space<hbm>>)
        tpu.yield
      }) : () -> ()
    }
    return
  }
}

#map = affine_map<(d0, d1) -> (0, 0)>
module attributes {stable_mosaic.version = 14 : i64} {
  func.func @_repack_body(%arg0: i32, %arg1: i32, %arg2: memref<100000x18xf32, #tpu.memory_space<hbm>>, %arg3: memref<112500x16xf32, #tpu.memory_space<hbm>>, %arg4: memref<384x18xf32, #tpu.memory_space<vmem>>, %arg5: memref<432x16xf32, #tpu.memory_space<vmem>>) attributes {dimension_semantics = [#tpu.dimension_semantics<core_parallel>, #tpu.dimension_semantics<subcore_parallel>], iteration_bounds = array<i64: 2, 16>, scalar_prefetch = 0 : i64, scratch_operands = 2 : i64, tpu.core_type = #tpu.core_type<sc_vector_subcore>, window_params = [{transform_indices = #map}, {transform_indices = #map}]} {
    %mul3A = arith.constant 2 : i32
    %mul3A_0 = arith.muli %arg1, %mul3A : i32
    %add3A = arith.addi %mul3A_0, %arg0 : i32
    %iota3A = tpu.iota {dimensions = array<i32: 0>} : vector<16xi32>
    %mul3A_1 = arith.constant 391 : i32
    %mul3A_2 = arith.muli %add3A, %mul3A_1 : i32
    %sub3A = arith.constant 12500 : i32
    %sub3A_3 = arith.subi %sub3A, %mul3A_2 : i32
    %min3A = arith.constant 391 : i32
    %min3A_4 = arith.minsi %sub3A_3, %min3A : i32
    %max3A = arith.constant 0 : i32
    %max3A_5 = arith.maxsi %max3A, %min3A_4 : i32
    %add3A_6 = arith.constant 48 : i32
    %add3A_7 = arith.addi %max3A_5, %add3A_6 : i32
    %sub3A_8 = arith.constant 1 : i32
    %sub3A_9 = arith.subi %add3A_7, %sub3A_8 : i32
    %jit3A = arith.constant 48 : i32
    %div3A = arith.divsi %sub3A_9, %jit3A : i32
    %sign3A = arith.constant 0 : i32
    %sign3A_10 = arith.cmpi sgt, %sub3A_9, %sign3A : i32
    %sign3A_11 = arith.extui %sign3A_10 : i1 to i32
    %sign3A_12 = arith.constant 0 : i32
    %sign3A_13 = arith.cmpi slt, %sub3A_9, %sign3A_12 : i32
    %sign3A_14 = arith.extui %sign3A_13 : i1 to i32
    %sign3A_15 = arith.subi %sign3A_11, %sign3A_14 : i32
    %sign3A_16 = arith.constant 0 : i32
    %sign3A_17 = arith.cmpi sgt, %jit3A, %sign3A_16 : i32
    %sign3A_18 = arith.extui %sign3A_17 : i1 to i32
    %sign3A_19 = arith.constant 0 : i32
    %sign3A_20 = arith.cmpi slt, %jit3A, %sign3A_19 : i32
    %sign3A_21 = arith.extui %sign3A_20 : i1 to i32
    %sign3A_22 = arith.subi %sign3A_18, %sign3A_21 : i32
    %ne3A = arith.cmpi ne, %sign3A_15, %sign3A_22 : i32
    %rem3A = arith.remsi %sub3A_9, %jit3A : i32
    %ne3A_23 = arith.constant 0 : i32
    %ne3A_24 = arith.cmpi ne, %rem3A, %ne3A_23 : i32
    %and3A = arith.andi %ne3A, %ne3A_24 : i1
    %sub3A_25 = arith.constant 1 : i32
    %sub3A_26 = arith.subi %div3A, %sub3A_25 : i32
    %select_n3A = arith.select %and3A, %sub3A_26, %div3A : i32
    %add3A_27 = arith.constant 0 : i32
    %add3A_28 = vector.broadcast %add3A_27 : i32 to vector<16xi32>
    %add3A_29 = arith.addi %add3A_28, %iota3A : vector<16xi32>
    %jit3A_30 = arith.constant 18 : i32
    %div3A_31 = vector.broadcast %jit3A_30 : i32 to vector<16xi32>
    %div3A_32 = arith.divsi %add3A_29, %div3A_31 : vector<16xi32>
    %sign3A_33 = arith.constant 0 : i32
    %sign3A_34 = vector.broadcast %sign3A_33 : i32 to vector<16xi32>
    %sign3A_35 = arith.cmpi sgt, %add3A_29, %sign3A_34 : vector<16xi32>
    %sign3A_36 = arith.extui %sign3A_35 : vector<16xi1> to vector<16xi32>
    %sign3A_37 = arith.constant 0 : i32
    %sign3A_38 = vector.broadcast %sign3A_37 : i32 to vector<16xi32>
    %sign3A_39 = arith.cmpi slt, %add3A_29, %sign3A_38 : vector<16xi32>
    %sign3A_40 = arith.extui %sign3A_39 : vector<16xi1> to vector<16xi32>
    %sign3A_41 = arith.subi %sign3A_36, %sign3A_40 : vector<16xi32>
    %sign3A_42 = arith.constant 0 : i32
    %sign3A_43 = arith.cmpi sgt, %jit3A_30, %sign3A_42 : i32
    %sign3A_44 = arith.extui %sign3A_43 : i1 to i32
    %sign3A_45 = arith.constant 0 : i32
    %sign3A_46 = arith.cmpi slt, %jit3A_30, %sign3A_45 : i32
    %sign3A_47 = arith.extui %sign3A_46 : i1 to i32
    %sign3A_48 = arith.subi %sign3A_44, %sign3A_47 : i32
    %ne3A_49 = vector.broadcast %sign3A_48 : i32 to vector<16xi32>
    %ne3A_50 = arith.cmpi ne, %sign3A_41, %ne3A_49 : vector<16xi32>
    %rem3A_51 = vector.broadcast %jit3A_30 : i32 to vector<16xi32>
    %rem3A_52 = arith.remsi %add3A_29, %rem3A_51 : vector<16xi32>
    %ne3A_53 = arith.constant 0 : i32
    %ne3A_54 = vector.broadcast %ne3A_53 : i32 to vector<16xi32>
    %ne3A_55 = arith.cmpi ne, %rem3A_52, %ne3A_54 : vector<16xi32>
    %and3A_56 = arith.andi %ne3A_50, %ne3A_55 : vector<16xi1>
    %sub3A_57 = arith.constant 1 : i32
    %sub3A_58 = vector.broadcast %sub3A_57 : i32 to vector<16xi32>
    %sub3A_59 = arith.subi %div3A_32, %sub3A_58 : vector<16xi32>
    %select_n3A_60 = arith.select %and3A_56, %sub3A_59, %div3A_32 : vector<16xi1>, vector<16xi32>
    %add3A_61 = arith.constant 16 : i32
    %add3A_62 = vector.broadcast %add3A_61 : i32 to vector<16xi32>
    %add3A_63 = arith.addi %add3A_62, %iota3A : vector<16xi32>
    %jit3A_64 = arith.constant 18 : i32
    %div3A_65 = vector.broadcast %jit3A_64 : i32 to vector<16xi32>
    %div3A_66 = arith.divsi %add3A_63, %div3A_65 : vector<16xi32>
    %sign3A_67 = arith.constant 0 : i32
    %sign3A_68 = vector.broadcast %sign3A_67 : i32 to vector<16xi32>
    %sign3A_69 = arith.cmpi sgt, %add3A_63, %sign3A_68 : vector<16xi32>
    %sign3A_70 = arith.extui %sign3A_69 : vector<16xi1> to vector<16xi32>
    %sign3A_71 = arith.constant 0 : i32
    %sign3A_72 = vector.broadcast %sign3A_71 : i32 to vector<16xi32>
    %sign3A_73 = arith.cmpi slt, %add3A_63, %sign3A_72 : vector<16xi32>
    %sign3A_74 = arith.extui %sign3A_73 : vector<16xi1> to vector<16xi32>
    %sign3A_75 = arith.subi %sign3A_70, %sign3A_74 : vector<16xi32>
    %sign3A_76 = arith.constant 0 : i32
    %sign3A_77 = arith.cmpi sgt, %jit3A_64, %sign3A_76 : i32
    %sign3A_78 = arith.extui %sign3A_77 : i1 to i32
    %sign3A_79 = arith.constant 0 : i32
    %sign3A_80 = arith.cmpi slt, %jit3A_64, %sign3A_79 : i32
    %sign3A_81 = arith.extui %sign3A_80 : i1 to i32
    %sign3A_82 = arith.subi %sign3A_78, %sign3A_81 : i32
    %ne3A_83 = vector.broadcast %sign3A_82 : i32 to vector<16xi32>
    %ne3A_84 = arith.cmpi ne, %sign3A_75, %ne3A_83 : vector<16xi32>
    %rem3A_85 = vector.broadcast %jit3A_64 : i32 to vector<16xi32>
    %rem3A_86 = arith.remsi %add3A_63, %rem3A_85 : vector<16xi32>
    %ne3A_87 = arith.constant 0 : i32
    %ne3A_88 = vector.broadcast %ne3A_87 : i32 to vector<16xi32>
    %ne3A_89 = arith.cmpi ne, %rem3A_86, %ne3A_88 : vector<16xi32>
    %and3A_90 = arith.andi %ne3A_84, %ne3A_89 : vector<16xi1>
    %sub3A_91 = arith.constant 1 : i32
    %sub3A_92 = vector.broadcast %sub3A_91 : i32 to vector<16xi32>
    %sub3A_93 = arith.subi %div3A_66, %sub3A_92 : vector<16xi32>
    %select_n3A_94 = arith.select %and3A_90, %sub3A_93, %div3A_66 : vector<16xi1>, vector<16xi32>
    %add3A_95 = arith.constant 32 : i32
    %add3A_96 = vector.broadcast %add3A_95 : i32 to vector<16xi32>
    %add3A_97 = arith.addi %add3A_96, %iota3A : vector<16xi32>
    %jit3A_98 = arith.constant 18 : i32
    %div3A_99 = vector.broadcast %jit3A_98 : i32 to vector<16xi32>
    %div3A_100 = arith.divsi %add3A_97, %div3A_99 : vector<16xi32>
    %sign3A_101 = arith.constant 0 : i32
    %sign3A_102 = vector.broadcast %sign3A_101 : i32 to vector<16xi32>
    %sign3A_103 = arith.cmpi sgt, %add3A_97, %sign3A_102 : vector<16xi32>
    %sign3A_104 = arith.extui %sign3A_103 : vector<16xi1> to vector<16xi32>
    %sign3A_105 = arith.constant 0 : i32
    %sign3A_106 = vector.broadcast %sign3A_105 : i32 to vector<16xi32>
    %sign3A_107 = arith.cmpi slt, %add3A_97, %sign3A_106 : vector<16xi32>
    %sign3A_108 = arith.extui %sign3A_107 : vector<16xi1> to vector<16xi32>
    %sign3A_109 = arith.subi %sign3A_104, %sign3A_108 : vector<16xi32>
    %sign3A_110 = arith.constant 0 : i32
    %sign3A_111 = arith.cmpi sgt, %jit3A_98, %sign3A_110 : i32
    %sign3A_112 = arith.extui %sign3A_111 : i1 to i32
    %sign3A_113 = arith.constant 0 : i32
    %sign3A_114 = arith.cmpi slt, %jit3A_98, %sign3A_113 : i32
    %sign3A_115 = arith.extui %sign3A_114 : i1 to i32
    %sign3A_116 = arith.subi %sign3A_112, %sign3A_115 : i32
    %ne3A_117 = vector.broadcast %sign3A_116 : i32 to vector<16xi32>
    %ne3A_118 = arith.cmpi ne, %sign3A_109, %ne3A_117 : vector<16xi32>
    %rem3A_119 = vector.broadcast %jit3A_98 : i32 to vector<16xi32>
    %rem3A_120 = arith.remsi %add3A_97, %rem3A_119 : vector<16xi32>
    %ne3A_121 = arith.constant 0 : i32
    %ne3A_122 = vector.broadcast %ne3A_121 : i32 to vector<16xi32>
    %ne3A_123 = arith.cmpi ne, %rem3A_120, %ne3A_122 : vector<16xi32>
    %and3A_124 = arith.andi %ne3A_118, %ne3A_123 : vector<16xi1>
    %sub3A_125 = arith.constant 1 : i32
    %sub3A_126 = vector.broadcast %sub3A_125 : i32 to vector<16xi32>
    %sub3A_127 = arith.subi %div3A_100, %sub3A_126 : vector<16xi32>
    %select_n3A_128 = arith.select %and3A_124, %sub3A_127, %div3A_100 : vector<16xi1>, vector<16xi32>
    %add3A_129 = arith.constant 48 : i32
    %add3A_130 = vector.broadcast %add3A_129 : i32 to vector<16xi32>
    %add3A_131 = arith.addi %add3A_130, %iota3A : vector<16xi32>
    %jit3A_132 = arith.constant 18 : i32
    %div3A_133 = vector.broadcast %jit3A_132 : i32 to vector<16xi32>
    %div3A_134 = arith.divsi %add3A_131, %div3A_133 : vector<16xi32>
    %sign3A_135 = arith.constant 0 : i32
    %sign3A_136 = vector.broadcast %sign3A_135 : i32 to vector<16xi32>
    %sign3A_137 = arith.cmpi sgt, %add3A_131, %sign3A_136 : vector<16xi32>
    %sign3A_138 = arith.extui %sign3A_137 : vector<16xi1> to vector<16xi32>
    %sign3A_139 = arith.constant 0 : i32
    %sign3A_140 = vector.broadcast %sign3A_139 : i32 to vector<16xi32>
    %sign3A_141 = arith.cmpi slt, %add3A_131, %sign3A_140 : vector<16xi32>
    %sign3A_142 = arith.extui %sign3A_141 : vector<16xi1> to vector<16xi32>
    %sign3A_143 = arith.subi %sign3A_138, %sign3A_142 : vector<16xi32>
    %sign3A_144 = arith.constant 0 : i32
    %sign3A_145 = arith.cmpi sgt, %jit3A_132, %sign3A_144 : i32
    %sign3A_146 = arith.extui %sign3A_145 : i1 to i32
    %sign3A_147 = arith.constant 0 : i32
    %sign3A_148 = arith.cmpi slt, %jit3A_132, %sign3A_147 : i32
    %sign3A_149 = arith.extui %sign3A_148 : i1 to i32
    %sign3A_150 = arith.subi %sign3A_146, %sign3A_149 : i32
    %ne3A_151 = vector.broadcast %sign3A_150 : i32 to vector<16xi32>
    %ne3A_152 = arith.cmpi ne, %sign3A_143, %ne3A_151 : vector<16xi32>
    %rem3A_153 = vector.broadcast %jit3A_132 : i32 to vector<16xi32>
    %rem3A_154 = arith.remsi %add3A_131, %rem3A_153 : vector<16xi32>
    %ne3A_155 = arith.constant 0 : i32
    %ne3A_156 = vector.broadcast %ne3A_155 : i32 to vector<16xi32>
    %ne3A_157 = arith.cmpi ne, %rem3A_154, %ne3A_156 : vector<16xi32>
    %and3A_158 = arith.andi %ne3A_152, %ne3A_157 : vector<16xi1>
    %sub3A_159 = arith.constant 1 : i32
    %sub3A_160 = vector.broadcast %sub3A_159 : i32 to vector<16xi32>
    %sub3A_161 = arith.subi %div3A_134, %sub3A_160 : vector<16xi32>
    %select_n3A_162 = arith.select %and3A_158, %sub3A_161, %div3A_134 : vector<16xi1>, vector<16xi32>
    %add3A_163 = arith.constant 64 : i32
    %add3A_164 = vector.broadcast %add3A_163 : i32 to vector<16xi32>
    %add3A_165 = arith.addi %add3A_164, %iota3A : vector<16xi32>
    %jit3A_166 = arith.constant 18 : i32
    %div3A_167 = vector.broadcast %jit3A_166 : i32 to vector<16xi32>
    %div3A_168 = arith.divsi %add3A_165, %div3A_167 : vector<16xi32>
    %sign3A_169 = arith.constant 0 : i32
    %sign3A_170 = vector.broadcast %sign3A_169 : i32 to vector<16xi32>
    %sign3A_171 = arith.cmpi sgt, %add3A_165, %sign3A_170 : vector<16xi32>
    %sign3A_172 = arith.extui %sign3A_171 : vector<16xi1> to vector<16xi32>
    %sign3A_173 = arith.constant 0 : i32
    %sign3A_174 = vector.broadcast %sign3A_173 : i32 to vector<16xi32>
    %sign3A_175 = arith.cmpi slt, %add3A_165, %sign3A_174 : vector<16xi32>
    %sign3A_176 = arith.extui %sign3A_175 : vector<16xi1> to vector<16xi32>
    %sign3A_177 = arith.subi %sign3A_172, %sign3A_176 : vector<16xi32>
    %sign3A_178 = arith.constant 0 : i32
    %sign3A_179 = arith.cmpi sgt, %jit3A_166, %sign3A_178 : i32
    %sign3A_180 = arith.extui %sign3A_179 : i1 to i32
    %sign3A_181 = arith.constant 0 : i32
    %sign3A_182 = arith.cmpi slt, %jit3A_166, %sign3A_181 : i32
    %sign3A_183 = arith.extui %sign3A_182 : i1 to i32
    %sign3A_184 = arith.subi %sign3A_180, %sign3A_183 : i32
    %ne3A_185 = vector.broadcast %sign3A_184 : i32 to vector<16xi32>
    %ne3A_186 = arith.cmpi ne, %sign3A_177, %ne3A_185 : vector<16xi32>
    %rem3A_187 = vector.broadcast %jit3A_166 : i32 to vector<16xi32>
    %rem3A_188 = arith.remsi %add3A_165, %rem3A_187 : vector<16xi32>
    %ne3A_189 = arith.constant 0 : i32
    %ne3A_190 = vector.broadcast %ne3A_189 : i32 to vector<16xi32>
    %ne3A_191 = arith.cmpi ne, %rem3A_188, %ne3A_190 : vector<16xi32>
    %and3A_192 = arith.andi %ne3A_186, %ne3A_191 : vector<16xi1>
    %sub3A_193 = arith.constant 1 : i32
    %sub3A_194 = vector.broadcast %sub3A_193 : i32 to vector<16xi32>
    %sub3A_195 = arith.subi %div3A_168, %sub3A_194 : vector<16xi32>
    %select_n3A_196 = arith.select %and3A_192, %sub3A_195, %div3A_168 : vector<16xi1>, vector<16xi32>
    %add3A_197 = arith.constant 80 : i32
    %add3A_198 = vector.broadcast %add3A_197 : i32 to vector<16xi32>
    %add3A_199 = arith.addi %add3A_198, %iota3A : vector<16xi32>
    %jit3A_200 = arith.constant 18 : i32
    %div3A_201 = vector.broadcast %jit3A_200 : i32 to vector<16xi32>
    %div3A_202 = arith.divsi %add3A_199, %div3A_201 : vector<16xi32>
    %sign3A_203 = arith.constant 0 : i32
    %sign3A_204 = vector.broadcast %sign3A_203 : i32 to vector<16xi32>
    %sign3A_205 = arith.cmpi sgt, %add3A_199, %sign3A_204 : vector<16xi32>
    %sign3A_206 = arith.extui %sign3A_205 : vector<16xi1> to vector<16xi32>
    %sign3A_207 = arith.constant 0 : i32
    %sign3A_208 = vector.broadcast %sign3A_207 : i32 to vector<16xi32>
    %sign3A_209 = arith.cmpi slt, %add3A_199, %sign3A_208 : vector<16xi32>
    %sign3A_210 = arith.extui %sign3A_209 : vector<16xi1> to vector<16xi32>
    %sign3A_211 = arith.subi %sign3A_206, %sign3A_210 : vector<16xi32>
    %sign3A_212 = arith.constant 0 : i32
    %sign3A_213 = arith.cmpi sgt, %jit3A_200, %sign3A_212 : i32
    %sign3A_214 = arith.extui %sign3A_213 : i1 to i32
    %sign3A_215 = arith.constant 0 : i32
    %sign3A_216 = arith.cmpi slt, %jit3A_200, %sign3A_215 : i32
    %sign3A_217 = arith.extui %sign3A_216 : i1 to i32
    %sign3A_218 = arith.subi %sign3A_214, %sign3A_217 : i32
    %ne3A_219 = vector.broadcast %sign3A_218 : i32 to vector<16xi32>
    %ne3A_220 = arith.cmpi ne, %sign3A_211, %ne3A_219 : vector<16xi32>
    %rem3A_221 = vector.broadcast %jit3A_200 : i32 to vector<16xi32>
    %rem3A_222 = arith.remsi %add3A_199, %rem3A_221 : vector<16xi32>
    %ne3A_223 = arith.constant 0 : i32
    %ne3A_224 = vector.broadcast %ne3A_223 : i32 to vector<16xi32>
    %ne3A_225 = arith.cmpi ne, %rem3A_222, %ne3A_224 : vector<16xi32>
    %and3A_226 = arith.andi %ne3A_220, %ne3A_225 : vector<16xi1>
    %sub3A_227 = arith.constant 1 : i32
    %sub3A_228 = vector.broadcast %sub3A_227 : i32 to vector<16xi32>
    %sub3A_229 = arith.subi %div3A_202, %sub3A_228 : vector<16xi32>
    %select_n3A_230 = arith.select %and3A_226, %sub3A_229, %div3A_202 : vector<16xi1>, vector<16xi32>
    %add3A_231 = arith.constant 96 : i32
    %add3A_232 = vector.broadcast %add3A_231 : i32 to vector<16xi32>
    %add3A_233 = arith.addi %add3A_232, %iota3A : vector<16xi32>
    %jit3A_234 = arith.constant 18 : i32
    %div3A_235 = vector.broadcast %jit3A_234 : i32 to vector<16xi32>
    %div3A_236 = arith.divsi %add3A_233, %div3A_235 : vector<16xi32>
    %sign3A_237 = arith.constant 0 : i32
    %sign3A_238 = vector.broadcast %sign3A_237 : i32 to vector<16xi32>
    %sign3A_239 = arith.cmpi sgt, %add3A_233, %sign3A_238 : vector<16xi32>
    %sign3A_240 = arith.extui %sign3A_239 : vector<16xi1> to vector<16xi32>
    %sign3A_241 = arith.constant 0 : i32
    %sign3A_242 = vector.broadcast %sign3A_241 : i32 to vector<16xi32>
    %sign3A_243 = arith.cmpi slt, %add3A_233, %sign3A_242 : vector<16xi32>
    %sign3A_244 = arith.extui %sign3A_243 : vector<16xi1> to vector<16xi32>
    %sign3A_245 = arith.subi %sign3A_240, %sign3A_244 : vector<16xi32>
    %sign3A_246 = arith.constant 0 : i32
    %sign3A_247 = arith.cmpi sgt, %jit3A_234, %sign3A_246 : i32
    %sign3A_248 = arith.extui %sign3A_247 : i1 to i32
    %sign3A_249 = arith.constant 0 : i32
    %sign3A_250 = arith.cmpi slt, %jit3A_234, %sign3A_249 : i32
    %sign3A_251 = arith.extui %sign3A_250 : i1 to i32
    %sign3A_252 = arith.subi %sign3A_248, %sign3A_251 : i32
    %ne3A_253 = vector.broadcast %sign3A_252 : i32 to vector<16xi32>
    %ne3A_254 = arith.cmpi ne, %sign3A_245, %ne3A_253 : vector<16xi32>
    %rem3A_255 = vector.broadcast %jit3A_234 : i32 to vector<16xi32>
    %rem3A_256 = arith.remsi %add3A_233, %rem3A_255 : vector<16xi32>
    %ne3A_257 = arith.constant 0 : i32
    %ne3A_258 = vector.broadcast %ne3A_257 : i32 to vector<16xi32>
    %ne3A_259 = arith.cmpi ne, %rem3A_256, %ne3A_258 : vector<16xi32>
    %and3A_260 = arith.andi %ne3A_254, %ne3A_259 : vector<16xi1>
    %sub3A_261 = arith.constant 1 : i32
    %sub3A_262 = vector.broadcast %sub3A_261 : i32 to vector<16xi32>
    %sub3A_263 = arith.subi %div3A_236, %sub3A_262 : vector<16xi32>
    %select_n3A_264 = arith.select %and3A_260, %sub3A_263, %div3A_236 : vector<16xi1>, vector<16xi32>
    %add3A_265 = arith.constant 112 : i32
    %add3A_266 = vector.broadcast %add3A_265 : i32 to vector<16xi32>
    %add3A_267 = arith.addi %add3A_266, %iota3A : vector<16xi32>
    %jit3A_268 = arith.constant 18 : i32
    %div3A_269 = vector.broadcast %jit3A_268 : i32 to vector<16xi32>
    %div3A_270 = arith.divsi %add3A_267, %div3A_269 : vector<16xi32>
    %sign3A_271 = arith.constant 0 : i32
    %sign3A_272 = vector.broadcast %sign3A_271 : i32 to vector<16xi32>
    %sign3A_273 = arith.cmpi sgt, %add3A_267, %sign3A_272 : vector<16xi32>
    %sign3A_274 = arith.extui %sign3A_273 : vector<16xi1> to vector<16xi32>
    %sign3A_275 = arith.constant 0 : i32
    %sign3A_276 = vector.broadcast %sign3A_275 : i32 to vector<16xi32>
    %sign3A_277 = arith.cmpi slt, %add3A_267, %sign3A_276 : vector<16xi32>
    %sign3A_278 = arith.extui %sign3A_277 : vector<16xi1> to vector<16xi32>
    %sign3A_279 = arith.subi %sign3A_274, %sign3A_278 : vector<16xi32>
    %sign3A_280 = arith.constant 0 : i32
    %sign3A_281 = arith.cmpi sgt, %jit3A_268, %sign3A_280 : i32
    %sign3A_282 = arith.extui %sign3A_281 : i1 to i32
    %sign3A_283 = arith.constant 0 : i32
    %sign3A_284 = arith.cmpi slt, %jit3A_268, %sign3A_283 : i32
    %sign3A_285 = arith.extui %sign3A_284 : i1 to i32
    %sign3A_286 = arith.subi %sign3A_282, %sign3A_285 : i32
    %ne3A_287 = vector.broadcast %sign3A_286 : i32 to vector<16xi32>
    %ne3A_288 = arith.cmpi ne, %sign3A_279, %ne3A_287 : vector<16xi32>
    %rem3A_289 = vector.broadcast %jit3A_268 : i32 to vector<16xi32>
    %rem3A_290 = arith.remsi %add3A_267, %rem3A_289 : vector<16xi32>
    %ne3A_291 = arith.constant 0 : i32
    %ne3A_292 = vector.broadcast %ne3A_291 : i32 to vector<16xi32>
    %ne3A_293 = arith.cmpi ne, %rem3A_290, %ne3A_292 : vector<16xi32>
    %and3A_294 = arith.andi %ne3A_288, %ne3A_293 : vector<16xi1>
    %sub3A_295 = arith.constant 1 : i32
    %sub3A_296 = vector.broadcast %sub3A_295 : i32 to vector<16xi32>
    %sub3A_297 = arith.subi %div3A_270, %sub3A_296 : vector<16xi32>
    %select_n3A_298 = arith.select %and3A_294, %sub3A_297, %div3A_270 : vector<16xi1>, vector<16xi32>
    %add3A_299 = arith.constant 128 : i32
    %add3A_300 = vector.broadcast %add3A_299 : i32 to vector<16xi32>
    %add3A_301 = arith.addi %add3A_300, %iota3A : vector<16xi32>
    %jit3A_302 = arith.constant 18 : i32
    %div3A_303 = vector.broadcast %jit3A_302 : i32 to vector<16xi32>
    %div3A_304 = arith.divsi %add3A_301, %div3A_303 : vector<16xi32>
    %sign3A_305 = arith.constant 0 : i32
    %sign3A_306 = vector.broadcast %sign3A_305 : i32 to vector<16xi32>
    %sign3A_307 = arith.cmpi sgt, %add3A_301, %sign3A_306 : vector<16xi32>
    %sign3A_308 = arith.extui %sign3A_307 : vector<16xi1> to vector<16xi32>
    %sign3A_309 = arith.constant 0 : i32
    %sign3A_310 = vector.broadcast %sign3A_309 : i32 to vector<16xi32>
    %sign3A_311 = arith.cmpi slt, %add3A_301, %sign3A_310 : vector<16xi32>
    %sign3A_312 = arith.extui %sign3A_311 : vector<16xi1> to vector<16xi32>
    %sign3A_313 = arith.subi %sign3A_308, %sign3A_312 : vector<16xi32>
    %sign3A_314 = arith.constant 0 : i32
    %sign3A_315 = arith.cmpi sgt, %jit3A_302, %sign3A_314 : i32
    %sign3A_316 = arith.extui %sign3A_315 : i1 to i32
    %sign3A_317 = arith.constant 0 : i32
    %sign3A_318 = arith.cmpi slt, %jit3A_302, %sign3A_317 : i32
    %sign3A_319 = arith.extui %sign3A_318 : i1 to i32
    %sign3A_320 = arith.subi %sign3A_316, %sign3A_319 : i32
    %ne3A_321 = vector.broadcast %sign3A_320 : i32 to vector<16xi32>
    %ne3A_322 = arith.cmpi ne, %sign3A_313, %ne3A_321 : vector<16xi32>
    %rem3A_323 = vector.broadcast %jit3A_302 : i32 to vector<16xi32>
    %rem3A_324 = arith.remsi %add3A_301, %rem3A_323 : vector<16xi32>
    %ne3A_325 = arith.constant 0 : i32
    %ne3A_326 = vector.broadcast %ne3A_325 : i32 to vector<16xi32>
    %ne3A_327 = arith.cmpi ne, %rem3A_324, %ne3A_326 : vector<16xi32>
    %and3A_328 = arith.andi %ne3A_322, %ne3A_327 : vector<16xi1>
    %sub3A_329 = arith.constant 1 : i32
    %sub3A_330 = vector.broadcast %sub3A_329 : i32 to vector<16xi32>
    %sub3A_331 = arith.subi %div3A_304, %sub3A_330 : vector<16xi32>
    %select_n3A_332 = arith.select %and3A_328, %sub3A_331, %div3A_304 : vector<16xi1>, vector<16xi32>
    %add3A_333 = arith.constant 0 : i32
    %add3A_334 = vector.broadcast %add3A_333 : i32 to vector<16xi32>
    %add3A_335 = arith.addi %add3A_334, %iota3A : vector<16xi32>
    %jit3A_336 = arith.constant 18 : i32
    %eq3A = arith.constant 0 : i32
    %eq3A_337 = arith.cmpi eq, %jit3A_336, %eq3A : i32
    %jit3A_338 = arith.constant 1 : i32
    %select_n3A_339 = arith.select %eq3A_337, %jit3A_338, %jit3A_336 : i32
    %rem3A_340 = vector.broadcast %select_n3A_339 : i32 to vector<16xi32>
    %rem3A_341 = arith.remsi %add3A_335, %rem3A_340 : vector<16xi32>
    %ne3A_342 = arith.constant 0 : i32
    %ne3A_343 = vector.broadcast %ne3A_342 : i32 to vector<16xi32>
    %ne3A_344 = arith.cmpi ne, %rem3A_341, %ne3A_343 : vector<16xi32>
    %lt3A = arith.constant 0 : i32
    %lt3A_345 = vector.broadcast %lt3A : i32 to vector<16xi32>
    %lt3A_346 = arith.cmpi slt, %rem3A_341, %lt3A_345 : vector<16xi32>
    %lt3A_347 = arith.constant 0 : i32
    %lt3A_348 = arith.cmpi slt, %select_n3A_339, %lt3A_347 : i32
    %ne3A_349 = vector.broadcast %lt3A_348 : i1 to vector<16xi1>
    %ne3A_350 = vector.broadcast %ne3A_349 : vector<16xi1> to vector<16xi1>
    %ne3A_351 = arith.xori %lt3A_346, %ne3A_350 : vector<16xi1>
    %and3A_352 = arith.andi %ne3A_351, %ne3A_344 : vector<16xi1>
    %add3A_353 = vector.broadcast %select_n3A_339 : i32 to vector<16xi32>
    %add3A_354 = arith.addi %rem3A_341, %add3A_353 : vector<16xi32>
    %select_n3A_355 = arith.select %and3A_352, %add3A_354, %rem3A_341 : vector<16xi1>, vector<16xi32>
    %add3A_356 = arith.constant 16 : i32
    %add3A_357 = vector.broadcast %add3A_356 : i32 to vector<16xi32>
    %add3A_358 = arith.addi %add3A_357, %iota3A : vector<16xi32>
    %jit3A_359 = arith.constant 18 : i32
    %eq3A_360 = arith.constant 0 : i32
    %eq3A_361 = arith.cmpi eq, %jit3A_359, %eq3A_360 : i32
    %jit3A_362 = arith.constant 1 : i32
    %select_n3A_363 = arith.select %eq3A_361, %jit3A_362, %jit3A_359 : i32
    %rem3A_364 = vector.broadcast %select_n3A_363 : i32 to vector<16xi32>
    %rem3A_365 = arith.remsi %add3A_358, %rem3A_364 : vector<16xi32>
    %ne3A_366 = arith.constant 0 : i32
    %ne3A_367 = vector.broadcast %ne3A_366 : i32 to vector<16xi32>
    %ne3A_368 = arith.cmpi ne, %rem3A_365, %ne3A_367 : vector<16xi32>
    %lt3A_369 = arith.constant 0 : i32
    %lt3A_370 = vector.broadcast %lt3A_369 : i32 to vector<16xi32>
    %lt3A_371 = arith.cmpi slt, %rem3A_365, %lt3A_370 : vector<16xi32>
    %lt3A_372 = arith.constant 0 : i32
    %lt3A_373 = arith.cmpi slt, %select_n3A_363, %lt3A_372 : i32
    %ne3A_374 = vector.broadcast %lt3A_373 : i1 to vector<16xi1>
    %ne3A_375 = vector.broadcast %ne3A_374 : vector<16xi1> to vector<16xi1>
    %ne3A_376 = arith.xori %lt3A_371, %ne3A_375 : vector<16xi1>
    %and3A_377 = arith.andi %ne3A_376, %ne3A_368 : vector<16xi1>
    %add3A_378 = vector.broadcast %select_n3A_363 : i32 to vector<16xi32>
    %add3A_379 = arith.addi %rem3A_365, %add3A_378 : vector<16xi32>
    %select_n3A_380 = arith.select %and3A_377, %add3A_379, %rem3A_365 : vector<16xi1>, vector<16xi32>
    %add3A_381 = arith.constant 32 : i32
    %add3A_382 = vector.broadcast %add3A_381 : i32 to vector<16xi32>
    %add3A_383 = arith.addi %add3A_382, %iota3A : vector<16xi32>
    %jit3A_384 = arith.constant 18 : i32
    %eq3A_385 = arith.constant 0 : i32
    %eq3A_386 = arith.cmpi eq, %jit3A_384, %eq3A_385 : i32
    %jit3A_387 = arith.constant 1 : i32
    %select_n3A_388 = arith.select %eq3A_386, %jit3A_387, %jit3A_384 : i32
    %rem3A_389 = vector.broadcast %select_n3A_388 : i32 to vector<16xi32>
    %rem3A_390 = arith.remsi %add3A_383, %rem3A_389 : vector<16xi32>
    %ne3A_391 = arith.constant 0 : i32
    %ne3A_392 = vector.broadcast %ne3A_391 : i32 to vector<16xi32>
    %ne3A_393 = arith.cmpi ne, %rem3A_390, %ne3A_392 : vector<16xi32>
    %lt3A_394 = arith.constant 0 : i32
    %lt3A_395 = vector.broadcast %lt3A_394 : i32 to vector<16xi32>
    %lt3A_396 = arith.cmpi slt, %rem3A_390, %lt3A_395 : vector<16xi32>
    %lt3A_397 = arith.constant 0 : i32
    %lt3A_398 = arith.cmpi slt, %select_n3A_388, %lt3A_397 : i32
    %ne3A_399 = vector.broadcast %lt3A_398 : i1 to vector<16xi1>
    %ne3A_400 = vector.broadcast %ne3A_399 : vector<16xi1> to vector<16xi1>
    %ne3A_401 = arith.xori %lt3A_396, %ne3A_400 : vector<16xi1>
    %and3A_402 = arith.andi %ne3A_401, %ne3A_393 : vector<16xi1>
    %add3A_403 = vector.broadcast %select_n3A_388 : i32 to vector<16xi32>
    %add3A_404 = arith.addi %rem3A_390, %add3A_403 : vector<16xi32>
    %select_n3A_405 = arith.select %and3A_402, %add3A_404, %rem3A_390 : vector<16xi1>, vector<16xi32>
    %add3A_406 = arith.constant 48 : i32
    %add3A_407 = vector.broadcast %add3A_406 : i32 to vector<16xi32>
    %add3A_408 = arith.addi %add3A_407, %iota3A : vector<16xi32>
    %jit3A_409 = arith.constant 18 : i32
    %eq3A_410 = arith.constant 0 : i32
    %eq3A_411 = arith.cmpi eq, %jit3A_409, %eq3A_410 : i32
    %jit3A_412 = arith.constant 1 : i32
    %select_n3A_413 = arith.select %eq3A_411, %jit3A_412, %jit3A_409 : i32
    %rem3A_414 = vector.broadcast %select_n3A_413 : i32 to vector<16xi32>
    %rem3A_415 = arith.remsi %add3A_408, %rem3A_414 : vector<16xi32>
    %ne3A_416 = arith.constant 0 : i32
    %ne3A_417 = vector.broadcast %ne3A_416 : i32 to vector<16xi32>
    %ne3A_418 = arith.cmpi ne, %rem3A_415, %ne3A_417 : vector<16xi32>
    %lt3A_419 = arith.constant 0 : i32
    %lt3A_420 = vector.broadcast %lt3A_419 : i32 to vector<16xi32>
    %lt3A_421 = arith.cmpi slt, %rem3A_415, %lt3A_420 : vector<16xi32>
    %lt3A_422 = arith.constant 0 : i32
    %lt3A_423 = arith.cmpi slt, %select_n3A_413, %lt3A_422 : i32
    %ne3A_424 = vector.broadcast %lt3A_423 : i1 to vector<16xi1>
    %ne3A_425 = vector.broadcast %ne3A_424 : vector<16xi1> to vector<16xi1>
    %ne3A_426 = arith.xori %lt3A_421, %ne3A_425 : vector<16xi1>
    %and3A_427 = arith.andi %ne3A_426, %ne3A_418 : vector<16xi1>
    %add3A_428 = vector.broadcast %select_n3A_413 : i32 to vector<16xi32>
    %add3A_429 = arith.addi %rem3A_415, %add3A_428 : vector<16xi32>
    %select_n3A_430 = arith.select %and3A_427, %add3A_429, %rem3A_415 : vector<16xi1>, vector<16xi32>
    %add3A_431 = arith.constant 64 : i32
    %add3A_432 = vector.broadcast %add3A_431 : i32 to vector<16xi32>
    %add3A_433 = arith.addi %add3A_432, %iota3A : vector<16xi32>
    %jit3A_434 = arith.constant 18 : i32
    %eq3A_435 = arith.constant 0 : i32
    %eq3A_436 = arith.cmpi eq, %jit3A_434, %eq3A_435 : i32
    %jit3A_437 = arith.constant 1 : i32
    %select_n3A_438 = arith.select %eq3A_436, %jit3A_437, %jit3A_434 : i32
    %rem3A_439 = vector.broadcast %select_n3A_438 : i32 to vector<16xi32>
    %rem3A_440 = arith.remsi %add3A_433, %rem3A_439 : vector<16xi32>
    %ne3A_441 = arith.constant 0 : i32
    %ne3A_442 = vector.broadcast %ne3A_441 : i32 to vector<16xi32>
    %ne3A_443 = arith.cmpi ne, %rem3A_440, %ne3A_442 : vector<16xi32>
    %lt3A_444 = arith.constant 0 : i32
    %lt3A_445 = vector.broadcast %lt3A_444 : i32 to vector<16xi32>
    %lt3A_446 = arith.cmpi slt, %rem3A_440, %lt3A_445 : vector<16xi32>
    %lt3A_447 = arith.constant 0 : i32
    %lt3A_448 = arith.cmpi slt, %select_n3A_438, %lt3A_447 : i32
    %ne3A_449 = vector.broadcast %lt3A_448 : i1 to vector<16xi1>
    %ne3A_450 = vector.broadcast %ne3A_449 : vector<16xi1> to vector<16xi1>
    %ne3A_451 = arith.xori %lt3A_446, %ne3A_450 : vector<16xi1>
    %and3A_452 = arith.andi %ne3A_451, %ne3A_443 : vector<16xi1>
    %add3A_453 = vector.broadcast %select_n3A_438 : i32 to vector<16xi32>
    %add3A_454 = arith.addi %rem3A_440, %add3A_453 : vector<16xi32>
    %select_n3A_455 = arith.select %and3A_452, %add3A_454, %rem3A_440 : vector<16xi1>, vector<16xi32>
    %add3A_456 = arith.constant 80 : i32
    %add3A_457 = vector.broadcast %add3A_456 : i32 to vector<16xi32>
    %add3A_458 = arith.addi %add3A_457, %iota3A : vector<16xi32>
    %jit3A_459 = arith.constant 18 : i32
    %eq3A_460 = arith.constant 0 : i32
    %eq3A_461 = arith.cmpi eq, %jit3A_459, %eq3A_460 : i32
    %jit3A_462 = arith.constant 1 : i32
    %select_n3A_463 = arith.select %eq3A_461, %jit3A_462, %jit3A_459 : i32
    %rem3A_464 = vector.broadcast %select_n3A_463 : i32 to vector<16xi32>
    %rem3A_465 = arith.remsi %add3A_458, %rem3A_464 : vector<16xi32>
    %ne3A_466 = arith.constant 0 : i32
    %ne3A_467 = vector.broadcast %ne3A_466 : i32 to vector<16xi32>
    %ne3A_468 = arith.cmpi ne, %rem3A_465, %ne3A_467 : vector<16xi32>
    %lt3A_469 = arith.constant 0 : i32
    %lt3A_470 = vector.broadcast %lt3A_469 : i32 to vector<16xi32>
    %lt3A_471 = arith.cmpi slt, %rem3A_465, %lt3A_470 : vector<16xi32>
    %lt3A_472 = arith.constant 0 : i32
    %lt3A_473 = arith.cmpi slt, %select_n3A_463, %lt3A_472 : i32
    %ne3A_474 = vector.broadcast %lt3A_473 : i1 to vector<16xi1>
    %ne3A_475 = vector.broadcast %ne3A_474 : vector<16xi1> to vector<16xi1>
    %ne3A_476 = arith.xori %lt3A_471, %ne3A_475 : vector<16xi1>
    %and3A_477 = arith.andi %ne3A_476, %ne3A_468 : vector<16xi1>
    %add3A_478 = vector.broadcast %select_n3A_463 : i32 to vector<16xi32>
    %add3A_479 = arith.addi %rem3A_465, %add3A_478 : vector<16xi32>
    %select_n3A_480 = arith.select %and3A_477, %add3A_479, %rem3A_465 : vector<16xi1>, vector<16xi32>
    %add3A_481 = arith.constant 96 : i32
    %add3A_482 = vector.broadcast %add3A_481 : i32 to vector<16xi32>
    %add3A_483 = arith.addi %add3A_482, %iota3A : vector<16xi32>
    %jit3A_484 = arith.constant 18 : i32
    %eq3A_485 = arith.constant 0 : i32
    %eq3A_486 = arith.cmpi eq, %jit3A_484, %eq3A_485 : i32
    %jit3A_487 = arith.constant 1 : i32
    %select_n3A_488 = arith.select %eq3A_486, %jit3A_487, %jit3A_484 : i32
    %rem3A_489 = vector.broadcast %select_n3A_488 : i32 to vector<16xi32>
    %rem3A_490 = arith.remsi %add3A_483, %rem3A_489 : vector<16xi32>
    %ne3A_491 = arith.constant 0 : i32
    %ne3A_492 = vector.broadcast %ne3A_491 : i32 to vector<16xi32>
    %ne3A_493 = arith.cmpi ne, %rem3A_490, %ne3A_492 : vector<16xi32>
    %lt3A_494 = arith.constant 0 : i32
    %lt3A_495 = vector.broadcast %lt3A_494 : i32 to vector<16xi32>
    %lt3A_496 = arith.cmpi slt, %rem3A_490, %lt3A_495 : vector<16xi32>
    %lt3A_497 = arith.constant 0 : i32
    %lt3A_498 = arith.cmpi slt, %select_n3A_488, %lt3A_497 : i32
    %ne3A_499 = vector.broadcast %lt3A_498 : i1 to vector<16xi1>
    %ne3A_500 = vector.broadcast %ne3A_499 : vector<16xi1> to vector<16xi1>
    %ne3A_501 = arith.xori %lt3A_496, %ne3A_500 : vector<16xi1>
    %and3A_502 = arith.andi %ne3A_501, %ne3A_493 : vector<16xi1>
    %add3A_503 = vector.broadcast %select_n3A_488 : i32 to vector<16xi32>
    %add3A_504 = arith.addi %rem3A_490, %add3A_503 : vector<16xi32>
    %select_n3A_505 = arith.select %and3A_502, %add3A_504, %rem3A_490 : vector<16xi1>, vector<16xi32>
    %add3A_506 = arith.constant 112 : i32
    %add3A_507 = vector.broadcast %add3A_506 : i32 to vector<16xi32>
    %add3A_508 = arith.addi %add3A_507, %iota3A : vector<16xi32>
    %jit3A_509 = arith.constant 18 : i32
    %eq3A_510 = arith.constant 0 : i32
    %eq3A_511 = arith.cmpi eq, %jit3A_509, %eq3A_510 : i32
    %jit3A_512 = arith.constant 1 : i32
    %select_n3A_513 = arith.select %eq3A_511, %jit3A_512, %jit3A_509 : i32
    %rem3A_514 = vector.broadcast %select_n3A_513 : i32 to vector<16xi32>
    %rem3A_515 = arith.remsi %add3A_508, %rem3A_514 : vector<16xi32>
    %ne3A_516 = arith.constant 0 : i32
    %ne3A_517 = vector.broadcast %ne3A_516 : i32 to vector<16xi32>
    %ne3A_518 = arith.cmpi ne, %rem3A_515, %ne3A_517 : vector<16xi32>
    %lt3A_519 = arith.constant 0 : i32
    %lt3A_520 = vector.broadcast %lt3A_519 : i32 to vector<16xi32>
    %lt3A_521 = arith.cmpi slt, %rem3A_515, %lt3A_520 : vector<16xi32>
    %lt3A_522 = arith.constant 0 : i32
    %lt3A_523 = arith.cmpi slt, %select_n3A_513, %lt3A_522 : i32
    %ne3A_524 = vector.broadcast %lt3A_523 : i1 to vector<16xi1>
    %ne3A_525 = vector.broadcast %ne3A_524 : vector<16xi1> to vector<16xi1>
    %ne3A_526 = arith.xori %lt3A_521, %ne3A_525 : vector<16xi1>
    %and3A_527 = arith.andi %ne3A_526, %ne3A_518 : vector<16xi1>
    %add3A_528 = vector.broadcast %select_n3A_513 : i32 to vector<16xi32>
    %add3A_529 = arith.addi %rem3A_515, %add3A_528 : vector<16xi32>
    %select_n3A_530 = arith.select %and3A_527, %add3A_529, %rem3A_515 : vector<16xi1>, vector<16xi32>
    %add3A_531 = arith.constant 128 : i32
    %add3A_532 = vector.broadcast %add3A_531 : i32 to vector<16xi32>
    %add3A_533 = arith.addi %add3A_532, %iota3A : vector<16xi32>
    %jit3A_534 = arith.constant 18 : i32
    %eq3A_535 = arith.constant 0 : i32
    %eq3A_536 = arith.cmpi eq, %jit3A_534, %eq3A_535 : i32
    %jit3A_537 = arith.constant 1 : i32
    %select_n3A_538 = arith.select %eq3A_536, %jit3A_537, %jit3A_534 : i32
    %rem3A_539 = vector.broadcast %select_n3A_538 : i32 to vector<16xi32>
    %rem3A_540 = arith.remsi %add3A_533, %rem3A_539 : vector<16xi32>
    %ne3A_541 = arith.constant 0 : i32
    %ne3A_542 = vector.broadcast %ne3A_541 : i32 to vector<16xi32>
    %ne3A_543 = arith.cmpi ne, %rem3A_540, %ne3A_542 : vector<16xi32>
    %lt3A_544 = arith.constant 0 : i32
    %lt3A_545 = vector.broadcast %lt3A_544 : i32 to vector<16xi32>
    %lt3A_546 = arith.cmpi slt, %rem3A_540, %lt3A_545 : vector<16xi32>
    %lt3A_547 = arith.constant 0 : i32
    %lt3A_548 = arith.cmpi slt, %select_n3A_538, %lt3A_547 : i32
    %ne3A_549 = vector.broadcast %lt3A_548 : i1 to vector<16xi1>
    %ne3A_550 = vector.broadcast %ne3A_549 : vector<16xi1> to vector<16xi1>
    %ne3A_551 = arith.xori %lt3A_546, %ne3A_550 : vector<16xi1>
    %and3A_552 = arith.andi %ne3A_551, %ne3A_543 : vector<16xi1>
    %add3A_553 = vector.broadcast %select_n3A_538 : i32 to vector<16xi32>
    %add3A_554 = arith.addi %rem3A_540, %add3A_553 : vector<16xi32>
    %select_n3A_555 = arith.select %and3A_552, %add3A_554, %rem3A_540 : vector<16xi1>, vector<16xi32>
    %while3A = arith.constant 0 : i32
    %while3A_556 = arith.constant 0 : i32
    %while3A_557 = arith.subi %select_n3A, %while3A_556 : i32
    %while3A_558 = arith.addi %while3A_556, %while3A_557 : i32
    %while3A_559 = arith.constant 1 : i32
    %while3A_560 = arith.divsi %while3A_557, %while3A_559 : i32
    %while3A_561 = arith.muli %while3A_560, %while3A_559 : i32
    %while3A_562 = arith.addi %while3A_556, %while3A_561 : i32
    %while3A_563 = arith.constant 1 : i32
    scf.for %while3A_565 = %while3A_556 to %while3A_562 step %while3A_563  : i32 {
      %mul3A_566 = arith.constant 48 : i32
      %mul3A_567 = arith.muli %while3A_565, %mul3A_566 : i32
      %add3A_568 = arith.addi %mul3A_2, %mul3A_567 : i32
      %min3A_569 = arith.constant 12452 : i32
      %min3A_570 = arith.minsi %add3A_568, %min3A_569 : i32
      %mul3A_571 = arith.constant 8 : i32
      %mul3A_572 = arith.muli %min3A_570, %mul3A_571 : i32
      "tpu.region"() ({
        %run_scoped3A = tpu.sem_alloc : memref<!tpu.dma_semaphore, #tpu.memory_space<semaphore_mem>>
        %dma_start3A = arith.constant 0 : i32
        %dma_start3A_580 = tpu.memref_slice %arg2[%mul3A_572, %dma_start3A] : memref<100000x18xf32, #tpu.memory_space<hbm>> -> memref<384x18xf32, #tpu.memory_space<hbm>>
        %dma_start3A_581 = arith.constant 0 : i32
        %dma_start3A_582 = tpu.memref_slice %arg2[%mul3A_572, %dma_start3A_581] : memref<100000x18xf32, #tpu.memory_space<hbm>> -> memref<384x18xf32, #tpu.memory_space<hbm>>
        tpu.enqueue_dma source(%dma_start3A_582 : memref<384x18xf32, #tpu.memory_space<hbm>>) target(%arg4 : memref<384x18xf32, #tpu.memory_space<vmem>>) target_semaphore(%run_scoped3A : memref<!tpu.dma_semaphore, #tpu.memory_space<semaphore_mem>>)
        %dma_wait3A = arith.constant 0 : i32
        %dma_wait3A_583 = tpu.memref_slice %arg2[%mul3A_572, %dma_wait3A] : memref<100000x18xf32, #tpu.memory_space<hbm>> -> memref<384x18xf32, #tpu.memory_space<hbm>>
        %dma_wait3A_584 = arith.constant 0 : i32
        %dma_wait3A_585 = tpu.memref_slice %arg2[%mul3A_572, %dma_wait3A_584] : memref<100000x18xf32, #tpu.memory_space<hbm>> -> memref<384x18xf32, #tpu.memory_space<hbm>>
        tpu.wait_dma2 semaphore(%run_scoped3A : memref<!tpu.dma_semaphore, #tpu.memory_space<semaphore_mem>>) src(%dma_wait3A_585 : memref<384x18xf32, #tpu.memory_space<hbm>>) dst(%arg4 : memref<384x18xf32, #tpu.memory_space<vmem>>)
        tpu.yield
      }) : () -> ()
      %scan3A = arith.constant 0 : i32
      %scan3A_573 = arith.constant 0 : i32
      %scan3A_574 = arith.constant 48 : i32
      %scan3A_575 = arith.addi %scan3A_573, %scan3A_574 : i32
      %scan3A_576 = arith.constant 1 : i32
      scf.for %scan3A_580 = %scan3A_573 to %scan3A_575 step %scan3A_576  : i32 {
        %mul3A_581 = arith.constant 8 : i32
        %mul3A_582 = arith.muli %scan3A_580, %mul3A_581 : i32
        %add3A_583 = vector.broadcast %mul3A_582 : i32 to vector<16xi32>
        %add3A_584 = arith.addi %add3A_583, %select_n3A_60 : vector<16xi32>
        %gather3A = tpu.vector_load_idx %arg4[%add3A_584, %select_n3A_355] : memref<384x18xf32, #tpu.memory_space<vmem>>[vector<16xi32>, vector<16xi32>], vector<16xf32>,
        %mul3A_585 = arith.constant 9 : i32
        %mul3A_586 = arith.muli %scan3A_580, %mul3A_585 : i32
        %add3A_587 = arith.constant 0 : i32
        %add3A_588 = arith.addi %mul3A_586, %add3A_587 : i32
        %broadcast_in_dim3A = vector.broadcast %add3A_588 : i32 to vector<16xi32>
        tpu.vector_store_idx %arg5[%broadcast_in_dim3A, %iota3A], %gather3A : memref<432x16xf32, #tpu.memory_space<vmem>>[vector<16xi32>, vector<16xi32>], vector<16xf32>,
        %mul3A_589 = arith.constant 8 : i32
        %mul3A_590 = arith.muli %scan3A_580, %mul3A_589 : i32
        %add3A_591 = vector.broadcast %mul3A_590 : i32 to vector<16xi32>
        %add3A_592 = arith.addi %add3A_591, %select_n3A_94 : vector<16xi32>
        %gather3A_593 = tpu.vector_load_idx %arg4[%add3A_592, %select_n3A_380] : memref<384x18xf32, #tpu.memory_space<vmem>>[vector<16xi32>, vector<16xi32>], vector<16xf32>,
        %mul3A_594 = arith.constant 9 : i32
        %mul3A_595 = arith.muli %scan3A_580, %mul3A_594 : i32
        %add3A_596 = arith.constant 1 : i32
        %add3A_597 = arith.addi %mul3A_595, %add3A_596 : i32
        %broadcast_in_dim3A_598 = vector.broadcast %add3A_597 : i32 to vector<16xi32>
        tpu.vector_store_idx %arg5[%broadcast_in_dim3A_598, %iota3A], %gather3A_593 : memref<432x16xf32, #tpu.memory_space<vmem>>[vector<16xi32>, vector<16xi32>], vector<16xf32>,
        %mul3A_599 = arith.constant 8 : i32
        %mul3A_600 = arith.muli %scan3A_580, %mul3A_599 : i32
        %add3A_601 = vector.broadcast %mul3A_600 : i32 to vector<16xi32>
        %add3A_602 = arith.addi %add3A_601, %select_n3A_128 : vector<16xi32>
        %gather3A_603 = tpu.vector_load_idx %arg4[%add3A_602, %select_n3A_405] : memref<384x18xf32, #tpu.memory_space<vmem>>[vector<16xi32>, vector<16xi32>], vector<16xf32>,
        %mul3A_604 = arith.constant 9 : i32
        %mul3A_605 = arith.muli %scan3A_580, %mul3A_604 : i32
        %add3A_606 = arith.constant 2 : i32
        %add3A_607 = arith.addi %mul3A_605, %add3A_606 : i32
        %broadcast_in_dim3A_608 = vector.broadcast %add3A_607 : i32 to vector<16xi32>
        tpu.vector_store_idx %arg5[%broadcast_in_dim3A_608, %iota3A], %gather3A_603 : memref<432x16xf32, #tpu.memory_space<vmem>>[vector<16xi32>, vector<16xi32>], vector<16xf32>,
        %mul3A_609 = arith.constant 8 : i32
        %mul3A_610 = arith.muli %scan3A_580, %mul3A_609 : i32
        %add3A_611 = vector.broadcast %mul3A_610 : i32 to vector<16xi32>
        %add3A_612 = arith.addi %add3A_611, %select_n3A_162 : vector<16xi32>
        %gather3A_613 = tpu.vector_load_idx %arg4[%add3A_612, %select_n3A_430] : memref<384x18xf32, #tpu.memory_space<vmem>>[vector<16xi32>, vector<16xi32>], vector<16xf32>,
        %mul3A_614 = arith.constant 9 : i32
        %mul3A_615 = arith.muli %scan3A_580, %mul3A_614 : i32
        %add3A_616 = arith.constant 3 : i32
        %add3A_617 = arith.addi %mul3A_615, %add3A_616 : i32
        %broadcast_in_dim3A_618 = vector.broadcast %add3A_617 : i32 to vector<16xi32>
        tpu.vector_store_idx %arg5[%broadcast_in_dim3A_618, %iota3A], %gather3A_613 : memref<432x16xf32, #tpu.memory_space<vmem>>[vector<16xi32>, vector<16xi32>], vector<16xf32>,
        %mul3A_619 = arith.constant 8 : i32
        %mul3A_620 = arith.muli %scan3A_580, %mul3A_619 : i32
        %add3A_621 = vector.broadcast %mul3A_620 : i32 to vector<16xi32>
        %add3A_622 = arith.addi %add3A_621, %select_n3A_196 : vector<16xi32>
        %gather3A_623 = tpu.vector_load_idx %arg4[%add3A_622, %select_n3A_455] : memref<384x18xf32, #tpu.memory_space<vmem>>[vector<16xi32>, vector<16xi32>], vector<16xf32>,
        %mul3A_624 = arith.constant 9 : i32
        %mul3A_625 = arith.muli %scan3A_580, %mul3A_624 : i32
        %add3A_626 = arith.constant 4 : i32
        %add3A_627 = arith.addi %mul3A_625, %add3A_626 : i32
        %broadcast_in_dim3A_628 = vector.broadcast %add3A_627 : i32 to vector<16xi32>
        tpu.vector_store_idx %arg5[%broadcast_in_dim3A_628, %iota3A], %gather3A_623 : memref<432x16xf32, #tpu.memory_space<vmem>>[vector<16xi32>, vector<16xi32>], vector<16xf32>,
        %mul3A_629 = arith.constant 8 : i32
        %mul3A_630 = arith.muli %scan3A_580, %mul3A_629 : i32
        %add3A_631 = vector.broadcast %mul3A_630 : i32 to vector<16xi32>
        %add3A_632 = arith.addi %add3A_631, %select_n3A_230 : vector<16xi32>
        %gather3A_633 = tpu.vector_load_idx %arg4[%add3A_632, %select_n3A_480] : memref<384x18xf32, #tpu.memory_space<vmem>>[vector<16xi32>, vector<16xi32>], vector<16xf32>,
        %mul3A_634 = arith.constant 9 : i32
        %mul3A_635 = arith.muli %scan3A_580, %mul3A_634 : i32
        %add3A_636 = arith.constant 5 : i32
        %add3A_637 = arith.addi %mul3A_635, %add3A_636 : i32
        %broadcast_in_dim3A_638 = vector.broadcast %add3A_637 : i32 to vector<16xi32>
        tpu.vector_store_idx %arg5[%broadcast_in_dim3A_638, %iota3A], %gather3A_633 : memref<432x16xf32, #tpu.memory_space<vmem>>[vector<16xi32>, vector<16xi32>], vector<16xf32>,
        %mul3A_639 = arith.constant 8 : i32
        %mul3A_640 = arith.muli %scan3A_580, %mul3A_639 : i32
        %add3A_641 = vector.broadcast %mul3A_640 : i32 to vector<16xi32>
        %add3A_642 = arith.addi %add3A_641, %select_n3A_264 : vector<16xi32>
        %gather3A_643 = tpu.vector_load_idx %arg4[%add3A_642, %select_n3A_505] : memref<384x18xf32, #tpu.memory_space<vmem>>[vector<16xi32>, vector<16xi32>], vector<16xf32>,
        %mul3A_644 = arith.constant 9 : i32
        %mul3A_645 = arith.muli %scan3A_580, %mul3A_644 : i32
        %add3A_646 = arith.constant 6 : i32
        %add3A_647 = arith.addi %mul3A_645, %add3A_646 : i32
        %broadcast_in_dim3A_648 = vector.broadcast %add3A_647 : i32 to vector<16xi32>
        tpu.vector_store_idx %arg5[%broadcast_in_dim3A_648, %iota3A], %gather3A_643 : memref<432x16xf32, #tpu.memory_space<vmem>>[vector<16xi32>, vector<16xi32>], vector<16xf32>,
        %mul3A_649 = arith.constant 8 : i32
        %mul3A_650 = arith.muli %scan3A_580, %mul3A_649 : i32
        %add3A_651 = vector.broadcast %mul3A_650 : i32 to vector<16xi32>
        %add3A_652 = arith.addi %add3A_651, %select_n3A_298 : vector<16xi32>
        %gather3A_653 = tpu.vector_load_idx %arg4[%add3A_652, %select_n3A_530] : memref<384x18xf32, #tpu.memory_space<vmem>>[vector<16xi32>, vector<16xi32>], vector<16xf32>,
        %mul3A_654 = arith.constant 9 : i32
        %mul3A_655 = arith.muli %scan3A_580, %mul3A_654 : i32
        %add3A_656 = arith.constant 7 : i32
        %add3A_657 = arith.addi %mul3A_655, %add3A_656 : i32
        %broadcast_in_dim3A_658 = vector.broadcast %add3A_657 : i32 to vector<16xi32>
        tpu.vector_store_idx %arg5[%broadcast_in_dim3A_658, %iota3A], %gather3A_653 : memref<432x16xf32, #tpu.memory_space<vmem>>[vector<16xi32>, vector<16xi32>], vector<16xf32>,
        %mul3A_659 = arith.constant 8 : i32
        %mul3A_660 = arith.muli %scan3A_580, %mul3A_659 : i32
        %add3A_661 = vector.broadcast %mul3A_660 : i32 to vector<16xi32>
        %add3A_662 = arith.addi %add3A_661, %select_n3A_332 : vector<16xi32>
        %gather3A_663 = tpu.vector_load_idx %arg4[%add3A_662, %select_n3A_555] : memref<384x18xf32, #tpu.memory_space<vmem>>[vector<16xi32>, vector<16xi32>], vector<16xf32>,
        %mul3A_664 = arith.constant 9 : i32
        %mul3A_665 = arith.muli %scan3A_580, %mul3A_664 : i32
        %add3A_666 = arith.constant 8 : i32
        %add3A_667 = arith.addi %mul3A_665, %add3A_666 : i32
        %broadcast_in_dim3A_668 = vector.broadcast %add3A_667 : i32 to vector<16xi32>
        tpu.vector_store_idx %arg5[%broadcast_in_dim3A_668, %iota3A], %gather3A_663 : memref<432x16xf32, #tpu.memory_space<vmem>>[vector<16xi32>, vector<16xi32>], vector<16xf32>,
      }
      %scan3A_577 = arith.constant 48 : i32
      %mul3A_578 = arith.constant 9 : i32
      %mul3A_579 = arith.muli %min3A_570, %mul3A_578 : i32
      "tpu.region"() ({
        %run_scoped3A = tpu.sem_alloc : memref<!tpu.dma_semaphore, #tpu.memory_space<semaphore_mem>>
        %dma_start3A = arith.constant 0 : i32
        %dma_start3A_580 = tpu.memref_slice %arg3[%mul3A_579, %dma_start3A] : memref<112500x16xf32, #tpu.memory_space<hbm>> -> memref<432x16xf32, #tpu.memory_space<hbm>>
        %dma_start3A_581 = arith.constant 0 : i32
        %dma_start3A_582 = tpu.memref_slice %arg3[%mul3A_579, %dma_start3A_581] : memref<112500x16xf32, #tpu.memory_space<hbm>> -> memref<432x16xf32, #tpu.memory_space<hbm>>
        tpu.enqueue_dma source(%arg5 : memref<432x16xf32, #tpu.memory_space<vmem>>) target(%dma_start3A_582 : memref<432x16xf32, #tpu.memory_space<hbm>>) target_semaphore(%run_scoped3A : memref<!tpu.dma_semaphore, #tpu.memory_space<semaphore_mem>>)
        %dma_wait3A = arith.constant 0 : i32
        %dma_wait3A_583 = tpu.memref_slice %arg3[%mul3A_579, %dma_wait3A] : memref<112500x16xf32, #tpu.memory_space<hbm>> -> memref<432x16xf32, #tpu.memory_space<hbm>>
        %dma_wait3A_584 = arith.constant 0 : i32
        %dma_wait3A_585 = tpu.memref_slice %arg3[%mul3A_579, %dma_wait3A_584] : memref<112500x16xf32, #tpu.memory_space<hbm>> -> memref<432x16xf32, #tpu.memory_space<hbm>>
        tpu.wait_dma2 semaphore(%run_scoped3A : memref<!tpu.dma_semaphore, #tpu.memory_space<semaphore_mem>>) src(%arg5 : memref<432x16xf32, #tpu.memory_space<vmem>>) dst(%dma_wait3A_585 : memref<432x16xf32, #tpu.memory_space<hbm>>)
        tpu.yield
      }) : () -> ()
    }
    %while3A_564 = arith.constant 1 : i32
    scf.for %while3A_565 = %while3A_562 to %while3A_558 step %while3A_564  : i32 {
      %mul3A_566 = arith.constant 48 : i32
      %mul3A_567 = arith.muli %while3A_565, %mul3A_566 : i32
      %add3A_568 = arith.addi %mul3A_2, %mul3A_567 : i32
      %min3A_569 = arith.constant 12452 : i32
      %min3A_570 = arith.minsi %add3A_568, %min3A_569 : i32
      %mul3A_571 = arith.constant 8 : i32
      %mul3A_572 = arith.muli %min3A_570, %mul3A_571 : i32
      "tpu.region"() ({
        %run_scoped3A = tpu.sem_alloc : memref<!tpu.dma_semaphore, #tpu.memory_space<semaphore_mem>>
        %dma_start3A = arith.constant 0 : i32
        %dma_start3A_580 = tpu.memref_slice %arg2[%mul3A_572, %dma_start3A] : memref<100000x18xf32, #tpu.memory_space<hbm>> -> memref<384x18xf32, #tpu.memory_space<hbm>>
        %dma_start3A_581 = arith.constant 0 : i32
        %dma_start3A_582 = tpu.memref_slice %arg2[%mul3A_572, %dma_start3A_581] : memref<100000x18xf32, #tpu.memory_space<hbm>> -> memref<384x18xf32, #tpu.memory_space<hbm>>
        tpu.enqueue_dma source(%dma_start3A_582 : memref<384x18xf32, #tpu.memory_space<hbm>>) target(%arg4 : memref<384x18xf32, #tpu.memory_space<vmem>>) target_semaphore(%run_scoped3A : memref<!tpu.dma_semaphore, #tpu.memory_space<semaphore_mem>>)
        %dma_wait3A = arith.constant 0 : i32
        %dma_wait3A_583 = tpu.memref_slice %arg2[%mul3A_572, %dma_wait3A] : memref<100000x18xf32, #tpu.memory_space<hbm>> -> memref<384x18xf32, #tpu.memory_space<hbm>>
        %dma_wait3A_584 = arith.constant 0 : i32
        %dma_wait3A_585 = tpu.memref_slice %arg2[%mul3A_572, %dma_wait3A_584] : memref<100000x18xf32, #tpu.memory_space<hbm>> -> memref<384x18xf32, #tpu.memory_space<hbm>>
        tpu.wait_dma2 semaphore(%run_scoped3A : memref<!tpu.dma_semaphore, #tpu.memory_space<semaphore_mem>>) src(%dma_wait3A_585 : memref<384x18xf32, #tpu.memory_space<hbm>>) dst(%arg4 : memref<384x18xf32, #tpu.memory_space<vmem>>)
        tpu.yield
      }) : () -> ()
      %scan3A = arith.constant 0 : i32
      %scan3A_573 = arith.constant 0 : i32
      %scan3A_574 = arith.constant 48 : i32
      %scan3A_575 = arith.addi %scan3A_573, %scan3A_574 : i32
      %scan3A_576 = arith.constant 1 : i32
      scf.for %scan3A_580 = %scan3A_573 to %scan3A_575 step %scan3A_576  : i32 {
        %mul3A_581 = arith.constant 8 : i32
        %mul3A_582 = arith.muli %scan3A_580, %mul3A_581 : i32
        %add3A_583 = vector.broadcast %mul3A_582 : i32 to vector<16xi32>
        %add3A_584 = arith.addi %add3A_583, %select_n3A_60 : vector<16xi32>
        %gather3A = tpu.vector_load_idx %arg4[%add3A_584, %select_n3A_355] : memref<384x18xf32, #tpu.memory_space<vmem>>[vector<16xi32>, vector<16xi32>], vector<16xf32>,
        %mul3A_585 = arith.constant 9 : i32
        %mul3A_586 = arith.muli %scan3A_580, %mul3A_585 : i32
        %add3A_587 = arith.constant 0 : i32
        %add3A_588 = arith.addi %mul3A_586, %add3A_587 : i32
        %broadcast_in_dim3A = vector.broadcast %add3A_588 : i32 to vector<16xi32>
        tpu.vector_store_idx %arg5[%broadcast_in_dim3A, %iota3A], %gather3A : memref<432x16xf32, #tpu.memory_space<vmem>>[vector<16xi32>, vector<16xi32>], vector<16xf32>,
        %mul3A_589 = arith.constant 8 : i32
        %mul3A_590 = arith.muli %scan3A_580, %mul3A_589 : i32
        %add3A_591 = vector.broadcast %mul3A_590 : i32 to vector<16xi32>
        %add3A_592 = arith.addi %add3A_591, %select_n3A_94 : vector<16xi32>
        %gather3A_593 = tpu.vector_load_idx %arg4[%add3A_592, %select_n3A_380] : memref<384x18xf32, #tpu.memory_space<vmem>>[vector<16xi32>, vector<16xi32>], vector<16xf32>,
        %mul3A_594 = arith.constant 9 : i32
        %mul3A_595 = arith.muli %scan3A_580, %mul3A_594 : i32
        %add3A_596 = arith.constant 1 : i32
        %add3A_597 = arith.addi %mul3A_595, %add3A_596 : i32
        %broadcast_in_dim3A_598 = vector.broadcast %add3A_597 : i32 to vector<16xi32>
        tpu.vector_store_idx %arg5[%broadcast_in_dim3A_598, %iota3A], %gather3A_593 : memref<432x16xf32, #tpu.memory_space<vmem>>[vector<16xi32>, vector<16xi32>], vector<16xf32>,
        %mul3A_599 = arith.constant 8 : i32
        %mul3A_600 = arith.muli %scan3A_580, %mul3A_599 : i32
        %add3A_601 = vector.broadcast %mul3A_600 : i32 to vector<16xi32>
        %add3A_602 = arith.addi %add3A_601, %select_n3A_128 : vector<16xi32>
        %gather3A_603 = tpu.vector_load_idx %arg4[%add3A_602, %select_n3A_405] : memref<384x18xf32, #tpu.memory_space<vmem>>[vector<16xi32>, vector<16xi32>], vector<16xf32>,
        %mul3A_604 = arith.constant 9 : i32
        %mul3A_605 = arith.muli %scan3A_580, %mul3A_604 : i32
        %add3A_606 = arith.constant 2 : i32
        %add3A_607 = arith.addi %mul3A_605, %add3A_606 : i32
        %broadcast_in_dim3A_608 = vector.broadcast %add3A_607 : i32 to vector<16xi32>
        tpu.vector_store_idx %arg5[%broadcast_in_dim3A_608, %iota3A], %gather3A_603 : memref<432x16xf32, #tpu.memory_space<vmem>>[vector<16xi32>, vector<16xi32>], vector<16xf32>,
        %mul3A_609 = arith.constant 8 : i32
        %mul3A_610 = arith.muli %scan3A_580, %mul3A_609 : i32
        %add3A_611 = vector.broadcast %mul3A_610 : i32 to vector<16xi32>
        %add3A_612 = arith.addi %add3A_611, %select_n3A_162 : vector<16xi32>
        %gather3A_613 = tpu.vector_load_idx %arg4[%add3A_612, %select_n3A_430] : memref<384x18xf32, #tpu.memory_space<vmem>>[vector<16xi32>, vector<16xi32>], vector<16xf32>,
        %mul3A_614 = arith.constant 9 : i32
        %mul3A_615 = arith.muli %scan3A_580, %mul3A_614 : i32
        %add3A_616 = arith.constant 3 : i32
        %add3A_617 = arith.addi %mul3A_615, %add3A_616 : i32
        %broadcast_in_dim3A_618 = vector.broadcast %add3A_617 : i32 to vector<16xi32>
        tpu.vector_store_idx %arg5[%broadcast_in_dim3A_618, %iota3A], %gather3A_613 : memref<432x16xf32, #tpu.memory_space<vmem>>[vector<16xi32>, vector<16xi32>], vector<16xf32>,
        %mul3A_619 = arith.constant 8 : i32
        %mul3A_620 = arith.muli %scan3A_580, %mul3A_619 : i32
        %add3A_621 = vector.broadcast %mul3A_620 : i32 to vector<16xi32>
        %add3A_622 = arith.addi %add3A_621, %select_n3A_196 : vector<16xi32>
        %gather3A_623 = tpu.vector_load_idx %arg4[%add3A_622, %select_n3A_455] : memref<384x18xf32, #tpu.memory_space<vmem>>[vector<16xi32>, vector<16xi32>], vector<16xf32>,
        %mul3A_624 = arith.constant 9 : i32
        %mul3A_625 = arith.muli %scan3A_580, %mul3A_624 : i32
        %add3A_626 = arith.constant 4 : i32
        %add3A_627 = arith.addi %mul3A_625, %add3A_626 : i32
        %broadcast_in_dim3A_628 = vector.broadcast %add3A_627 : i32 to vector<16xi32>
        tpu.vector_store_idx %arg5[%broadcast_in_dim3A_628, %iota3A], %gather3A_623 : memref<432x16xf32, #tpu.memory_space<vmem>>[vector<16xi32>, vector<16xi32>], vector<16xf32>,
        %mul3A_629 = arith.constant 8 : i32
        %mul3A_630 = arith.muli %scan3A_580, %mul3A_629 : i32
        %add3A_631 = vector.broadcast %mul3A_630 : i32 to vector<16xi32>
        %add3A_632 = arith.addi %add3A_631, %select_n3A_230 : vector<16xi32>
        %gather3A_633 = tpu.vector_load_idx %arg4[%add3A_632, %select_n3A_480] : memref<384x18xf32, #tpu.memory_space<vmem>>[vector<16xi32>, vector<16xi32>], vector<16xf32>,
        %mul3A_634 = arith.constant 9 : i32
        %mul3A_635 = arith.muli %scan3A_580, %mul3A_634 : i32
        %add3A_636 = arith.constant 5 : i32
        %add3A_637 = arith.addi %mul3A_635, %add3A_636 : i32
        %broadcast_in_dim3A_638 = vector.broadcast %add3A_637 : i32 to vector<16xi32>
        tpu.vector_store_idx %arg5[%broadcast_in_dim3A_638, %iota3A], %gather3A_633 : memref<432x16xf32, #tpu.memory_space<vmem>>[vector<16xi32>, vector<16xi32>], vector<16xf32>,
        %mul3A_639 = arith.constant 8 : i32
        %mul3A_640 = arith.muli %scan3A_580, %mul3A_639 : i32
        %add3A_641 = vector.broadcast %mul3A_640 : i32 to vector<16xi32>
        %add3A_642 = arith.addi %add3A_641, %select_n3A_264 : vector<16xi32>
        %gather3A_643 = tpu.vector_load_idx %arg4[%add3A_642, %select_n3A_505] : memref<384x18xf32, #tpu.memory_space<vmem>>[vector<16xi32>, vector<16xi32>], vector<16xf32>,
        %mul3A_644 = arith.constant 9 : i32
        %mul3A_645 = arith.muli %scan3A_580, %mul3A_644 : i32
        %add3A_646 = arith.constant 6 : i32
        %add3A_647 = arith.addi %mul3A_645, %add3A_646 : i32
        %broadcast_in_dim3A_648 = vector.broadcast %add3A_647 : i32 to vector<16xi32>
        tpu.vector_store_idx %arg5[%broadcast_in_dim3A_648, %iota3A], %gather3A_643 : memref<432x16xf32, #tpu.memory_space<vmem>>[vector<16xi32>, vector<16xi32>], vector<16xf32>,
        %mul3A_649 = arith.constant 8 : i32
        %mul3A_650 = arith.muli %scan3A_580, %mul3A_649 : i32
        %add3A_651 = vector.broadcast %mul3A_650 : i32 to vector<16xi32>
        %add3A_652 = arith.addi %add3A_651, %select_n3A_298 : vector<16xi32>
        %gather3A_653 = tpu.vector_load_idx %arg4[%add3A_652, %select_n3A_530] : memref<384x18xf32, #tpu.memory_space<vmem>>[vector<16xi32>, vector<16xi32>], vector<16xf32>,
        %mul3A_654 = arith.constant 9 : i32
        %mul3A_655 = arith.muli %scan3A_580, %mul3A_654 : i32
        %add3A_656 = arith.constant 7 : i32
        %add3A_657 = arith.addi %mul3A_655, %add3A_656 : i32
        %broadcast_in_dim3A_658 = vector.broadcast %add3A_657 : i32 to vector<16xi32>
        tpu.vector_store_idx %arg5[%broadcast_in_dim3A_658, %iota3A], %gather3A_653 : memref<432x16xf32, #tpu.memory_space<vmem>>[vector<16xi32>, vector<16xi32>], vector<16xf32>,
        %mul3A_659 = arith.constant 8 : i32
        %mul3A_660 = arith.muli %scan3A_580, %mul3A_659 : i32
        %add3A_661 = vector.broadcast %mul3A_660 : i32 to vector<16xi32>
        %add3A_662 = arith.addi %add3A_661, %select_n3A_332 : vector<16xi32>
        %gather3A_663 = tpu.vector_load_idx %arg4[%add3A_662, %select_n3A_555] : memref<384x18xf32, #tpu.memory_space<vmem>>[vector<16xi32>, vector<16xi32>], vector<16xf32>,
        %mul3A_664 = arith.constant 9 : i32
        %mul3A_665 = arith.muli %scan3A_580, %mul3A_664 : i32
        %add3A_666 = arith.constant 8 : i32
        %add3A_667 = arith.addi %mul3A_665, %add3A_666 : i32
        %broadcast_in_dim3A_668 = vector.broadcast %add3A_667 : i32 to vector<16xi32>
        tpu.vector_store_idx %arg5[%broadcast_in_dim3A_668, %iota3A], %gather3A_663 : memref<432x16xf32, #tpu.memory_space<vmem>>[vector<16xi32>, vector<16xi32>], vector<16xf32>,
      }
      %scan3A_577 = arith.constant 48 : i32
      %mul3A_578 = arith.constant 9 : i32
      %mul3A_579 = arith.muli %min3A_570, %mul3A_578 : i32
      "tpu.region"() ({
        %run_scoped3A = tpu.sem_alloc : memref<!tpu.dma_semaphore, #tpu.memory_space<semaphore_mem>>
        %dma_start3A = arith.constant 0 : i32
        %dma_start3A_580 = tpu.memref_slice %arg3[%mul3A_579, %dma_start3A] : memref<112500x16xf32, #tpu.memory_space<hbm>> -> memref<432x16xf32, #tpu.memory_space<hbm>>
        %dma_start3A_581 = arith.constant 0 : i32
        %dma_start3A_582 = tpu.memref_slice %arg3[%mul3A_579, %dma_start3A_581] : memref<112500x16xf32, #tpu.memory_space<hbm>> -> memref<432x16xf32, #tpu.memory_space<hbm>>
        tpu.enqueue_dma source(%arg5 : memref<432x16xf32, #tpu.memory_space<vmem>>) target(%dma_start3A_582 : memref<432x16xf32, #tpu.memory_space<hbm>>) target_semaphore(%run_scoped3A : memref<!tpu.dma_semaphore, #tpu.memory_space<semaphore_mem>>)
        %dma_wait3A = arith.constant 0 : i32
        %dma_wait3A_583 = tpu.memref_slice %arg3[%mul3A_579, %dma_wait3A] : memref<112500x16xf32, #tpu.memory_space<hbm>> -> memref<432x16xf32, #tpu.memory_space<hbm>>
        %dma_wait3A_584 = arith.constant 0 : i32
        %dma_wait3A_585 = tpu.memref_slice %arg3[%mul3A_579, %dma_wait3A_584] : memref<112500x16xf32, #tpu.memory_space<hbm>> -> memref<432x16xf32, #tpu.memory_space<hbm>>
        tpu.wait_dma2 semaphore(%run_scoped3A : memref<!tpu.dma_semaphore, #tpu.memory_space<semaphore_mem>>) src(%arg5 : memref<432x16xf32, #tpu.memory_space<vmem>>) dst(%dma_wait3A_585 : memref<432x16xf32, #tpu.memory_space<hbm>>)
        tpu.yield
      }) : () -> ()
    }
    return
  }
}

#map = affine_map<(d0, d1) -> (0)>
#map1 = affine_map<(d0, d1) -> (0, 0)>
module attributes {stable_mosaic.version = 14 : i64} {
  func.func @_sc_body(%arg0: i32, %arg1: i32, %arg2: memref<33920xi32, #tpu.memory_space<hbm>>, %arg3: memref<33920xi32, #tpu.memory_space<hbm>>, %arg4: memref<16xi32, #tpu.memory_space<hbm>>, %arg5: memref<512xf32, #tpu.memory_space<hbm>>, %arg6: memref<112500x16xf32, #tpu.memory_space<hbm>>, %arg7: memref<112500x16xf32, #tpu.memory_space<hbm>>, %arg8: memref<32x64xf32, #tpu.memory_space<hbm>>, %arg9: memref<16x32xf32, #tpu.memory_space<hbm>>, %arg10: memref<1040xi32, #tpu.memory_space<vmem>>, %arg11: memref<1040xi32, #tpu.memory_space<vmem>>, %arg12: memref<16xi32, #tpu.memory_space<vmem>>, %arg13: memref<512xf32, #tpu.memory_space<vmem>>, %arg14: memref<16xi32, #tpu.memory_space<vmem>>, %arg15: memref<16xi32, #tpu.memory_space<vmem>>, %arg16: memref<2080xi32, #tpu.memory_space<vmem>>, %arg17: memref<2080x16xf32, #tpu.memory_space<vmem>>, %arg18: memref<2080x16xf32, #tpu.memory_space<vmem>>, %arg19: memref<16x16xf32, #tpu.memory_space<vmem>>, %arg20: memref<64xf32, #tpu.memory_space<vmem>>, %arg21: memref<32xf32, #tpu.memory_space<vmem>>, %arg22: memref<!tpu.dma_semaphore, #tpu.memory_space<semaphore_mem>>, %arg23: memref<!tpu.dma_semaphore, #tpu.memory_space<semaphore_mem>>, %arg24: memref<!tpu.dma_semaphore, #tpu.memory_space<semaphore_mem>>) attributes {dimension_semantics = [#tpu.dimension_semantics<core_parallel>, #tpu.dimension_semantics<subcore_parallel>], iteration_bounds = array<i64: 2, 16>, scalar_prefetch = 0 : i64, scratch_operands = 15 : i64, tpu.core_type = #tpu.core_type<sc_vector_subcore>, window_params = [{transform_indices = #map}, {transform_indices = #map}, {transform_indices = #map}, {transform_indices = #map}, {transform_indices = #map1}, {transform_indices = #map1}, {transform_indices = #map1}, {transform_indices = #map1}]} {
    %mul3A = arith.constant 1024 : i32
    %mul3A_0 = arith.muli %arg0, %mul3A : i32
    %mul3A_1 = arith.constant 2048 : i32
    %mul3A_2 = arith.muli %arg1, %mul3A_1 : i32
    %add3A = arith.addi %mul3A_2, %mul3A_0 : i32
    "tpu.region"() ({
      %run_scoped3A = tpu.sem_alloc : memref<!tpu.dma_semaphore, #tpu.memory_space<semaphore_mem>>
      %dma_start3A_1225 = tpu.memref_slice %arg2[%add3A] : memref<33920xi32, #tpu.memory_space<hbm>> -> memref<1040xi32, #tpu.memory_space<hbm>>
      %dma_start3A_1226 = tpu.memref_slice %arg2[%add3A] : memref<33920xi32, #tpu.memory_space<hbm>> -> memref<1040xi32, #tpu.memory_space<hbm>>
      tpu.enqueue_dma source(%dma_start3A_1226 : memref<1040xi32, #tpu.memory_space<hbm>>) target(%arg10 : memref<1040xi32, #tpu.memory_space<vmem>>) target_semaphore(%run_scoped3A : memref<!tpu.dma_semaphore, #tpu.memory_space<semaphore_mem>>)
      %dma_wait3A_1227 = tpu.memref_slice %arg2[%add3A] : memref<33920xi32, #tpu.memory_space<hbm>> -> memref<1040xi32, #tpu.memory_space<hbm>>
      %dma_wait3A_1228 = tpu.memref_slice %arg2[%add3A] : memref<33920xi32, #tpu.memory_space<hbm>> -> memref<1040xi32, #tpu.memory_space<hbm>>
      tpu.wait_dma2 semaphore(%run_scoped3A : memref<!tpu.dma_semaphore, #tpu.memory_space<semaphore_mem>>) src(%dma_wait3A_1228 : memref<1040xi32, #tpu.memory_space<hbm>>) dst(%arg10 : memref<1040xi32, #tpu.memory_space<vmem>>)
      tpu.yield
    }) : () -> ()
    "tpu.region"() ({
      %run_scoped3A = tpu.sem_alloc : memref<!tpu.dma_semaphore, #tpu.memory_space<semaphore_mem>>
      %dma_start3A_1225 = tpu.memref_slice %arg3[%add3A] : memref<33920xi32, #tpu.memory_space<hbm>> -> memref<1040xi32, #tpu.memory_space<hbm>>
      %dma_start3A_1226 = tpu.memref_slice %arg3[%add3A] : memref<33920xi32, #tpu.memory_space<hbm>> -> memref<1040xi32, #tpu.memory_space<hbm>>
      tpu.enqueue_dma source(%dma_start3A_1226 : memref<1040xi32, #tpu.memory_space<hbm>>) target(%arg11 : memref<1040xi32, #tpu.memory_space<vmem>>) target_semaphore(%run_scoped3A : memref<!tpu.dma_semaphore, #tpu.memory_space<semaphore_mem>>)
      %dma_wait3A_1227 = tpu.memref_slice %arg3[%add3A] : memref<33920xi32, #tpu.memory_space<hbm>> -> memref<1040xi32, #tpu.memory_space<hbm>>
      %dma_wait3A_1228 = tpu.memref_slice %arg3[%add3A] : memref<33920xi32, #tpu.memory_space<hbm>> -> memref<1040xi32, #tpu.memory_space<hbm>>
      tpu.wait_dma2 semaphore(%run_scoped3A : memref<!tpu.dma_semaphore, #tpu.memory_space<semaphore_mem>>) src(%dma_wait3A_1228 : memref<1040xi32, #tpu.memory_space<hbm>>) dst(%arg11 : memref<1040xi32, #tpu.memory_space<vmem>>)
      tpu.yield
    }) : () -> ()
    "tpu.region"() ({
      %run_scoped3A = tpu.sem_alloc : memref<!tpu.dma_semaphore, #tpu.memory_space<semaphore_mem>>
      tpu.enqueue_dma source(%arg4 : memref<16xi32, #tpu.memory_space<hbm>>) target(%arg12 : memref<16xi32, #tpu.memory_space<vmem>>) target_semaphore(%run_scoped3A : memref<!tpu.dma_semaphore, #tpu.memory_space<semaphore_mem>>)
      tpu.wait_dma2 semaphore(%run_scoped3A : memref<!tpu.dma_semaphore, #tpu.memory_space<semaphore_mem>>) src(%arg4 : memref<16xi32, #tpu.memory_space<hbm>>) dst(%arg12 : memref<16xi32, #tpu.memory_space<vmem>>)
      tpu.yield
    }) : () -> ()
    "tpu.region"() ({
      %run_scoped3A = tpu.sem_alloc : memref<!tpu.dma_semaphore, #tpu.memory_space<semaphore_mem>>
      tpu.enqueue_dma source(%arg5 : memref<512xf32, #tpu.memory_space<hbm>>) target(%arg13 : memref<512xf32, #tpu.memory_space<vmem>>) target_semaphore(%run_scoped3A : memref<!tpu.dma_semaphore, #tpu.memory_space<semaphore_mem>>)
      tpu.wait_dma2 semaphore(%run_scoped3A : memref<!tpu.dma_semaphore, #tpu.memory_space<semaphore_mem>>) src(%arg5 : memref<512xf32, #tpu.memory_space<hbm>>) dst(%arg13 : memref<512xf32, #tpu.memory_space<vmem>>)
      tpu.yield
    }) : () -> ()
    %mul3A_3 = arith.constant 2048 : i32
    %mul3A_4 = arith.muli %arg1, %mul3A_3 : i32
    "tpu.region"() ({
      %run_scoped3A = tpu.sem_alloc : memref<!tpu.dma_semaphore, #tpu.memory_space<semaphore_mem>>
      %dma_start3A_1225 = tpu.memref_slice %arg2[%mul3A_4] : memref<33920xi32, #tpu.memory_space<hbm>> -> memref<16xi32, #tpu.memory_space<hbm>>
      %dma_start3A_1226 = tpu.memref_slice %arg2[%mul3A_4] : memref<33920xi32, #tpu.memory_space<hbm>> -> memref<16xi32, #tpu.memory_space<hbm>>
      tpu.enqueue_dma source(%dma_start3A_1226 : memref<16xi32, #tpu.memory_space<hbm>>) target(%arg14 : memref<16xi32, #tpu.memory_space<vmem>>) target_semaphore(%run_scoped3A : memref<!tpu.dma_semaphore, #tpu.memory_space<semaphore_mem>>)
      %dma_wait3A_1227 = tpu.memref_slice %arg2[%mul3A_4] : memref<33920xi32, #tpu.memory_space<hbm>> -> memref<16xi32, #tpu.memory_space<hbm>>
      %dma_wait3A_1228 = tpu.memref_slice %arg2[%mul3A_4] : memref<33920xi32, #tpu.memory_space<hbm>> -> memref<16xi32, #tpu.memory_space<hbm>>
      tpu.wait_dma2 semaphore(%run_scoped3A : memref<!tpu.dma_semaphore, #tpu.memory_space<semaphore_mem>>) src(%dma_wait3A_1228 : memref<16xi32, #tpu.memory_space<hbm>>) dst(%arg14 : memref<16xi32, #tpu.memory_space<vmem>>)
      tpu.yield
    }) : () -> ()
    %iota3A = tpu.iota {dimensions = array<i32: 0>} : vector<16xi32>
    %broadcast_in_dim3A = arith.constant 0 : i32
    %broadcast_in_dim3A_5 = vector.broadcast %broadcast_in_dim3A : i32 to vector<16xi32>
    %scan3A = arith.constant 0 : i32
    %scan3A_6 = arith.constant 0 : i32
    %scan3A_7 = arith.constant 65 : i32
    %scan3A_8 = arith.addi %scan3A_6, %scan3A_7 : i32
    %scan3A_9 = arith.constant 1 : i32
    scf.for %scan3A_1225 = %scan3A_6 to %scan3A_8 step %scan3A_9  : i32 {
      %mul3A_1226 = arith.constant 16 : i32
      %mul3A_1227 = arith.muli %scan3A_1225, %mul3A_1226 : i32
      %add3A_1228 = vector.broadcast %mul3A_1227 : i32 to vector<16xi32>
      %add3A_1229 = arith.addi %add3A_1228, %iota3A : vector<16xi32>
      %gather3A_1230 = tpu.vector_load_idx %arg10[%add3A_1229] : memref<1040xi32, #tpu.memory_space<vmem>>[vector<16xi32>], vector<16xi32>,
      %mul3A_1231 = arith.constant 18 : i32
      %mul3A_1232 = vector.broadcast %mul3A_1231 : i32 to vector<16xi32>
      %mul3A_1233 = arith.muli %gather3A_1230, %mul3A_1232 : vector<16xi32>
      %shift_right_arithmetic3A_1234 = arith.constant 4 : i32
      %shift_right_arithmetic3A_1235 = vector.broadcast %shift_right_arithmetic3A_1234 : i32 to vector<16xi32>
      %shift_right_arithmetic3A_1236 = arith.shrsi %mul3A_1233, %shift_right_arithmetic3A_1235 : vector<16xi32>
      %mul3A_1237 = arith.constant 2 : i32
      %mul3A_1238 = vector.broadcast %mul3A_1237 : i32 to vector<16xi32>
      %mul3A_1239 = arith.muli %add3A_1229, %mul3A_1238 : vector<16xi32>
      tpu.vector_store_idx %arg16[%mul3A_1239], %shift_right_arithmetic3A_1236 : memref<2080xi32, #tpu.memory_space<vmem>>[vector<16xi32>], vector<16xi32>,
      %mul3A_1240 = arith.constant 2 : i32
      %mul3A_1241 = vector.broadcast %mul3A_1240 : i32 to vector<16xi32>
      %mul3A_1242 = arith.muli %add3A_1229, %mul3A_1241 : vector<16xi32>
      %add3A_1243 = arith.constant 1 : i32
      %add3A_1244 = vector.broadcast %add3A_1243 : i32 to vector<16xi32>
      %add3A_1245 = arith.addi %mul3A_1242, %add3A_1244 : vector<16xi32>
      %add3A_1246 = arith.constant 1 : i32
      %add3A_1247 = vector.broadcast %add3A_1246 : i32 to vector<16xi32>
      %add3A_1248 = arith.addi %shift_right_arithmetic3A_1236, %add3A_1247 : vector<16xi32>
      tpu.vector_store_idx %arg16[%add3A_1245], %add3A_1248 : memref<2080xi32, #tpu.memory_space<vmem>>[vector<16xi32>], vector<16xi32>,
    }
    %scan3A_10 = arith.constant 65 : i32
    %gather3A = tpu.vector_load_idx %arg14[%iota3A] : memref<16xi32, #tpu.memory_space<vmem>>[vector<16xi32>], vector<16xi32>,
    %eq3A = arith.constant 0 : i32
    %eq3A_11 = vector.broadcast %eq3A : i32 to vector<16xi32>
    %eq3A_12 = arith.cmpi eq, %iota3A, %eq3A_11 : vector<16xi32>
    %jit3A = arith.constant 0 : i32
    %broadcast_in_dim3A_13 = vector.broadcast %jit3A : i32 to vector<16xi32>
    %select_n3A = arith.select %eq3A_12, %gather3A, %broadcast_in_dim3A_13 : vector<16xi1>, vector<16xi32>
    %reduce_sum3A = arith.constant true
    %reduce_sum3A_14 = vector.broadcast %reduce_sum3A : i1 to vector<16xi1>
    %reduce_sum3A_15 = tpu.scan <sum>, %select_n3A masked %reduce_sum3A_14 : vector<16xi32>, vector<16xi1> -> vector<16xi32>
    %reduce_sum3A_16 = vector.extract %reduce_sum3A_15[15] : i32 from vector<16xi32>
    %broadcast_in_dim3A_17 = vector.broadcast %reduce_sum3A_16 : i32 to vector<16xi32>
    %mul3A_18 = arith.constant 18 : i32
    %mul3A_19 = vector.broadcast %mul3A_18 : i32 to vector<16xi32>
    %mul3A_20 = arith.muli %broadcast_in_dim3A_17, %mul3A_19 : vector<16xi32>
    %shift_right_arithmetic3A = arith.constant 4 : i32
    %shift_right_arithmetic3A_21 = vector.broadcast %shift_right_arithmetic3A : i32 to vector<16xi32>
    %shift_right_arithmetic3A_22 = arith.shrsi %mul3A_20, %shift_right_arithmetic3A_21 : vector<16xi32>
    %mul3A_23 = arith.constant 18 : i32
    %mul3A_24 = vector.broadcast %mul3A_23 : i32 to vector<16xi32>
    %mul3A_25 = arith.muli %broadcast_in_dim3A_17, %mul3A_24 : vector<16xi32>
    %and3A = arith.constant 15 : i32
    %and3A_26 = vector.broadcast %and3A : i32 to vector<16xi32>
    %and3A_27 = arith.andi %mul3A_25, %and3A_26 : vector<16xi32>
    %eq3A_28 = arith.constant 1 : i32
    %eq3A_29 = vector.broadcast %eq3A_28 : i32 to vector<16xi32>
    %eq3A_30 = arith.cmpi eq, %iota3A, %eq3A_29 : vector<16xi32>
    %add3A_31 = arith.constant 1 : i32
    %add3A_32 = vector.broadcast %add3A_31 : i32 to vector<16xi32>
    %add3A_33 = arith.addi %shift_right_arithmetic3A_22, %add3A_32 : vector<16xi32>
    %select_n3A_34 = arith.select %eq3A_30, %add3A_33, %shift_right_arithmetic3A_22 : vector<16xi1>, vector<16xi32>
    tpu.vector_store_idx %arg15[%iota3A], %select_n3A_34 : memref<16xi32, #tpu.memory_space<vmem>>[vector<16xi32>], vector<16xi32>,
    %dma_start3A = arith.constant 0 : i32
    %dma_start3A_35 = arith.constant 0 : i32
    %dma_start3A_36 = tpu.memref_slice %arg6[%dma_start3A, %dma_start3A_35] : memref<112500x16xf32, #tpu.memory_space<hbm>> -> memref<112500x16xf32, #tpu.memory_space<hbm>>
    tpu.enqueue_indirect_dma source(%dma_start3A_36 : memref<112500x16xf32, #tpu.memory_space<hbm>>) target(%arg19 : memref<16x16xf32, #tpu.memory_space<vmem>>) offsets(%arg15 : memref<16xi32, #tpu.memory_space<vmem>>) semaphore(%arg24 : memref<!tpu.dma_semaphore, #tpu.memory_space<semaphore_mem>>)
    %dma_wait3A = arith.constant 0 : i32
    %dma_wait3A_37 = arith.constant 0 : i32
    %dma_wait3A_38 = tpu.memref_slice %arg6[%dma_wait3A, %dma_wait3A_37] : memref<112500x16xf32, #tpu.memory_space<hbm>> -> memref<112500x16xf32, #tpu.memory_space<hbm>>
    tpu.wait_indirect_dma semaphore(%arg24 : memref<!tpu.dma_semaphore, #tpu.memory_space<semaphore_mem>>) src(%dma_wait3A_38 : memref<112500x16xf32, #tpu.memory_space<hbm>>) dst(%arg19 : memref<16x16xf32, #tpu.memory_space<vmem>>)
    %dma_start3A_39 = arith.constant 0 : i32
    %dma_start3A_40 = arith.constant 0 : i32
    %dma_start3A_41 = tpu.memref_slice %arg17[%dma_start3A_39, %dma_start3A_40] : memref<2080x16xf32, #tpu.memory_space<vmem>> -> memref<104x16xf32, #tpu.memory_space<vmem>>
    %dma_start3A_42 = arith.constant 0 : i32
    %dma_start3A_43 = tpu.memref_slice %arg16[%dma_start3A_42] : memref<2080xi32, #tpu.memory_space<vmem>> -> memref<104xi32, #tpu.memory_space<vmem>>
    %dma_start3A_44 = arith.constant 0 : i32
    %dma_start3A_45 = arith.constant 0 : i32
    %dma_start3A_46 = tpu.memref_slice %arg6[%dma_start3A_44, %dma_start3A_45] : memref<112500x16xf32, #tpu.memory_space<hbm>> -> memref<112500x16xf32, #tpu.memory_space<hbm>>
    tpu.enqueue_indirect_dma source(%dma_start3A_46 : memref<112500x16xf32, #tpu.memory_space<hbm>>) target(%dma_start3A_41 : memref<104x16xf32, #tpu.memory_space<vmem>>) offsets(%dma_start3A_43 : memref<104xi32, #tpu.memory_space<vmem>>) semaphore(%arg22 : memref<!tpu.dma_semaphore, #tpu.memory_space<semaphore_mem>>)
    %dma_start3A_47 = arith.constant 0 : i32
    %dma_start3A_48 = arith.constant 0 : i32
    %dma_start3A_49 = tpu.memref_slice %arg18[%dma_start3A_47, %dma_start3A_48] : memref<2080x16xf32, #tpu.memory_space<vmem>> -> memref<104x16xf32, #tpu.memory_space<vmem>>
    %dma_start3A_50 = arith.constant 0 : i32
    %dma_start3A_51 = tpu.memref_slice %arg16[%dma_start3A_50] : memref<2080xi32, #tpu.memory_space<vmem>> -> memref<104xi32, #tpu.memory_space<vmem>>
    %dma_start3A_52 = arith.constant 0 : i32
    %dma_start3A_53 = arith.constant 0 : i32
    %dma_start3A_54 = tpu.memref_slice %arg7[%dma_start3A_52, %dma_start3A_53] : memref<112500x16xf32, #tpu.memory_space<hbm>> -> memref<112500x16xf32, #tpu.memory_space<hbm>>
    tpu.enqueue_indirect_dma source(%dma_start3A_54 : memref<112500x16xf32, #tpu.memory_space<hbm>>) target(%dma_start3A_49 : memref<104x16xf32, #tpu.memory_space<vmem>>) offsets(%dma_start3A_51 : memref<104xi32, #tpu.memory_space<vmem>>) semaphore(%arg23 : memref<!tpu.dma_semaphore, #tpu.memory_space<semaphore_mem>>)
    %dma_start3A_55 = arith.constant 104 : i32
    %dma_start3A_56 = arith.constant 0 : i32
    %dma_start3A_57 = tpu.memref_slice %arg17[%dma_start3A_55, %dma_start3A_56] : memref<2080x16xf32, #tpu.memory_space<vmem>> -> memref<104x16xf32, #tpu.memory_space<vmem>>
    %dma_start3A_58 = arith.constant 104 : i32
    %dma_start3A_59 = tpu.memref_slice %arg16[%dma_start3A_58] : memref<2080xi32, #tpu.memory_space<vmem>> -> memref<104xi32, #tpu.memory_space<vmem>>
    %dma_start3A_60 = arith.constant 0 : i32
    %dma_start3A_61 = arith.constant 0 : i32
    %dma_start3A_62 = tpu.memref_slice %arg6[%dma_start3A_60, %dma_start3A_61] : memref<112500x16xf32, #tpu.memory_space<hbm>> -> memref<112500x16xf32, #tpu.memory_space<hbm>>
    tpu.enqueue_indirect_dma source(%dma_start3A_62 : memref<112500x16xf32, #tpu.memory_space<hbm>>) target(%dma_start3A_57 : memref<104x16xf32, #tpu.memory_space<vmem>>) offsets(%dma_start3A_59 : memref<104xi32, #tpu.memory_space<vmem>>) semaphore(%arg22 : memref<!tpu.dma_semaphore, #tpu.memory_space<semaphore_mem>>)
    %dma_start3A_63 = arith.constant 104 : i32
    %dma_start3A_64 = arith.constant 0 : i32
    %dma_start3A_65 = tpu.memref_slice %arg18[%dma_start3A_63, %dma_start3A_64] : memref<2080x16xf32, #tpu.memory_space<vmem>> -> memref<104x16xf32, #tpu.memory_space<vmem>>
    %dma_start3A_66 = arith.constant 104 : i32
    %dma_start3A_67 = tpu.memref_slice %arg16[%dma_start3A_66] : memref<2080xi32, #tpu.memory_space<vmem>> -> memref<104xi32, #tpu.memory_space<vmem>>
    %dma_start3A_68 = arith.constant 0 : i32
    %dma_start3A_69 = arith.constant 0 : i32
    %dma_start3A_70 = tpu.memref_slice %arg7[%dma_start3A_68, %dma_start3A_69] : memref<112500x16xf32, #tpu.memory_space<hbm>> -> memref<112500x16xf32, #tpu.memory_space<hbm>>
    tpu.enqueue_indirect_dma source(%dma_start3A_70 : memref<112500x16xf32, #tpu.memory_space<hbm>>) target(%dma_start3A_65 : memref<104x16xf32, #tpu.memory_space<vmem>>) offsets(%dma_start3A_67 : memref<104xi32, #tpu.memory_space<vmem>>) semaphore(%arg23 : memref<!tpu.dma_semaphore, #tpu.memory_space<semaphore_mem>>)
    %dma_start3A_71 = arith.constant 208 : i32
    %dma_start3A_72 = arith.constant 0 : i32
    %dma_start3A_73 = tpu.memref_slice %arg17[%dma_start3A_71, %dma_start3A_72] : memref<2080x16xf32, #tpu.memory_space<vmem>> -> memref<104x16xf32, #tpu.memory_space<vmem>>
    %dma_start3A_74 = arith.constant 208 : i32
    %dma_start3A_75 = tpu.memref_slice %arg16[%dma_start3A_74] : memref<2080xi32, #tpu.memory_space<vmem>> -> memref<104xi32, #tpu.memory_space<vmem>>
    %dma_start3A_76 = arith.constant 0 : i32
    %dma_start3A_77 = arith.constant 0 : i32
    %dma_start3A_78 = tpu.memref_slice %arg6[%dma_start3A_76, %dma_start3A_77] : memref<112500x16xf32, #tpu.memory_space<hbm>> -> memref<112500x16xf32, #tpu.memory_space<hbm>>
    tpu.enqueue_indirect_dma source(%dma_start3A_78 : memref<112500x16xf32, #tpu.memory_space<hbm>>) target(%dma_start3A_73 : memref<104x16xf32, #tpu.memory_space<vmem>>) offsets(%dma_start3A_75 : memref<104xi32, #tpu.memory_space<vmem>>) semaphore(%arg22 : memref<!tpu.dma_semaphore, #tpu.memory_space<semaphore_mem>>)
    %dma_start3A_79 = arith.constant 208 : i32
    %dma_start3A_80 = arith.constant 0 : i32
    %dma_start3A_81 = tpu.memref_slice %arg18[%dma_start3A_79, %dma_start3A_80] : memref<2080x16xf32, #tpu.memory_space<vmem>> -> memref<104x16xf32, #tpu.memory_space<vmem>>
    %dma_start3A_82 = arith.constant 208 : i32
    %dma_start3A_83 = tpu.memref_slice %arg16[%dma_start3A_82] : memref<2080xi32, #tpu.memory_space<vmem>> -> memref<104xi32, #tpu.memory_space<vmem>>
    %dma_start3A_84 = arith.constant 0 : i32
    %dma_start3A_85 = arith.constant 0 : i32
    %dma_start3A_86 = tpu.memref_slice %arg7[%dma_start3A_84, %dma_start3A_85] : memref<112500x16xf32, #tpu.memory_space<hbm>> -> memref<112500x16xf32, #tpu.memory_space<hbm>>
    tpu.enqueue_indirect_dma source(%dma_start3A_86 : memref<112500x16xf32, #tpu.memory_space<hbm>>) target(%dma_start3A_81 : memref<104x16xf32, #tpu.memory_space<vmem>>) offsets(%dma_start3A_83 : memref<104xi32, #tpu.memory_space<vmem>>) semaphore(%arg23 : memref<!tpu.dma_semaphore, #tpu.memory_space<semaphore_mem>>)
    %dma_start3A_87 = arith.constant 312 : i32
    %dma_start3A_88 = arith.constant 0 : i32
    %dma_start3A_89 = tpu.memref_slice %arg17[%dma_start3A_87, %dma_start3A_88] : memref<2080x16xf32, #tpu.memory_space<vmem>> -> memref<104x16xf32, #tpu.memory_space<vmem>>
    %dma_start3A_90 = arith.constant 312 : i32
    %dma_start3A_91 = tpu.memref_slice %arg16[%dma_start3A_90] : memref<2080xi32, #tpu.memory_space<vmem>> -> memref<104xi32, #tpu.memory_space<vmem>>
    %dma_start3A_92 = arith.constant 0 : i32
    %dma_start3A_93 = arith.constant 0 : i32
    %dma_start3A_94 = tpu.memref_slice %arg6[%dma_start3A_92, %dma_start3A_93] : memref<112500x16xf32, #tpu.memory_space<hbm>> -> memref<112500x16xf32, #tpu.memory_space<hbm>>
    tpu.enqueue_indirect_dma source(%dma_start3A_94 : memref<112500x16xf32, #tpu.memory_space<hbm>>) target(%dma_start3A_89 : memref<104x16xf32, #tpu.memory_space<vmem>>) offsets(%dma_start3A_91 : memref<104xi32, #tpu.memory_space<vmem>>) semaphore(%arg22 : memref<!tpu.dma_semaphore, #tpu.memory_space<semaphore_mem>>)
    %dma_start3A_95 = arith.constant 312 : i32
    %dma_start3A_96 = arith.constant 0 : i32
    %dma_start3A_97 = tpu.memref_slice %arg18[%dma_start3A_95, %dma_start3A_96] : memref<2080x16xf32, #tpu.memory_space<vmem>> -> memref<104x16xf32, #tpu.memory_space<vmem>>
    %dma_start3A_98 = arith.constant 312 : i32
    %dma_start3A_99 = tpu.memref_slice %arg16[%dma_start3A_98] : memref<2080xi32, #tpu.memory_space<vmem>> -> memref<104xi32, #tpu.memory_space<vmem>>
    %dma_start3A_100 = arith.constant 0 : i32
    %dma_start3A_101 = arith.constant 0 : i32
    %dma_start3A_102 = tpu.memref_slice %arg7[%dma_start3A_100, %dma_start3A_101] : memref<112500x16xf32, #tpu.memory_space<hbm>> -> memref<112500x16xf32, #tpu.memory_space<hbm>>
    tpu.enqueue_indirect_dma source(%dma_start3A_102 : memref<112500x16xf32, #tpu.memory_space<hbm>>) target(%dma_start3A_97 : memref<104x16xf32, #tpu.memory_space<vmem>>) offsets(%dma_start3A_99 : memref<104xi32, #tpu.memory_space<vmem>>) semaphore(%arg23 : memref<!tpu.dma_semaphore, #tpu.memory_space<semaphore_mem>>)
    %dma_start3A_103 = arith.constant 416 : i32
    %dma_start3A_104 = arith.constant 0 : i32
    %dma_start3A_105 = tpu.memref_slice %arg17[%dma_start3A_103, %dma_start3A_104] : memref<2080x16xf32, #tpu.memory_space<vmem>> -> memref<104x16xf32, #tpu.memory_space<vmem>>
    %dma_start3A_106 = arith.constant 416 : i32
    %dma_start3A_107 = tpu.memref_slice %arg16[%dma_start3A_106] : memref<2080xi32, #tpu.memory_space<vmem>> -> memref<104xi32, #tpu.memory_space<vmem>>
    %dma_start3A_108 = arith.constant 0 : i32
    %dma_start3A_109 = arith.constant 0 : i32
    %dma_start3A_110 = tpu.memref_slice %arg6[%dma_start3A_108, %dma_start3A_109] : memref<112500x16xf32, #tpu.memory_space<hbm>> -> memref<112500x16xf32, #tpu.memory_space<hbm>>
    tpu.enqueue_indirect_dma source(%dma_start3A_110 : memref<112500x16xf32, #tpu.memory_space<hbm>>) target(%dma_start3A_105 : memref<104x16xf32, #tpu.memory_space<vmem>>) offsets(%dma_start3A_107 : memref<104xi32, #tpu.memory_space<vmem>>) semaphore(%arg22 : memref<!tpu.dma_semaphore, #tpu.memory_space<semaphore_mem>>)
    %dma_start3A_111 = arith.constant 416 : i32
    %dma_start3A_112 = arith.constant 0 : i32
    %dma_start3A_113 = tpu.memref_slice %arg18[%dma_start3A_111, %dma_start3A_112] : memref<2080x16xf32, #tpu.memory_space<vmem>> -> memref<104x16xf32, #tpu.memory_space<vmem>>
    %dma_start3A_114 = arith.constant 416 : i32
    %dma_start3A_115 = tpu.memref_slice %arg16[%dma_start3A_114] : memref<2080xi32, #tpu.memory_space<vmem>> -> memref<104xi32, #tpu.memory_space<vmem>>
    %dma_start3A_116 = arith.constant 0 : i32
    %dma_start3A_117 = arith.constant 0 : i32
    %dma_start3A_118 = tpu.memref_slice %arg7[%dma_start3A_116, %dma_start3A_117] : memref<112500x16xf32, #tpu.memory_space<hbm>> -> memref<112500x16xf32, #tpu.memory_space<hbm>>
    tpu.enqueue_indirect_dma source(%dma_start3A_118 : memref<112500x16xf32, #tpu.memory_space<hbm>>) target(%dma_start3A_113 : memref<104x16xf32, #tpu.memory_space<vmem>>) offsets(%dma_start3A_115 : memref<104xi32, #tpu.memory_space<vmem>>) semaphore(%arg23 : memref<!tpu.dma_semaphore, #tpu.memory_space<semaphore_mem>>)
    %dma_start3A_119 = arith.constant 520 : i32
    %dma_start3A_120 = arith.constant 0 : i32
    %dma_start3A_121 = tpu.memref_slice %arg17[%dma_start3A_119, %dma_start3A_120] : memref<2080x16xf32, #tpu.memory_space<vmem>> -> memref<104x16xf32, #tpu.memory_space<vmem>>
    %dma_start3A_122 = arith.constant 520 : i32
    %dma_start3A_123 = tpu.memref_slice %arg16[%dma_start3A_122] : memref<2080xi32, #tpu.memory_space<vmem>> -> memref<104xi32, #tpu.memory_space<vmem>>
    %dma_start3A_124 = arith.constant 0 : i32
    %dma_start3A_125 = arith.constant 0 : i32
    %dma_start3A_126 = tpu.memref_slice %arg6[%dma_start3A_124, %dma_start3A_125] : memref<112500x16xf32, #tpu.memory_space<hbm>> -> memref<112500x16xf32, #tpu.memory_space<hbm>>
    tpu.enqueue_indirect_dma source(%dma_start3A_126 : memref<112500x16xf32, #tpu.memory_space<hbm>>) target(%dma_start3A_121 : memref<104x16xf32, #tpu.memory_space<vmem>>) offsets(%dma_start3A_123 : memref<104xi32, #tpu.memory_space<vmem>>) semaphore(%arg22 : memref<!tpu.dma_semaphore, #tpu.memory_space<semaphore_mem>>)
    %dma_start3A_127 = arith.constant 520 : i32
    %dma_start3A_128 = arith.constant 0 : i32
    %dma_start3A_129 = tpu.memref_slice %arg18[%dma_start3A_127, %dma_start3A_128] : memref<2080x16xf32, #tpu.memory_space<vmem>> -> memref<104x16xf32, #tpu.memory_space<vmem>>
    %dma_start3A_130 = arith.constant 520 : i32
    %dma_start3A_131 = tpu.memref_slice %arg16[%dma_start3A_130] : memref<2080xi32, #tpu.memory_space<vmem>> -> memref<104xi32, #tpu.memory_space<vmem>>
    %dma_start3A_132 = arith.constant 0 : i32
    %dma_start3A_133 = arith.constant 0 : i32
    %dma_start3A_134 = tpu.memref_slice %arg7[%dma_start3A_132, %dma_start3A_133] : memref<112500x16xf32, #tpu.memory_space<hbm>> -> memref<112500x16xf32, #tpu.memory_space<hbm>>
    tpu.enqueue_indirect_dma source(%dma_start3A_134 : memref<112500x16xf32, #tpu.memory_space<hbm>>) target(%dma_start3A_129 : memref<104x16xf32, #tpu.memory_space<vmem>>) offsets(%dma_start3A_131 : memref<104xi32, #tpu.memory_space<vmem>>) semaphore(%arg23 : memref<!tpu.dma_semaphore, #tpu.memory_space<semaphore_mem>>)
    %dma_start3A_135 = arith.constant 624 : i32
    %dma_start3A_136 = arith.constant 0 : i32
    %dma_start3A_137 = tpu.memref_slice %arg17[%dma_start3A_135, %dma_start3A_136] : memref<2080x16xf32, #tpu.memory_space<vmem>> -> memref<104x16xf32, #tpu.memory_space<vmem>>
    %dma_start3A_138 = arith.constant 624 : i32
    %dma_start3A_139 = tpu.memref_slice %arg16[%dma_start3A_138] : memref<2080xi32, #tpu.memory_space<vmem>> -> memref<104xi32, #tpu.memory_space<vmem>>
    %dma_start3A_140 = arith.constant 0 : i32
    %dma_start3A_141 = arith.constant 0 : i32
    %dma_start3A_142 = tpu.memref_slice %arg6[%dma_start3A_140, %dma_start3A_141] : memref<112500x16xf32, #tpu.memory_space<hbm>> -> memref<112500x16xf32, #tpu.memory_space<hbm>>
    tpu.enqueue_indirect_dma source(%dma_start3A_142 : memref<112500x16xf32, #tpu.memory_space<hbm>>) target(%dma_start3A_137 : memref<104x16xf32, #tpu.memory_space<vmem>>) offsets(%dma_start3A_139 : memref<104xi32, #tpu.memory_space<vmem>>) semaphore(%arg22 : memref<!tpu.dma_semaphore, #tpu.memory_space<semaphore_mem>>)
    %dma_start3A_143 = arith.constant 624 : i32
    %dma_start3A_144 = arith.constant 0 : i32
    %dma_start3A_145 = tpu.memref_slice %arg18[%dma_start3A_143, %dma_start3A_144] : memref<2080x16xf32, #tpu.memory_space<vmem>> -> memref<104x16xf32, #tpu.memory_space<vmem>>
    %dma_start3A_146 = arith.constant 624 : i32
    %dma_start3A_147 = tpu.memref_slice %arg16[%dma_start3A_146] : memref<2080xi32, #tpu.memory_space<vmem>> -> memref<104xi32, #tpu.memory_space<vmem>>
    %dma_start3A_148 = arith.constant 0 : i32
    %dma_start3A_149 = arith.constant 0 : i32
    %dma_start3A_150 = tpu.memref_slice %arg7[%dma_start3A_148, %dma_start3A_149] : memref<112500x16xf32, #tpu.memory_space<hbm>> -> memref<112500x16xf32, #tpu.memory_space<hbm>>
    tpu.enqueue_indirect_dma source(%dma_start3A_150 : memref<112500x16xf32, #tpu.memory_space<hbm>>) target(%dma_start3A_145 : memref<104x16xf32, #tpu.memory_space<vmem>>) offsets(%dma_start3A_147 : memref<104xi32, #tpu.memory_space<vmem>>) semaphore(%arg23 : memref<!tpu.dma_semaphore, #tpu.memory_space<semaphore_mem>>)
    %dma_start3A_151 = arith.constant 728 : i32
    %dma_start3A_152 = arith.constant 0 : i32
    %dma_start3A_153 = tpu.memref_slice %arg17[%dma_start3A_151, %dma_start3A_152] : memref<2080x16xf32, #tpu.memory_space<vmem>> -> memref<104x16xf32, #tpu.memory_space<vmem>>
    %dma_start3A_154 = arith.constant 728 : i32
    %dma_start3A_155 = tpu.memref_slice %arg16[%dma_start3A_154] : memref<2080xi32, #tpu.memory_space<vmem>> -> memref<104xi32, #tpu.memory_space<vmem>>
    %dma_start3A_156 = arith.constant 0 : i32
    %dma_start3A_157 = arith.constant 0 : i32
    %dma_start3A_158 = tpu.memref_slice %arg6[%dma_start3A_156, %dma_start3A_157] : memref<112500x16xf32, #tpu.memory_space<hbm>> -> memref<112500x16xf32, #tpu.memory_space<hbm>>
    tpu.enqueue_indirect_dma source(%dma_start3A_158 : memref<112500x16xf32, #tpu.memory_space<hbm>>) target(%dma_start3A_153 : memref<104x16xf32, #tpu.memory_space<vmem>>) offsets(%dma_start3A_155 : memref<104xi32, #tpu.memory_space<vmem>>) semaphore(%arg22 : memref<!tpu.dma_semaphore, #tpu.memory_space<semaphore_mem>>)
    %dma_start3A_159 = arith.constant 728 : i32
    %dma_start3A_160 = arith.constant 0 : i32
    %dma_start3A_161 = tpu.memref_slice %arg18[%dma_start3A_159, %dma_start3A_160] : memref<2080x16xf32, #tpu.memory_space<vmem>> -> memref<104x16xf32, #tpu.memory_space<vmem>>
    %dma_start3A_162 = arith.constant 728 : i32
    %dma_start3A_163 = tpu.memref_slice %arg16[%dma_start3A_162] : memref<2080xi32, #tpu.memory_space<vmem>> -> memref<104xi32, #tpu.memory_space<vmem>>
    %dma_start3A_164 = arith.constant 0 : i32
    %dma_start3A_165 = arith.constant 0 : i32
    %dma_start3A_166 = tpu.memref_slice %arg7[%dma_start3A_164, %dma_start3A_165] : memref<112500x16xf32, #tpu.memory_space<hbm>> -> memref<112500x16xf32, #tpu.memory_space<hbm>>
    tpu.enqueue_indirect_dma source(%dma_start3A_166 : memref<112500x16xf32, #tpu.memory_space<hbm>>) target(%dma_start3A_161 : memref<104x16xf32, #tpu.memory_space<vmem>>) offsets(%dma_start3A_163 : memref<104xi32, #tpu.memory_space<vmem>>) semaphore(%arg23 : memref<!tpu.dma_semaphore, #tpu.memory_space<semaphore_mem>>)
    %dma_start3A_167 = arith.constant 832 : i32
    %dma_start3A_168 = arith.constant 0 : i32
    %dma_start3A_169 = tpu.memref_slice %arg17[%dma_start3A_167, %dma_start3A_168] : memref<2080x16xf32, #tpu.memory_space<vmem>> -> memref<104x16xf32, #tpu.memory_space<vmem>>
    %dma_start3A_170 = arith.constant 832 : i32
    %dma_start3A_171 = tpu.memref_slice %arg16[%dma_start3A_170] : memref<2080xi32, #tpu.memory_space<vmem>> -> memref<104xi32, #tpu.memory_space<vmem>>
    %dma_start3A_172 = arith.constant 0 : i32
    %dma_start3A_173 = arith.constant 0 : i32
    %dma_start3A_174 = tpu.memref_slice %arg6[%dma_start3A_172, %dma_start3A_173] : memref<112500x16xf32, #tpu.memory_space<hbm>> -> memref<112500x16xf32, #tpu.memory_space<hbm>>
    tpu.enqueue_indirect_dma source(%dma_start3A_174 : memref<112500x16xf32, #tpu.memory_space<hbm>>) target(%dma_start3A_169 : memref<104x16xf32, #tpu.memory_space<vmem>>) offsets(%dma_start3A_171 : memref<104xi32, #tpu.memory_space<vmem>>) semaphore(%arg22 : memref<!tpu.dma_semaphore, #tpu.memory_space<semaphore_mem>>)
    %dma_start3A_175 = arith.constant 832 : i32
    %dma_start3A_176 = arith.constant 0 : i32
    %dma_start3A_177 = tpu.memref_slice %arg18[%dma_start3A_175, %dma_start3A_176] : memref<2080x16xf32, #tpu.memory_space<vmem>> -> memref<104x16xf32, #tpu.memory_space<vmem>>
    %dma_start3A_178 = arith.constant 832 : i32
    %dma_start3A_179 = tpu.memref_slice %arg16[%dma_start3A_178] : memref<2080xi32, #tpu.memory_space<vmem>> -> memref<104xi32, #tpu.memory_space<vmem>>
    %dma_start3A_180 = arith.constant 0 : i32
    %dma_start3A_181 = arith.constant 0 : i32
    %dma_start3A_182 = tpu.memref_slice %arg7[%dma_start3A_180, %dma_start3A_181] : memref<112500x16xf32, #tpu.memory_space<hbm>> -> memref<112500x16xf32, #tpu.memory_space<hbm>>
    tpu.enqueue_indirect_dma source(%dma_start3A_182 : memref<112500x16xf32, #tpu.memory_space<hbm>>) target(%dma_start3A_177 : memref<104x16xf32, #tpu.memory_space<vmem>>) offsets(%dma_start3A_179 : memref<104xi32, #tpu.memory_space<vmem>>) semaphore(%arg23 : memref<!tpu.dma_semaphore, #tpu.memory_space<semaphore_mem>>)
    %dma_start3A_183 = arith.constant 936 : i32
    %dma_start3A_184 = arith.constant 0 : i32
    %dma_start3A_185 = tpu.memref_slice %arg17[%dma_start3A_183, %dma_start3A_184] : memref<2080x16xf32, #tpu.memory_space<vmem>> -> memref<104x16xf32, #tpu.memory_space<vmem>>
    %dma_start3A_186 = arith.constant 936 : i32
    %dma_start3A_187 = tpu.memref_slice %arg16[%dma_start3A_186] : memref<2080xi32, #tpu.memory_space<vmem>> -> memref<104xi32, #tpu.memory_space<vmem>>
    %dma_start3A_188 = arith.constant 0 : i32
    %dma_start3A_189 = arith.constant 0 : i32
    %dma_start3A_190 = tpu.memref_slice %arg6[%dma_start3A_188, %dma_start3A_189] : memref<112500x16xf32, #tpu.memory_space<hbm>> -> memref<112500x16xf32, #tpu.memory_space<hbm>>
    tpu.enqueue_indirect_dma source(%dma_start3A_190 : memref<112500x16xf32, #tpu.memory_space<hbm>>) target(%dma_start3A_185 : memref<104x16xf32, #tpu.memory_space<vmem>>) offsets(%dma_start3A_187 : memref<104xi32, #tpu.memory_space<vmem>>) semaphore(%arg22 : memref<!tpu.dma_semaphore, #tpu.memory_space<semaphore_mem>>)
    %dma_start3A_191 = arith.constant 936 : i32
    %dma_start3A_192 = arith.constant 0 : i32
    %dma_start3A_193 = tpu.memref_slice %arg18[%dma_start3A_191, %dma_start3A_192] : memref<2080x16xf32, #tpu.memory_space<vmem>> -> memref<104x16xf32, #tpu.memory_space<vmem>>
    %dma_start3A_194 = arith.constant 936 : i32
    %dma_start3A_195 = tpu.memref_slice %arg16[%dma_start3A_194] : memref<2080xi32, #tpu.memory_space<vmem>> -> memref<104xi32, #tpu.memory_space<vmem>>
    %dma_start3A_196 = arith.constant 0 : i32
    %dma_start3A_197 = arith.constant 0 : i32
    %dma_start3A_198 = tpu.memref_slice %arg7[%dma_start3A_196, %dma_start3A_197] : memref<112500x16xf32, #tpu.memory_space<hbm>> -> memref<112500x16xf32, #tpu.memory_space<hbm>>
    tpu.enqueue_indirect_dma source(%dma_start3A_198 : memref<112500x16xf32, #tpu.memory_space<hbm>>) target(%dma_start3A_193 : memref<104x16xf32, #tpu.memory_space<vmem>>) offsets(%dma_start3A_195 : memref<104xi32, #tpu.memory_space<vmem>>) semaphore(%arg23 : memref<!tpu.dma_semaphore, #tpu.memory_space<semaphore_mem>>)
    %dma_start3A_199 = arith.constant 1040 : i32
    %dma_start3A_200 = arith.constant 0 : i32
    %dma_start3A_201 = tpu.memref_slice %arg17[%dma_start3A_199, %dma_start3A_200] : memref<2080x16xf32, #tpu.memory_space<vmem>> -> memref<104x16xf32, #tpu.memory_space<vmem>>
    %dma_start3A_202 = arith.constant 1040 : i32
    %dma_start3A_203 = tpu.memref_slice %arg16[%dma_start3A_202] : memref<2080xi32, #tpu.memory_space<vmem>> -> memref<104xi32, #tpu.memory_space<vmem>>
    %dma_start3A_204 = arith.constant 0 : i32
    %dma_start3A_205 = arith.constant 0 : i32
    %dma_start3A_206 = tpu.memref_slice %arg6[%dma_start3A_204, %dma_start3A_205] : memref<112500x16xf32, #tpu.memory_space<hbm>> -> memref<112500x16xf32, #tpu.memory_space<hbm>>
    tpu.enqueue_indirect_dma source(%dma_start3A_206 : memref<112500x16xf32, #tpu.memory_space<hbm>>) target(%dma_start3A_201 : memref<104x16xf32, #tpu.memory_space<vmem>>) offsets(%dma_start3A_203 : memref<104xi32, #tpu.memory_space<vmem>>) semaphore(%arg22 : memref<!tpu.dma_semaphore, #tpu.memory_space<semaphore_mem>>)
    %dma_start3A_207 = arith.constant 1040 : i32
    %dma_start3A_208 = arith.constant 0 : i32
    %dma_start3A_209 = tpu.memref_slice %arg18[%dma_start3A_207, %dma_start3A_208] : memref<2080x16xf32, #tpu.memory_space<vmem>> -> memref<104x16xf32, #tpu.memory_space<vmem>>
    %dma_start3A_210 = arith.constant 1040 : i32
    %dma_start3A_211 = tpu.memref_slice %arg16[%dma_start3A_210] : memref<2080xi32, #tpu.memory_space<vmem>> -> memref<104xi32, #tpu.memory_space<vmem>>
    %dma_start3A_212 = arith.constant 0 : i32
    %dma_start3A_213 = arith.constant 0 : i32
    %dma_start3A_214 = tpu.memref_slice %arg7[%dma_start3A_212, %dma_start3A_213] : memref<112500x16xf32, #tpu.memory_space<hbm>> -> memref<112500x16xf32, #tpu.memory_space<hbm>>
    tpu.enqueue_indirect_dma source(%dma_start3A_214 : memref<112500x16xf32, #tpu.memory_space<hbm>>) target(%dma_start3A_209 : memref<104x16xf32, #tpu.memory_space<vmem>>) offsets(%dma_start3A_211 : memref<104xi32, #tpu.memory_space<vmem>>) semaphore(%arg23 : memref<!tpu.dma_semaphore, #tpu.memory_space<semaphore_mem>>)
    %dma_start3A_215 = arith.constant 1144 : i32
    %dma_start3A_216 = arith.constant 0 : i32
    %dma_start3A_217 = tpu.memref_slice %arg17[%dma_start3A_215, %dma_start3A_216] : memref<2080x16xf32, #tpu.memory_space<vmem>> -> memref<104x16xf32, #tpu.memory_space<vmem>>
    %dma_start3A_218 = arith.constant 1144 : i32
    %dma_start3A_219 = tpu.memref_slice %arg16[%dma_start3A_218] : memref<2080xi32, #tpu.memory_space<vmem>> -> memref<104xi32, #tpu.memory_space<vmem>>
    %dma_start3A_220 = arith.constant 0 : i32
    %dma_start3A_221 = arith.constant 0 : i32
    %dma_start3A_222 = tpu.memref_slice %arg6[%dma_start3A_220, %dma_start3A_221] : memref<112500x16xf32, #tpu.memory_space<hbm>> -> memref<112500x16xf32, #tpu.memory_space<hbm>>
    tpu.enqueue_indirect_dma source(%dma_start3A_222 : memref<112500x16xf32, #tpu.memory_space<hbm>>) target(%dma_start3A_217 : memref<104x16xf32, #tpu.memory_space<vmem>>) offsets(%dma_start3A_219 : memref<104xi32, #tpu.memory_space<vmem>>) semaphore(%arg22 : memref<!tpu.dma_semaphore, #tpu.memory_space<semaphore_mem>>)
    %dma_start3A_223 = arith.constant 1144 : i32
    %dma_start3A_224 = arith.constant 0 : i32
    %dma_start3A_225 = tpu.memref_slice %arg18[%dma_start3A_223, %dma_start3A_224] : memref<2080x16xf32, #tpu.memory_space<vmem>> -> memref<104x16xf32, #tpu.memory_space<vmem>>
    %dma_start3A_226 = arith.constant 1144 : i32
    %dma_start3A_227 = tpu.memref_slice %arg16[%dma_start3A_226] : memref<2080xi32, #tpu.memory_space<vmem>> -> memref<104xi32, #tpu.memory_space<vmem>>
    %dma_start3A_228 = arith.constant 0 : i32
    %dma_start3A_229 = arith.constant 0 : i32
    %dma_start3A_230 = tpu.memref_slice %arg7[%dma_start3A_228, %dma_start3A_229] : memref<112500x16xf32, #tpu.memory_space<hbm>> -> memref<112500x16xf32, #tpu.memory_space<hbm>>
    tpu.enqueue_indirect_dma source(%dma_start3A_230 : memref<112500x16xf32, #tpu.memory_space<hbm>>) target(%dma_start3A_225 : memref<104x16xf32, #tpu.memory_space<vmem>>) offsets(%dma_start3A_227 : memref<104xi32, #tpu.memory_space<vmem>>) semaphore(%arg23 : memref<!tpu.dma_semaphore, #tpu.memory_space<semaphore_mem>>)
    %dma_start3A_231 = arith.constant 1248 : i32
    %dma_start3A_232 = arith.constant 0 : i32
    %dma_start3A_233 = tpu.memref_slice %arg17[%dma_start3A_231, %dma_start3A_232] : memref<2080x16xf32, #tpu.memory_space<vmem>> -> memref<104x16xf32, #tpu.memory_space<vmem>>
    %dma_start3A_234 = arith.constant 1248 : i32
    %dma_start3A_235 = tpu.memref_slice %arg16[%dma_start3A_234] : memref<2080xi32, #tpu.memory_space<vmem>> -> memref<104xi32, #tpu.memory_space<vmem>>
    %dma_start3A_236 = arith.constant 0 : i32
    %dma_start3A_237 = arith.constant 0 : i32
    %dma_start3A_238 = tpu.memref_slice %arg6[%dma_start3A_236, %dma_start3A_237] : memref<112500x16xf32, #tpu.memory_space<hbm>> -> memref<112500x16xf32, #tpu.memory_space<hbm>>
    tpu.enqueue_indirect_dma source(%dma_start3A_238 : memref<112500x16xf32, #tpu.memory_space<hbm>>) target(%dma_start3A_233 : memref<104x16xf32, #tpu.memory_space<vmem>>) offsets(%dma_start3A_235 : memref<104xi32, #tpu.memory_space<vmem>>) semaphore(%arg22 : memref<!tpu.dma_semaphore, #tpu.memory_space<semaphore_mem>>)
    %dma_start3A_239 = arith.constant 1248 : i32
    %dma_start3A_240 = arith.constant 0 : i32
    %dma_start3A_241 = tpu.memref_slice %arg18[%dma_start3A_239, %dma_start3A_240] : memref<2080x16xf32, #tpu.memory_space<vmem>> -> memref<104x16xf32, #tpu.memory_space<vmem>>
    %dma_start3A_242 = arith.constant 1248 : i32
    %dma_start3A_243 = tpu.memref_slice %arg16[%dma_start3A_242] : memref<2080xi32, #tpu.memory_space<vmem>> -> memref<104xi32, #tpu.memory_space<vmem>>
    %dma_start3A_244 = arith.constant 0 : i32
    %dma_start3A_245 = arith.constant 0 : i32
    %dma_start3A_246 = tpu.memref_slice %arg7[%dma_start3A_244, %dma_start3A_245] : memref<112500x16xf32, #tpu.memory_space<hbm>> -> memref<112500x16xf32, #tpu.memory_space<hbm>>
    tpu.enqueue_indirect_dma source(%dma_start3A_246 : memref<112500x16xf32, #tpu.memory_space<hbm>>) target(%dma_start3A_241 : memref<104x16xf32, #tpu.memory_space<vmem>>) offsets(%dma_start3A_243 : memref<104xi32, #tpu.memory_space<vmem>>) semaphore(%arg23 : memref<!tpu.dma_semaphore, #tpu.memory_space<semaphore_mem>>)
    %dma_start3A_247 = arith.constant 1352 : i32
    %dma_start3A_248 = arith.constant 0 : i32
    %dma_start3A_249 = tpu.memref_slice %arg17[%dma_start3A_247, %dma_start3A_248] : memref<2080x16xf32, #tpu.memory_space<vmem>> -> memref<104x16xf32, #tpu.memory_space<vmem>>
    %dma_start3A_250 = arith.constant 1352 : i32
    %dma_start3A_251 = tpu.memref_slice %arg16[%dma_start3A_250] : memref<2080xi32, #tpu.memory_space<vmem>> -> memref<104xi32, #tpu.memory_space<vmem>>
    %dma_start3A_252 = arith.constant 0 : i32
    %dma_start3A_253 = arith.constant 0 : i32
    %dma_start3A_254 = tpu.memref_slice %arg6[%dma_start3A_252, %dma_start3A_253] : memref<112500x16xf32, #tpu.memory_space<hbm>> -> memref<112500x16xf32, #tpu.memory_space<hbm>>
    tpu.enqueue_indirect_dma source(%dma_start3A_254 : memref<112500x16xf32, #tpu.memory_space<hbm>>) target(%dma_start3A_249 : memref<104x16xf32, #tpu.memory_space<vmem>>) offsets(%dma_start3A_251 : memref<104xi32, #tpu.memory_space<vmem>>) semaphore(%arg22 : memref<!tpu.dma_semaphore, #tpu.memory_space<semaphore_mem>>)
    %dma_start3A_255 = arith.constant 1352 : i32
    %dma_start3A_256 = arith.constant 0 : i32
    %dma_start3A_257 = tpu.memref_slice %arg18[%dma_start3A_255, %dma_start3A_256] : memref<2080x16xf32, #tpu.memory_space<vmem>> -> memref<104x16xf32, #tpu.memory_space<vmem>>
    %dma_start3A_258 = arith.constant 1352 : i32
    %dma_start3A_259 = tpu.memref_slice %arg16[%dma_start3A_258] : memref<2080xi32, #tpu.memory_space<vmem>> -> memref<104xi32, #tpu.memory_space<vmem>>
    %dma_start3A_260 = arith.constant 0 : i32
    %dma_start3A_261 = arith.constant 0 : i32
    %dma_start3A_262 = tpu.memref_slice %arg7[%dma_start3A_260, %dma_start3A_261] : memref<112500x16xf32, #tpu.memory_space<hbm>> -> memref<112500x16xf32, #tpu.memory_space<hbm>>
    tpu.enqueue_indirect_dma source(%dma_start3A_262 : memref<112500x16xf32, #tpu.memory_space<hbm>>) target(%dma_start3A_257 : memref<104x16xf32, #tpu.memory_space<vmem>>) offsets(%dma_start3A_259 : memref<104xi32, #tpu.memory_space<vmem>>) semaphore(%arg23 : memref<!tpu.dma_semaphore, #tpu.memory_space<semaphore_mem>>)
    %dma_start3A_263 = arith.constant 1456 : i32
    %dma_start3A_264 = arith.constant 0 : i32
    %dma_start3A_265 = tpu.memref_slice %arg17[%dma_start3A_263, %dma_start3A_264] : memref<2080x16xf32, #tpu.memory_space<vmem>> -> memref<104x16xf32, #tpu.memory_space<vmem>>
    %dma_start3A_266 = arith.constant 1456 : i32
    %dma_start3A_267 = tpu.memref_slice %arg16[%dma_start3A_266] : memref<2080xi32, #tpu.memory_space<vmem>> -> memref<104xi32, #tpu.memory_space<vmem>>
    %dma_start3A_268 = arith.constant 0 : i32
    %dma_start3A_269 = arith.constant 0 : i32
    %dma_start3A_270 = tpu.memref_slice %arg6[%dma_start3A_268, %dma_start3A_269] : memref<112500x16xf32, #tpu.memory_space<hbm>> -> memref<112500x16xf32, #tpu.memory_space<hbm>>
    tpu.enqueue_indirect_dma source(%dma_start3A_270 : memref<112500x16xf32, #tpu.memory_space<hbm>>) target(%dma_start3A_265 : memref<104x16xf32, #tpu.memory_space<vmem>>) offsets(%dma_start3A_267 : memref<104xi32, #tpu.memory_space<vmem>>) semaphore(%arg22 : memref<!tpu.dma_semaphore, #tpu.memory_space<semaphore_mem>>)
    %dma_start3A_271 = arith.constant 1456 : i32
    %dma_start3A_272 = arith.constant 0 : i32
    %dma_start3A_273 = tpu.memref_slice %arg18[%dma_start3A_271, %dma_start3A_272] : memref<2080x16xf32, #tpu.memory_space<vmem>> -> memref<104x16xf32, #tpu.memory_space<vmem>>
    %dma_start3A_274 = arith.constant 1456 : i32
    %dma_start3A_275 = tpu.memref_slice %arg16[%dma_start3A_274] : memref<2080xi32, #tpu.memory_space<vmem>> -> memref<104xi32, #tpu.memory_space<vmem>>
    %dma_start3A_276 = arith.constant 0 : i32
    %dma_start3A_277 = arith.constant 0 : i32
    %dma_start3A_278 = tpu.memref_slice %arg7[%dma_start3A_276, %dma_start3A_277] : memref<112500x16xf32, #tpu.memory_space<hbm>> -> memref<112500x16xf32, #tpu.memory_space<hbm>>
    tpu.enqueue_indirect_dma source(%dma_start3A_278 : memref<112500x16xf32, #tpu.memory_space<hbm>>) target(%dma_start3A_273 : memref<104x16xf32, #tpu.memory_space<vmem>>) offsets(%dma_start3A_275 : memref<104xi32, #tpu.memory_space<vmem>>) semaphore(%arg23 : memref<!tpu.dma_semaphore, #tpu.memory_space<semaphore_mem>>)
    %dma_start3A_279 = arith.constant 1560 : i32
    %dma_start3A_280 = arith.constant 0 : i32
    %dma_start3A_281 = tpu.memref_slice %arg17[%dma_start3A_279, %dma_start3A_280] : memref<2080x16xf32, #tpu.memory_space<vmem>> -> memref<104x16xf32, #tpu.memory_space<vmem>>
    %dma_start3A_282 = arith.constant 1560 : i32
    %dma_start3A_283 = tpu.memref_slice %arg16[%dma_start3A_282] : memref<2080xi32, #tpu.memory_space<vmem>> -> memref<104xi32, #tpu.memory_space<vmem>>
    %dma_start3A_284 = arith.constant 0 : i32
    %dma_start3A_285 = arith.constant 0 : i32
    %dma_start3A_286 = tpu.memref_slice %arg6[%dma_start3A_284, %dma_start3A_285] : memref<112500x16xf32, #tpu.memory_space<hbm>> -> memref<112500x16xf32, #tpu.memory_space<hbm>>
    tpu.enqueue_indirect_dma source(%dma_start3A_286 : memref<112500x16xf32, #tpu.memory_space<hbm>>) target(%dma_start3A_281 : memref<104x16xf32, #tpu.memory_space<vmem>>) offsets(%dma_start3A_283 : memref<104xi32, #tpu.memory_space<vmem>>) semaphore(%arg22 : memref<!tpu.dma_semaphore, #tpu.memory_space<semaphore_mem>>)
    %dma_start3A_287 = arith.constant 1560 : i32
    %dma_start3A_288 = arith.constant 0 : i32
    %dma_start3A_289 = tpu.memref_slice %arg18[%dma_start3A_287, %dma_start3A_288] : memref<2080x16xf32, #tpu.memory_space<vmem>> -> memref<104x16xf32, #tpu.memory_space<vmem>>
    %dma_start3A_290 = arith.constant 1560 : i32
    %dma_start3A_291 = tpu.memref_slice %arg16[%dma_start3A_290] : memref<2080xi32, #tpu.memory_space<vmem>> -> memref<104xi32, #tpu.memory_space<vmem>>
    %dma_start3A_292 = arith.constant 0 : i32
    %dma_start3A_293 = arith.constant 0 : i32
    %dma_start3A_294 = tpu.memref_slice %arg7[%dma_start3A_292, %dma_start3A_293] : memref<112500x16xf32, #tpu.memory_space<hbm>> -> memref<112500x16xf32, #tpu.memory_space<hbm>>
    tpu.enqueue_indirect_dma source(%dma_start3A_294 : memref<112500x16xf32, #tpu.memory_space<hbm>>) target(%dma_start3A_289 : memref<104x16xf32, #tpu.memory_space<vmem>>) offsets(%dma_start3A_291 : memref<104xi32, #tpu.memory_space<vmem>>) semaphore(%arg23 : memref<!tpu.dma_semaphore, #tpu.memory_space<semaphore_mem>>)
    %dma_start3A_295 = arith.constant 1664 : i32
    %dma_start3A_296 = arith.constant 0 : i32
    %dma_start3A_297 = tpu.memref_slice %arg17[%dma_start3A_295, %dma_start3A_296] : memref<2080x16xf32, #tpu.memory_space<vmem>> -> memref<104x16xf32, #tpu.memory_space<vmem>>
    %dma_start3A_298 = arith.constant 1664 : i32
    %dma_start3A_299 = tpu.memref_slice %arg16[%dma_start3A_298] : memref<2080xi32, #tpu.memory_space<vmem>> -> memref<104xi32, #tpu.memory_space<vmem>>
    %dma_start3A_300 = arith.constant 0 : i32
    %dma_start3A_301 = arith.constant 0 : i32
    %dma_start3A_302 = tpu.memref_slice %arg6[%dma_start3A_300, %dma_start3A_301] : memref<112500x16xf32, #tpu.memory_space<hbm>> -> memref<112500x16xf32, #tpu.memory_space<hbm>>
    tpu.enqueue_indirect_dma source(%dma_start3A_302 : memref<112500x16xf32, #tpu.memory_space<hbm>>) target(%dma_start3A_297 : memref<104x16xf32, #tpu.memory_space<vmem>>) offsets(%dma_start3A_299 : memref<104xi32, #tpu.memory_space<vmem>>) semaphore(%arg22 : memref<!tpu.dma_semaphore, #tpu.memory_space<semaphore_mem>>)
    %dma_start3A_303 = arith.constant 1664 : i32
    %dma_start3A_304 = arith.constant 0 : i32
    %dma_start3A_305 = tpu.memref_slice %arg18[%dma_start3A_303, %dma_start3A_304] : memref<2080x16xf32, #tpu.memory_space<vmem>> -> memref<104x16xf32, #tpu.memory_space<vmem>>
    %dma_start3A_306 = arith.constant 1664 : i32
    %dma_start3A_307 = tpu.memref_slice %arg16[%dma_start3A_306] : memref<2080xi32, #tpu.memory_space<vmem>> -> memref<104xi32, #tpu.memory_space<vmem>>
    %dma_start3A_308 = arith.constant 0 : i32
    %dma_start3A_309 = arith.constant 0 : i32
    %dma_start3A_310 = tpu.memref_slice %arg7[%dma_start3A_308, %dma_start3A_309] : memref<112500x16xf32, #tpu.memory_space<hbm>> -> memref<112500x16xf32, #tpu.memory_space<hbm>>
    tpu.enqueue_indirect_dma source(%dma_start3A_310 : memref<112500x16xf32, #tpu.memory_space<hbm>>) target(%dma_start3A_305 : memref<104x16xf32, #tpu.memory_space<vmem>>) offsets(%dma_start3A_307 : memref<104xi32, #tpu.memory_space<vmem>>) semaphore(%arg23 : memref<!tpu.dma_semaphore, #tpu.memory_space<semaphore_mem>>)
    %dma_start3A_311 = arith.constant 1768 : i32
    %dma_start3A_312 = arith.constant 0 : i32
    %dma_start3A_313 = tpu.memref_slice %arg17[%dma_start3A_311, %dma_start3A_312] : memref<2080x16xf32, #tpu.memory_space<vmem>> -> memref<104x16xf32, #tpu.memory_space<vmem>>
    %dma_start3A_314 = arith.constant 1768 : i32
    %dma_start3A_315 = tpu.memref_slice %arg16[%dma_start3A_314] : memref<2080xi32, #tpu.memory_space<vmem>> -> memref<104xi32, #tpu.memory_space<vmem>>
    %dma_start3A_316 = arith.constant 0 : i32
    %dma_start3A_317 = arith.constant 0 : i32
    %dma_start3A_318 = tpu.memref_slice %arg6[%dma_start3A_316, %dma_start3A_317] : memref<112500x16xf32, #tpu.memory_space<hbm>> -> memref<112500x16xf32, #tpu.memory_space<hbm>>
    tpu.enqueue_indirect_dma source(%dma_start3A_318 : memref<112500x16xf32, #tpu.memory_space<hbm>>) target(%dma_start3A_313 : memref<104x16xf32, #tpu.memory_space<vmem>>) offsets(%dma_start3A_315 : memref<104xi32, #tpu.memory_space<vmem>>) semaphore(%arg22 : memref<!tpu.dma_semaphore, #tpu.memory_space<semaphore_mem>>)
    %dma_start3A_319 = arith.constant 1768 : i32
    %dma_start3A_320 = arith.constant 0 : i32
    %dma_start3A_321 = tpu.memref_slice %arg18[%dma_start3A_319, %dma_start3A_320] : memref<2080x16xf32, #tpu.memory_space<vmem>> -> memref<104x16xf32, #tpu.memory_space<vmem>>
    %dma_start3A_322 = arith.constant 1768 : i32
    %dma_start3A_323 = tpu.memref_slice %arg16[%dma_start3A_322] : memref<2080xi32, #tpu.memory_space<vmem>> -> memref<104xi32, #tpu.memory_space<vmem>>
    %dma_start3A_324 = arith.constant 0 : i32
    %dma_start3A_325 = arith.constant 0 : i32
    %dma_start3A_326 = tpu.memref_slice %arg7[%dma_start3A_324, %dma_start3A_325] : memref<112500x16xf32, #tpu.memory_space<hbm>> -> memref<112500x16xf32, #tpu.memory_space<hbm>>
    tpu.enqueue_indirect_dma source(%dma_start3A_326 : memref<112500x16xf32, #tpu.memory_space<hbm>>) target(%dma_start3A_321 : memref<104x16xf32, #tpu.memory_space<vmem>>) offsets(%dma_start3A_323 : memref<104xi32, #tpu.memory_space<vmem>>) semaphore(%arg23 : memref<!tpu.dma_semaphore, #tpu.memory_space<semaphore_mem>>)
    %dma_start3A_327 = arith.constant 1872 : i32
    %dma_start3A_328 = arith.constant 0 : i32
    %dma_start3A_329 = tpu.memref_slice %arg17[%dma_start3A_327, %dma_start3A_328] : memref<2080x16xf32, #tpu.memory_space<vmem>> -> memref<104x16xf32, #tpu.memory_space<vmem>>
    %dma_start3A_330 = arith.constant 1872 : i32
    %dma_start3A_331 = tpu.memref_slice %arg16[%dma_start3A_330] : memref<2080xi32, #tpu.memory_space<vmem>> -> memref<104xi32, #tpu.memory_space<vmem>>
    %dma_start3A_332 = arith.constant 0 : i32
    %dma_start3A_333 = arith.constant 0 : i32
    %dma_start3A_334 = tpu.memref_slice %arg6[%dma_start3A_332, %dma_start3A_333] : memref<112500x16xf32, #tpu.memory_space<hbm>> -> memref<112500x16xf32, #tpu.memory_space<hbm>>
    tpu.enqueue_indirect_dma source(%dma_start3A_334 : memref<112500x16xf32, #tpu.memory_space<hbm>>) target(%dma_start3A_329 : memref<104x16xf32, #tpu.memory_space<vmem>>) offsets(%dma_start3A_331 : memref<104xi32, #tpu.memory_space<vmem>>) semaphore(%arg22 : memref<!tpu.dma_semaphore, #tpu.memory_space<semaphore_mem>>)
    %dma_start3A_335 = arith.constant 1872 : i32
    %dma_start3A_336 = arith.constant 0 : i32
    %dma_start3A_337 = tpu.memref_slice %arg18[%dma_start3A_335, %dma_start3A_336] : memref<2080x16xf32, #tpu.memory_space<vmem>> -> memref<104x16xf32, #tpu.memory_space<vmem>>
    %dma_start3A_338 = arith.constant 1872 : i32
    %dma_start3A_339 = tpu.memref_slice %arg16[%dma_start3A_338] : memref<2080xi32, #tpu.memory_space<vmem>> -> memref<104xi32, #tpu.memory_space<vmem>>
    %dma_start3A_340 = arith.constant 0 : i32
    %dma_start3A_341 = arith.constant 0 : i32
    %dma_start3A_342 = tpu.memref_slice %arg7[%dma_start3A_340, %dma_start3A_341] : memref<112500x16xf32, #tpu.memory_space<hbm>> -> memref<112500x16xf32, #tpu.memory_space<hbm>>
    tpu.enqueue_indirect_dma source(%dma_start3A_342 : memref<112500x16xf32, #tpu.memory_space<hbm>>) target(%dma_start3A_337 : memref<104x16xf32, #tpu.memory_space<vmem>>) offsets(%dma_start3A_339 : memref<104xi32, #tpu.memory_space<vmem>>) semaphore(%arg23 : memref<!tpu.dma_semaphore, #tpu.memory_space<semaphore_mem>>)
    %dma_start3A_343 = arith.constant 1976 : i32
    %dma_start3A_344 = arith.constant 0 : i32
    %dma_start3A_345 = tpu.memref_slice %arg17[%dma_start3A_343, %dma_start3A_344] : memref<2080x16xf32, #tpu.memory_space<vmem>> -> memref<104x16xf32, #tpu.memory_space<vmem>>
    %dma_start3A_346 = arith.constant 1976 : i32
    %dma_start3A_347 = tpu.memref_slice %arg16[%dma_start3A_346] : memref<2080xi32, #tpu.memory_space<vmem>> -> memref<104xi32, #tpu.memory_space<vmem>>
    %dma_start3A_348 = arith.constant 0 : i32
    %dma_start3A_349 = arith.constant 0 : i32
    %dma_start3A_350 = tpu.memref_slice %arg6[%dma_start3A_348, %dma_start3A_349] : memref<112500x16xf32, #tpu.memory_space<hbm>> -> memref<112500x16xf32, #tpu.memory_space<hbm>>
    tpu.enqueue_indirect_dma source(%dma_start3A_350 : memref<112500x16xf32, #tpu.memory_space<hbm>>) target(%dma_start3A_345 : memref<104x16xf32, #tpu.memory_space<vmem>>) offsets(%dma_start3A_347 : memref<104xi32, #tpu.memory_space<vmem>>) semaphore(%arg22 : memref<!tpu.dma_semaphore, #tpu.memory_space<semaphore_mem>>)
    %dma_start3A_351 = arith.constant 1976 : i32
    %dma_start3A_352 = arith.constant 0 : i32
    %dma_start3A_353 = tpu.memref_slice %arg18[%dma_start3A_351, %dma_start3A_352] : memref<2080x16xf32, #tpu.memory_space<vmem>> -> memref<104x16xf32, #tpu.memory_space<vmem>>
    %dma_start3A_354 = arith.constant 1976 : i32
    %dma_start3A_355 = tpu.memref_slice %arg16[%dma_start3A_354] : memref<2080xi32, #tpu.memory_space<vmem>> -> memref<104xi32, #tpu.memory_space<vmem>>
    %dma_start3A_356 = arith.constant 0 : i32
    %dma_start3A_357 = arith.constant 0 : i32
    %dma_start3A_358 = tpu.memref_slice %arg7[%dma_start3A_356, %dma_start3A_357] : memref<112500x16xf32, #tpu.memory_space<hbm>> -> memref<112500x16xf32, #tpu.memory_space<hbm>>
    tpu.enqueue_indirect_dma source(%dma_start3A_358 : memref<112500x16xf32, #tpu.memory_space<hbm>>) target(%dma_start3A_353 : memref<104x16xf32, #tpu.memory_space<vmem>>) offsets(%dma_start3A_355 : memref<104xi32, #tpu.memory_space<vmem>>) semaphore(%arg23 : memref<!tpu.dma_semaphore, #tpu.memory_space<semaphore_mem>>)
    %dma_wait3A_359 = arith.constant 0 : i32
    %dma_wait3A_360 = arith.constant 0 : i32
    %dma_wait3A_361 = tpu.memref_slice %arg17[%dma_wait3A_359, %dma_wait3A_360] : memref<2080x16xf32, #tpu.memory_space<vmem>> -> memref<104x16xf32, #tpu.memory_space<vmem>>
    %dma_wait3A_362 = arith.constant 0 : i32
    %dma_wait3A_363 = tpu.memref_slice %arg16[%dma_wait3A_362] : memref<2080xi32, #tpu.memory_space<vmem>> -> memref<104xi32, #tpu.memory_space<vmem>>
    %dma_wait3A_364 = arith.constant 0 : i32
    %dma_wait3A_365 = arith.constant 0 : i32
    %dma_wait3A_366 = tpu.memref_slice %arg6[%dma_wait3A_364, %dma_wait3A_365] : memref<112500x16xf32, #tpu.memory_space<hbm>> -> memref<112500x16xf32, #tpu.memory_space<hbm>>
    tpu.wait_indirect_dma semaphore(%arg22 : memref<!tpu.dma_semaphore, #tpu.memory_space<semaphore_mem>>) src(%dma_wait3A_366 : memref<112500x16xf32, #tpu.memory_space<hbm>>) dst(%dma_wait3A_361 : memref<104x16xf32, #tpu.memory_space<vmem>>)
    %dma_wait3A_367 = arith.constant 0 : i32
    %dma_wait3A_368 = arith.constant 0 : i32
    %dma_wait3A_369 = tpu.memref_slice %arg18[%dma_wait3A_367, %dma_wait3A_368] : memref<2080x16xf32, #tpu.memory_space<vmem>> -> memref<104x16xf32, #tpu.memory_space<vmem>>
    %dma_wait3A_370 = arith.constant 0 : i32
    %dma_wait3A_371 = tpu.memref_slice %arg16[%dma_wait3A_370] : memref<2080xi32, #tpu.memory_space<vmem>> -> memref<104xi32, #tpu.memory_space<vmem>>
    %dma_wait3A_372 = arith.constant 0 : i32
    %dma_wait3A_373 = arith.constant 0 : i32
    %dma_wait3A_374 = tpu.memref_slice %arg7[%dma_wait3A_372, %dma_wait3A_373] : memref<112500x16xf32, #tpu.memory_space<hbm>> -> memref<112500x16xf32, #tpu.memory_space<hbm>>
    tpu.wait_indirect_dma semaphore(%arg23 : memref<!tpu.dma_semaphore, #tpu.memory_space<semaphore_mem>>) src(%dma_wait3A_374 : memref<112500x16xf32, #tpu.memory_space<hbm>>) dst(%dma_wait3A_369 : memref<104x16xf32, #tpu.memory_space<vmem>>)
    %dma_wait3A_375 = arith.constant 104 : i32
    %dma_wait3A_376 = arith.constant 0 : i32
    %dma_wait3A_377 = tpu.memref_slice %arg17[%dma_wait3A_375, %dma_wait3A_376] : memref<2080x16xf32, #tpu.memory_space<vmem>> -> memref<104x16xf32, #tpu.memory_space<vmem>>
    %dma_wait3A_378 = arith.constant 104 : i32
    %dma_wait3A_379 = tpu.memref_slice %arg16[%dma_wait3A_378] : memref<2080xi32, #tpu.memory_space<vmem>> -> memref<104xi32, #tpu.memory_space<vmem>>
    %dma_wait3A_380 = arith.constant 0 : i32
    %dma_wait3A_381 = arith.constant 0 : i32
    %dma_wait3A_382 = tpu.memref_slice %arg6[%dma_wait3A_380, %dma_wait3A_381] : memref<112500x16xf32, #tpu.memory_space<hbm>> -> memref<112500x16xf32, #tpu.memory_space<hbm>>
    tpu.wait_indirect_dma semaphore(%arg22 : memref<!tpu.dma_semaphore, #tpu.memory_space<semaphore_mem>>) src(%dma_wait3A_382 : memref<112500x16xf32, #tpu.memory_space<hbm>>) dst(%dma_wait3A_377 : memref<104x16xf32, #tpu.memory_space<vmem>>)
    %dma_wait3A_383 = arith.constant 104 : i32
    %dma_wait3A_384 = arith.constant 0 : i32
    %dma_wait3A_385 = tpu.memref_slice %arg18[%dma_wait3A_383, %dma_wait3A_384] : memref<2080x16xf32, #tpu.memory_space<vmem>> -> memref<104x16xf32, #tpu.memory_space<vmem>>
    %dma_wait3A_386 = arith.constant 104 : i32
    %dma_wait3A_387 = tpu.memref_slice %arg16[%dma_wait3A_386] : memref<2080xi32, #tpu.memory_space<vmem>> -> memref<104xi32, #tpu.memory_space<vmem>>
    %dma_wait3A_388 = arith.constant 0 : i32
    %dma_wait3A_389 = arith.constant 0 : i32
    %dma_wait3A_390 = tpu.memref_slice %arg7[%dma_wait3A_388, %dma_wait3A_389] : memref<112500x16xf32, #tpu.memory_space<hbm>> -> memref<112500x16xf32, #tpu.memory_space<hbm>>
    tpu.wait_indirect_dma semaphore(%arg23 : memref<!tpu.dma_semaphore, #tpu.memory_space<semaphore_mem>>) src(%dma_wait3A_390 : memref<112500x16xf32, #tpu.memory_space<hbm>>) dst(%dma_wait3A_385 : memref<104x16xf32, #tpu.memory_space<vmem>>)
    %dma_wait3A_391 = arith.constant 208 : i32
    %dma_wait3A_392 = arith.constant 0 : i32
    %dma_wait3A_393 = tpu.memref_slice %arg17[%dma_wait3A_391, %dma_wait3A_392] : memref<2080x16xf32, #tpu.memory_space<vmem>> -> memref<104x16xf32, #tpu.memory_space<vmem>>
    %dma_wait3A_394 = arith.constant 208 : i32
    %dma_wait3A_395 = tpu.memref_slice %arg16[%dma_wait3A_394] : memref<2080xi32, #tpu.memory_space<vmem>> -> memref<104xi32, #tpu.memory_space<vmem>>
    %dma_wait3A_396 = arith.constant 0 : i32
    %dma_wait3A_397 = arith.constant 0 : i32
    %dma_wait3A_398 = tpu.memref_slice %arg6[%dma_wait3A_396, %dma_wait3A_397] : memref<112500x16xf32, #tpu.memory_space<hbm>> -> memref<112500x16xf32, #tpu.memory_space<hbm>>
    tpu.wait_indirect_dma semaphore(%arg22 : memref<!tpu.dma_semaphore, #tpu.memory_space<semaphore_mem>>) src(%dma_wait3A_398 : memref<112500x16xf32, #tpu.memory_space<hbm>>) dst(%dma_wait3A_393 : memref<104x16xf32, #tpu.memory_space<vmem>>)
    %dma_wait3A_399 = arith.constant 208 : i32
    %dma_wait3A_400 = arith.constant 0 : i32
    %dma_wait3A_401 = tpu.memref_slice %arg18[%dma_wait3A_399, %dma_wait3A_400] : memref<2080x16xf32, #tpu.memory_space<vmem>> -> memref<104x16xf32, #tpu.memory_space<vmem>>
    %dma_wait3A_402 = arith.constant 208 : i32
    %dma_wait3A_403 = tpu.memref_slice %arg16[%dma_wait3A_402] : memref<2080xi32, #tpu.memory_space<vmem>> -> memref<104xi32, #tpu.memory_space<vmem>>
    %dma_wait3A_404 = arith.constant 0 : i32
    %dma_wait3A_405 = arith.constant 0 : i32
    %dma_wait3A_406 = tpu.memref_slice %arg7[%dma_wait3A_404, %dma_wait3A_405] : memref<112500x16xf32, #tpu.memory_space<hbm>> -> memref<112500x16xf32, #tpu.memory_space<hbm>>
    tpu.wait_indirect_dma semaphore(%arg23 : memref<!tpu.dma_semaphore, #tpu.memory_space<semaphore_mem>>) src(%dma_wait3A_406 : memref<112500x16xf32, #tpu.memory_space<hbm>>) dst(%dma_wait3A_401 : memref<104x16xf32, #tpu.memory_space<vmem>>)
    %dma_wait3A_407 = arith.constant 312 : i32
    %dma_wait3A_408 = arith.constant 0 : i32
    %dma_wait3A_409 = tpu.memref_slice %arg17[%dma_wait3A_407, %dma_wait3A_408] : memref<2080x16xf32, #tpu.memory_space<vmem>> -> memref<104x16xf32, #tpu.memory_space<vmem>>
    %dma_wait3A_410 = arith.constant 312 : i32
    %dma_wait3A_411 = tpu.memref_slice %arg16[%dma_wait3A_410] : memref<2080xi32, #tpu.memory_space<vmem>> -> memref<104xi32, #tpu.memory_space<vmem>>
    %dma_wait3A_412 = arith.constant 0 : i32
    %dma_wait3A_413 = arith.constant 0 : i32
    %dma_wait3A_414 = tpu.memref_slice %arg6[%dma_wait3A_412, %dma_wait3A_413] : memref<112500x16xf32, #tpu.memory_space<hbm>> -> memref<112500x16xf32, #tpu.memory_space<hbm>>
    tpu.wait_indirect_dma semaphore(%arg22 : memref<!tpu.dma_semaphore, #tpu.memory_space<semaphore_mem>>) src(%dma_wait3A_414 : memref<112500x16xf32, #tpu.memory_space<hbm>>) dst(%dma_wait3A_409 : memref<104x16xf32, #tpu.memory_space<vmem>>)
    %dma_wait3A_415 = arith.constant 312 : i32
    %dma_wait3A_416 = arith.constant 0 : i32
    %dma_wait3A_417 = tpu.memref_slice %arg18[%dma_wait3A_415, %dma_wait3A_416] : memref<2080x16xf32, #tpu.memory_space<vmem>> -> memref<104x16xf32, #tpu.memory_space<vmem>>
    %dma_wait3A_418 = arith.constant 312 : i32
    %dma_wait3A_419 = tpu.memref_slice %arg16[%dma_wait3A_418] : memref<2080xi32, #tpu.memory_space<vmem>> -> memref<104xi32, #tpu.memory_space<vmem>>
    %dma_wait3A_420 = arith.constant 0 : i32
    %dma_wait3A_421 = arith.constant 0 : i32
    %dma_wait3A_422 = tpu.memref_slice %arg7[%dma_wait3A_420, %dma_wait3A_421] : memref<112500x16xf32, #tpu.memory_space<hbm>> -> memref<112500x16xf32, #tpu.memory_space<hbm>>
    tpu.wait_indirect_dma semaphore(%arg23 : memref<!tpu.dma_semaphore, #tpu.memory_space<semaphore_mem>>) src(%dma_wait3A_422 : memref<112500x16xf32, #tpu.memory_space<hbm>>) dst(%dma_wait3A_417 : memref<104x16xf32, #tpu.memory_space<vmem>>)
    %dma_wait3A_423 = arith.constant 416 : i32
    %dma_wait3A_424 = arith.constant 0 : i32
    %dma_wait3A_425 = tpu.memref_slice %arg17[%dma_wait3A_423, %dma_wait3A_424] : memref<2080x16xf32, #tpu.memory_space<vmem>> -> memref<104x16xf32, #tpu.memory_space<vmem>>
    %dma_wait3A_426 = arith.constant 416 : i32
    %dma_wait3A_427 = tpu.memref_slice %arg16[%dma_wait3A_426] : memref<2080xi32, #tpu.memory_space<vmem>> -> memref<104xi32, #tpu.memory_space<vmem>>
    %dma_wait3A_428 = arith.constant 0 : i32
    %dma_wait3A_429 = arith.constant 0 : i32
    %dma_wait3A_430 = tpu.memref_slice %arg6[%dma_wait3A_428, %dma_wait3A_429] : memref<112500x16xf32, #tpu.memory_space<hbm>> -> memref<112500x16xf32, #tpu.memory_space<hbm>>
    tpu.wait_indirect_dma semaphore(%arg22 : memref<!tpu.dma_semaphore, #tpu.memory_space<semaphore_mem>>) src(%dma_wait3A_430 : memref<112500x16xf32, #tpu.memory_space<hbm>>) dst(%dma_wait3A_425 : memref<104x16xf32, #tpu.memory_space<vmem>>)
    %dma_wait3A_431 = arith.constant 416 : i32
    %dma_wait3A_432 = arith.constant 0 : i32
    %dma_wait3A_433 = tpu.memref_slice %arg18[%dma_wait3A_431, %dma_wait3A_432] : memref<2080x16xf32, #tpu.memory_space<vmem>> -> memref<104x16xf32, #tpu.memory_space<vmem>>
    %dma_wait3A_434 = arith.constant 416 : i32
    %dma_wait3A_435 = tpu.memref_slice %arg16[%dma_wait3A_434] : memref<2080xi32, #tpu.memory_space<vmem>> -> memref<104xi32, #tpu.memory_space<vmem>>
    %dma_wait3A_436 = arith.constant 0 : i32
    %dma_wait3A_437 = arith.constant 0 : i32
    %dma_wait3A_438 = tpu.memref_slice %arg7[%dma_wait3A_436, %dma_wait3A_437] : memref<112500x16xf32, #tpu.memory_space<hbm>> -> memref<112500x16xf32, #tpu.memory_space<hbm>>
    tpu.wait_indirect_dma semaphore(%arg23 : memref<!tpu.dma_semaphore, #tpu.memory_space<semaphore_mem>>) src(%dma_wait3A_438 : memref<112500x16xf32, #tpu.memory_space<hbm>>) dst(%dma_wait3A_433 : memref<104x16xf32, #tpu.memory_space<vmem>>)
    %dma_wait3A_439 = arith.constant 520 : i32
    %dma_wait3A_440 = arith.constant 0 : i32
    %dma_wait3A_441 = tpu.memref_slice %arg17[%dma_wait3A_439, %dma_wait3A_440] : memref<2080x16xf32, #tpu.memory_space<vmem>> -> memref<104x16xf32, #tpu.memory_space<vmem>>
    %dma_wait3A_442 = arith.constant 520 : i32
    %dma_wait3A_443 = tpu.memref_slice %arg16[%dma_wait3A_442] : memref<2080xi32, #tpu.memory_space<vmem>> -> memref<104xi32, #tpu.memory_space<vmem>>
    %dma_wait3A_444 = arith.constant 0 : i32
    %dma_wait3A_445 = arith.constant 0 : i32
    %dma_wait3A_446 = tpu.memref_slice %arg6[%dma_wait3A_444, %dma_wait3A_445] : memref<112500x16xf32, #tpu.memory_space<hbm>> -> memref<112500x16xf32, #tpu.memory_space<hbm>>
    tpu.wait_indirect_dma semaphore(%arg22 : memref<!tpu.dma_semaphore, #tpu.memory_space<semaphore_mem>>) src(%dma_wait3A_446 : memref<112500x16xf32, #tpu.memory_space<hbm>>) dst(%dma_wait3A_441 : memref<104x16xf32, #tpu.memory_space<vmem>>)
    %dma_wait3A_447 = arith.constant 520 : i32
    %dma_wait3A_448 = arith.constant 0 : i32
    %dma_wait3A_449 = tpu.memref_slice %arg18[%dma_wait3A_447, %dma_wait3A_448] : memref<2080x16xf32, #tpu.memory_space<vmem>> -> memref<104x16xf32, #tpu.memory_space<vmem>>
    %dma_wait3A_450 = arith.constant 520 : i32
    %dma_wait3A_451 = tpu.memref_slice %arg16[%dma_wait3A_450] : memref<2080xi32, #tpu.memory_space<vmem>> -> memref<104xi32, #tpu.memory_space<vmem>>
    %dma_wait3A_452 = arith.constant 0 : i32
    %dma_wait3A_453 = arith.constant 0 : i32
    %dma_wait3A_454 = tpu.memref_slice %arg7[%dma_wait3A_452, %dma_wait3A_453] : memref<112500x16xf32, #tpu.memory_space<hbm>> -> memref<112500x16xf32, #tpu.memory_space<hbm>>
    tpu.wait_indirect_dma semaphore(%arg23 : memref<!tpu.dma_semaphore, #tpu.memory_space<semaphore_mem>>) src(%dma_wait3A_454 : memref<112500x16xf32, #tpu.memory_space<hbm>>) dst(%dma_wait3A_449 : memref<104x16xf32, #tpu.memory_space<vmem>>)
    %dma_wait3A_455 = arith.constant 624 : i32
    %dma_wait3A_456 = arith.constant 0 : i32
    %dma_wait3A_457 = tpu.memref_slice %arg17[%dma_wait3A_455, %dma_wait3A_456] : memref<2080x16xf32, #tpu.memory_space<vmem>> -> memref<104x16xf32, #tpu.memory_space<vmem>>
    %dma_wait3A_458 = arith.constant 624 : i32
    %dma_wait3A_459 = tpu.memref_slice %arg16[%dma_wait3A_458] : memref<2080xi32, #tpu.memory_space<vmem>> -> memref<104xi32, #tpu.memory_space<vmem>>
    %dma_wait3A_460 = arith.constant 0 : i32
    %dma_wait3A_461 = arith.constant 0 : i32
    %dma_wait3A_462 = tpu.memref_slice %arg6[%dma_wait3A_460, %dma_wait3A_461] : memref<112500x16xf32, #tpu.memory_space<hbm>> -> memref<112500x16xf32, #tpu.memory_space<hbm>>
    tpu.wait_indirect_dma semaphore(%arg22 : memref<!tpu.dma_semaphore, #tpu.memory_space<semaphore_mem>>) src(%dma_wait3A_462 : memref<112500x16xf32, #tpu.memory_space<hbm>>) dst(%dma_wait3A_457 : memref<104x16xf32, #tpu.memory_space<vmem>>)
    %dma_wait3A_463 = arith.constant 624 : i32
    %dma_wait3A_464 = arith.constant 0 : i32
    %dma_wait3A_465 = tpu.memref_slice %arg18[%dma_wait3A_463, %dma_wait3A_464] : memref<2080x16xf32, #tpu.memory_space<vmem>> -> memref<104x16xf32, #tpu.memory_space<vmem>>
    %dma_wait3A_466 = arith.constant 624 : i32
    %dma_wait3A_467 = tpu.memref_slice %arg16[%dma_wait3A_466] : memref<2080xi32, #tpu.memory_space<vmem>> -> memref<104xi32, #tpu.memory_space<vmem>>
    %dma_wait3A_468 = arith.constant 0 : i32
    %dma_wait3A_469 = arith.constant 0 : i32
    %dma_wait3A_470 = tpu.memref_slice %arg7[%dma_wait3A_468, %dma_wait3A_469] : memref<112500x16xf32, #tpu.memory_space<hbm>> -> memref<112500x16xf32, #tpu.memory_space<hbm>>
    tpu.wait_indirect_dma semaphore(%arg23 : memref<!tpu.dma_semaphore, #tpu.memory_space<semaphore_mem>>) src(%dma_wait3A_470 : memref<112500x16xf32, #tpu.memory_space<hbm>>) dst(%dma_wait3A_465 : memref<104x16xf32, #tpu.memory_space<vmem>>)
    %dma_wait3A_471 = arith.constant 728 : i32
    %dma_wait3A_472 = arith.constant 0 : i32
    %dma_wait3A_473 = tpu.memref_slice %arg17[%dma_wait3A_471, %dma_wait3A_472] : memref<2080x16xf32, #tpu.memory_space<vmem>> -> memref<104x16xf32, #tpu.memory_space<vmem>>
    %dma_wait3A_474 = arith.constant 728 : i32
    %dma_wait3A_475 = tpu.memref_slice %arg16[%dma_wait3A_474] : memref<2080xi32, #tpu.memory_space<vmem>> -> memref<104xi32, #tpu.memory_space<vmem>>
    %dma_wait3A_476 = arith.constant 0 : i32
    %dma_wait3A_477 = arith.constant 0 : i32
    %dma_wait3A_478 = tpu.memref_slice %arg6[%dma_wait3A_476, %dma_wait3A_477] : memref<112500x16xf32, #tpu.memory_space<hbm>> -> memref<112500x16xf32, #tpu.memory_space<hbm>>
    tpu.wait_indirect_dma semaphore(%arg22 : memref<!tpu.dma_semaphore, #tpu.memory_space<semaphore_mem>>) src(%dma_wait3A_478 : memref<112500x16xf32, #tpu.memory_space<hbm>>) dst(%dma_wait3A_473 : memref<104x16xf32, #tpu.memory_space<vmem>>)
    %dma_wait3A_479 = arith.constant 728 : i32
    %dma_wait3A_480 = arith.constant 0 : i32
    %dma_wait3A_481 = tpu.memref_slice %arg18[%dma_wait3A_479, %dma_wait3A_480] : memref<2080x16xf32, #tpu.memory_space<vmem>> -> memref<104x16xf32, #tpu.memory_space<vmem>>
    %dma_wait3A_482 = arith.constant 728 : i32
    %dma_wait3A_483 = tpu.memref_slice %arg16[%dma_wait3A_482] : memref<2080xi32, #tpu.memory_space<vmem>> -> memref<104xi32, #tpu.memory_space<vmem>>
    %dma_wait3A_484 = arith.constant 0 : i32
    %dma_wait3A_485 = arith.constant 0 : i32
    %dma_wait3A_486 = tpu.memref_slice %arg7[%dma_wait3A_484, %dma_wait3A_485] : memref<112500x16xf32, #tpu.memory_space<hbm>> -> memref<112500x16xf32, #tpu.memory_space<hbm>>
    tpu.wait_indirect_dma semaphore(%arg23 : memref<!tpu.dma_semaphore, #tpu.memory_space<semaphore_mem>>) src(%dma_wait3A_486 : memref<112500x16xf32, #tpu.memory_space<hbm>>) dst(%dma_wait3A_481 : memref<104x16xf32, #tpu.memory_space<vmem>>)
    %dma_wait3A_487 = arith.constant 832 : i32
    %dma_wait3A_488 = arith.constant 0 : i32
    %dma_wait3A_489 = tpu.memref_slice %arg17[%dma_wait3A_487, %dma_wait3A_488] : memref<2080x16xf32, #tpu.memory_space<vmem>> -> memref<104x16xf32, #tpu.memory_space<vmem>>
    %dma_wait3A_490 = arith.constant 832 : i32
    %dma_wait3A_491 = tpu.memref_slice %arg16[%dma_wait3A_490] : memref<2080xi32, #tpu.memory_space<vmem>> -> memref<104xi32, #tpu.memory_space<vmem>>
    %dma_wait3A_492 = arith.constant 0 : i32
    %dma_wait3A_493 = arith.constant 0 : i32
    %dma_wait3A_494 = tpu.memref_slice %arg6[%dma_wait3A_492, %dma_wait3A_493] : memref<112500x16xf32, #tpu.memory_space<hbm>> -> memref<112500x16xf32, #tpu.memory_space<hbm>>
    tpu.wait_indirect_dma semaphore(%arg22 : memref<!tpu.dma_semaphore, #tpu.memory_space<semaphore_mem>>) src(%dma_wait3A_494 : memref<112500x16xf32, #tpu.memory_space<hbm>>) dst(%dma_wait3A_489 : memref<104x16xf32, #tpu.memory_space<vmem>>)
    %dma_wait3A_495 = arith.constant 832 : i32
    %dma_wait3A_496 = arith.constant 0 : i32
    %dma_wait3A_497 = tpu.memref_slice %arg18[%dma_wait3A_495, %dma_wait3A_496] : memref<2080x16xf32, #tpu.memory_space<vmem>> -> memref<104x16xf32, #tpu.memory_space<vmem>>
    %dma_wait3A_498 = arith.constant 832 : i32
    %dma_wait3A_499 = tpu.memref_slice %arg16[%dma_wait3A_498] : memref<2080xi32, #tpu.memory_space<vmem>> -> memref<104xi32, #tpu.memory_space<vmem>>
    %dma_wait3A_500 = arith.constant 0 : i32
    %dma_wait3A_501 = arith.constant 0 : i32
    %dma_wait3A_502 = tpu.memref_slice %arg7[%dma_wait3A_500, %dma_wait3A_501] : memref<112500x16xf32, #tpu.memory_space<hbm>> -> memref<112500x16xf32, #tpu.memory_space<hbm>>
    tpu.wait_indirect_dma semaphore(%arg23 : memref<!tpu.dma_semaphore, #tpu.memory_space<semaphore_mem>>) src(%dma_wait3A_502 : memref<112500x16xf32, #tpu.memory_space<hbm>>) dst(%dma_wait3A_497 : memref<104x16xf32, #tpu.memory_space<vmem>>)
    %dma_wait3A_503 = arith.constant 936 : i32
    %dma_wait3A_504 = arith.constant 0 : i32
    %dma_wait3A_505 = tpu.memref_slice %arg17[%dma_wait3A_503, %dma_wait3A_504] : memref<2080x16xf32, #tpu.memory_space<vmem>> -> memref<104x16xf32, #tpu.memory_space<vmem>>
    %dma_wait3A_506 = arith.constant 936 : i32
    %dma_wait3A_507 = tpu.memref_slice %arg16[%dma_wait3A_506] : memref<2080xi32, #tpu.memory_space<vmem>> -> memref<104xi32, #tpu.memory_space<vmem>>
    %dma_wait3A_508 = arith.constant 0 : i32
    %dma_wait3A_509 = arith.constant 0 : i32
    %dma_wait3A_510 = tpu.memref_slice %arg6[%dma_wait3A_508, %dma_wait3A_509] : memref<112500x16xf32, #tpu.memory_space<hbm>> -> memref<112500x16xf32, #tpu.memory_space<hbm>>
    tpu.wait_indirect_dma semaphore(%arg22 : memref<!tpu.dma_semaphore, #tpu.memory_space<semaphore_mem>>) src(%dma_wait3A_510 : memref<112500x16xf32, #tpu.memory_space<hbm>>) dst(%dma_wait3A_505 : memref<104x16xf32, #tpu.memory_space<vmem>>)
    %dma_wait3A_511 = arith.constant 936 : i32
    %dma_wait3A_512 = arith.constant 0 : i32
    %dma_wait3A_513 = tpu.memref_slice %arg18[%dma_wait3A_511, %dma_wait3A_512] : memref<2080x16xf32, #tpu.memory_space<vmem>> -> memref<104x16xf32, #tpu.memory_space<vmem>>
    %dma_wait3A_514 = arith.constant 936 : i32
    %dma_wait3A_515 = tpu.memref_slice %arg16[%dma_wait3A_514] : memref<2080xi32, #tpu.memory_space<vmem>> -> memref<104xi32, #tpu.memory_space<vmem>>
    %dma_wait3A_516 = arith.constant 0 : i32
    %dma_wait3A_517 = arith.constant 0 : i32
    %dma_wait3A_518 = tpu.memref_slice %arg7[%dma_wait3A_516, %dma_wait3A_517] : memref<112500x16xf32, #tpu.memory_space<hbm>> -> memref<112500x16xf32, #tpu.memory_space<hbm>>
    tpu.wait_indirect_dma semaphore(%arg23 : memref<!tpu.dma_semaphore, #tpu.memory_space<semaphore_mem>>) src(%dma_wait3A_518 : memref<112500x16xf32, #tpu.memory_space<hbm>>) dst(%dma_wait3A_513 : memref<104x16xf32, #tpu.memory_space<vmem>>)
    %dma_wait3A_519 = arith.constant 1040 : i32
    %dma_wait3A_520 = arith.constant 0 : i32
    %dma_wait3A_521 = tpu.memref_slice %arg17[%dma_wait3A_519, %dma_wait3A_520] : memref<2080x16xf32, #tpu.memory_space<vmem>> -> memref<104x16xf32, #tpu.memory_space<vmem>>
    %dma_wait3A_522 = arith.constant 1040 : i32
    %dma_wait3A_523 = tpu.memref_slice %arg16[%dma_wait3A_522] : memref<2080xi32, #tpu.memory_space<vmem>> -> memref<104xi32, #tpu.memory_space<vmem>>
    %dma_wait3A_524 = arith.constant 0 : i32
    %dma_wait3A_525 = arith.constant 0 : i32
    %dma_wait3A_526 = tpu.memref_slice %arg6[%dma_wait3A_524, %dma_wait3A_525] : memref<112500x16xf32, #tpu.memory_space<hbm>> -> memref<112500x16xf32, #tpu.memory_space<hbm>>
    tpu.wait_indirect_dma semaphore(%arg22 : memref<!tpu.dma_semaphore, #tpu.memory_space<semaphore_mem>>) src(%dma_wait3A_526 : memref<112500x16xf32, #tpu.memory_space<hbm>>) dst(%dma_wait3A_521 : memref<104x16xf32, #tpu.memory_space<vmem>>)
    %dma_wait3A_527 = arith.constant 1040 : i32
    %dma_wait3A_528 = arith.constant 0 : i32
    %dma_wait3A_529 = tpu.memref_slice %arg18[%dma_wait3A_527, %dma_wait3A_528] : memref<2080x16xf32, #tpu.memory_space<vmem>> -> memref<104x16xf32, #tpu.memory_space<vmem>>
    %dma_wait3A_530 = arith.constant 1040 : i32
    %dma_wait3A_531 = tpu.memref_slice %arg16[%dma_wait3A_530] : memref<2080xi32, #tpu.memory_space<vmem>> -> memref<104xi32, #tpu.memory_space<vmem>>
    %dma_wait3A_532 = arith.constant 0 : i32
    %dma_wait3A_533 = arith.constant 0 : i32
    %dma_wait3A_534 = tpu.memref_slice %arg7[%dma_wait3A_532, %dma_wait3A_533] : memref<112500x16xf32, #tpu.memory_space<hbm>> -> memref<112500x16xf32, #tpu.memory_space<hbm>>
    tpu.wait_indirect_dma semaphore(%arg23 : memref<!tpu.dma_semaphore, #tpu.memory_space<semaphore_mem>>) src(%dma_wait3A_534 : memref<112500x16xf32, #tpu.memory_space<hbm>>) dst(%dma_wait3A_529 : memref<104x16xf32, #tpu.memory_space<vmem>>)
    %dma_wait3A_535 = arith.constant 1144 : i32
    %dma_wait3A_536 = arith.constant 0 : i32
    %dma_wait3A_537 = tpu.memref_slice %arg17[%dma_wait3A_535, %dma_wait3A_536] : memref<2080x16xf32, #tpu.memory_space<vmem>> -> memref<104x16xf32, #tpu.memory_space<vmem>>
    %dma_wait3A_538 = arith.constant 1144 : i32
    %dma_wait3A_539 = tpu.memref_slice %arg16[%dma_wait3A_538] : memref<2080xi32, #tpu.memory_space<vmem>> -> memref<104xi32, #tpu.memory_space<vmem>>
    %dma_wait3A_540 = arith.constant 0 : i32
    %dma_wait3A_541 = arith.constant 0 : i32
    %dma_wait3A_542 = tpu.memref_slice %arg6[%dma_wait3A_540, %dma_wait3A_541] : memref<112500x16xf32, #tpu.memory_space<hbm>> -> memref<112500x16xf32, #tpu.memory_space<hbm>>
    tpu.wait_indirect_dma semaphore(%arg22 : memref<!tpu.dma_semaphore, #tpu.memory_space<semaphore_mem>>) src(%dma_wait3A_542 : memref<112500x16xf32, #tpu.memory_space<hbm>>) dst(%dma_wait3A_537 : memref<104x16xf32, #tpu.memory_space<vmem>>)
    %dma_wait3A_543 = arith.constant 1144 : i32
    %dma_wait3A_544 = arith.constant 0 : i32
    %dma_wait3A_545 = tpu.memref_slice %arg18[%dma_wait3A_543, %dma_wait3A_544] : memref<2080x16xf32, #tpu.memory_space<vmem>> -> memref<104x16xf32, #tpu.memory_space<vmem>>
    %dma_wait3A_546 = arith.constant 1144 : i32
    %dma_wait3A_547 = tpu.memref_slice %arg16[%dma_wait3A_546] : memref<2080xi32, #tpu.memory_space<vmem>> -> memref<104xi32, #tpu.memory_space<vmem>>
    %dma_wait3A_548 = arith.constant 0 : i32
    %dma_wait3A_549 = arith.constant 0 : i32
    %dma_wait3A_550 = tpu.memref_slice %arg7[%dma_wait3A_548, %dma_wait3A_549] : memref<112500x16xf32, #tpu.memory_space<hbm>> -> memref<112500x16xf32, #tpu.memory_space<hbm>>
    tpu.wait_indirect_dma semaphore(%arg23 : memref<!tpu.dma_semaphore, #tpu.memory_space<semaphore_mem>>) src(%dma_wait3A_550 : memref<112500x16xf32, #tpu.memory_space<hbm>>) dst(%dma_wait3A_545 : memref<104x16xf32, #tpu.memory_space<vmem>>)
    %dma_wait3A_551 = arith.constant 1248 : i32
    %dma_wait3A_552 = arith.constant 0 : i32
    %dma_wait3A_553 = tpu.memref_slice %arg17[%dma_wait3A_551, %dma_wait3A_552] : memref<2080x16xf32, #tpu.memory_space<vmem>> -> memref<104x16xf32, #tpu.memory_space<vmem>>
    %dma_wait3A_554 = arith.constant 1248 : i32
    %dma_wait3A_555 = tpu.memref_slice %arg16[%dma_wait3A_554] : memref<2080xi32, #tpu.memory_space<vmem>> -> memref<104xi32, #tpu.memory_space<vmem>>
    %dma_wait3A_556 = arith.constant 0 : i32
    %dma_wait3A_557 = arith.constant 0 : i32
    %dma_wait3A_558 = tpu.memref_slice %arg6[%dma_wait3A_556, %dma_wait3A_557] : memref<112500x16xf32, #tpu.memory_space<hbm>> -> memref<112500x16xf32, #tpu.memory_space<hbm>>
    tpu.wait_indirect_dma semaphore(%arg22 : memref<!tpu.dma_semaphore, #tpu.memory_space<semaphore_mem>>) src(%dma_wait3A_558 : memref<112500x16xf32, #tpu.memory_space<hbm>>) dst(%dma_wait3A_553 : memref<104x16xf32, #tpu.memory_space<vmem>>)
    %dma_wait3A_559 = arith.constant 1248 : i32
    %dma_wait3A_560 = arith.constant 0 : i32
    %dma_wait3A_561 = tpu.memref_slice %arg18[%dma_wait3A_559, %dma_wait3A_560] : memref<2080x16xf32, #tpu.memory_space<vmem>> -> memref<104x16xf32, #tpu.memory_space<vmem>>
    %dma_wait3A_562 = arith.constant 1248 : i32
    %dma_wait3A_563 = tpu.memref_slice %arg16[%dma_wait3A_562] : memref<2080xi32, #tpu.memory_space<vmem>> -> memref<104xi32, #tpu.memory_space<vmem>>
    %dma_wait3A_564 = arith.constant 0 : i32
    %dma_wait3A_565 = arith.constant 0 : i32
    %dma_wait3A_566 = tpu.memref_slice %arg7[%dma_wait3A_564, %dma_wait3A_565] : memref<112500x16xf32, #tpu.memory_space<hbm>> -> memref<112500x16xf32, #tpu.memory_space<hbm>>
    tpu.wait_indirect_dma semaphore(%arg23 : memref<!tpu.dma_semaphore, #tpu.memory_space<semaphore_mem>>) src(%dma_wait3A_566 : memref<112500x16xf32, #tpu.memory_space<hbm>>) dst(%dma_wait3A_561 : memref<104x16xf32, #tpu.memory_space<vmem>>)
    %dma_wait3A_567 = arith.constant 1352 : i32
    %dma_wait3A_568 = arith.constant 0 : i32
    %dma_wait3A_569 = tpu.memref_slice %arg17[%dma_wait3A_567, %dma_wait3A_568] : memref<2080x16xf32, #tpu.memory_space<vmem>> -> memref<104x16xf32, #tpu.memory_space<vmem>>
    %dma_wait3A_570 = arith.constant 1352 : i32
    %dma_wait3A_571 = tpu.memref_slice %arg16[%dma_wait3A_570] : memref<2080xi32, #tpu.memory_space<vmem>> -> memref<104xi32, #tpu.memory_space<vmem>>
    %dma_wait3A_572 = arith.constant 0 : i32
    %dma_wait3A_573 = arith.constant 0 : i32
    %dma_wait3A_574 = tpu.memref_slice %arg6[%dma_wait3A_572, %dma_wait3A_573] : memref<112500x16xf32, #tpu.memory_space<hbm>> -> memref<112500x16xf32, #tpu.memory_space<hbm>>
    tpu.wait_indirect_dma semaphore(%arg22 : memref<!tpu.dma_semaphore, #tpu.memory_space<semaphore_mem>>) src(%dma_wait3A_574 : memref<112500x16xf32, #tpu.memory_space<hbm>>) dst(%dma_wait3A_569 : memref<104x16xf32, #tpu.memory_space<vmem>>)
    %dma_wait3A_575 = arith.constant 1352 : i32
    %dma_wait3A_576 = arith.constant 0 : i32
    %dma_wait3A_577 = tpu.memref_slice %arg18[%dma_wait3A_575, %dma_wait3A_576] : memref<2080x16xf32, #tpu.memory_space<vmem>> -> memref<104x16xf32, #tpu.memory_space<vmem>>
    %dma_wait3A_578 = arith.constant 1352 : i32
    %dma_wait3A_579 = tpu.memref_slice %arg16[%dma_wait3A_578] : memref<2080xi32, #tpu.memory_space<vmem>> -> memref<104xi32, #tpu.memory_space<vmem>>
    %dma_wait3A_580 = arith.constant 0 : i32
    %dma_wait3A_581 = arith.constant 0 : i32
    %dma_wait3A_582 = tpu.memref_slice %arg7[%dma_wait3A_580, %dma_wait3A_581] : memref<112500x16xf32, #tpu.memory_space<hbm>> -> memref<112500x16xf32, #tpu.memory_space<hbm>>
    tpu.wait_indirect_dma semaphore(%arg23 : memref<!tpu.dma_semaphore, #tpu.memory_space<semaphore_mem>>) src(%dma_wait3A_582 : memref<112500x16xf32, #tpu.memory_space<hbm>>) dst(%dma_wait3A_577 : memref<104x16xf32, #tpu.memory_space<vmem>>)
    %dma_wait3A_583 = arith.constant 1456 : i32
    %dma_wait3A_584 = arith.constant 0 : i32
    %dma_wait3A_585 = tpu.memref_slice %arg17[%dma_wait3A_583, %dma_wait3A_584] : memref<2080x16xf32, #tpu.memory_space<vmem>> -> memref<104x16xf32, #tpu.memory_space<vmem>>
    %dma_wait3A_586 = arith.constant 1456 : i32
    %dma_wait3A_587 = tpu.memref_slice %arg16[%dma_wait3A_586] : memref<2080xi32, #tpu.memory_space<vmem>> -> memref<104xi32, #tpu.memory_space<vmem>>
    %dma_wait3A_588 = arith.constant 0 : i32
    %dma_wait3A_589 = arith.constant 0 : i32
    %dma_wait3A_590 = tpu.memref_slice %arg6[%dma_wait3A_588, %dma_wait3A_589] : memref<112500x16xf32, #tpu.memory_space<hbm>> -> memref<112500x16xf32, #tpu.memory_space<hbm>>
    tpu.wait_indirect_dma semaphore(%arg22 : memref<!tpu.dma_semaphore, #tpu.memory_space<semaphore_mem>>) src(%dma_wait3A_590 : memref<112500x16xf32, #tpu.memory_space<hbm>>) dst(%dma_wait3A_585 : memref<104x16xf32, #tpu.memory_space<vmem>>)
    %dma_wait3A_591 = arith.constant 1456 : i32
    %dma_wait3A_592 = arith.constant 0 : i32
    %dma_wait3A_593 = tpu.memref_slice %arg18[%dma_wait3A_591, %dma_wait3A_592] : memref<2080x16xf32, #tpu.memory_space<vmem>> -> memref<104x16xf32, #tpu.memory_space<vmem>>
    %dma_wait3A_594 = arith.constant 1456 : i32
    %dma_wait3A_595 = tpu.memref_slice %arg16[%dma_wait3A_594] : memref<2080xi32, #tpu.memory_space<vmem>> -> memref<104xi32, #tpu.memory_space<vmem>>
    %dma_wait3A_596 = arith.constant 0 : i32
    %dma_wait3A_597 = arith.constant 0 : i32
    %dma_wait3A_598 = tpu.memref_slice %arg7[%dma_wait3A_596, %dma_wait3A_597] : memref<112500x16xf32, #tpu.memory_space<hbm>> -> memref<112500x16xf32, #tpu.memory_space<hbm>>
    tpu.wait_indirect_dma semaphore(%arg23 : memref<!tpu.dma_semaphore, #tpu.memory_space<semaphore_mem>>) src(%dma_wait3A_598 : memref<112500x16xf32, #tpu.memory_space<hbm>>) dst(%dma_wait3A_593 : memref<104x16xf32, #tpu.memory_space<vmem>>)
    %dma_wait3A_599 = arith.constant 1560 : i32
    %dma_wait3A_600 = arith.constant 0 : i32
    %dma_wait3A_601 = tpu.memref_slice %arg17[%dma_wait3A_599, %dma_wait3A_600] : memref<2080x16xf32, #tpu.memory_space<vmem>> -> memref<104x16xf32, #tpu.memory_space<vmem>>
    %dma_wait3A_602 = arith.constant 1560 : i32
    %dma_wait3A_603 = tpu.memref_slice %arg16[%dma_wait3A_602] : memref<2080xi32, #tpu.memory_space<vmem>> -> memref<104xi32, #tpu.memory_space<vmem>>
    %dma_wait3A_604 = arith.constant 0 : i32
    %dma_wait3A_605 = arith.constant 0 : i32
    %dma_wait3A_606 = tpu.memref_slice %arg6[%dma_wait3A_604, %dma_wait3A_605] : memref<112500x16xf32, #tpu.memory_space<hbm>> -> memref<112500x16xf32, #tpu.memory_space<hbm>>
    tpu.wait_indirect_dma semaphore(%arg22 : memref<!tpu.dma_semaphore, #tpu.memory_space<semaphore_mem>>) src(%dma_wait3A_606 : memref<112500x16xf32, #tpu.memory_space<hbm>>) dst(%dma_wait3A_601 : memref<104x16xf32, #tpu.memory_space<vmem>>)
    %dma_wait3A_607 = arith.constant 1560 : i32
    %dma_wait3A_608 = arith.constant 0 : i32
    %dma_wait3A_609 = tpu.memref_slice %arg18[%dma_wait3A_607, %dma_wait3A_608] : memref<2080x16xf32, #tpu.memory_space<vmem>> -> memref<104x16xf32, #tpu.memory_space<vmem>>
    %dma_wait3A_610 = arith.constant 1560 : i32
    %dma_wait3A_611 = tpu.memref_slice %arg16[%dma_wait3A_610] : memref<2080xi32, #tpu.memory_space<vmem>> -> memref<104xi32, #tpu.memory_space<vmem>>
    %dma_wait3A_612 = arith.constant 0 : i32
    %dma_wait3A_613 = arith.constant 0 : i32
    %dma_wait3A_614 = tpu.memref_slice %arg7[%dma_wait3A_612, %dma_wait3A_613] : memref<112500x16xf32, #tpu.memory_space<hbm>> -> memref<112500x16xf32, #tpu.memory_space<hbm>>
    tpu.wait_indirect_dma semaphore(%arg23 : memref<!tpu.dma_semaphore, #tpu.memory_space<semaphore_mem>>) src(%dma_wait3A_614 : memref<112500x16xf32, #tpu.memory_space<hbm>>) dst(%dma_wait3A_609 : memref<104x16xf32, #tpu.memory_space<vmem>>)
    %dma_wait3A_615 = arith.constant 1664 : i32
    %dma_wait3A_616 = arith.constant 0 : i32
    %dma_wait3A_617 = tpu.memref_slice %arg17[%dma_wait3A_615, %dma_wait3A_616] : memref<2080x16xf32, #tpu.memory_space<vmem>> -> memref<104x16xf32, #tpu.memory_space<vmem>>
    %dma_wait3A_618 = arith.constant 1664 : i32
    %dma_wait3A_619 = tpu.memref_slice %arg16[%dma_wait3A_618] : memref<2080xi32, #tpu.memory_space<vmem>> -> memref<104xi32, #tpu.memory_space<vmem>>
    %dma_wait3A_620 = arith.constant 0 : i32
    %dma_wait3A_621 = arith.constant 0 : i32
    %dma_wait3A_622 = tpu.memref_slice %arg6[%dma_wait3A_620, %dma_wait3A_621] : memref<112500x16xf32, #tpu.memory_space<hbm>> -> memref<112500x16xf32, #tpu.memory_space<hbm>>
    tpu.wait_indirect_dma semaphore(%arg22 : memref<!tpu.dma_semaphore, #tpu.memory_space<semaphore_mem>>) src(%dma_wait3A_622 : memref<112500x16xf32, #tpu.memory_space<hbm>>) dst(%dma_wait3A_617 : memref<104x16xf32, #tpu.memory_space<vmem>>)
    %dma_wait3A_623 = arith.constant 1664 : i32
    %dma_wait3A_624 = arith.constant 0 : i32
    %dma_wait3A_625 = tpu.memref_slice %arg18[%dma_wait3A_623, %dma_wait3A_624] : memref<2080x16xf32, #tpu.memory_space<vmem>> -> memref<104x16xf32, #tpu.memory_space<vmem>>
    %dma_wait3A_626 = arith.constant 1664 : i32
    %dma_wait3A_627 = tpu.memref_slice %arg16[%dma_wait3A_626] : memref<2080xi32, #tpu.memory_space<vmem>> -> memref<104xi32, #tpu.memory_space<vmem>>
    %dma_wait3A_628 = arith.constant 0 : i32
    %dma_wait3A_629 = arith.constant 0 : i32
    %dma_wait3A_630 = tpu.memref_slice %arg7[%dma_wait3A_628, %dma_wait3A_629] : memref<112500x16xf32, #tpu.memory_space<hbm>> -> memref<112500x16xf32, #tpu.memory_space<hbm>>
    tpu.wait_indirect_dma semaphore(%arg23 : memref<!tpu.dma_semaphore, #tpu.memory_space<semaphore_mem>>) src(%dma_wait3A_630 : memref<112500x16xf32, #tpu.memory_space<hbm>>) dst(%dma_wait3A_625 : memref<104x16xf32, #tpu.memory_space<vmem>>)
    %dma_wait3A_631 = arith.constant 1768 : i32
    %dma_wait3A_632 = arith.constant 0 : i32
    %dma_wait3A_633 = tpu.memref_slice %arg17[%dma_wait3A_631, %dma_wait3A_632] : memref<2080x16xf32, #tpu.memory_space<vmem>> -> memref<104x16xf32, #tpu.memory_space<vmem>>
    %dma_wait3A_634 = arith.constant 1768 : i32
    %dma_wait3A_635 = tpu.memref_slice %arg16[%dma_wait3A_634] : memref<2080xi32, #tpu.memory_space<vmem>> -> memref<104xi32, #tpu.memory_space<vmem>>
    %dma_wait3A_636 = arith.constant 0 : i32
    %dma_wait3A_637 = arith.constant 0 : i32
    %dma_wait3A_638 = tpu.memref_slice %arg6[%dma_wait3A_636, %dma_wait3A_637] : memref<112500x16xf32, #tpu.memory_space<hbm>> -> memref<112500x16xf32, #tpu.memory_space<hbm>>
    tpu.wait_indirect_dma semaphore(%arg22 : memref<!tpu.dma_semaphore, #tpu.memory_space<semaphore_mem>>) src(%dma_wait3A_638 : memref<112500x16xf32, #tpu.memory_space<hbm>>) dst(%dma_wait3A_633 : memref<104x16xf32, #tpu.memory_space<vmem>>)
    %dma_wait3A_639 = arith.constant 1768 : i32
    %dma_wait3A_640 = arith.constant 0 : i32
    %dma_wait3A_641 = tpu.memref_slice %arg18[%dma_wait3A_639, %dma_wait3A_640] : memref<2080x16xf32, #tpu.memory_space<vmem>> -> memref<104x16xf32, #tpu.memory_space<vmem>>
    %dma_wait3A_642 = arith.constant 1768 : i32
    %dma_wait3A_643 = tpu.memref_slice %arg16[%dma_wait3A_642] : memref<2080xi32, #tpu.memory_space<vmem>> -> memref<104xi32, #tpu.memory_space<vmem>>
    %dma_wait3A_644 = arith.constant 0 : i32
    %dma_wait3A_645 = arith.constant 0 : i32
    %dma_wait3A_646 = tpu.memref_slice %arg7[%dma_wait3A_644, %dma_wait3A_645] : memref<112500x16xf32, #tpu.memory_space<hbm>> -> memref<112500x16xf32, #tpu.memory_space<hbm>>
    tpu.wait_indirect_dma semaphore(%arg23 : memref<!tpu.dma_semaphore, #tpu.memory_space<semaphore_mem>>) src(%dma_wait3A_646 : memref<112500x16xf32, #tpu.memory_space<hbm>>) dst(%dma_wait3A_641 : memref<104x16xf32, #tpu.memory_space<vmem>>)
    %dma_wait3A_647 = arith.constant 1872 : i32
    %dma_wait3A_648 = arith.constant 0 : i32
    %dma_wait3A_649 = tpu.memref_slice %arg17[%dma_wait3A_647, %dma_wait3A_648] : memref<2080x16xf32, #tpu.memory_space<vmem>> -> memref<104x16xf32, #tpu.memory_space<vmem>>
    %dma_wait3A_650 = arith.constant 1872 : i32
    %dma_wait3A_651 = tpu.memref_slice %arg16[%dma_wait3A_650] : memref<2080xi32, #tpu.memory_space<vmem>> -> memref<104xi32, #tpu.memory_space<vmem>>
    %dma_wait3A_652 = arith.constant 0 : i32
    %dma_wait3A_653 = arith.constant 0 : i32
    %dma_wait3A_654 = tpu.memref_slice %arg6[%dma_wait3A_652, %dma_wait3A_653] : memref<112500x16xf32, #tpu.memory_space<hbm>> -> memref<112500x16xf32, #tpu.memory_space<hbm>>
    tpu.wait_indirect_dma semaphore(%arg22 : memref<!tpu.dma_semaphore, #tpu.memory_space<semaphore_mem>>) src(%dma_wait3A_654 : memref<112500x16xf32, #tpu.memory_space<hbm>>) dst(%dma_wait3A_649 : memref<104x16xf32, #tpu.memory_space<vmem>>)
    %dma_wait3A_655 = arith.constant 1872 : i32
    %dma_wait3A_656 = arith.constant 0 : i32
    %dma_wait3A_657 = tpu.memref_slice %arg18[%dma_wait3A_655, %dma_wait3A_656] : memref<2080x16xf32, #tpu.memory_space<vmem>> -> memref<104x16xf32, #tpu.memory_space<vmem>>
    %dma_wait3A_658 = arith.constant 1872 : i32
    %dma_wait3A_659 = tpu.memref_slice %arg16[%dma_wait3A_658] : memref<2080xi32, #tpu.memory_space<vmem>> -> memref<104xi32, #tpu.memory_space<vmem>>
    %dma_wait3A_660 = arith.constant 0 : i32
    %dma_wait3A_661 = arith.constant 0 : i32
    %dma_wait3A_662 = tpu.memref_slice %arg7[%dma_wait3A_660, %dma_wait3A_661] : memref<112500x16xf32, #tpu.memory_space<hbm>> -> memref<112500x16xf32, #tpu.memory_space<hbm>>
    tpu.wait_indirect_dma semaphore(%arg23 : memref<!tpu.dma_semaphore, #tpu.memory_space<semaphore_mem>>) src(%dma_wait3A_662 : memref<112500x16xf32, #tpu.memory_space<hbm>>) dst(%dma_wait3A_657 : memref<104x16xf32, #tpu.memory_space<vmem>>)
    %dma_wait3A_663 = arith.constant 1976 : i32
    %dma_wait3A_664 = arith.constant 0 : i32
    %dma_wait3A_665 = tpu.memref_slice %arg17[%dma_wait3A_663, %dma_wait3A_664] : memref<2080x16xf32, #tpu.memory_space<vmem>> -> memref<104x16xf32, #tpu.memory_space<vmem>>
    %dma_wait3A_666 = arith.constant 1976 : i32
    %dma_wait3A_667 = tpu.memref_slice %arg16[%dma_wait3A_666] : memref<2080xi32, #tpu.memory_space<vmem>> -> memref<104xi32, #tpu.memory_space<vmem>>
    %dma_wait3A_668 = arith.constant 0 : i32
    %dma_wait3A_669 = arith.constant 0 : i32
    %dma_wait3A_670 = tpu.memref_slice %arg6[%dma_wait3A_668, %dma_wait3A_669] : memref<112500x16xf32, #tpu.memory_space<hbm>> -> memref<112500x16xf32, #tpu.memory_space<hbm>>
    tpu.wait_indirect_dma semaphore(%arg22 : memref<!tpu.dma_semaphore, #tpu.memory_space<semaphore_mem>>) src(%dma_wait3A_670 : memref<112500x16xf32, #tpu.memory_space<hbm>>) dst(%dma_wait3A_665 : memref<104x16xf32, #tpu.memory_space<vmem>>)
    %dma_wait3A_671 = arith.constant 1976 : i32
    %dma_wait3A_672 = arith.constant 0 : i32
    %dma_wait3A_673 = tpu.memref_slice %arg18[%dma_wait3A_671, %dma_wait3A_672] : memref<2080x16xf32, #tpu.memory_space<vmem>> -> memref<104x16xf32, #tpu.memory_space<vmem>>
    %dma_wait3A_674 = arith.constant 1976 : i32
    %dma_wait3A_675 = tpu.memref_slice %arg16[%dma_wait3A_674] : memref<2080xi32, #tpu.memory_space<vmem>> -> memref<104xi32, #tpu.memory_space<vmem>>
    %dma_wait3A_676 = arith.constant 0 : i32
    %dma_wait3A_677 = arith.constant 0 : i32
    %dma_wait3A_678 = tpu.memref_slice %arg7[%dma_wait3A_676, %dma_wait3A_677] : memref<112500x16xf32, #tpu.memory_space<hbm>> -> memref<112500x16xf32, #tpu.memory_space<hbm>>
    tpu.wait_indirect_dma semaphore(%arg23 : memref<!tpu.dma_semaphore, #tpu.memory_space<semaphore_mem>>) src(%dma_wait3A_678 : memref<112500x16xf32, #tpu.memory_space<hbm>>) dst(%dma_wait3A_673 : memref<104x16xf32, #tpu.memory_space<vmem>>)
    %broadcast_in_dim3A_679 = vector.broadcast %arg1 : i32 to vector<16xi32>
    %gather3A_680 = tpu.vector_load_idx %arg12[%broadcast_in_dim3A_679] : memref<16xi32, #tpu.memory_space<vmem>>[vector<16xi32>], vector<16xi32>,
    %add3A_681 = arith.constant 0 : i32
    %add3A_682 = vector.broadcast %add3A_681 : i32 to vector<16xi32>
    %add3A_683 = arith.addi %and3A_27, %add3A_682 : vector<16xi32>
    %shift_right_arithmetic3A_684 = arith.constant 4 : i32
    %shift_right_arithmetic3A_685 = vector.broadcast %shift_right_arithmetic3A_684 : i32 to vector<16xi32>
    %shift_right_arithmetic3A_686 = arith.shrsi %add3A_683, %shift_right_arithmetic3A_685 : vector<16xi32>
    %and3A_687 = arith.constant 15 : i32
    %and3A_688 = vector.broadcast %and3A_687 : i32 to vector<16xi32>
    %and3A_689 = arith.andi %add3A_683, %and3A_688 : vector<16xi32>
    %gather3A_690 = tpu.vector_load_idx %arg19[%shift_right_arithmetic3A_686, %and3A_689] : memref<16x16xf32, #tpu.memory_space<vmem>>[vector<16xi32>, vector<16xi32>], vector<16xf32>,
    %add3A_691 = arith.constant 1 : i32
    %add3A_692 = vector.broadcast %add3A_691 : i32 to vector<16xi32>
    %add3A_693 = arith.addi %and3A_27, %add3A_692 : vector<16xi32>
    %shift_right_arithmetic3A_694 = arith.constant 4 : i32
    %shift_right_arithmetic3A_695 = vector.broadcast %shift_right_arithmetic3A_694 : i32 to vector<16xi32>
    %shift_right_arithmetic3A_696 = arith.shrsi %add3A_693, %shift_right_arithmetic3A_695 : vector<16xi32>
    %and3A_697 = arith.constant 15 : i32
    %and3A_698 = vector.broadcast %and3A_697 : i32 to vector<16xi32>
    %and3A_699 = arith.andi %add3A_693, %and3A_698 : vector<16xi32>
    %gather3A_700 = tpu.vector_load_idx %arg19[%shift_right_arithmetic3A_696, %and3A_699] : memref<16x16xf32, #tpu.memory_space<vmem>>[vector<16xi32>, vector<16xi32>], vector<16xf32>,
    %add3A_701 = arith.constant 2 : i32
    %add3A_702 = vector.broadcast %add3A_701 : i32 to vector<16xi32>
    %add3A_703 = arith.addi %and3A_27, %add3A_702 : vector<16xi32>
    %shift_right_arithmetic3A_704 = arith.constant 4 : i32
    %shift_right_arithmetic3A_705 = vector.broadcast %shift_right_arithmetic3A_704 : i32 to vector<16xi32>
    %shift_right_arithmetic3A_706 = arith.shrsi %add3A_703, %shift_right_arithmetic3A_705 : vector<16xi32>
    %and3A_707 = arith.constant 15 : i32
    %and3A_708 = vector.broadcast %and3A_707 : i32 to vector<16xi32>
    %and3A_709 = arith.andi %add3A_703, %and3A_708 : vector<16xi32>
    %gather3A_710 = tpu.vector_load_idx %arg19[%shift_right_arithmetic3A_706, %and3A_709] : memref<16x16xf32, #tpu.memory_space<vmem>>[vector<16xi32>, vector<16xi32>], vector<16xf32>,
    %add3A_711 = arith.constant 3 : i32
    %add3A_712 = vector.broadcast %add3A_711 : i32 to vector<16xi32>
    %add3A_713 = arith.addi %and3A_27, %add3A_712 : vector<16xi32>
    %shift_right_arithmetic3A_714 = arith.constant 4 : i32
    %shift_right_arithmetic3A_715 = vector.broadcast %shift_right_arithmetic3A_714 : i32 to vector<16xi32>
    %shift_right_arithmetic3A_716 = arith.shrsi %add3A_713, %shift_right_arithmetic3A_715 : vector<16xi32>
    %and3A_717 = arith.constant 15 : i32
    %and3A_718 = vector.broadcast %and3A_717 : i32 to vector<16xi32>
    %and3A_719 = arith.andi %add3A_713, %and3A_718 : vector<16xi32>
    %gather3A_720 = tpu.vector_load_idx %arg19[%shift_right_arithmetic3A_716, %and3A_719] : memref<16x16xf32, #tpu.memory_space<vmem>>[vector<16xi32>, vector<16xi32>], vector<16xf32>,
    %add3A_721 = arith.constant 4 : i32
    %add3A_722 = vector.broadcast %add3A_721 : i32 to vector<16xi32>
    %add3A_723 = arith.addi %and3A_27, %add3A_722 : vector<16xi32>
    %shift_right_arithmetic3A_724 = arith.constant 4 : i32
    %shift_right_arithmetic3A_725 = vector.broadcast %shift_right_arithmetic3A_724 : i32 to vector<16xi32>
    %shift_right_arithmetic3A_726 = arith.shrsi %add3A_723, %shift_right_arithmetic3A_725 : vector<16xi32>
    %and3A_727 = arith.constant 15 : i32
    %and3A_728 = vector.broadcast %and3A_727 : i32 to vector<16xi32>
    %and3A_729 = arith.andi %add3A_723, %and3A_728 : vector<16xi32>
    %gather3A_730 = tpu.vector_load_idx %arg19[%shift_right_arithmetic3A_726, %and3A_729] : memref<16x16xf32, #tpu.memory_space<vmem>>[vector<16xi32>, vector<16xi32>], vector<16xf32>,
    %add3A_731 = arith.constant 5 : i32
    %add3A_732 = vector.broadcast %add3A_731 : i32 to vector<16xi32>
    %add3A_733 = arith.addi %and3A_27, %add3A_732 : vector<16xi32>
    %shift_right_arithmetic3A_734 = arith.constant 4 : i32
    %shift_right_arithmetic3A_735 = vector.broadcast %shift_right_arithmetic3A_734 : i32 to vector<16xi32>
    %shift_right_arithmetic3A_736 = arith.shrsi %add3A_733, %shift_right_arithmetic3A_735 : vector<16xi32>
    %and3A_737 = arith.constant 15 : i32
    %and3A_738 = vector.broadcast %and3A_737 : i32 to vector<16xi32>
    %and3A_739 = arith.andi %add3A_733, %and3A_738 : vector<16xi32>
    %gather3A_740 = tpu.vector_load_idx %arg19[%shift_right_arithmetic3A_736, %and3A_739] : memref<16x16xf32, #tpu.memory_space<vmem>>[vector<16xi32>, vector<16xi32>], vector<16xf32>,
    %add3A_741 = arith.constant 6 : i32
    %add3A_742 = vector.broadcast %add3A_741 : i32 to vector<16xi32>
    %add3A_743 = arith.addi %and3A_27, %add3A_742 : vector<16xi32>
    %shift_right_arithmetic3A_744 = arith.constant 4 : i32
    %shift_right_arithmetic3A_745 = vector.broadcast %shift_right_arithmetic3A_744 : i32 to vector<16xi32>
    %shift_right_arithmetic3A_746 = arith.shrsi %add3A_743, %shift_right_arithmetic3A_745 : vector<16xi32>
    %and3A_747 = arith.constant 15 : i32
    %and3A_748 = vector.broadcast %and3A_747 : i32 to vector<16xi32>
    %and3A_749 = arith.andi %add3A_743, %and3A_748 : vector<16xi32>
    %gather3A_750 = tpu.vector_load_idx %arg19[%shift_right_arithmetic3A_746, %and3A_749] : memref<16x16xf32, #tpu.memory_space<vmem>>[vector<16xi32>, vector<16xi32>], vector<16xf32>,
    %add3A_751 = arith.constant 7 : i32
    %add3A_752 = vector.broadcast %add3A_751 : i32 to vector<16xi32>
    %add3A_753 = arith.addi %and3A_27, %add3A_752 : vector<16xi32>
    %shift_right_arithmetic3A_754 = arith.constant 4 : i32
    %shift_right_arithmetic3A_755 = vector.broadcast %shift_right_arithmetic3A_754 : i32 to vector<16xi32>
    %shift_right_arithmetic3A_756 = arith.shrsi %add3A_753, %shift_right_arithmetic3A_755 : vector<16xi32>
    %and3A_757 = arith.constant 15 : i32
    %and3A_758 = vector.broadcast %and3A_757 : i32 to vector<16xi32>
    %and3A_759 = arith.andi %add3A_753, %and3A_758 : vector<16xi32>
    %gather3A_760 = tpu.vector_load_idx %arg19[%shift_right_arithmetic3A_756, %and3A_759] : memref<16x16xf32, #tpu.memory_space<vmem>>[vector<16xi32>, vector<16xi32>], vector<16xf32>,
    %add3A_761 = arith.constant 8 : i32
    %add3A_762 = vector.broadcast %add3A_761 : i32 to vector<16xi32>
    %add3A_763 = arith.addi %and3A_27, %add3A_762 : vector<16xi32>
    %shift_right_arithmetic3A_764 = arith.constant 4 : i32
    %shift_right_arithmetic3A_765 = vector.broadcast %shift_right_arithmetic3A_764 : i32 to vector<16xi32>
    %shift_right_arithmetic3A_766 = arith.shrsi %add3A_763, %shift_right_arithmetic3A_765 : vector<16xi32>
    %and3A_767 = arith.constant 15 : i32
    %and3A_768 = vector.broadcast %and3A_767 : i32 to vector<16xi32>
    %and3A_769 = arith.andi %add3A_763, %and3A_768 : vector<16xi32>
    %gather3A_770 = tpu.vector_load_idx %arg19[%shift_right_arithmetic3A_766, %and3A_769] : memref<16x16xf32, #tpu.memory_space<vmem>>[vector<16xi32>, vector<16xi32>], vector<16xf32>,
    %add3A_771 = arith.constant 9 : i32
    %add3A_772 = vector.broadcast %add3A_771 : i32 to vector<16xi32>
    %add3A_773 = arith.addi %and3A_27, %add3A_772 : vector<16xi32>
    %shift_right_arithmetic3A_774 = arith.constant 4 : i32
    %shift_right_arithmetic3A_775 = vector.broadcast %shift_right_arithmetic3A_774 : i32 to vector<16xi32>
    %shift_right_arithmetic3A_776 = arith.shrsi %add3A_773, %shift_right_arithmetic3A_775 : vector<16xi32>
    %and3A_777 = arith.constant 15 : i32
    %and3A_778 = vector.broadcast %and3A_777 : i32 to vector<16xi32>
    %and3A_779 = arith.andi %add3A_773, %and3A_778 : vector<16xi32>
    %gather3A_780 = tpu.vector_load_idx %arg19[%shift_right_arithmetic3A_776, %and3A_779] : memref<16x16xf32, #tpu.memory_space<vmem>>[vector<16xi32>, vector<16xi32>], vector<16xf32>,
    %add3A_781 = arith.constant 10 : i32
    %add3A_782 = vector.broadcast %add3A_781 : i32 to vector<16xi32>
    %add3A_783 = arith.addi %and3A_27, %add3A_782 : vector<16xi32>
    %shift_right_arithmetic3A_784 = arith.constant 4 : i32
    %shift_right_arithmetic3A_785 = vector.broadcast %shift_right_arithmetic3A_784 : i32 to vector<16xi32>
    %shift_right_arithmetic3A_786 = arith.shrsi %add3A_783, %shift_right_arithmetic3A_785 : vector<16xi32>
    %and3A_787 = arith.constant 15 : i32
    %and3A_788 = vector.broadcast %and3A_787 : i32 to vector<16xi32>
    %and3A_789 = arith.andi %add3A_783, %and3A_788 : vector<16xi32>
    %gather3A_790 = tpu.vector_load_idx %arg19[%shift_right_arithmetic3A_786, %and3A_789] : memref<16x16xf32, #tpu.memory_space<vmem>>[vector<16xi32>, vector<16xi32>], vector<16xf32>,
    %add3A_791 = arith.constant 11 : i32
    %add3A_792 = vector.broadcast %add3A_791 : i32 to vector<16xi32>
    %add3A_793 = arith.addi %and3A_27, %add3A_792 : vector<16xi32>
    %shift_right_arithmetic3A_794 = arith.constant 4 : i32
    %shift_right_arithmetic3A_795 = vector.broadcast %shift_right_arithmetic3A_794 : i32 to vector<16xi32>
    %shift_right_arithmetic3A_796 = arith.shrsi %add3A_793, %shift_right_arithmetic3A_795 : vector<16xi32>
    %and3A_797 = arith.constant 15 : i32
    %and3A_798 = vector.broadcast %and3A_797 : i32 to vector<16xi32>
    %and3A_799 = arith.andi %add3A_793, %and3A_798 : vector<16xi32>
    %gather3A_800 = tpu.vector_load_idx %arg19[%shift_right_arithmetic3A_796, %and3A_799] : memref<16x16xf32, #tpu.memory_space<vmem>>[vector<16xi32>, vector<16xi32>], vector<16xf32>,
    %add3A_801 = arith.constant 12 : i32
    %add3A_802 = vector.broadcast %add3A_801 : i32 to vector<16xi32>
    %add3A_803 = arith.addi %and3A_27, %add3A_802 : vector<16xi32>
    %shift_right_arithmetic3A_804 = arith.constant 4 : i32
    %shift_right_arithmetic3A_805 = vector.broadcast %shift_right_arithmetic3A_804 : i32 to vector<16xi32>
    %shift_right_arithmetic3A_806 = arith.shrsi %add3A_803, %shift_right_arithmetic3A_805 : vector<16xi32>
    %and3A_807 = arith.constant 15 : i32
    %and3A_808 = vector.broadcast %and3A_807 : i32 to vector<16xi32>
    %and3A_809 = arith.andi %add3A_803, %and3A_808 : vector<16xi32>
    %gather3A_810 = tpu.vector_load_idx %arg19[%shift_right_arithmetic3A_806, %and3A_809] : memref<16x16xf32, #tpu.memory_space<vmem>>[vector<16xi32>, vector<16xi32>], vector<16xf32>,
    %add3A_811 = arith.constant 13 : i32
    %add3A_812 = vector.broadcast %add3A_811 : i32 to vector<16xi32>
    %add3A_813 = arith.addi %and3A_27, %add3A_812 : vector<16xi32>
    %shift_right_arithmetic3A_814 = arith.constant 4 : i32
    %shift_right_arithmetic3A_815 = vector.broadcast %shift_right_arithmetic3A_814 : i32 to vector<16xi32>
    %shift_right_arithmetic3A_816 = arith.shrsi %add3A_813, %shift_right_arithmetic3A_815 : vector<16xi32>
    %and3A_817 = arith.constant 15 : i32
    %and3A_818 = vector.broadcast %and3A_817 : i32 to vector<16xi32>
    %and3A_819 = arith.andi %add3A_813, %and3A_818 : vector<16xi32>
    %gather3A_820 = tpu.vector_load_idx %arg19[%shift_right_arithmetic3A_816, %and3A_819] : memref<16x16xf32, #tpu.memory_space<vmem>>[vector<16xi32>, vector<16xi32>], vector<16xf32>,
    %add3A_821 = arith.constant 14 : i32
    %add3A_822 = vector.broadcast %add3A_821 : i32 to vector<16xi32>
    %add3A_823 = arith.addi %and3A_27, %add3A_822 : vector<16xi32>
    %shift_right_arithmetic3A_824 = arith.constant 4 : i32
    %shift_right_arithmetic3A_825 = vector.broadcast %shift_right_arithmetic3A_824 : i32 to vector<16xi32>
    %shift_right_arithmetic3A_826 = arith.shrsi %add3A_823, %shift_right_arithmetic3A_825 : vector<16xi32>
    %and3A_827 = arith.constant 15 : i32
    %and3A_828 = vector.broadcast %and3A_827 : i32 to vector<16xi32>
    %and3A_829 = arith.andi %add3A_823, %and3A_828 : vector<16xi32>
    %gather3A_830 = tpu.vector_load_idx %arg19[%shift_right_arithmetic3A_826, %and3A_829] : memref<16x16xf32, #tpu.memory_space<vmem>>[vector<16xi32>, vector<16xi32>], vector<16xf32>,
    %add3A_831 = arith.constant 15 : i32
    %add3A_832 = vector.broadcast %add3A_831 : i32 to vector<16xi32>
    %add3A_833 = arith.addi %and3A_27, %add3A_832 : vector<16xi32>
    %shift_right_arithmetic3A_834 = arith.constant 4 : i32
    %shift_right_arithmetic3A_835 = vector.broadcast %shift_right_arithmetic3A_834 : i32 to vector<16xi32>
    %shift_right_arithmetic3A_836 = arith.shrsi %add3A_833, %shift_right_arithmetic3A_835 : vector<16xi32>
    %and3A_837 = arith.constant 15 : i32
    %and3A_838 = vector.broadcast %and3A_837 : i32 to vector<16xi32>
    %and3A_839 = arith.andi %add3A_833, %and3A_838 : vector<16xi32>
    %gather3A_840 = tpu.vector_load_idx %arg19[%shift_right_arithmetic3A_836, %and3A_839] : memref<16x16xf32, #tpu.memory_space<vmem>>[vector<16xi32>, vector<16xi32>], vector<16xf32>,
    %add3A_841 = arith.constant 16 : i32
    %add3A_842 = vector.broadcast %add3A_841 : i32 to vector<16xi32>
    %add3A_843 = arith.addi %and3A_27, %add3A_842 : vector<16xi32>
    %shift_right_arithmetic3A_844 = arith.constant 4 : i32
    %shift_right_arithmetic3A_845 = vector.broadcast %shift_right_arithmetic3A_844 : i32 to vector<16xi32>
    %shift_right_arithmetic3A_846 = arith.shrsi %add3A_843, %shift_right_arithmetic3A_845 : vector<16xi32>
    %and3A_847 = arith.constant 15 : i32
    %and3A_848 = vector.broadcast %and3A_847 : i32 to vector<16xi32>
    %and3A_849 = arith.andi %add3A_843, %and3A_848 : vector<16xi32>
    %gather3A_850 = tpu.vector_load_idx %arg19[%shift_right_arithmetic3A_846, %and3A_849] : memref<16x16xf32, #tpu.memory_space<vmem>>[vector<16xi32>, vector<16xi32>], vector<16xf32>,
    %add3A_851 = arith.constant 17 : i32
    %add3A_852 = vector.broadcast %add3A_851 : i32 to vector<16xi32>
    %add3A_853 = arith.addi %and3A_27, %add3A_852 : vector<16xi32>
    %shift_right_arithmetic3A_854 = arith.constant 4 : i32
    %shift_right_arithmetic3A_855 = vector.broadcast %shift_right_arithmetic3A_854 : i32 to vector<16xi32>
    %shift_right_arithmetic3A_856 = arith.shrsi %add3A_853, %shift_right_arithmetic3A_855 : vector<16xi32>
    %and3A_857 = arith.constant 15 : i32
    %and3A_858 = vector.broadcast %and3A_857 : i32 to vector<16xi32>
    %and3A_859 = arith.andi %add3A_853, %and3A_858 : vector<16xi32>
    %gather3A_860 = tpu.vector_load_idx %arg19[%shift_right_arithmetic3A_856, %and3A_859] : memref<16x16xf32, #tpu.memory_space<vmem>>[vector<16xi32>, vector<16xi32>], vector<16xf32>,
    %broadcast_in_dim3A_861 = arith.constant 0.000000e+00 : f32
    %broadcast_in_dim3A_862 = vector.broadcast %broadcast_in_dim3A_861 : f32 to vector<16xf32>
    %scan3A_863 = arith.constant 0 : i32
    %scan3A_864 = arith.constant 64 : i32
    %scan3A_865 = arith.addi %scan3A_863, %scan3A_864 : i32
    %scan3A_866 = arith.constant 1 : i32
    %scan3A_867:36 = scf.for %scan3A_1225 = %scan3A_863 to %scan3A_865 step %scan3A_866 iter_args(%scan3A_1226 = %broadcast_in_dim3A_862, %scan3A_1227 = %broadcast_in_dim3A_862, %scan3A_1228 = %broadcast_in_dim3A_862, %scan3A_1229 = %broadcast_in_dim3A_862, %scan3A_1230 = %broadcast_in_dim3A_862, %scan3A_1231 = %broadcast_in_dim3A_862, %scan3A_1232 = %broadcast_in_dim3A_862, %scan3A_1233 = %broadcast_in_dim3A_862, %scan3A_1234 = %broadcast_in_dim3A_862, %scan3A_1235 = %broadcast_in_dim3A_862, %scan3A_1236 = %broadcast_in_dim3A_862, %scan3A_1237 = %broadcast_in_dim3A_862, %scan3A_1238 = %broadcast_in_dim3A_862, %scan3A_1239 = %broadcast_in_dim3A_862, %scan3A_1240 = %broadcast_in_dim3A_862, %scan3A_1241 = %broadcast_in_dim3A_862, %scan3A_1242 = %broadcast_in_dim3A_862, %scan3A_1243 = %broadcast_in_dim3A_862, %scan3A_1244 = %broadcast_in_dim3A_862, %scan3A_1245 = %broadcast_in_dim3A_862, %scan3A_1246 = %broadcast_in_dim3A_862, %scan3A_1247 = %broadcast_in_dim3A_862, %scan3A_1248 = %broadcast_in_dim3A_862, %scan3A_1249 = %broadcast_in_dim3A_862, %scan3A_1250 = %broadcast_in_dim3A_862, %scan3A_1251 = %broadcast_in_dim3A_862, %scan3A_1252 = %broadcast_in_dim3A_862, %scan3A_1253 = %broadcast_in_dim3A_862, %scan3A_1254 = %broadcast_in_dim3A_862, %scan3A_1255 = %broadcast_in_dim3A_862, %scan3A_1256 = %broadcast_in_dim3A_862, %scan3A_1257 = %broadcast_in_dim3A_862, %scan3A_1258 = %broadcast_in_dim3A_862, %scan3A_1259 = %broadcast_in_dim3A_862, %scan3A_1260 = %broadcast_in_dim3A_862, %scan3A_1261 = %broadcast_in_dim3A_862) -> (vector<16xf32>, vector<16xf32>, vector<16xf32>, vector<16xf32>, vector<16xf32>, vector<16xf32>, vector<16xf32>, vector<16xf32>, vector<16xf32>, vector<16xf32>, vector<16xf32>, vector<16xf32>, vector<16xf32>, vector<16xf32>, vector<16xf32>, vector<16xf32>, vector<16xf32>, vector<16xf32>, vector<16xf32>, vector<16xf32>, vector<16xf32>, vector<16xf32>, vector<16xf32>, vector<16xf32>, vector<16xf32>, vector<16xf32>, vector<16xf32>, vector<16xf32>, vector<16xf32>, vector<16xf32>, vector<16xf32>, vector<16xf32>, vector<16xf32>, vector<16xf32>, vector<16xf32>, vector<16xf32>)  : i32 {
      %mul3A_1262 = arith.constant 16 : i32
      %mul3A_1263 = arith.muli %scan3A_1225, %mul3A_1262 : i32
      %add3A_1264 = vector.broadcast %mul3A_1263 : i32 to vector<16xi32>
      %add3A_1265 = arith.addi %add3A_1264, %iota3A : vector<16xi32>
      %add3A_1266 = arith.constant 1 : i32
      %add3A_1267 = vector.broadcast %add3A_1266 : i32 to vector<16xi32>
      %add3A_1268 = arith.addi %add3A_1265, %add3A_1267 : vector<16xi32>
      %gather3A_1269 = tpu.vector_load_idx %arg10[%add3A_1265] : memref<1040xi32, #tpu.memory_space<vmem>>[vector<16xi32>], vector<16xi32>,
      %gather3A_1270 = tpu.vector_load_idx %arg10[%add3A_1268] : memref<1040xi32, #tpu.memory_space<vmem>>[vector<16xi32>], vector<16xi32>,
      %gather3A_1271 = tpu.vector_load_idx %arg11[%add3A_1265] : memref<1040xi32, #tpu.memory_space<vmem>>[vector<16xi32>], vector<16xi32>,
      %gather3A_1272 = tpu.vector_load_idx %arg11[%add3A_1268] : memref<1040xi32, #tpu.memory_space<vmem>>[vector<16xi32>], vector<16xi32>,
      %mul3A_1273 = arith.constant 18 : i32
      %mul3A_1274 = vector.broadcast %mul3A_1273 : i32 to vector<16xi32>
      %mul3A_1275 = arith.muli %gather3A_1269, %mul3A_1274 : vector<16xi32>
      %and3A_1276 = arith.constant 15 : i32
      %and3A_1277 = vector.broadcast %and3A_1276 : i32 to vector<16xi32>
      %and3A_1278 = arith.andi %mul3A_1275, %and3A_1277 : vector<16xi32>
      %mul3A_1279 = arith.constant 18 : i32
      %mul3A_1280 = vector.broadcast %mul3A_1279 : i32 to vector<16xi32>
      %mul3A_1281 = arith.muli %gather3A_1270, %mul3A_1280 : vector<16xi32>
      %and3A_1282 = arith.constant 15 : i32
      %and3A_1283 = vector.broadcast %and3A_1282 : i32 to vector<16xi32>
      %and3A_1284 = arith.andi %mul3A_1281, %and3A_1283 : vector<16xi32>
      %mul3A_1285 = arith.constant 2 : i32
      %mul3A_1286 = vector.broadcast %mul3A_1285 : i32 to vector<16xi32>
      %mul3A_1287 = arith.muli %add3A_1265, %mul3A_1286 : vector<16xi32>
      %mul3A_1288 = arith.constant 2 : i32
      %mul3A_1289 = vector.broadcast %mul3A_1288 : i32 to vector<16xi32>
      %mul3A_1290 = arith.muli %add3A_1268, %mul3A_1289 : vector<16xi32>
      %add3A_1291 = vector.broadcast %mul3A_0 : i32 to vector<16xi32>
      %add3A_1292 = arith.addi %add3A_1265, %add3A_1291 : vector<16xi32>
      %ge3A = arith.constant 1 : i32
      %ge3A_1293 = vector.broadcast %ge3A : i32 to vector<16xi32>
      %ge3A_1294 = arith.cmpi sge, %add3A_1292, %ge3A_1293 : vector<16xi32>
      %sub3A = arith.constant 1 : i32
      %sub3A_1295 = vector.broadcast %sub3A : i32 to vector<16xi32>
      %sub3A_1296 = arith.subi %gather3A_680, %sub3A_1295 : vector<16xi32>
      %lt3A = arith.cmpi slt, %add3A_1292, %sub3A_1296 : vector<16xi32>
      %and3A_1297 = arith.andi %ge3A_1294, %lt3A : vector<16xi1>
      %ge3A_1298 = arith.constant 1 : i32
      %ge3A_1299 = vector.broadcast %ge3A_1298 : i32 to vector<16xi32>
      %ge3A_1300 = arith.cmpi sge, %add3A_1292, %ge3A_1299 : vector<16xi32>
      %lt3A_1301 = arith.cmpi slt, %add3A_1292, %gather3A_680 : vector<16xi32>
      %and3A_1302 = arith.andi %ge3A_1300, %lt3A_1301 : vector<16xi1>
      %add3A_1303 = arith.constant 0 : i32
      %add3A_1304 = vector.broadcast %add3A_1303 : i32 to vector<16xi32>
      %add3A_1305 = arith.addi %and3A_1278, %add3A_1304 : vector<16xi32>
      %add3A_1306 = arith.constant 0 : i32
      %add3A_1307 = vector.broadcast %add3A_1306 : i32 to vector<16xi32>
      %add3A_1308 = arith.addi %and3A_1284, %add3A_1307 : vector<16xi32>
      %shift_right_arithmetic3A_1309 = arith.constant 4 : i32
      %shift_right_arithmetic3A_1310 = vector.broadcast %shift_right_arithmetic3A_1309 : i32 to vector<16xi32>
      %shift_right_arithmetic3A_1311 = arith.shrsi %add3A_1305, %shift_right_arithmetic3A_1310 : vector<16xi32>
      %add3A_1312 = arith.addi %mul3A_1287, %shift_right_arithmetic3A_1311 : vector<16xi32>
      %and3A_1313 = arith.constant 15 : i32
      %and3A_1314 = vector.broadcast %and3A_1313 : i32 to vector<16xi32>
      %and3A_1315 = arith.andi %add3A_1305, %and3A_1314 : vector<16xi32>
      %shift_right_arithmetic3A_1316 = arith.constant 4 : i32
      %shift_right_arithmetic3A_1317 = vector.broadcast %shift_right_arithmetic3A_1316 : i32 to vector<16xi32>
      %shift_right_arithmetic3A_1318 = arith.shrsi %add3A_1308, %shift_right_arithmetic3A_1317 : vector<16xi32>
      %add3A_1319 = arith.addi %mul3A_1290, %shift_right_arithmetic3A_1318 : vector<16xi32>
      %and3A_1320 = arith.constant 15 : i32
      %and3A_1321 = vector.broadcast %and3A_1320 : i32 to vector<16xi32>
      %and3A_1322 = arith.andi %add3A_1308, %and3A_1321 : vector<16xi32>
      %gather3A_1323 = tpu.vector_load_idx %arg17[%add3A_1312, %and3A_1315] : memref<2080x16xf32, #tpu.memory_space<vmem>>[vector<16xi32>, vector<16xi32>], vector<16xf32>,
      %gather3A_1324 = tpu.vector_load_idx %arg18[%add3A_1312, %and3A_1315] : memref<2080x16xf32, #tpu.memory_space<vmem>>[vector<16xi32>, vector<16xi32>], vector<16xf32>,
      %gather3A_1325 = tpu.vector_load_idx %arg17[%add3A_1319, %and3A_1322] : memref<2080x16xf32, #tpu.memory_space<vmem>>[vector<16xi32>, vector<16xi32>], vector<16xf32>,
      %mul3A_1326 = arith.constant 18 : i32
      %mul3A_1327 = vector.broadcast %mul3A_1326 : i32 to vector<16xi32>
      %mul3A_1328 = arith.muli %gather3A_1271, %mul3A_1327 : vector<16xi32>
      %add3A_1329 = arith.constant 0 : i32
      %add3A_1330 = vector.broadcast %add3A_1329 : i32 to vector<16xi32>
      %add3A_1331 = arith.addi %mul3A_1328, %add3A_1330 : vector<16xi32>
      %gather3A_1332 = tpu.vector_load_idx %arg13[%add3A_1331] : memref<512xf32, #tpu.memory_space<vmem>>[vector<16xi32>], vector<16xf32>,
      %mul3A_1333 = arith.constant 18 : i32
      %mul3A_1334 = vector.broadcast %mul3A_1333 : i32 to vector<16xi32>
      %mul3A_1335 = arith.muli %gather3A_1272, %mul3A_1334 : vector<16xi32>
      %add3A_1336 = arith.constant 0 : i32
      %add3A_1337 = vector.broadcast %add3A_1336 : i32 to vector<16xi32>
      %add3A_1338 = arith.addi %mul3A_1335, %add3A_1337 : vector<16xi32>
      %gather3A_1339 = tpu.vector_load_idx %arg13[%add3A_1338] : memref<512xf32, #tpu.memory_space<vmem>>[vector<16xi32>], vector<16xf32>,
      %mul3A_1340 = arith.mulf %gather3A_1332, %gather3A_1324 : vector<16xf32>
      %mul3A_1341 = arith.mulf %gather3A_1339, %gather3A_1325 : vector<16xf32>
      %sub3A_1342 = arith.subf %mul3A_1340, %mul3A_1341 : vector<16xf32>
      %mul3A_1343 = arith.mulf %sub3A_1342, %sub3A_1342 : vector<16xf32>
      %jit3A_1344 = arith.constant 0.000000e+00 : f32
      %broadcast_in_dim3A_1345 = vector.broadcast %jit3A_1344 : f32 to vector<16xf32>
      %select_n3A_1346 = arith.select %and3A_1297, %mul3A_1343, %broadcast_in_dim3A_1345 : vector<16xi1>, vector<16xf32>
      %add3A_1347 = arith.addf %scan3A_1226, %select_n3A_1346 : vector<16xf32>
      %add3A_1348 = arith.addf %gather3A_1323, %gather3A_1324 : vector<16xf32>
      %mul3A_1349 = arith.constant 5.000000e-01 : f32
      %mul3A_1350 = vector.broadcast %mul3A_1349 : f32 to vector<16xf32>
      %mul3A_1351 = arith.mulf %mul3A_1350, %add3A_1348 : vector<16xf32>
      %sub3A_1352 = arith.subf %mul3A_1351, %gather3A_690 : vector<16xf32>
      %mul3A_1353 = arith.mulf %gather3A_1332, %sub3A_1352 : vector<16xf32>
      %mul3A_1354 = arith.mulf %mul3A_1353, %mul3A_1353 : vector<16xf32>
      %jit3A_1355 = arith.constant 0.000000e+00 : f32
      %broadcast_in_dim3A_1356 = vector.broadcast %jit3A_1355 : f32 to vector<16xf32>
      %select_n3A_1357 = arith.select %and3A_1302, %mul3A_1354, %broadcast_in_dim3A_1356 : vector<16xi1>, vector<16xf32>
      %add3A_1358 = arith.addf %scan3A_1244, %select_n3A_1357 : vector<16xf32>
      %add3A_1359 = arith.constant 1 : i32
      %add3A_1360 = vector.broadcast %add3A_1359 : i32 to vector<16xi32>
      %add3A_1361 = arith.addi %and3A_1278, %add3A_1360 : vector<16xi32>
      %add3A_1362 = arith.constant 1 : i32
      %add3A_1363 = vector.broadcast %add3A_1362 : i32 to vector<16xi32>
      %add3A_1364 = arith.addi %and3A_1284, %add3A_1363 : vector<16xi32>
      %shift_right_arithmetic3A_1365 = arith.constant 4 : i32
      %shift_right_arithmetic3A_1366 = vector.broadcast %shift_right_arithmetic3A_1365 : i32 to vector<16xi32>
      %shift_right_arithmetic3A_1367 = arith.shrsi %add3A_1361, %shift_right_arithmetic3A_1366 : vector<16xi32>
      %add3A_1368 = arith.addi %mul3A_1287, %shift_right_arithmetic3A_1367 : vector<16xi32>
      %and3A_1369 = arith.constant 15 : i32
      %and3A_1370 = vector.broadcast %and3A_1369 : i32 to vector<16xi32>
      %and3A_1371 = arith.andi %add3A_1361, %and3A_1370 : vector<16xi32>
      %shift_right_arithmetic3A_1372 = arith.constant 4 : i32
      %shift_right_arithmetic3A_1373 = vector.broadcast %shift_right_arithmetic3A_1372 : i32 to vector<16xi32>
      %shift_right_arithmetic3A_1374 = arith.shrsi %add3A_1364, %shift_right_arithmetic3A_1373 : vector<16xi32>
      %add3A_1375 = arith.addi %mul3A_1290, %shift_right_arithmetic3A_1374 : vector<16xi32>
      %and3A_1376 = arith.constant 15 : i32
      %and3A_1377 = vector.broadcast %and3A_1376 : i32 to vector<16xi32>
      %and3A_1378 = arith.andi %add3A_1364, %and3A_1377 : vector<16xi32>
      %gather3A_1379 = tpu.vector_load_idx %arg17[%add3A_1368, %and3A_1371] : memref<2080x16xf32, #tpu.memory_space<vmem>>[vector<16xi32>, vector<16xi32>], vector<16xf32>,
      %gather3A_1380 = tpu.vector_load_idx %arg18[%add3A_1368, %and3A_1371] : memref<2080x16xf32, #tpu.memory_space<vmem>>[vector<16xi32>, vector<16xi32>], vector<16xf32>,
      %gather3A_1381 = tpu.vector_load_idx %arg17[%add3A_1375, %and3A_1378] : memref<2080x16xf32, #tpu.memory_space<vmem>>[vector<16xi32>, vector<16xi32>], vector<16xf32>,
      %mul3A_1382 = arith.constant 18 : i32
      %mul3A_1383 = vector.broadcast %mul3A_1382 : i32 to vector<16xi32>
      %mul3A_1384 = arith.muli %gather3A_1271, %mul3A_1383 : vector<16xi32>
      %add3A_1385 = arith.constant 1 : i32
      %add3A_1386 = vector.broadcast %add3A_1385 : i32 to vector<16xi32>
      %add3A_1387 = arith.addi %mul3A_1384, %add3A_1386 : vector<16xi32>
      %gather3A_1388 = tpu.vector_load_idx %arg13[%add3A_1387] : memref<512xf32, #tpu.memory_space<vmem>>[vector<16xi32>], vector<16xf32>,
      %mul3A_1389 = arith.constant 18 : i32
      %mul3A_1390 = vector.broadcast %mul3A_1389 : i32 to vector<16xi32>
      %mul3A_1391 = arith.muli %gather3A_1272, %mul3A_1390 : vector<16xi32>
      %add3A_1392 = arith.constant 1 : i32
      %add3A_1393 = vector.broadcast %add3A_1392 : i32 to vector<16xi32>
      %add3A_1394 = arith.addi %mul3A_1391, %add3A_1393 : vector<16xi32>
      %gather3A_1395 = tpu.vector_load_idx %arg13[%add3A_1394] : memref<512xf32, #tpu.memory_space<vmem>>[vector<16xi32>], vector<16xf32>,
      %mul3A_1396 = arith.mulf %gather3A_1388, %gather3A_1380 : vector<16xf32>
      %mul3A_1397 = arith.mulf %gather3A_1395, %gather3A_1381 : vector<16xf32>
      %sub3A_1398 = arith.subf %mul3A_1396, %mul3A_1397 : vector<16xf32>
      %mul3A_1399 = arith.mulf %sub3A_1398, %sub3A_1398 : vector<16xf32>
      %jit3A_1400 = arith.constant 0.000000e+00 : f32
      %broadcast_in_dim3A_1401 = vector.broadcast %jit3A_1400 : f32 to vector<16xf32>
      %select_n3A_1402 = arith.select %and3A_1297, %mul3A_1399, %broadcast_in_dim3A_1401 : vector<16xi1>, vector<16xf32>
      %add3A_1403 = arith.addf %scan3A_1227, %select_n3A_1402 : vector<16xf32>
      %add3A_1404 = arith.addf %gather3A_1379, %gather3A_1380 : vector<16xf32>
      %mul3A_1405 = arith.constant 5.000000e-01 : f32
      %mul3A_1406 = vector.broadcast %mul3A_1405 : f32 to vector<16xf32>
      %mul3A_1407 = arith.mulf %mul3A_1406, %add3A_1404 : vector<16xf32>
      %sub3A_1408 = arith.subf %mul3A_1407, %gather3A_700 : vector<16xf32>
      %mul3A_1409 = arith.mulf %gather3A_1388, %sub3A_1408 : vector<16xf32>
      %mul3A_1410 = arith.mulf %mul3A_1409, %mul3A_1409 : vector<16xf32>
      %jit3A_1411 = arith.constant 0.000000e+00 : f32
      %broadcast_in_dim3A_1412 = vector.broadcast %jit3A_1411 : f32 to vector<16xf32>
      %select_n3A_1413 = arith.select %and3A_1302, %mul3A_1410, %broadcast_in_dim3A_1412 : vector<16xi1>, vector<16xf32>
      %add3A_1414 = arith.addf %scan3A_1245, %select_n3A_1413 : vector<16xf32>
      %add3A_1415 = arith.constant 2 : i32
      %add3A_1416 = vector.broadcast %add3A_1415 : i32 to vector<16xi32>
      %add3A_1417 = arith.addi %and3A_1278, %add3A_1416 : vector<16xi32>
      %add3A_1418 = arith.constant 2 : i32
      %add3A_1419 = vector.broadcast %add3A_1418 : i32 to vector<16xi32>
      %add3A_1420 = arith.addi %and3A_1284, %add3A_1419 : vector<16xi32>
      %shift_right_arithmetic3A_1421 = arith.constant 4 : i32
      %shift_right_arithmetic3A_1422 = vector.broadcast %shift_right_arithmetic3A_1421 : i32 to vector<16xi32>
      %shift_right_arithmetic3A_1423 = arith.shrsi %add3A_1417, %shift_right_arithmetic3A_1422 : vector<16xi32>
      %add3A_1424 = arith.addi %mul3A_1287, %shift_right_arithmetic3A_1423 : vector<16xi32>
      %and3A_1425 = arith.constant 15 : i32
      %and3A_1426 = vector.broadcast %and3A_1425 : i32 to vector<16xi32>
      %and3A_1427 = arith.andi %add3A_1417, %and3A_1426 : vector<16xi32>
      %shift_right_arithmetic3A_1428 = arith.constant 4 : i32
      %shift_right_arithmetic3A_1429 = vector.broadcast %shift_right_arithmetic3A_1428 : i32 to vector<16xi32>
      %shift_right_arithmetic3A_1430 = arith.shrsi %add3A_1420, %shift_right_arithmetic3A_1429 : vector<16xi32>
      %add3A_1431 = arith.addi %mul3A_1290, %shift_right_arithmetic3A_1430 : vector<16xi32>
      %and3A_1432 = arith.constant 15 : i32
      %and3A_1433 = vector.broadcast %and3A_1432 : i32 to vector<16xi32>
      %and3A_1434 = arith.andi %add3A_1420, %and3A_1433 : vector<16xi32>
      %gather3A_1435 = tpu.vector_load_idx %arg17[%add3A_1424, %and3A_1427] : memref<2080x16xf32, #tpu.memory_space<vmem>>[vector<16xi32>, vector<16xi32>], vector<16xf32>,
      %gather3A_1436 = tpu.vector_load_idx %arg18[%add3A_1424, %and3A_1427] : memref<2080x16xf32, #tpu.memory_space<vmem>>[vector<16xi32>, vector<16xi32>], vector<16xf32>,
      %gather3A_1437 = tpu.vector_load_idx %arg17[%add3A_1431, %and3A_1434] : memref<2080x16xf32, #tpu.memory_space<vmem>>[vector<16xi32>, vector<16xi32>], vector<16xf32>,
      %mul3A_1438 = arith.constant 18 : i32
      %mul3A_1439 = vector.broadcast %mul3A_1438 : i32 to vector<16xi32>
      %mul3A_1440 = arith.muli %gather3A_1271, %mul3A_1439 : vector<16xi32>
      %add3A_1441 = arith.constant 2 : i32
      %add3A_1442 = vector.broadcast %add3A_1441 : i32 to vector<16xi32>
      %add3A_1443 = arith.addi %mul3A_1440, %add3A_1442 : vector<16xi32>
      %gather3A_1444 = tpu.vector_load_idx %arg13[%add3A_1443] : memref<512xf32, #tpu.memory_space<vmem>>[vector<16xi32>], vector<16xf32>,
      %mul3A_1445 = arith.constant 18 : i32
      %mul3A_1446 = vector.broadcast %mul3A_1445 : i32 to vector<16xi32>
      %mul3A_1447 = arith.muli %gather3A_1272, %mul3A_1446 : vector<16xi32>
      %add3A_1448 = arith.constant 2 : i32
      %add3A_1449 = vector.broadcast %add3A_1448 : i32 to vector<16xi32>
      %add3A_1450 = arith.addi %mul3A_1447, %add3A_1449 : vector<16xi32>
      %gather3A_1451 = tpu.vector_load_idx %arg13[%add3A_1450] : memref<512xf32, #tpu.memory_space<vmem>>[vector<16xi32>], vector<16xf32>,
      %mul3A_1452 = arith.mulf %gather3A_1444, %gather3A_1436 : vector<16xf32>
      %mul3A_1453 = arith.mulf %gather3A_1451, %gather3A_1437 : vector<16xf32>
      %sub3A_1454 = arith.subf %mul3A_1452, %mul3A_1453 : vector<16xf32>
      %mul3A_1455 = arith.mulf %sub3A_1454, %sub3A_1454 : vector<16xf32>
      %jit3A_1456 = arith.constant 0.000000e+00 : f32
      %broadcast_in_dim3A_1457 = vector.broadcast %jit3A_1456 : f32 to vector<16xf32>
      %select_n3A_1458 = arith.select %and3A_1297, %mul3A_1455, %broadcast_in_dim3A_1457 : vector<16xi1>, vector<16xf32>
      %add3A_1459 = arith.addf %scan3A_1228, %select_n3A_1458 : vector<16xf32>
      %add3A_1460 = arith.addf %gather3A_1435, %gather3A_1436 : vector<16xf32>
      %mul3A_1461 = arith.constant 5.000000e-01 : f32
      %mul3A_1462 = vector.broadcast %mul3A_1461 : f32 to vector<16xf32>
      %mul3A_1463 = arith.mulf %mul3A_1462, %add3A_1460 : vector<16xf32>
      %sub3A_1464 = arith.subf %mul3A_1463, %gather3A_710 : vector<16xf32>
      %mul3A_1465 = arith.mulf %gather3A_1444, %sub3A_1464 : vector<16xf32>
      %mul3A_1466 = arith.mulf %mul3A_1465, %mul3A_1465 : vector<16xf32>
      %jit3A_1467 = arith.constant 0.000000e+00 : f32
      %broadcast_in_dim3A_1468 = vector.broadcast %jit3A_1467 : f32 to vector<16xf32>
      %select_n3A_1469 = arith.select %and3A_1302, %mul3A_1466, %broadcast_in_dim3A_1468 : vector<16xi1>, vector<16xf32>
      %add3A_1470 = arith.addf %scan3A_1246, %select_n3A_1469 : vector<16xf32>
      %add3A_1471 = arith.constant 3 : i32
      %add3A_1472 = vector.broadcast %add3A_1471 : i32 to vector<16xi32>
      %add3A_1473 = arith.addi %and3A_1278, %add3A_1472 : vector<16xi32>
      %add3A_1474 = arith.constant 3 : i32
      %add3A_1475 = vector.broadcast %add3A_1474 : i32 to vector<16xi32>
      %add3A_1476 = arith.addi %and3A_1284, %add3A_1475 : vector<16xi32>
      %shift_right_arithmetic3A_1477 = arith.constant 4 : i32
      %shift_right_arithmetic3A_1478 = vector.broadcast %shift_right_arithmetic3A_1477 : i32 to vector<16xi32>
      %shift_right_arithmetic3A_1479 = arith.shrsi %add3A_1473, %shift_right_arithmetic3A_1478 : vector<16xi32>
      %add3A_1480 = arith.addi %mul3A_1287, %shift_right_arithmetic3A_1479 : vector<16xi32>
      %and3A_1481 = arith.constant 15 : i32
      %and3A_1482 = vector.broadcast %and3A_1481 : i32 to vector<16xi32>
      %and3A_1483 = arith.andi %add3A_1473, %and3A_1482 : vector<16xi32>
      %shift_right_arithmetic3A_1484 = arith.constant 4 : i32
      %shift_right_arithmetic3A_1485 = vector.broadcast %shift_right_arithmetic3A_1484 : i32 to vector<16xi32>
      %shift_right_arithmetic3A_1486 = arith.shrsi %add3A_1476, %shift_right_arithmetic3A_1485 : vector<16xi32>
      %add3A_1487 = arith.addi %mul3A_1290, %shift_right_arithmetic3A_1486 : vector<16xi32>
      %and3A_1488 = arith.constant 15 : i32
      %and3A_1489 = vector.broadcast %and3A_1488 : i32 to vector<16xi32>
      %and3A_1490 = arith.andi %add3A_1476, %and3A_1489 : vector<16xi32>
      %gather3A_1491 = tpu.vector_load_idx %arg17[%add3A_1480, %and3A_1483] : memref<2080x16xf32, #tpu.memory_space<vmem>>[vector<16xi32>, vector<16xi32>], vector<16xf32>,
      %gather3A_1492 = tpu.vector_load_idx %arg18[%add3A_1480, %and3A_1483] : memref<2080x16xf32, #tpu.memory_space<vmem>>[vector<16xi32>, vector<16xi32>], vector<16xf32>,
      %gather3A_1493 = tpu.vector_load_idx %arg17[%add3A_1487, %and3A_1490] : memref<2080x16xf32, #tpu.memory_space<vmem>>[vector<16xi32>, vector<16xi32>], vector<16xf32>,
      %mul3A_1494 = arith.constant 18 : i32
      %mul3A_1495 = vector.broadcast %mul3A_1494 : i32 to vector<16xi32>
      %mul3A_1496 = arith.muli %gather3A_1271, %mul3A_1495 : vector<16xi32>
      %add3A_1497 = arith.constant 3 : i32
      %add3A_1498 = vector.broadcast %add3A_1497 : i32 to vector<16xi32>
      %add3A_1499 = arith.addi %mul3A_1496, %add3A_1498 : vector<16xi32>
      %gather3A_1500 = tpu.vector_load_idx %arg13[%add3A_1499] : memref<512xf32, #tpu.memory_space<vmem>>[vector<16xi32>], vector<16xf32>,
      %mul3A_1501 = arith.constant 18 : i32
      %mul3A_1502 = vector.broadcast %mul3A_1501 : i32 to vector<16xi32>
      %mul3A_1503 = arith.muli %gather3A_1272, %mul3A_1502 : vector<16xi32>
      %add3A_1504 = arith.constant 3 : i32
      %add3A_1505 = vector.broadcast %add3A_1504 : i32 to vector<16xi32>
      %add3A_1506 = arith.addi %mul3A_1503, %add3A_1505 : vector<16xi32>
      %gather3A_1507 = tpu.vector_load_idx %arg13[%add3A_1506] : memref<512xf32, #tpu.memory_space<vmem>>[vector<16xi32>], vector<16xf32>,
      %mul3A_1508 = arith.mulf %gather3A_1500, %gather3A_1492 : vector<16xf32>
      %mul3A_1509 = arith.mulf %gather3A_1507, %gather3A_1493 : vector<16xf32>
      %sub3A_1510 = arith.subf %mul3A_1508, %mul3A_1509 : vector<16xf32>
      %mul3A_1511 = arith.mulf %sub3A_1510, %sub3A_1510 : vector<16xf32>
      %jit3A_1512 = arith.constant 0.000000e+00 : f32
      %broadcast_in_dim3A_1513 = vector.broadcast %jit3A_1512 : f32 to vector<16xf32>
      %select_n3A_1514 = arith.select %and3A_1297, %mul3A_1511, %broadcast_in_dim3A_1513 : vector<16xi1>, vector<16xf32>
      %add3A_1515 = arith.addf %scan3A_1229, %select_n3A_1514 : vector<16xf32>
      %add3A_1516 = arith.addf %gather3A_1491, %gather3A_1492 : vector<16xf32>
      %mul3A_1517 = arith.constant 5.000000e-01 : f32
      %mul3A_1518 = vector.broadcast %mul3A_1517 : f32 to vector<16xf32>
      %mul3A_1519 = arith.mulf %mul3A_1518, %add3A_1516 : vector<16xf32>
      %sub3A_1520 = arith.subf %mul3A_1519, %gather3A_720 : vector<16xf32>
      %mul3A_1521 = arith.mulf %gather3A_1500, %sub3A_1520 : vector<16xf32>
      %mul3A_1522 = arith.mulf %mul3A_1521, %mul3A_1521 : vector<16xf32>
      %jit3A_1523 = arith.constant 0.000000e+00 : f32
      %broadcast_in_dim3A_1524 = vector.broadcast %jit3A_1523 : f32 to vector<16xf32>
      %select_n3A_1525 = arith.select %and3A_1302, %mul3A_1522, %broadcast_in_dim3A_1524 : vector<16xi1>, vector<16xf32>
      %add3A_1526 = arith.addf %scan3A_1247, %select_n3A_1525 : vector<16xf32>
      %add3A_1527 = arith.constant 4 : i32
      %add3A_1528 = vector.broadcast %add3A_1527 : i32 to vector<16xi32>
      %add3A_1529 = arith.addi %and3A_1278, %add3A_1528 : vector<16xi32>
      %add3A_1530 = arith.constant 4 : i32
      %add3A_1531 = vector.broadcast %add3A_1530 : i32 to vector<16xi32>
      %add3A_1532 = arith.addi %and3A_1284, %add3A_1531 : vector<16xi32>
      %shift_right_arithmetic3A_1533 = arith.constant 4 : i32
      %shift_right_arithmetic3A_1534 = vector.broadcast %shift_right_arithmetic3A_1533 : i32 to vector<16xi32>
      %shift_right_arithmetic3A_1535 = arith.shrsi %add3A_1529, %shift_right_arithmetic3A_1534 : vector<16xi32>
      %add3A_1536 = arith.addi %mul3A_1287, %shift_right_arithmetic3A_1535 : vector<16xi32>
      %and3A_1537 = arith.constant 15 : i32
      %and3A_1538 = vector.broadcast %and3A_1537 : i32 to vector<16xi32>
      %and3A_1539 = arith.andi %add3A_1529, %and3A_1538 : vector<16xi32>
      %shift_right_arithmetic3A_1540 = arith.constant 4 : i32
      %shift_right_arithmetic3A_1541 = vector.broadcast %shift_right_arithmetic3A_1540 : i32 to vector<16xi32>
      %shift_right_arithmetic3A_1542 = arith.shrsi %add3A_1532, %shift_right_arithmetic3A_1541 : vector<16xi32>
      %add3A_1543 = arith.addi %mul3A_1290, %shift_right_arithmetic3A_1542 : vector<16xi32>
      %and3A_1544 = arith.constant 15 : i32
      %and3A_1545 = vector.broadcast %and3A_1544 : i32 to vector<16xi32>
      %and3A_1546 = arith.andi %add3A_1532, %and3A_1545 : vector<16xi32>
      %gather3A_1547 = tpu.vector_load_idx %arg17[%add3A_1536, %and3A_1539] : memref<2080x16xf32, #tpu.memory_space<vmem>>[vector<16xi32>, vector<16xi32>], vector<16xf32>,
      %gather3A_1548 = tpu.vector_load_idx %arg18[%add3A_1536, %and3A_1539] : memref<2080x16xf32, #tpu.memory_space<vmem>>[vector<16xi32>, vector<16xi32>], vector<16xf32>,
      %gather3A_1549 = tpu.vector_load_idx %arg17[%add3A_1543, %and3A_1546] : memref<2080x16xf32, #tpu.memory_space<vmem>>[vector<16xi32>, vector<16xi32>], vector<16xf32>,
      %mul3A_1550 = arith.constant 18 : i32
      %mul3A_1551 = vector.broadcast %mul3A_1550 : i32 to vector<16xi32>
      %mul3A_1552 = arith.muli %gather3A_1271, %mul3A_1551 : vector<16xi32>
      %add3A_1553 = arith.constant 4 : i32
      %add3A_1554 = vector.broadcast %add3A_1553 : i32 to vector<16xi32>
      %add3A_1555 = arith.addi %mul3A_1552, %add3A_1554 : vector<16xi32>
      %gather3A_1556 = tpu.vector_load_idx %arg13[%add3A_1555] : memref<512xf32, #tpu.memory_space<vmem>>[vector<16xi32>], vector<16xf32>,
      %mul3A_1557 = arith.constant 18 : i32
      %mul3A_1558 = vector.broadcast %mul3A_1557 : i32 to vector<16xi32>
      %mul3A_1559 = arith.muli %gather3A_1272, %mul3A_1558 : vector<16xi32>
      %add3A_1560 = arith.constant 4 : i32
      %add3A_1561 = vector.broadcast %add3A_1560 : i32 to vector<16xi32>
      %add3A_1562 = arith.addi %mul3A_1559, %add3A_1561 : vector<16xi32>
      %gather3A_1563 = tpu.vector_load_idx %arg13[%add3A_1562] : memref<512xf32, #tpu.memory_space<vmem>>[vector<16xi32>], vector<16xf32>,
      %mul3A_1564 = arith.mulf %gather3A_1556, %gather3A_1548 : vector<16xf32>
      %mul3A_1565 = arith.mulf %gather3A_1563, %gather3A_1549 : vector<16xf32>
      %sub3A_1566 = arith.subf %mul3A_1564, %mul3A_1565 : vector<16xf32>
      %mul3A_1567 = arith.mulf %sub3A_1566, %sub3A_1566 : vector<16xf32>
      %jit3A_1568 = arith.constant 0.000000e+00 : f32
      %broadcast_in_dim3A_1569 = vector.broadcast %jit3A_1568 : f32 to vector<16xf32>
      %select_n3A_1570 = arith.select %and3A_1297, %mul3A_1567, %broadcast_in_dim3A_1569 : vector<16xi1>, vector<16xf32>
      %add3A_1571 = arith.addf %scan3A_1230, %select_n3A_1570 : vector<16xf32>
      %add3A_1572 = arith.addf %gather3A_1547, %gather3A_1548 : vector<16xf32>
      %mul3A_1573 = arith.constant 5.000000e-01 : f32
      %mul3A_1574 = vector.broadcast %mul3A_1573 : f32 to vector<16xf32>
      %mul3A_1575 = arith.mulf %mul3A_1574, %add3A_1572 : vector<16xf32>
      %sub3A_1576 = arith.subf %mul3A_1575, %gather3A_730 : vector<16xf32>
      %mul3A_1577 = arith.mulf %gather3A_1556, %sub3A_1576 : vector<16xf32>
      %mul3A_1578 = arith.mulf %mul3A_1577, %mul3A_1577 : vector<16xf32>
      %jit3A_1579 = arith.constant 0.000000e+00 : f32
      %broadcast_in_dim3A_1580 = vector.broadcast %jit3A_1579 : f32 to vector<16xf32>
      %select_n3A_1581 = arith.select %and3A_1302, %mul3A_1578, %broadcast_in_dim3A_1580 : vector<16xi1>, vector<16xf32>
      %add3A_1582 = arith.addf %scan3A_1248, %select_n3A_1581 : vector<16xf32>
      %add3A_1583 = arith.constant 5 : i32
      %add3A_1584 = vector.broadcast %add3A_1583 : i32 to vector<16xi32>
      %add3A_1585 = arith.addi %and3A_1278, %add3A_1584 : vector<16xi32>
      %add3A_1586 = arith.constant 5 : i32
      %add3A_1587 = vector.broadcast %add3A_1586 : i32 to vector<16xi32>
      %add3A_1588 = arith.addi %and3A_1284, %add3A_1587 : vector<16xi32>
      %shift_right_arithmetic3A_1589 = arith.constant 4 : i32
      %shift_right_arithmetic3A_1590 = vector.broadcast %shift_right_arithmetic3A_1589 : i32 to vector<16xi32>
      %shift_right_arithmetic3A_1591 = arith.shrsi %add3A_1585, %shift_right_arithmetic3A_1590 : vector<16xi32>
      %add3A_1592 = arith.addi %mul3A_1287, %shift_right_arithmetic3A_1591 : vector<16xi32>
      %and3A_1593 = arith.constant 15 : i32
      %and3A_1594 = vector.broadcast %and3A_1593 : i32 to vector<16xi32>
      %and3A_1595 = arith.andi %add3A_1585, %and3A_1594 : vector<16xi32>
      %shift_right_arithmetic3A_1596 = arith.constant 4 : i32
      %shift_right_arithmetic3A_1597 = vector.broadcast %shift_right_arithmetic3A_1596 : i32 to vector<16xi32>
      %shift_right_arithmetic3A_1598 = arith.shrsi %add3A_1588, %shift_right_arithmetic3A_1597 : vector<16xi32>
      %add3A_1599 = arith.addi %mul3A_1290, %shift_right_arithmetic3A_1598 : vector<16xi32>
      %and3A_1600 = arith.constant 15 : i32
      %and3A_1601 = vector.broadcast %and3A_1600 : i32 to vector<16xi32>
      %and3A_1602 = arith.andi %add3A_1588, %and3A_1601 : vector<16xi32>
      %gather3A_1603 = tpu.vector_load_idx %arg17[%add3A_1592, %and3A_1595] : memref<2080x16xf32, #tpu.memory_space<vmem>>[vector<16xi32>, vector<16xi32>], vector<16xf32>,
      %gather3A_1604 = tpu.vector_load_idx %arg18[%add3A_1592, %and3A_1595] : memref<2080x16xf32, #tpu.memory_space<vmem>>[vector<16xi32>, vector<16xi32>], vector<16xf32>,
      %gather3A_1605 = tpu.vector_load_idx %arg17[%add3A_1599, %and3A_1602] : memref<2080x16xf32, #tpu.memory_space<vmem>>[vector<16xi32>, vector<16xi32>], vector<16xf32>,
      %mul3A_1606 = arith.constant 18 : i32
      %mul3A_1607 = vector.broadcast %mul3A_1606 : i32 to vector<16xi32>
      %mul3A_1608 = arith.muli %gather3A_1271, %mul3A_1607 : vector<16xi32>
      %add3A_1609 = arith.constant 5 : i32
      %add3A_1610 = vector.broadcast %add3A_1609 : i32 to vector<16xi32>
      %add3A_1611 = arith.addi %mul3A_1608, %add3A_1610 : vector<16xi32>
      %gather3A_1612 = tpu.vector_load_idx %arg13[%add3A_1611] : memref<512xf32, #tpu.memory_space<vmem>>[vector<16xi32>], vector<16xf32>,
      %mul3A_1613 = arith.constant 18 : i32
      %mul3A_1614 = vector.broadcast %mul3A_1613 : i32 to vector<16xi32>
      %mul3A_1615 = arith.muli %gather3A_1272, %mul3A_1614 : vector<16xi32>
      %add3A_1616 = arith.constant 5 : i32
      %add3A_1617 = vector.broadcast %add3A_1616 : i32 to vector<16xi32>
      %add3A_1618 = arith.addi %mul3A_1615, %add3A_1617 : vector<16xi32>
      %gather3A_1619 = tpu.vector_load_idx %arg13[%add3A_1618] : memref<512xf32, #tpu.memory_space<vmem>>[vector<16xi32>], vector<16xf32>,
      %mul3A_1620 = arith.mulf %gather3A_1612, %gather3A_1604 : vector<16xf32>
      %mul3A_1621 = arith.mulf %gather3A_1619, %gather3A_1605 : vector<16xf32>
      %sub3A_1622 = arith.subf %mul3A_1620, %mul3A_1621 : vector<16xf32>
      %mul3A_1623 = arith.mulf %sub3A_1622, %sub3A_1622 : vector<16xf32>
      %jit3A_1624 = arith.constant 0.000000e+00 : f32
      %broadcast_in_dim3A_1625 = vector.broadcast %jit3A_1624 : f32 to vector<16xf32>
      %select_n3A_1626 = arith.select %and3A_1297, %mul3A_1623, %broadcast_in_dim3A_1625 : vector<16xi1>, vector<16xf32>
      %add3A_1627 = arith.addf %scan3A_1231, %select_n3A_1626 : vector<16xf32>
      %add3A_1628 = arith.addf %gather3A_1603, %gather3A_1604 : vector<16xf32>
      %mul3A_1629 = arith.constant 5.000000e-01 : f32
      %mul3A_1630 = vector.broadcast %mul3A_1629 : f32 to vector<16xf32>
      %mul3A_1631 = arith.mulf %mul3A_1630, %add3A_1628 : vector<16xf32>
      %sub3A_1632 = arith.subf %mul3A_1631, %gather3A_740 : vector<16xf32>
      %mul3A_1633 = arith.mulf %gather3A_1612, %sub3A_1632 : vector<16xf32>
      %mul3A_1634 = arith.mulf %mul3A_1633, %mul3A_1633 : vector<16xf32>
      %jit3A_1635 = arith.constant 0.000000e+00 : f32
      %broadcast_in_dim3A_1636 = vector.broadcast %jit3A_1635 : f32 to vector<16xf32>
      %select_n3A_1637 = arith.select %and3A_1302, %mul3A_1634, %broadcast_in_dim3A_1636 : vector<16xi1>, vector<16xf32>
      %add3A_1638 = arith.addf %scan3A_1249, %select_n3A_1637 : vector<16xf32>
      %add3A_1639 = arith.constant 6 : i32
      %add3A_1640 = vector.broadcast %add3A_1639 : i32 to vector<16xi32>
      %add3A_1641 = arith.addi %and3A_1278, %add3A_1640 : vector<16xi32>
      %add3A_1642 = arith.constant 6 : i32
      %add3A_1643 = vector.broadcast %add3A_1642 : i32 to vector<16xi32>
      %add3A_1644 = arith.addi %and3A_1284, %add3A_1643 : vector<16xi32>
      %shift_right_arithmetic3A_1645 = arith.constant 4 : i32
      %shift_right_arithmetic3A_1646 = vector.broadcast %shift_right_arithmetic3A_1645 : i32 to vector<16xi32>
      %shift_right_arithmetic3A_1647 = arith.shrsi %add3A_1641, %shift_right_arithmetic3A_1646 : vector<16xi32>
      %add3A_1648 = arith.addi %mul3A_1287, %shift_right_arithmetic3A_1647 : vector<16xi32>
      %and3A_1649 = arith.constant 15 : i32
      %and3A_1650 = vector.broadcast %and3A_1649 : i32 to vector<16xi32>
      %and3A_1651 = arith.andi %add3A_1641, %and3A_1650 : vector<16xi32>
      %shift_right_arithmetic3A_1652 = arith.constant 4 : i32
      %shift_right_arithmetic3A_1653 = vector.broadcast %shift_right_arithmetic3A_1652 : i32 to vector<16xi32>
      %shift_right_arithmetic3A_1654 = arith.shrsi %add3A_1644, %shift_right_arithmetic3A_1653 : vector<16xi32>
      %add3A_1655 = arith.addi %mul3A_1290, %shift_right_arithmetic3A_1654 : vector<16xi32>
      %and3A_1656 = arith.constant 15 : i32
      %and3A_1657 = vector.broadcast %and3A_1656 : i32 to vector<16xi32>
      %and3A_1658 = arith.andi %add3A_1644, %and3A_1657 : vector<16xi32>
      %gather3A_1659 = tpu.vector_load_idx %arg17[%add3A_1648, %and3A_1651] : memref<2080x16xf32, #tpu.memory_space<vmem>>[vector<16xi32>, vector<16xi32>], vector<16xf32>,
      %gather3A_1660 = tpu.vector_load_idx %arg18[%add3A_1648, %and3A_1651] : memref<2080x16xf32, #tpu.memory_space<vmem>>[vector<16xi32>, vector<16xi32>], vector<16xf32>,
      %gather3A_1661 = tpu.vector_load_idx %arg17[%add3A_1655, %and3A_1658] : memref<2080x16xf32, #tpu.memory_space<vmem>>[vector<16xi32>, vector<16xi32>], vector<16xf32>,
      %mul3A_1662 = arith.constant 18 : i32
      %mul3A_1663 = vector.broadcast %mul3A_1662 : i32 to vector<16xi32>
      %mul3A_1664 = arith.muli %gather3A_1271, %mul3A_1663 : vector<16xi32>
      %add3A_1665 = arith.constant 6 : i32
      %add3A_1666 = vector.broadcast %add3A_1665 : i32 to vector<16xi32>
      %add3A_1667 = arith.addi %mul3A_1664, %add3A_1666 : vector<16xi32>
      %gather3A_1668 = tpu.vector_load_idx %arg13[%add3A_1667] : memref<512xf32, #tpu.memory_space<vmem>>[vector<16xi32>], vector<16xf32>,
      %mul3A_1669 = arith.constant 18 : i32
      %mul3A_1670 = vector.broadcast %mul3A_1669 : i32 to vector<16xi32>
      %mul3A_1671 = arith.muli %gather3A_1272, %mul3A_1670 : vector<16xi32>
      %add3A_1672 = arith.constant 6 : i32
      %add3A_1673 = vector.broadcast %add3A_1672 : i32 to vector<16xi32>
      %add3A_1674 = arith.addi %mul3A_1671, %add3A_1673 : vector<16xi32>
      %gather3A_1675 = tpu.vector_load_idx %arg13[%add3A_1674] : memref<512xf32, #tpu.memory_space<vmem>>[vector<16xi32>], vector<16xf32>,
      %mul3A_1676 = arith.mulf %gather3A_1668, %gather3A_1660 : vector<16xf32>
      %mul3A_1677 = arith.mulf %gather3A_1675, %gather3A_1661 : vector<16xf32>
      %sub3A_1678 = arith.subf %mul3A_1676, %mul3A_1677 : vector<16xf32>
      %mul3A_1679 = arith.mulf %sub3A_1678, %sub3A_1678 : vector<16xf32>
      %jit3A_1680 = arith.constant 0.000000e+00 : f32
      %broadcast_in_dim3A_1681 = vector.broadcast %jit3A_1680 : f32 to vector<16xf32>
      %select_n3A_1682 = arith.select %and3A_1297, %mul3A_1679, %broadcast_in_dim3A_1681 : vector<16xi1>, vector<16xf32>
      %add3A_1683 = arith.addf %scan3A_1232, %select_n3A_1682 : vector<16xf32>
      %add3A_1684 = arith.addf %gather3A_1659, %gather3A_1660 : vector<16xf32>
      %mul3A_1685 = arith.constant 5.000000e-01 : f32
      %mul3A_1686 = vector.broadcast %mul3A_1685 : f32 to vector<16xf32>
      %mul3A_1687 = arith.mulf %mul3A_1686, %add3A_1684 : vector<16xf32>
      %sub3A_1688 = arith.subf %mul3A_1687, %gather3A_750 : vector<16xf32>
      %mul3A_1689 = arith.mulf %gather3A_1668, %sub3A_1688 : vector<16xf32>
      %mul3A_1690 = arith.mulf %mul3A_1689, %mul3A_1689 : vector<16xf32>
      %jit3A_1691 = arith.constant 0.000000e+00 : f32
      %broadcast_in_dim3A_1692 = vector.broadcast %jit3A_1691 : f32 to vector<16xf32>
      %select_n3A_1693 = arith.select %and3A_1302, %mul3A_1690, %broadcast_in_dim3A_1692 : vector<16xi1>, vector<16xf32>
      %add3A_1694 = arith.addf %scan3A_1250, %select_n3A_1693 : vector<16xf32>
      %add3A_1695 = arith.constant 7 : i32
      %add3A_1696 = vector.broadcast %add3A_1695 : i32 to vector<16xi32>
      %add3A_1697 = arith.addi %and3A_1278, %add3A_1696 : vector<16xi32>
      %add3A_1698 = arith.constant 7 : i32
      %add3A_1699 = vector.broadcast %add3A_1698 : i32 to vector<16xi32>
      %add3A_1700 = arith.addi %and3A_1284, %add3A_1699 : vector<16xi32>
      %shift_right_arithmetic3A_1701 = arith.constant 4 : i32
      %shift_right_arithmetic3A_1702 = vector.broadcast %shift_right_arithmetic3A_1701 : i32 to vector<16xi32>
      %shift_right_arithmetic3A_1703 = arith.shrsi %add3A_1697, %shift_right_arithmetic3A_1702 : vector<16xi32>
      %add3A_1704 = arith.addi %mul3A_1287, %shift_right_arithmetic3A_1703 : vector<16xi32>
      %and3A_1705 = arith.constant 15 : i32
      %and3A_1706 = vector.broadcast %and3A_1705 : i32 to vector<16xi32>
      %and3A_1707 = arith.andi %add3A_1697, %and3A_1706 : vector<16xi32>
      %shift_right_arithmetic3A_1708 = arith.constant 4 : i32
      %shift_right_arithmetic3A_1709 = vector.broadcast %shift_right_arithmetic3A_1708 : i32 to vector<16xi32>
      %shift_right_arithmetic3A_1710 = arith.shrsi %add3A_1700, %shift_right_arithmetic3A_1709 : vector<16xi32>
      %add3A_1711 = arith.addi %mul3A_1290, %shift_right_arithmetic3A_1710 : vector<16xi32>
      %and3A_1712 = arith.constant 15 : i32
      %and3A_1713 = vector.broadcast %and3A_1712 : i32 to vector<16xi32>
      %and3A_1714 = arith.andi %add3A_1700, %and3A_1713 : vector<16xi32>
      %gather3A_1715 = tpu.vector_load_idx %arg17[%add3A_1704, %and3A_1707] : memref<2080x16xf32, #tpu.memory_space<vmem>>[vector<16xi32>, vector<16xi32>], vector<16xf32>,
      %gather3A_1716 = tpu.vector_load_idx %arg18[%add3A_1704, %and3A_1707] : memref<2080x16xf32, #tpu.memory_space<vmem>>[vector<16xi32>, vector<16xi32>], vector<16xf32>,
      %gather3A_1717 = tpu.vector_load_idx %arg17[%add3A_1711, %and3A_1714] : memref<2080x16xf32, #tpu.memory_space<vmem>>[vector<16xi32>, vector<16xi32>], vector<16xf32>,
      %mul3A_1718 = arith.constant 18 : i32
      %mul3A_1719 = vector.broadcast %mul3A_1718 : i32 to vector<16xi32>
      %mul3A_1720 = arith.muli %gather3A_1271, %mul3A_1719 : vector<16xi32>
      %add3A_1721 = arith.constant 7 : i32
      %add3A_1722 = vector.broadcast %add3A_1721 : i32 to vector<16xi32>
      %add3A_1723 = arith.addi %mul3A_1720, %add3A_1722 : vector<16xi32>
      %gather3A_1724 = tpu.vector_load_idx %arg13[%add3A_1723] : memref<512xf32, #tpu.memory_space<vmem>>[vector<16xi32>], vector<16xf32>,
      %mul3A_1725 = arith.constant 18 : i32
      %mul3A_1726 = vector.broadcast %mul3A_1725 : i32 to vector<16xi32>
      %mul3A_1727 = arith.muli %gather3A_1272, %mul3A_1726 : vector<16xi32>
      %add3A_1728 = arith.constant 7 : i32
      %add3A_1729 = vector.broadcast %add3A_1728 : i32 to vector<16xi32>
      %add3A_1730 = arith.addi %mul3A_1727, %add3A_1729 : vector<16xi32>
      %gather3A_1731 = tpu.vector_load_idx %arg13[%add3A_1730] : memref<512xf32, #tpu.memory_space<vmem>>[vector<16xi32>], vector<16xf32>,
      %mul3A_1732 = arith.mulf %gather3A_1724, %gather3A_1716 : vector<16xf32>
      %mul3A_1733 = arith.mulf %gather3A_1731, %gather3A_1717 : vector<16xf32>
      %sub3A_1734 = arith.subf %mul3A_1732, %mul3A_1733 : vector<16xf32>
      %mul3A_1735 = arith.mulf %sub3A_1734, %sub3A_1734 : vector<16xf32>
      %jit3A_1736 = arith.constant 0.000000e+00 : f32
      %broadcast_in_dim3A_1737 = vector.broadcast %jit3A_1736 : f32 to vector<16xf32>
      %select_n3A_1738 = arith.select %and3A_1297, %mul3A_1735, %broadcast_in_dim3A_1737 : vector<16xi1>, vector<16xf32>
      %add3A_1739 = arith.addf %scan3A_1233, %select_n3A_1738 : vector<16xf32>
      %add3A_1740 = arith.addf %gather3A_1715, %gather3A_1716 : vector<16xf32>
      %mul3A_1741 = arith.constant 5.000000e-01 : f32
      %mul3A_1742 = vector.broadcast %mul3A_1741 : f32 to vector<16xf32>
      %mul3A_1743 = arith.mulf %mul3A_1742, %add3A_1740 : vector<16xf32>
      %sub3A_1744 = arith.subf %mul3A_1743, %gather3A_760 : vector<16xf32>
      %mul3A_1745 = arith.mulf %gather3A_1724, %sub3A_1744 : vector<16xf32>
      %mul3A_1746 = arith.mulf %mul3A_1745, %mul3A_1745 : vector<16xf32>
      %jit3A_1747 = arith.constant 0.000000e+00 : f32
      %broadcast_in_dim3A_1748 = vector.broadcast %jit3A_1747 : f32 to vector<16xf32>
      %select_n3A_1749 = arith.select %and3A_1302, %mul3A_1746, %broadcast_in_dim3A_1748 : vector<16xi1>, vector<16xf32>
      %add3A_1750 = arith.addf %scan3A_1251, %select_n3A_1749 : vector<16xf32>
      %add3A_1751 = arith.constant 8 : i32
      %add3A_1752 = vector.broadcast %add3A_1751 : i32 to vector<16xi32>
      %add3A_1753 = arith.addi %and3A_1278, %add3A_1752 : vector<16xi32>
      %add3A_1754 = arith.constant 8 : i32
      %add3A_1755 = vector.broadcast %add3A_1754 : i32 to vector<16xi32>
      %add3A_1756 = arith.addi %and3A_1284, %add3A_1755 : vector<16xi32>
      %shift_right_arithmetic3A_1757 = arith.constant 4 : i32
      %shift_right_arithmetic3A_1758 = vector.broadcast %shift_right_arithmetic3A_1757 : i32 to vector<16xi32>
      %shift_right_arithmetic3A_1759 = arith.shrsi %add3A_1753, %shift_right_arithmetic3A_1758 : vector<16xi32>
      %add3A_1760 = arith.addi %mul3A_1287, %shift_right_arithmetic3A_1759 : vector<16xi32>
      %and3A_1761 = arith.constant 15 : i32
      %and3A_1762 = vector.broadcast %and3A_1761 : i32 to vector<16xi32>
      %and3A_1763 = arith.andi %add3A_1753, %and3A_1762 : vector<16xi32>
      %shift_right_arithmetic3A_1764 = arith.constant 4 : i32
      %shift_right_arithmetic3A_1765 = vector.broadcast %shift_right_arithmetic3A_1764 : i32 to vector<16xi32>
      %shift_right_arithmetic3A_1766 = arith.shrsi %add3A_1756, %shift_right_arithmetic3A_1765 : vector<16xi32>
      %add3A_1767 = arith.addi %mul3A_1290, %shift_right_arithmetic3A_1766 : vector<16xi32>
      %and3A_1768 = arith.constant 15 : i32
      %and3A_1769 = vector.broadcast %and3A_1768 : i32 to vector<16xi32>
      %and3A_1770 = arith.andi %add3A_1756, %and3A_1769 : vector<16xi32>
      %gather3A_1771 = tpu.vector_load_idx %arg17[%add3A_1760, %and3A_1763] : memref<2080x16xf32, #tpu.memory_space<vmem>>[vector<16xi32>, vector<16xi32>], vector<16xf32>,
      %gather3A_1772 = tpu.vector_load_idx %arg18[%add3A_1760, %and3A_1763] : memref<2080x16xf32, #tpu.memory_space<vmem>>[vector<16xi32>, vector<16xi32>], vector<16xf32>,
      %gather3A_1773 = tpu.vector_load_idx %arg17[%add3A_1767, %and3A_1770] : memref<2080x16xf32, #tpu.memory_space<vmem>>[vector<16xi32>, vector<16xi32>], vector<16xf32>,
      %mul3A_1774 = arith.constant 18 : i32
      %mul3A_1775 = vector.broadcast %mul3A_1774 : i32 to vector<16xi32>
      %mul3A_1776 = arith.muli %gather3A_1271, %mul3A_1775 : vector<16xi32>
      %add3A_1777 = arith.constant 8 : i32
      %add3A_1778 = vector.broadcast %add3A_1777 : i32 to vector<16xi32>
      %add3A_1779 = arith.addi %mul3A_1776, %add3A_1778 : vector<16xi32>
      %gather3A_1780 = tpu.vector_load_idx %arg13[%add3A_1779] : memref<512xf32, #tpu.memory_space<vmem>>[vector<16xi32>], vector<16xf32>,
      %mul3A_1781 = arith.constant 18 : i32
      %mul3A_1782 = vector.broadcast %mul3A_1781 : i32 to vector<16xi32>
      %mul3A_1783 = arith.muli %gather3A_1272, %mul3A_1782 : vector<16xi32>
      %add3A_1784 = arith.constant 8 : i32
      %add3A_1785 = vector.broadcast %add3A_1784 : i32 to vector<16xi32>
      %add3A_1786 = arith.addi %mul3A_1783, %add3A_1785 : vector<16xi32>
      %gather3A_1787 = tpu.vector_load_idx %arg13[%add3A_1786] : memref<512xf32, #tpu.memory_space<vmem>>[vector<16xi32>], vector<16xf32>,
      %mul3A_1788 = arith.mulf %gather3A_1780, %gather3A_1772 : vector<16xf32>
      %mul3A_1789 = arith.mulf %gather3A_1787, %gather3A_1773 : vector<16xf32>
      %sub3A_1790 = arith.subf %mul3A_1788, %mul3A_1789 : vector<16xf32>
      %mul3A_1791 = arith.mulf %sub3A_1790, %sub3A_1790 : vector<16xf32>
      %jit3A_1792 = arith.constant 0.000000e+00 : f32
      %broadcast_in_dim3A_1793 = vector.broadcast %jit3A_1792 : f32 to vector<16xf32>
      %select_n3A_1794 = arith.select %and3A_1297, %mul3A_1791, %broadcast_in_dim3A_1793 : vector<16xi1>, vector<16xf32>
      %add3A_1795 = arith.addf %scan3A_1234, %select_n3A_1794 : vector<16xf32>
      %add3A_1796 = arith.addf %gather3A_1771, %gather3A_1772 : vector<16xf32>
      %mul3A_1797 = arith.constant 5.000000e-01 : f32
      %mul3A_1798 = vector.broadcast %mul3A_1797 : f32 to vector<16xf32>
      %mul3A_1799 = arith.mulf %mul3A_1798, %add3A_1796 : vector<16xf32>
      %sub3A_1800 = arith.subf %mul3A_1799, %gather3A_770 : vector<16xf32>
      %mul3A_1801 = arith.mulf %gather3A_1780, %sub3A_1800 : vector<16xf32>
      %mul3A_1802 = arith.mulf %mul3A_1801, %mul3A_1801 : vector<16xf32>
      %jit3A_1803 = arith.constant 0.000000e+00 : f32
      %broadcast_in_dim3A_1804 = vector.broadcast %jit3A_1803 : f32 to vector<16xf32>
      %select_n3A_1805 = arith.select %and3A_1302, %mul3A_1802, %broadcast_in_dim3A_1804 : vector<16xi1>, vector<16xf32>
      %add3A_1806 = arith.addf %scan3A_1252, %select_n3A_1805 : vector<16xf32>
      %add3A_1807 = arith.constant 9 : i32
      %add3A_1808 = vector.broadcast %add3A_1807 : i32 to vector<16xi32>
      %add3A_1809 = arith.addi %and3A_1278, %add3A_1808 : vector<16xi32>
      %add3A_1810 = arith.constant 9 : i32
      %add3A_1811 = vector.broadcast %add3A_1810 : i32 to vector<16xi32>
      %add3A_1812 = arith.addi %and3A_1284, %add3A_1811 : vector<16xi32>
      %shift_right_arithmetic3A_1813 = arith.constant 4 : i32
      %shift_right_arithmetic3A_1814 = vector.broadcast %shift_right_arithmetic3A_1813 : i32 to vector<16xi32>
      %shift_right_arithmetic3A_1815 = arith.shrsi %add3A_1809, %shift_right_arithmetic3A_1814 : vector<16xi32>
      %add3A_1816 = arith.addi %mul3A_1287, %shift_right_arithmetic3A_1815 : vector<16xi32>
      %and3A_1817 = arith.constant 15 : i32
      %and3A_1818 = vector.broadcast %and3A_1817 : i32 to vector<16xi32>
      %and3A_1819 = arith.andi %add3A_1809, %and3A_1818 : vector<16xi32>
      %shift_right_arithmetic3A_1820 = arith.constant 4 : i32
      %shift_right_arithmetic3A_1821 = vector.broadcast %shift_right_arithmetic3A_1820 : i32 to vector<16xi32>
      %shift_right_arithmetic3A_1822 = arith.shrsi %add3A_1812, %shift_right_arithmetic3A_1821 : vector<16xi32>
      %add3A_1823 = arith.addi %mul3A_1290, %shift_right_arithmetic3A_1822 : vector<16xi32>
      %and3A_1824 = arith.constant 15 : i32
      %and3A_1825 = vector.broadcast %and3A_1824 : i32 to vector<16xi32>
      %and3A_1826 = arith.andi %add3A_1812, %and3A_1825 : vector<16xi32>
      %gather3A_1827 = tpu.vector_load_idx %arg17[%add3A_1816, %and3A_1819] : memref<2080x16xf32, #tpu.memory_space<vmem>>[vector<16xi32>, vector<16xi32>], vector<16xf32>,
      %gather3A_1828 = tpu.vector_load_idx %arg18[%add3A_1816, %and3A_1819] : memref<2080x16xf32, #tpu.memory_space<vmem>>[vector<16xi32>, vector<16xi32>], vector<16xf32>,
      %gather3A_1829 = tpu.vector_load_idx %arg17[%add3A_1823, %and3A_1826] : memref<2080x16xf32, #tpu.memory_space<vmem>>[vector<16xi32>, vector<16xi32>], vector<16xf32>,
      %mul3A_1830 = arith.constant 18 : i32
      %mul3A_1831 = vector.broadcast %mul3A_1830 : i32 to vector<16xi32>
      %mul3A_1832 = arith.muli %gather3A_1271, %mul3A_1831 : vector<16xi32>
      %add3A_1833 = arith.constant 9 : i32
      %add3A_1834 = vector.broadcast %add3A_1833 : i32 to vector<16xi32>
      %add3A_1835 = arith.addi %mul3A_1832, %add3A_1834 : vector<16xi32>
      %gather3A_1836 = tpu.vector_load_idx %arg13[%add3A_1835] : memref<512xf32, #tpu.memory_space<vmem>>[vector<16xi32>], vector<16xf32>,
      %mul3A_1837 = arith.constant 18 : i32
      %mul3A_1838 = vector.broadcast %mul3A_1837 : i32 to vector<16xi32>
      %mul3A_1839 = arith.muli %gather3A_1272, %mul3A_1838 : vector<16xi32>
      %add3A_1840 = arith.constant 9 : i32
      %add3A_1841 = vector.broadcast %add3A_1840 : i32 to vector<16xi32>
      %add3A_1842 = arith.addi %mul3A_1839, %add3A_1841 : vector<16xi32>
      %gather3A_1843 = tpu.vector_load_idx %arg13[%add3A_1842] : memref<512xf32, #tpu.memory_space<vmem>>[vector<16xi32>], vector<16xf32>,
      %mul3A_1844 = arith.mulf %gather3A_1836, %gather3A_1828 : vector<16xf32>
      %mul3A_1845 = arith.mulf %gather3A_1843, %gather3A_1829 : vector<16xf32>
      %sub3A_1846 = arith.subf %mul3A_1844, %mul3A_1845 : vector<16xf32>
      %mul3A_1847 = arith.mulf %sub3A_1846, %sub3A_1846 : vector<16xf32>
      %jit3A_1848 = arith.constant 0.000000e+00 : f32
      %broadcast_in_dim3A_1849 = vector.broadcast %jit3A_1848 : f32 to vector<16xf32>
      %select_n3A_1850 = arith.select %and3A_1297, %mul3A_1847, %broadcast_in_dim3A_1849 : vector<16xi1>, vector<16xf32>
      %add3A_1851 = arith.addf %scan3A_1235, %select_n3A_1850 : vector<16xf32>
      %add3A_1852 = arith.addf %gather3A_1827, %gather3A_1828 : vector<16xf32>
      %mul3A_1853 = arith.constant 5.000000e-01 : f32
      %mul3A_1854 = vector.broadcast %mul3A_1853 : f32 to vector<16xf32>
      %mul3A_1855 = arith.mulf %mul3A_1854, %add3A_1852 : vector<16xf32>
      %sub3A_1856 = arith.subf %mul3A_1855, %gather3A_780 : vector<16xf32>
      %mul3A_1857 = arith.mulf %gather3A_1836, %sub3A_1856 : vector<16xf32>
      %mul3A_1858 = arith.mulf %mul3A_1857, %mul3A_1857 : vector<16xf32>
      %jit3A_1859 = arith.constant 0.000000e+00 : f32
      %broadcast_in_dim3A_1860 = vector.broadcast %jit3A_1859 : f32 to vector<16xf32>
      %select_n3A_1861 = arith.select %and3A_1302, %mul3A_1858, %broadcast_in_dim3A_1860 : vector<16xi1>, vector<16xf32>
      %add3A_1862 = arith.addf %scan3A_1253, %select_n3A_1861 : vector<16xf32>
      %add3A_1863 = arith.constant 10 : i32
      %add3A_1864 = vector.broadcast %add3A_1863 : i32 to vector<16xi32>
      %add3A_1865 = arith.addi %and3A_1278, %add3A_1864 : vector<16xi32>
      %add3A_1866 = arith.constant 10 : i32
      %add3A_1867 = vector.broadcast %add3A_1866 : i32 to vector<16xi32>
      %add3A_1868 = arith.addi %and3A_1284, %add3A_1867 : vector<16xi32>
      %shift_right_arithmetic3A_1869 = arith.constant 4 : i32
      %shift_right_arithmetic3A_1870 = vector.broadcast %shift_right_arithmetic3A_1869 : i32 to vector<16xi32>
      %shift_right_arithmetic3A_1871 = arith.shrsi %add3A_1865, %shift_right_arithmetic3A_1870 : vector<16xi32>
      %add3A_1872 = arith.addi %mul3A_1287, %shift_right_arithmetic3A_1871 : vector<16xi32>
      %and3A_1873 = arith.constant 15 : i32
      %and3A_1874 = vector.broadcast %and3A_1873 : i32 to vector<16xi32>
      %and3A_1875 = arith.andi %add3A_1865, %and3A_1874 : vector<16xi32>
      %shift_right_arithmetic3A_1876 = arith.constant 4 : i32
      %shift_right_arithmetic3A_1877 = vector.broadcast %shift_right_arithmetic3A_1876 : i32 to vector<16xi32>
      %shift_right_arithmetic3A_1878 = arith.shrsi %add3A_1868, %shift_right_arithmetic3A_1877 : vector<16xi32>
      %add3A_1879 = arith.addi %mul3A_1290, %shift_right_arithmetic3A_1878 : vector<16xi32>
      %and3A_1880 = arith.constant 15 : i32
      %and3A_1881 = vector.broadcast %and3A_1880 : i32 to vector<16xi32>
      %and3A_1882 = arith.andi %add3A_1868, %and3A_1881 : vector<16xi32>
      %gather3A_1883 = tpu.vector_load_idx %arg17[%add3A_1872, %and3A_1875] : memref<2080x16xf32, #tpu.memory_space<vmem>>[vector<16xi32>, vector<16xi32>], vector<16xf32>,
      %gather3A_1884 = tpu.vector_load_idx %arg18[%add3A_1872, %and3A_1875] : memref<2080x16xf32, #tpu.memory_space<vmem>>[vector<16xi32>, vector<16xi32>], vector<16xf32>,
      %gather3A_1885 = tpu.vector_load_idx %arg17[%add3A_1879, %and3A_1882] : memref<2080x16xf32, #tpu.memory_space<vmem>>[vector<16xi32>, vector<16xi32>], vector<16xf32>,
      %mul3A_1886 = arith.constant 18 : i32
      %mul3A_1887 = vector.broadcast %mul3A_1886 : i32 to vector<16xi32>
      %mul3A_1888 = arith.muli %gather3A_1271, %mul3A_1887 : vector<16xi32>
      %add3A_1889 = arith.constant 10 : i32
      %add3A_1890 = vector.broadcast %add3A_1889 : i32 to vector<16xi32>
      %add3A_1891 = arith.addi %mul3A_1888, %add3A_1890 : vector<16xi32>
      %gather3A_1892 = tpu.vector_load_idx %arg13[%add3A_1891] : memref<512xf32, #tpu.memory_space<vmem>>[vector<16xi32>], vector<16xf32>,
      %mul3A_1893 = arith.constant 18 : i32
      %mul3A_1894 = vector.broadcast %mul3A_1893 : i32 to vector<16xi32>
      %mul3A_1895 = arith.muli %gather3A_1272, %mul3A_1894 : vector<16xi32>
      %add3A_1896 = arith.constant 10 : i32
      %add3A_1897 = vector.broadcast %add3A_1896 : i32 to vector<16xi32>
      %add3A_1898 = arith.addi %mul3A_1895, %add3A_1897 : vector<16xi32>
      %gather3A_1899 = tpu.vector_load_idx %arg13[%add3A_1898] : memref<512xf32, #tpu.memory_space<vmem>>[vector<16xi32>], vector<16xf32>,
      %mul3A_1900 = arith.mulf %gather3A_1892, %gather3A_1884 : vector<16xf32>
      %mul3A_1901 = arith.mulf %gather3A_1899, %gather3A_1885 : vector<16xf32>
      %sub3A_1902 = arith.subf %mul3A_1900, %mul3A_1901 : vector<16xf32>
      %mul3A_1903 = arith.mulf %sub3A_1902, %sub3A_1902 : vector<16xf32>
      %jit3A_1904 = arith.constant 0.000000e+00 : f32
      %broadcast_in_dim3A_1905 = vector.broadcast %jit3A_1904 : f32 to vector<16xf32>
      %select_n3A_1906 = arith.select %and3A_1297, %mul3A_1903, %broadcast_in_dim3A_1905 : vector<16xi1>, vector<16xf32>
      %add3A_1907 = arith.addf %scan3A_1236, %select_n3A_1906 : vector<16xf32>
      %add3A_1908 = arith.addf %gather3A_1883, %gather3A_1884 : vector<16xf32>
      %mul3A_1909 = arith.constant 5.000000e-01 : f32
      %mul3A_1910 = vector.broadcast %mul3A_1909 : f32 to vector<16xf32>
      %mul3A_1911 = arith.mulf %mul3A_1910, %add3A_1908 : vector<16xf32>
      %sub3A_1912 = arith.subf %mul3A_1911, %gather3A_790 : vector<16xf32>
      %mul3A_1913 = arith.mulf %gather3A_1892, %sub3A_1912 : vector<16xf32>
      %mul3A_1914 = arith.mulf %mul3A_1913, %mul3A_1913 : vector<16xf32>
      %jit3A_1915 = arith.constant 0.000000e+00 : f32
      %broadcast_in_dim3A_1916 = vector.broadcast %jit3A_1915 : f32 to vector<16xf32>
      %select_n3A_1917 = arith.select %and3A_1302, %mul3A_1914, %broadcast_in_dim3A_1916 : vector<16xi1>, vector<16xf32>
      %add3A_1918 = arith.addf %scan3A_1254, %select_n3A_1917 : vector<16xf32>
      %add3A_1919 = arith.constant 11 : i32
      %add3A_1920 = vector.broadcast %add3A_1919 : i32 to vector<16xi32>
      %add3A_1921 = arith.addi %and3A_1278, %add3A_1920 : vector<16xi32>
      %add3A_1922 = arith.constant 11 : i32
      %add3A_1923 = vector.broadcast %add3A_1922 : i32 to vector<16xi32>
      %add3A_1924 = arith.addi %and3A_1284, %add3A_1923 : vector<16xi32>
      %shift_right_arithmetic3A_1925 = arith.constant 4 : i32
      %shift_right_arithmetic3A_1926 = vector.broadcast %shift_right_arithmetic3A_1925 : i32 to vector<16xi32>
      %shift_right_arithmetic3A_1927 = arith.shrsi %add3A_1921, %shift_right_arithmetic3A_1926 : vector<16xi32>
      %add3A_1928 = arith.addi %mul3A_1287, %shift_right_arithmetic3A_1927 : vector<16xi32>
      %and3A_1929 = arith.constant 15 : i32
      %and3A_1930 = vector.broadcast %and3A_1929 : i32 to vector<16xi32>
      %and3A_1931 = arith.andi %add3A_1921, %and3A_1930 : vector<16xi32>
      %shift_right_arithmetic3A_1932 = arith.constant 4 : i32
      %shift_right_arithmetic3A_1933 = vector.broadcast %shift_right_arithmetic3A_1932 : i32 to vector<16xi32>
      %shift_right_arithmetic3A_1934 = arith.shrsi %add3A_1924, %shift_right_arithmetic3A_1933 : vector<16xi32>
      %add3A_1935 = arith.addi %mul3A_1290, %shift_right_arithmetic3A_1934 : vector<16xi32>
      %and3A_1936 = arith.constant 15 : i32
      %and3A_1937 = vector.broadcast %and3A_1936 : i32 to vector<16xi32>
      %and3A_1938 = arith.andi %add3A_1924, %and3A_1937 : vector<16xi32>
      %gather3A_1939 = tpu.vector_load_idx %arg17[%add3A_1928, %and3A_1931] : memref<2080x16xf32, #tpu.memory_space<vmem>>[vector<16xi32>, vector<16xi32>], vector<16xf32>,
      %gather3A_1940 = tpu.vector_load_idx %arg18[%add3A_1928, %and3A_1931] : memref<2080x16xf32, #tpu.memory_space<vmem>>[vector<16xi32>, vector<16xi32>], vector<16xf32>,
      %gather3A_1941 = tpu.vector_load_idx %arg17[%add3A_1935, %and3A_1938] : memref<2080x16xf32, #tpu.memory_space<vmem>>[vector<16xi32>, vector<16xi32>], vector<16xf32>,
      %mul3A_1942 = arith.constant 18 : i32
      %mul3A_1943 = vector.broadcast %mul3A_1942 : i32 to vector<16xi32>
      %mul3A_1944 = arith.muli %gather3A_1271, %mul3A_1943 : vector<16xi32>
      %add3A_1945 = arith.constant 11 : i32
      %add3A_1946 = vector.broadcast %add3A_1945 : i32 to vector<16xi32>
      %add3A_1947 = arith.addi %mul3A_1944, %add3A_1946 : vector<16xi32>
      %gather3A_1948 = tpu.vector_load_idx %arg13[%add3A_1947] : memref<512xf32, #tpu.memory_space<vmem>>[vector<16xi32>], vector<16xf32>,
      %mul3A_1949 = arith.constant 18 : i32
      %mul3A_1950 = vector.broadcast %mul3A_1949 : i32 to vector<16xi32>
      %mul3A_1951 = arith.muli %gather3A_1272, %mul3A_1950 : vector<16xi32>
      %add3A_1952 = arith.constant 11 : i32
      %add3A_1953 = vector.broadcast %add3A_1952 : i32 to vector<16xi32>
      %add3A_1954 = arith.addi %mul3A_1951, %add3A_1953 : vector<16xi32>
      %gather3A_1955 = tpu.vector_load_idx %arg13[%add3A_1954] : memref<512xf32, #tpu.memory_space<vmem>>[vector<16xi32>], vector<16xf32>,
      %mul3A_1956 = arith.mulf %gather3A_1948, %gather3A_1940 : vector<16xf32>
      %mul3A_1957 = arith.mulf %gather3A_1955, %gather3A_1941 : vector<16xf32>
      %sub3A_1958 = arith.subf %mul3A_1956, %mul3A_1957 : vector<16xf32>
      %mul3A_1959 = arith.mulf %sub3A_1958, %sub3A_1958 : vector<16xf32>
      %jit3A_1960 = arith.constant 0.000000e+00 : f32
      %broadcast_in_dim3A_1961 = vector.broadcast %jit3A_1960 : f32 to vector<16xf32>
      %select_n3A_1962 = arith.select %and3A_1297, %mul3A_1959, %broadcast_in_dim3A_1961 : vector<16xi1>, vector<16xf32>
      %add3A_1963 = arith.addf %scan3A_1237, %select_n3A_1962 : vector<16xf32>
      %add3A_1964 = arith.addf %gather3A_1939, %gather3A_1940 : vector<16xf32>
      %mul3A_1965 = arith.constant 5.000000e-01 : f32
      %mul3A_1966 = vector.broadcast %mul3A_1965 : f32 to vector<16xf32>
      %mul3A_1967 = arith.mulf %mul3A_1966, %add3A_1964 : vector<16xf32>
      %sub3A_1968 = arith.subf %mul3A_1967, %gather3A_800 : vector<16xf32>
      %mul3A_1969 = arith.mulf %gather3A_1948, %sub3A_1968 : vector<16xf32>
      %mul3A_1970 = arith.mulf %mul3A_1969, %mul3A_1969 : vector<16xf32>
      %jit3A_1971 = arith.constant 0.000000e+00 : f32
      %broadcast_in_dim3A_1972 = vector.broadcast %jit3A_1971 : f32 to vector<16xf32>
      %select_n3A_1973 = arith.select %and3A_1302, %mul3A_1970, %broadcast_in_dim3A_1972 : vector<16xi1>, vector<16xf32>
      %add3A_1974 = arith.addf %scan3A_1255, %select_n3A_1973 : vector<16xf32>
      %add3A_1975 = arith.constant 12 : i32
      %add3A_1976 = vector.broadcast %add3A_1975 : i32 to vector<16xi32>
      %add3A_1977 = arith.addi %and3A_1278, %add3A_1976 : vector<16xi32>
      %add3A_1978 = arith.constant 12 : i32
      %add3A_1979 = vector.broadcast %add3A_1978 : i32 to vector<16xi32>
      %add3A_1980 = arith.addi %and3A_1284, %add3A_1979 : vector<16xi32>
      %shift_right_arithmetic3A_1981 = arith.constant 4 : i32
      %shift_right_arithmetic3A_1982 = vector.broadcast %shift_right_arithmetic3A_1981 : i32 to vector<16xi32>
      %shift_right_arithmetic3A_1983 = arith.shrsi %add3A_1977, %shift_right_arithmetic3A_1982 : vector<16xi32>
      %add3A_1984 = arith.addi %mul3A_1287, %shift_right_arithmetic3A_1983 : vector<16xi32>
      %and3A_1985 = arith.constant 15 : i32
      %and3A_1986 = vector.broadcast %and3A_1985 : i32 to vector<16xi32>
      %and3A_1987 = arith.andi %add3A_1977, %and3A_1986 : vector<16xi32>
      %shift_right_arithmetic3A_1988 = arith.constant 4 : i32
      %shift_right_arithmetic3A_1989 = vector.broadcast %shift_right_arithmetic3A_1988 : i32 to vector<16xi32>
      %shift_right_arithmetic3A_1990 = arith.shrsi %add3A_1980, %shift_right_arithmetic3A_1989 : vector<16xi32>
      %add3A_1991 = arith.addi %mul3A_1290, %shift_right_arithmetic3A_1990 : vector<16xi32>
      %and3A_1992 = arith.constant 15 : i32
      %and3A_1993 = vector.broadcast %and3A_1992 : i32 to vector<16xi32>
      %and3A_1994 = arith.andi %add3A_1980, %and3A_1993 : vector<16xi32>
      %gather3A_1995 = tpu.vector_load_idx %arg17[%add3A_1984, %and3A_1987] : memref<2080x16xf32, #tpu.memory_space<vmem>>[vector<16xi32>, vector<16xi32>], vector<16xf32>,
      %gather3A_1996 = tpu.vector_load_idx %arg18[%add3A_1984, %and3A_1987] : memref<2080x16xf32, #tpu.memory_space<vmem>>[vector<16xi32>, vector<16xi32>], vector<16xf32>,
      %gather3A_1997 = tpu.vector_load_idx %arg17[%add3A_1991, %and3A_1994] : memref<2080x16xf32, #tpu.memory_space<vmem>>[vector<16xi32>, vector<16xi32>], vector<16xf32>,
      %mul3A_1998 = arith.constant 18 : i32
      %mul3A_1999 = vector.broadcast %mul3A_1998 : i32 to vector<16xi32>
      %mul3A_2000 = arith.muli %gather3A_1271, %mul3A_1999 : vector<16xi32>
      %add3A_2001 = arith.constant 12 : i32
      %add3A_2002 = vector.broadcast %add3A_2001 : i32 to vector<16xi32>
      %add3A_2003 = arith.addi %mul3A_2000, %add3A_2002 : vector<16xi32>
      %gather3A_2004 = tpu.vector_load_idx %arg13[%add3A_2003] : memref<512xf32, #tpu.memory_space<vmem>>[vector<16xi32>], vector<16xf32>,
      %mul3A_2005 = arith.constant 18 : i32
      %mul3A_2006 = vector.broadcast %mul3A_2005 : i32 to vector<16xi32>
      %mul3A_2007 = arith.muli %gather3A_1272, %mul3A_2006 : vector<16xi32>
      %add3A_2008 = arith.constant 12 : i32
      %add3A_2009 = vector.broadcast %add3A_2008 : i32 to vector<16xi32>
      %add3A_2010 = arith.addi %mul3A_2007, %add3A_2009 : vector<16xi32>
      %gather3A_2011 = tpu.vector_load_idx %arg13[%add3A_2010] : memref<512xf32, #tpu.memory_space<vmem>>[vector<16xi32>], vector<16xf32>,
      %mul3A_2012 = arith.mulf %gather3A_2004, %gather3A_1996 : vector<16xf32>
      %mul3A_2013 = arith.mulf %gather3A_2011, %gather3A_1997 : vector<16xf32>
      %sub3A_2014 = arith.subf %mul3A_2012, %mul3A_2013 : vector<16xf32>
      %mul3A_2015 = arith.mulf %sub3A_2014, %sub3A_2014 : vector<16xf32>
      %jit3A_2016 = arith.constant 0.000000e+00 : f32
      %broadcast_in_dim3A_2017 = vector.broadcast %jit3A_2016 : f32 to vector<16xf32>
      %select_n3A_2018 = arith.select %and3A_1297, %mul3A_2015, %broadcast_in_dim3A_2017 : vector<16xi1>, vector<16xf32>
      %add3A_2019 = arith.addf %scan3A_1238, %select_n3A_2018 : vector<16xf32>
      %add3A_2020 = arith.addf %gather3A_1995, %gather3A_1996 : vector<16xf32>
      %mul3A_2021 = arith.constant 5.000000e-01 : f32
      %mul3A_2022 = vector.broadcast %mul3A_2021 : f32 to vector<16xf32>
      %mul3A_2023 = arith.mulf %mul3A_2022, %add3A_2020 : vector<16xf32>
      %sub3A_2024 = arith.subf %mul3A_2023, %gather3A_810 : vector<16xf32>
      %mul3A_2025 = arith.mulf %gather3A_2004, %sub3A_2024 : vector<16xf32>
      %mul3A_2026 = arith.mulf %mul3A_2025, %mul3A_2025 : vector<16xf32>
      %jit3A_2027 = arith.constant 0.000000e+00 : f32
      %broadcast_in_dim3A_2028 = vector.broadcast %jit3A_2027 : f32 to vector<16xf32>
      %select_n3A_2029 = arith.select %and3A_1302, %mul3A_2026, %broadcast_in_dim3A_2028 : vector<16xi1>, vector<16xf32>
      %add3A_2030 = arith.addf %scan3A_1256, %select_n3A_2029 : vector<16xf32>
      %add3A_2031 = arith.constant 13 : i32
      %add3A_2032 = vector.broadcast %add3A_2031 : i32 to vector<16xi32>
      %add3A_2033 = arith.addi %and3A_1278, %add3A_2032 : vector<16xi32>
      %add3A_2034 = arith.constant 13 : i32
      %add3A_2035 = vector.broadcast %add3A_2034 : i32 to vector<16xi32>
      %add3A_2036 = arith.addi %and3A_1284, %add3A_2035 : vector<16xi32>
      %shift_right_arithmetic3A_2037 = arith.constant 4 : i32
      %shift_right_arithmetic3A_2038 = vector.broadcast %shift_right_arithmetic3A_2037 : i32 to vector<16xi32>
      %shift_right_arithmetic3A_2039 = arith.shrsi %add3A_2033, %shift_right_arithmetic3A_2038 : vector<16xi32>
      %add3A_2040 = arith.addi %mul3A_1287, %shift_right_arithmetic3A_2039 : vector<16xi32>
      %and3A_2041 = arith.constant 15 : i32
      %and3A_2042 = vector.broadcast %and3A_2041 : i32 to vector<16xi32>
      %and3A_2043 = arith.andi %add3A_2033, %and3A_2042 : vector<16xi32>
      %shift_right_arithmetic3A_2044 = arith.constant 4 : i32
      %shift_right_arithmetic3A_2045 = vector.broadcast %shift_right_arithmetic3A_2044 : i32 to vector<16xi32>
      %shift_right_arithmetic3A_2046 = arith.shrsi %add3A_2036, %shift_right_arithmetic3A_2045 : vector<16xi32>
      %add3A_2047 = arith.addi %mul3A_1290, %shift_right_arithmetic3A_2046 : vector<16xi32>
      %and3A_2048 = arith.constant 15 : i32
      %and3A_2049 = vector.broadcast %and3A_2048 : i32 to vector<16xi32>
      %and3A_2050 = arith.andi %add3A_2036, %and3A_2049 : vector<16xi32>
      %gather3A_2051 = tpu.vector_load_idx %arg17[%add3A_2040, %and3A_2043] : memref<2080x16xf32, #tpu.memory_space<vmem>>[vector<16xi32>, vector<16xi32>], vector<16xf32>,
      %gather3A_2052 = tpu.vector_load_idx %arg18[%add3A_2040, %and3A_2043] : memref<2080x16xf32, #tpu.memory_space<vmem>>[vector<16xi32>, vector<16xi32>], vector<16xf32>,
      %gather3A_2053 = tpu.vector_load_idx %arg17[%add3A_2047, %and3A_2050] : memref<2080x16xf32, #tpu.memory_space<vmem>>[vector<16xi32>, vector<16xi32>], vector<16xf32>,
      %mul3A_2054 = arith.constant 18 : i32
      %mul3A_2055 = vector.broadcast %mul3A_2054 : i32 to vector<16xi32>
      %mul3A_2056 = arith.muli %gather3A_1271, %mul3A_2055 : vector<16xi32>
      %add3A_2057 = arith.constant 13 : i32
      %add3A_2058 = vector.broadcast %add3A_2057 : i32 to vector<16xi32>
      %add3A_2059 = arith.addi %mul3A_2056, %add3A_2058 : vector<16xi32>
      %gather3A_2060 = tpu.vector_load_idx %arg13[%add3A_2059] : memref<512xf32, #tpu.memory_space<vmem>>[vector<16xi32>], vector<16xf32>,
      %mul3A_2061 = arith.constant 18 : i32
      %mul3A_2062 = vector.broadcast %mul3A_2061 : i32 to vector<16xi32>
      %mul3A_2063 = arith.muli %gather3A_1272, %mul3A_2062 : vector<16xi32>
      %add3A_2064 = arith.constant 13 : i32
      %add3A_2065 = vector.broadcast %add3A_2064 : i32 to vector<16xi32>
      %add3A_2066 = arith.addi %mul3A_2063, %add3A_2065 : vector<16xi32>
      %gather3A_2067 = tpu.vector_load_idx %arg13[%add3A_2066] : memref<512xf32, #tpu.memory_space<vmem>>[vector<16xi32>], vector<16xf32>,
      %mul3A_2068 = arith.mulf %gather3A_2060, %gather3A_2052 : vector<16xf32>
      %mul3A_2069 = arith.mulf %gather3A_2067, %gather3A_2053 : vector<16xf32>
      %sub3A_2070 = arith.subf %mul3A_2068, %mul3A_2069 : vector<16xf32>
      %mul3A_2071 = arith.mulf %sub3A_2070, %sub3A_2070 : vector<16xf32>
      %jit3A_2072 = arith.constant 0.000000e+00 : f32
      %broadcast_in_dim3A_2073 = vector.broadcast %jit3A_2072 : f32 to vector<16xf32>
      %select_n3A_2074 = arith.select %and3A_1297, %mul3A_2071, %broadcast_in_dim3A_2073 : vector<16xi1>, vector<16xf32>
      %add3A_2075 = arith.addf %scan3A_1239, %select_n3A_2074 : vector<16xf32>
      %add3A_2076 = arith.addf %gather3A_2051, %gather3A_2052 : vector<16xf32>
      %mul3A_2077 = arith.constant 5.000000e-01 : f32
      %mul3A_2078 = vector.broadcast %mul3A_2077 : f32 to vector<16xf32>
      %mul3A_2079 = arith.mulf %mul3A_2078, %add3A_2076 : vector<16xf32>
      %sub3A_2080 = arith.subf %mul3A_2079, %gather3A_820 : vector<16xf32>
      %mul3A_2081 = arith.mulf %gather3A_2060, %sub3A_2080 : vector<16xf32>
      %mul3A_2082 = arith.mulf %mul3A_2081, %mul3A_2081 : vector<16xf32>
      %jit3A_2083 = arith.constant 0.000000e+00 : f32
      %broadcast_in_dim3A_2084 = vector.broadcast %jit3A_2083 : f32 to vector<16xf32>
      %select_n3A_2085 = arith.select %and3A_1302, %mul3A_2082, %broadcast_in_dim3A_2084 : vector<16xi1>, vector<16xf32>
      %add3A_2086 = arith.addf %scan3A_1257, %select_n3A_2085 : vector<16xf32>
      %add3A_2087 = arith.constant 14 : i32
      %add3A_2088 = vector.broadcast %add3A_2087 : i32 to vector<16xi32>
      %add3A_2089 = arith.addi %and3A_1278, %add3A_2088 : vector<16xi32>
      %add3A_2090 = arith.constant 14 : i32
      %add3A_2091 = vector.broadcast %add3A_2090 : i32 to vector<16xi32>
      %add3A_2092 = arith.addi %and3A_1284, %add3A_2091 : vector<16xi32>
      %shift_right_arithmetic3A_2093 = arith.constant 4 : i32
      %shift_right_arithmetic3A_2094 = vector.broadcast %shift_right_arithmetic3A_2093 : i32 to vector<16xi32>
      %shift_right_arithmetic3A_2095 = arith.shrsi %add3A_2089, %shift_right_arithmetic3A_2094 : vector<16xi32>
      %add3A_2096 = arith.addi %mul3A_1287, %shift_right_arithmetic3A_2095 : vector<16xi32>
      %and3A_2097 = arith.constant 15 : i32
      %and3A_2098 = vector.broadcast %and3A_2097 : i32 to vector<16xi32>
      %and3A_2099 = arith.andi %add3A_2089, %and3A_2098 : vector<16xi32>
      %shift_right_arithmetic3A_2100 = arith.constant 4 : i32
      %shift_right_arithmetic3A_2101 = vector.broadcast %shift_right_arithmetic3A_2100 : i32 to vector<16xi32>
      %shift_right_arithmetic3A_2102 = arith.shrsi %add3A_2092, %shift_right_arithmetic3A_2101 : vector<16xi32>
      %add3A_2103 = arith.addi %mul3A_1290, %shift_right_arithmetic3A_2102 : vector<16xi32>
      %and3A_2104 = arith.constant 15 : i32
      %and3A_2105 = vector.broadcast %and3A_2104 : i32 to vector<16xi32>
      %and3A_2106 = arith.andi %add3A_2092, %and3A_2105 : vector<16xi32>
      %gather3A_2107 = tpu.vector_load_idx %arg17[%add3A_2096, %and3A_2099] : memref<2080x16xf32, #tpu.memory_space<vmem>>[vector<16xi32>, vector<16xi32>], vector<16xf32>,
      %gather3A_2108 = tpu.vector_load_idx %arg18[%add3A_2096, %and3A_2099] : memref<2080x16xf32, #tpu.memory_space<vmem>>[vector<16xi32>, vector<16xi32>], vector<16xf32>,
      %gather3A_2109 = tpu.vector_load_idx %arg17[%add3A_2103, %and3A_2106] : memref<2080x16xf32, #tpu.memory_space<vmem>>[vector<16xi32>, vector<16xi32>], vector<16xf32>,
      %mul3A_2110 = arith.constant 18 : i32
      %mul3A_2111 = vector.broadcast %mul3A_2110 : i32 to vector<16xi32>
      %mul3A_2112 = arith.muli %gather3A_1271, %mul3A_2111 : vector<16xi32>
      %add3A_2113 = arith.constant 14 : i32
      %add3A_2114 = vector.broadcast %add3A_2113 : i32 to vector<16xi32>
      %add3A_2115 = arith.addi %mul3A_2112, %add3A_2114 : vector<16xi32>
      %gather3A_2116 = tpu.vector_load_idx %arg13[%add3A_2115] : memref<512xf32, #tpu.memory_space<vmem>>[vector<16xi32>], vector<16xf32>,
      %mul3A_2117 = arith.constant 18 : i32
      %mul3A_2118 = vector.broadcast %mul3A_2117 : i32 to vector<16xi32>
      %mul3A_2119 = arith.muli %gather3A_1272, %mul3A_2118 : vector<16xi32>
      %add3A_2120 = arith.constant 14 : i32
      %add3A_2121 = vector.broadcast %add3A_2120 : i32 to vector<16xi32>
      %add3A_2122 = arith.addi %mul3A_2119, %add3A_2121 : vector<16xi32>
      %gather3A_2123 = tpu.vector_load_idx %arg13[%add3A_2122] : memref<512xf32, #tpu.memory_space<vmem>>[vector<16xi32>], vector<16xf32>,
      %mul3A_2124 = arith.mulf %gather3A_2116, %gather3A_2108 : vector<16xf32>
      %mul3A_2125 = arith.mulf %gather3A_2123, %gather3A_2109 : vector<16xf32>
      %sub3A_2126 = arith.subf %mul3A_2124, %mul3A_2125 : vector<16xf32>
      %mul3A_2127 = arith.mulf %sub3A_2126, %sub3A_2126 : vector<16xf32>
      %jit3A_2128 = arith.constant 0.000000e+00 : f32
      %broadcast_in_dim3A_2129 = vector.broadcast %jit3A_2128 : f32 to vector<16xf32>
      %select_n3A_2130 = arith.select %and3A_1297, %mul3A_2127, %broadcast_in_dim3A_2129 : vector<16xi1>, vector<16xf32>
      %add3A_2131 = arith.addf %scan3A_1240, %select_n3A_2130 : vector<16xf32>
      %add3A_2132 = arith.addf %gather3A_2107, %gather3A_2108 : vector<16xf32>
      %mul3A_2133 = arith.constant 5.000000e-01 : f32
      %mul3A_2134 = vector.broadcast %mul3A_2133 : f32 to vector<16xf32>
      %mul3A_2135 = arith.mulf %mul3A_2134, %add3A_2132 : vector<16xf32>
      %sub3A_2136 = arith.subf %mul3A_2135, %gather3A_830 : vector<16xf32>
      %mul3A_2137 = arith.mulf %gather3A_2116, %sub3A_2136 : vector<16xf32>
      %mul3A_2138 = arith.mulf %mul3A_2137, %mul3A_2137 : vector<16xf32>
      %jit3A_2139 = arith.constant 0.000000e+00 : f32
      %broadcast_in_dim3A_2140 = vector.broadcast %jit3A_2139 : f32 to vector<16xf32>
      %select_n3A_2141 = arith.select %and3A_1302, %mul3A_2138, %broadcast_in_dim3A_2140 : vector<16xi1>, vector<16xf32>
      %add3A_2142 = arith.addf %scan3A_1258, %select_n3A_2141 : vector<16xf32>
      %add3A_2143 = arith.constant 15 : i32
      %add3A_2144 = vector.broadcast %add3A_2143 : i32 to vector<16xi32>
      %add3A_2145 = arith.addi %and3A_1278, %add3A_2144 : vector<16xi32>
      %add3A_2146 = arith.constant 15 : i32
      %add3A_2147 = vector.broadcast %add3A_2146 : i32 to vector<16xi32>
      %add3A_2148 = arith.addi %and3A_1284, %add3A_2147 : vector<16xi32>
      %shift_right_arithmetic3A_2149 = arith.constant 4 : i32
      %shift_right_arithmetic3A_2150 = vector.broadcast %shift_right_arithmetic3A_2149 : i32 to vector<16xi32>
      %shift_right_arithmetic3A_2151 = arith.shrsi %add3A_2145, %shift_right_arithmetic3A_2150 : vector<16xi32>
      %add3A_2152 = arith.addi %mul3A_1287, %shift_right_arithmetic3A_2151 : vector<16xi32>
      %and3A_2153 = arith.constant 15 : i32
      %and3A_2154 = vector.broadcast %and3A_2153 : i32 to vector<16xi32>
      %and3A_2155 = arith.andi %add3A_2145, %and3A_2154 : vector<16xi32>
      %shift_right_arithmetic3A_2156 = arith.constant 4 : i32
      %shift_right_arithmetic3A_2157 = vector.broadcast %shift_right_arithmetic3A_2156 : i32 to vector<16xi32>
      %shift_right_arithmetic3A_2158 = arith.shrsi %add3A_2148, %shift_right_arithmetic3A_2157 : vector<16xi32>
      %add3A_2159 = arith.addi %mul3A_1290, %shift_right_arithmetic3A_2158 : vector<16xi32>
      %and3A_2160 = arith.constant 15 : i32
      %and3A_2161 = vector.broadcast %and3A_2160 : i32 to vector<16xi32>
      %and3A_2162 = arith.andi %add3A_2148, %and3A_2161 : vector<16xi32>
      %gather3A_2163 = tpu.vector_load_idx %arg17[%add3A_2152, %and3A_2155] : memref<2080x16xf32, #tpu.memory_space<vmem>>[vector<16xi32>, vector<16xi32>], vector<16xf32>,
      %gather3A_2164 = tpu.vector_load_idx %arg18[%add3A_2152, %and3A_2155] : memref<2080x16xf32, #tpu.memory_space<vmem>>[vector<16xi32>, vector<16xi32>], vector<16xf32>,
      %gather3A_2165 = tpu.vector_load_idx %arg17[%add3A_2159, %and3A_2162] : memref<2080x16xf32, #tpu.memory_space<vmem>>[vector<16xi32>, vector<16xi32>], vector<16xf32>,
      %mul3A_2166 = arith.constant 18 : i32
      %mul3A_2167 = vector.broadcast %mul3A_2166 : i32 to vector<16xi32>
      %mul3A_2168 = arith.muli %gather3A_1271, %mul3A_2167 : vector<16xi32>
      %add3A_2169 = arith.constant 15 : i32
      %add3A_2170 = vector.broadcast %add3A_2169 : i32 to vector<16xi32>
      %add3A_2171 = arith.addi %mul3A_2168, %add3A_2170 : vector<16xi32>
      %gather3A_2172 = tpu.vector_load_idx %arg13[%add3A_2171] : memref<512xf32, #tpu.memory_space<vmem>>[vector<16xi32>], vector<16xf32>,
      %mul3A_2173 = arith.constant 18 : i32
      %mul3A_2174 = vector.broadcast %mul3A_2173 : i32 to vector<16xi32>
      %mul3A_2175 = arith.muli %gather3A_1272, %mul3A_2174 : vector<16xi32>
      %add3A_2176 = arith.constant 15 : i32
      %add3A_2177 = vector.broadcast %add3A_2176 : i32 to vector<16xi32>
      %add3A_2178 = arith.addi %mul3A_2175, %add3A_2177 : vector<16xi32>
      %gather3A_2179 = tpu.vector_load_idx %arg13[%add3A_2178] : memref<512xf32, #tpu.memory_space<vmem>>[vector<16xi32>], vector<16xf32>,
      %mul3A_2180 = arith.mulf %gather3A_2172, %gather3A_2164 : vector<16xf32>
      %mul3A_2181 = arith.mulf %gather3A_2179, %gather3A_2165 : vector<16xf32>
      %sub3A_2182 = arith.subf %mul3A_2180, %mul3A_2181 : vector<16xf32>
      %mul3A_2183 = arith.mulf %sub3A_2182, %sub3A_2182 : vector<16xf32>
      %jit3A_2184 = arith.constant 0.000000e+00 : f32
      %broadcast_in_dim3A_2185 = vector.broadcast %jit3A_2184 : f32 to vector<16xf32>
      %select_n3A_2186 = arith.select %and3A_1297, %mul3A_2183, %broadcast_in_dim3A_2185 : vector<16xi1>, vector<16xf32>
      %add3A_2187 = arith.addf %scan3A_1241, %select_n3A_2186 : vector<16xf32>
      %add3A_2188 = arith.addf %gather3A_2163, %gather3A_2164 : vector<16xf32>
      %mul3A_2189 = arith.constant 5.000000e-01 : f32
      %mul3A_2190 = vector.broadcast %mul3A_2189 : f32 to vector<16xf32>
      %mul3A_2191 = arith.mulf %mul3A_2190, %add3A_2188 : vector<16xf32>
      %sub3A_2192 = arith.subf %mul3A_2191, %gather3A_840 : vector<16xf32>
      %mul3A_2193 = arith.mulf %gather3A_2172, %sub3A_2192 : vector<16xf32>
      %mul3A_2194 = arith.mulf %mul3A_2193, %mul3A_2193 : vector<16xf32>
      %jit3A_2195 = arith.constant 0.000000e+00 : f32
      %broadcast_in_dim3A_2196 = vector.broadcast %jit3A_2195 : f32 to vector<16xf32>
      %select_n3A_2197 = arith.select %and3A_1302, %mul3A_2194, %broadcast_in_dim3A_2196 : vector<16xi1>, vector<16xf32>
      %add3A_2198 = arith.addf %scan3A_1259, %select_n3A_2197 : vector<16xf32>
      %add3A_2199 = arith.constant 16 : i32
      %add3A_2200 = vector.broadcast %add3A_2199 : i32 to vector<16xi32>
      %add3A_2201 = arith.addi %and3A_1278, %add3A_2200 : vector<16xi32>
      %add3A_2202 = arith.constant 16 : i32
      %add3A_2203 = vector.broadcast %add3A_2202 : i32 to vector<16xi32>
      %add3A_2204 = arith.addi %and3A_1284, %add3A_2203 : vector<16xi32>
      %shift_right_arithmetic3A_2205 = arith.constant 4 : i32
      %shift_right_arithmetic3A_2206 = vector.broadcast %shift_right_arithmetic3A_2205 : i32 to vector<16xi32>
      %shift_right_arithmetic3A_2207 = arith.shrsi %add3A_2201, %shift_right_arithmetic3A_2206 : vector<16xi32>
      %add3A_2208 = arith.addi %mul3A_1287, %shift_right_arithmetic3A_2207 : vector<16xi32>
      %and3A_2209 = arith.constant 15 : i32
      %and3A_2210 = vector.broadcast %and3A_2209 : i32 to vector<16xi32>
      %and3A_2211 = arith.andi %add3A_2201, %and3A_2210 : vector<16xi32>
      %shift_right_arithmetic3A_2212 = arith.constant 4 : i32
      %shift_right_arithmetic3A_2213 = vector.broadcast %shift_right_arithmetic3A_2212 : i32 to vector<16xi32>
      %shift_right_arithmetic3A_2214 = arith.shrsi %add3A_2204, %shift_right_arithmetic3A_2213 : vector<16xi32>
      %add3A_2215 = arith.addi %mul3A_1290, %shift_right_arithmetic3A_2214 : vector<16xi32>
      %and3A_2216 = arith.constant 15 : i32
      %and3A_2217 = vector.broadcast %and3A_2216 : i32 to vector<16xi32>
      %and3A_2218 = arith.andi %add3A_2204, %and3A_2217 : vector<16xi32>
      %gather3A_2219 = tpu.vector_load_idx %arg17[%add3A_2208, %and3A_2211] : memref<2080x16xf32, #tpu.memory_space<vmem>>[vector<16xi32>, vector<16xi32>], vector<16xf32>,
      %gather3A_2220 = tpu.vector_load_idx %arg18[%add3A_2208, %and3A_2211] : memref<2080x16xf32, #tpu.memory_space<vmem>>[vector<16xi32>, vector<16xi32>], vector<16xf32>,
      %gather3A_2221 = tpu.vector_load_idx %arg17[%add3A_2215, %and3A_2218] : memref<2080x16xf32, #tpu.memory_space<vmem>>[vector<16xi32>, vector<16xi32>], vector<16xf32>,
      %mul3A_2222 = arith.constant 18 : i32
      %mul3A_2223 = vector.broadcast %mul3A_2222 : i32 to vector<16xi32>
      %mul3A_2224 = arith.muli %gather3A_1271, %mul3A_2223 : vector<16xi32>
      %add3A_2225 = arith.constant 16 : i32
      %add3A_2226 = vector.broadcast %add3A_2225 : i32 to vector<16xi32>
      %add3A_2227 = arith.addi %mul3A_2224, %add3A_2226 : vector<16xi32>
      %gather3A_2228 = tpu.vector_load_idx %arg13[%add3A_2227] : memref<512xf32, #tpu.memory_space<vmem>>[vector<16xi32>], vector<16xf32>,
      %mul3A_2229 = arith.constant 18 : i32
      %mul3A_2230 = vector.broadcast %mul3A_2229 : i32 to vector<16xi32>
      %mul3A_2231 = arith.muli %gather3A_1272, %mul3A_2230 : vector<16xi32>
      %add3A_2232 = arith.constant 16 : i32
      %add3A_2233 = vector.broadcast %add3A_2232 : i32 to vector<16xi32>
      %add3A_2234 = arith.addi %mul3A_2231, %add3A_2233 : vector<16xi32>
      %gather3A_2235 = tpu.vector_load_idx %arg13[%add3A_2234] : memref<512xf32, #tpu.memory_space<vmem>>[vector<16xi32>], vector<16xf32>,
      %mul3A_2236 = arith.mulf %gather3A_2228, %gather3A_2220 : vector<16xf32>
      %mul3A_2237 = arith.mulf %gather3A_2235, %gather3A_2221 : vector<16xf32>
      %sub3A_2238 = arith.subf %mul3A_2236, %mul3A_2237 : vector<16xf32>
      %mul3A_2239 = arith.mulf %sub3A_2238, %sub3A_2238 : vector<16xf32>
      %jit3A_2240 = arith.constant 0.000000e+00 : f32
      %broadcast_in_dim3A_2241 = vector.broadcast %jit3A_2240 : f32 to vector<16xf32>
      %select_n3A_2242 = arith.select %and3A_1297, %mul3A_2239, %broadcast_in_dim3A_2241 : vector<16xi1>, vector<16xf32>
      %add3A_2243 = arith.addf %scan3A_1242, %select_n3A_2242 : vector<16xf32>
      %add3A_2244 = arith.addf %gather3A_2219, %gather3A_2220 : vector<16xf32>
      %mul3A_2245 = arith.constant 5.000000e-01 : f32
      %mul3A_2246 = vector.broadcast %mul3A_2245 : f32 to vector<16xf32>
      %mul3A_2247 = arith.mulf %mul3A_2246, %add3A_2244 : vector<16xf32>
      %sub3A_2248 = arith.subf %mul3A_2247, %gather3A_850 : vector<16xf32>
      %mul3A_2249 = arith.mulf %gather3A_2228, %sub3A_2248 : vector<16xf32>
      %mul3A_2250 = arith.mulf %mul3A_2249, %mul3A_2249 : vector<16xf32>
      %jit3A_2251 = arith.constant 0.000000e+00 : f32
      %broadcast_in_dim3A_2252 = vector.broadcast %jit3A_2251 : f32 to vector<16xf32>
      %select_n3A_2253 = arith.select %and3A_1302, %mul3A_2250, %broadcast_in_dim3A_2252 : vector<16xi1>, vector<16xf32>
      %add3A_2254 = arith.addf %scan3A_1260, %select_n3A_2253 : vector<16xf32>
      %add3A_2255 = arith.constant 17 : i32
      %add3A_2256 = vector.broadcast %add3A_2255 : i32 to vector<16xi32>
      %add3A_2257 = arith.addi %and3A_1278, %add3A_2256 : vector<16xi32>
      %add3A_2258 = arith.constant 17 : i32
      %add3A_2259 = vector.broadcast %add3A_2258 : i32 to vector<16xi32>
      %add3A_2260 = arith.addi %and3A_1284, %add3A_2259 : vector<16xi32>
      %shift_right_arithmetic3A_2261 = arith.constant 4 : i32
      %shift_right_arithmetic3A_2262 = vector.broadcast %shift_right_arithmetic3A_2261 : i32 to vector<16xi32>
      %shift_right_arithmetic3A_2263 = arith.shrsi %add3A_2257, %shift_right_arithmetic3A_2262 : vector<16xi32>
      %add3A_2264 = arith.addi %mul3A_1287, %shift_right_arithmetic3A_2263 : vector<16xi32>
      %and3A_2265 = arith.constant 15 : i32
      %and3A_2266 = vector.broadcast %and3A_2265 : i32 to vector<16xi32>
      %and3A_2267 = arith.andi %add3A_2257, %and3A_2266 : vector<16xi32>
      %shift_right_arithmetic3A_2268 = arith.constant 4 : i32
      %shift_right_arithmetic3A_2269 = vector.broadcast %shift_right_arithmetic3A_2268 : i32 to vector<16xi32>
      %shift_right_arithmetic3A_2270 = arith.shrsi %add3A_2260, %shift_right_arithmetic3A_2269 : vector<16xi32>
      %add3A_2271 = arith.addi %mul3A_1290, %shift_right_arithmetic3A_2270 : vector<16xi32>
      %and3A_2272 = arith.constant 15 : i32
      %and3A_2273 = vector.broadcast %and3A_2272 : i32 to vector<16xi32>
      %and3A_2274 = arith.andi %add3A_2260, %and3A_2273 : vector<16xi32>
      %gather3A_2275 = tpu.vector_load_idx %arg17[%add3A_2264, %and3A_2267] : memref<2080x16xf32, #tpu.memory_space<vmem>>[vector<16xi32>, vector<16xi32>], vector<16xf32>,
      %gather3A_2276 = tpu.vector_load_idx %arg18[%add3A_2264, %and3A_2267] : memref<2080x16xf32, #tpu.memory_space<vmem>>[vector<16xi32>, vector<16xi32>], vector<16xf32>,
      %gather3A_2277 = tpu.vector_load_idx %arg17[%add3A_2271, %and3A_2274] : memref<2080x16xf32, #tpu.memory_space<vmem>>[vector<16xi32>, vector<16xi32>], vector<16xf32>,
      %mul3A_2278 = arith.constant 18 : i32
      %mul3A_2279 = vector.broadcast %mul3A_2278 : i32 to vector<16xi32>
      %mul3A_2280 = arith.muli %gather3A_1271, %mul3A_2279 : vector<16xi32>
      %add3A_2281 = arith.constant 17 : i32
      %add3A_2282 = vector.broadcast %add3A_2281 : i32 to vector<16xi32>
      %add3A_2283 = arith.addi %mul3A_2280, %add3A_2282 : vector<16xi32>
      %gather3A_2284 = tpu.vector_load_idx %arg13[%add3A_2283] : memref<512xf32, #tpu.memory_space<vmem>>[vector<16xi32>], vector<16xf32>,
      %mul3A_2285 = arith.constant 18 : i32
      %mul3A_2286 = vector.broadcast %mul3A_2285 : i32 to vector<16xi32>
      %mul3A_2287 = arith.muli %gather3A_1272, %mul3A_2286 : vector<16xi32>
      %add3A_2288 = arith.constant 17 : i32
      %add3A_2289 = vector.broadcast %add3A_2288 : i32 to vector<16xi32>
      %add3A_2290 = arith.addi %mul3A_2287, %add3A_2289 : vector<16xi32>
      %gather3A_2291 = tpu.vector_load_idx %arg13[%add3A_2290] : memref<512xf32, #tpu.memory_space<vmem>>[vector<16xi32>], vector<16xf32>,
      %mul3A_2292 = arith.mulf %gather3A_2284, %gather3A_2276 : vector<16xf32>
      %mul3A_2293 = arith.mulf %gather3A_2291, %gather3A_2277 : vector<16xf32>
      %sub3A_2294 = arith.subf %mul3A_2292, %mul3A_2293 : vector<16xf32>
      %mul3A_2295 = arith.mulf %sub3A_2294, %sub3A_2294 : vector<16xf32>
      %jit3A_2296 = arith.constant 0.000000e+00 : f32
      %broadcast_in_dim3A_2297 = vector.broadcast %jit3A_2296 : f32 to vector<16xf32>
      %select_n3A_2298 = arith.select %and3A_1297, %mul3A_2295, %broadcast_in_dim3A_2297 : vector<16xi1>, vector<16xf32>
      %add3A_2299 = arith.addf %scan3A_1243, %select_n3A_2298 : vector<16xf32>
      %add3A_2300 = arith.addf %gather3A_2275, %gather3A_2276 : vector<16xf32>
      %mul3A_2301 = arith.constant 5.000000e-01 : f32
      %mul3A_2302 = vector.broadcast %mul3A_2301 : f32 to vector<16xf32>
      %mul3A_2303 = arith.mulf %mul3A_2302, %add3A_2300 : vector<16xf32>
      %sub3A_2304 = arith.subf %mul3A_2303, %gather3A_860 : vector<16xf32>
      %mul3A_2305 = arith.mulf %gather3A_2284, %sub3A_2304 : vector<16xf32>
      %mul3A_2306 = arith.mulf %mul3A_2305, %mul3A_2305 : vector<16xf32>
      %jit3A_2307 = arith.constant 0.000000e+00 : f32
      %broadcast_in_dim3A_2308 = vector.broadcast %jit3A_2307 : f32 to vector<16xf32>
      %select_n3A_2309 = arith.select %and3A_1302, %mul3A_2306, %broadcast_in_dim3A_2308 : vector<16xi1>, vector<16xf32>
      %add3A_2310 = arith.addf %scan3A_1261, %select_n3A_2309 : vector<16xf32>
      scf.yield %add3A_1347, %add3A_1403, %add3A_1459, %add3A_1515, %add3A_1571, %add3A_1627, %add3A_1683, %add3A_1739, %add3A_1795, %add3A_1851, %add3A_1907, %add3A_1963, %add3A_2019, %add3A_2075, %add3A_2131, %add3A_2187, %add3A_2243, %add3A_2299, %add3A_1358, %add3A_1414, %add3A_1470, %add3A_1526, %add3A_1582, %add3A_1638, %add3A_1694, %add3A_1750, %add3A_1806, %add3A_1862, %add3A_1918, %add3A_1974, %add3A_2030, %add3A_2086, %add3A_2142, %add3A_2198, %add3A_2254, %add3A_2310 : vector<16xf32>, vector<16xf32>, vector<16xf32>, vector<16xf32>, vector<16xf32>, vector<16xf32>, vector<16xf32>, vector<16xf32>, vector<16xf32>, vector<16xf32>, vector<16xf32>, vector<16xf32>, vector<16xf32>, vector<16xf32>, vector<16xf32>, vector<16xf32>, vector<16xf32>, vector<16xf32>, vector<16xf32>, vector<16xf32>, vector<16xf32>, vector<16xf32>, vector<16xf32>, vector<16xf32>, vector<16xf32>, vector<16xf32>, vector<16xf32>, vector<16xf32>, vector<16xf32>, vector<16xf32>, vector<16xf32>, vector<16xf32>, vector<16xf32>, vector<16xf32>, vector<16xf32>, vector<16xf32>
    }
    %scan3A_868 = arith.constant 64 : i32
    %broadcast_in_dim3A_869 = arith.constant 0.000000e+00 : f32
    %broadcast_in_dim3A_870 = vector.broadcast %broadcast_in_dim3A_869 : f32 to vector<16xf32>
    %broadcast_in_dim3A_871 = arith.constant 0.000000e+00 : f32
    %broadcast_in_dim3A_872 = vector.broadcast %broadcast_in_dim3A_871 : f32 to vector<16xf32>
    %reduce_sum3A_873 = arith.constant true
    %reduce_sum3A_874 = vector.broadcast %reduce_sum3A_873 : i1 to vector<16xi1>
    %reduce_sum3A_875 = tpu.scan <sum>, %scan3A_867#0 masked %reduce_sum3A_874 : vector<16xf32>, vector<16xi1> -> vector<16xf32>
    %reduce_sum3A_876 = vector.extract %reduce_sum3A_875[15] : f32 from vector<16xf32>
    %broadcast_in_dim3A_877 = vector.broadcast %reduce_sum3A_876 : f32 to vector<16xf32>
    %eq3A_878 = arith.constant 0 : i32
    %eq3A_879 = vector.broadcast %eq3A_878 : i32 to vector<16xi32>
    %eq3A_880 = arith.cmpi eq, %iota3A, %eq3A_879 : vector<16xi32>
    %select_n3A_881 = arith.select %eq3A_880, %broadcast_in_dim3A_877, %broadcast_in_dim3A_870 : vector<16xi1>, vector<16xf32>
    %reduce_sum3A_882 = arith.constant true
    %reduce_sum3A_883 = vector.broadcast %reduce_sum3A_882 : i1 to vector<16xi1>
    %reduce_sum3A_884 = tpu.scan <sum>, %scan3A_867#1 masked %reduce_sum3A_883 : vector<16xf32>, vector<16xi1> -> vector<16xf32>
    %reduce_sum3A_885 = vector.extract %reduce_sum3A_884[15] : f32 from vector<16xf32>
    %broadcast_in_dim3A_886 = vector.broadcast %reduce_sum3A_885 : f32 to vector<16xf32>
    %eq3A_887 = arith.constant 1 : i32
    %eq3A_888 = vector.broadcast %eq3A_887 : i32 to vector<16xi32>
    %eq3A_889 = arith.cmpi eq, %iota3A, %eq3A_888 : vector<16xi32>
    %select_n3A_890 = arith.select %eq3A_889, %broadcast_in_dim3A_886, %select_n3A_881 : vector<16xi1>, vector<16xf32>
    %reduce_sum3A_891 = arith.constant true
    %reduce_sum3A_892 = vector.broadcast %reduce_sum3A_891 : i1 to vector<16xi1>
    %reduce_sum3A_893 = tpu.scan <sum>, %scan3A_867#2 masked %reduce_sum3A_892 : vector<16xf32>, vector<16xi1> -> vector<16xf32>
    %reduce_sum3A_894 = vector.extract %reduce_sum3A_893[15] : f32 from vector<16xf32>
    %broadcast_in_dim3A_895 = vector.broadcast %reduce_sum3A_894 : f32 to vector<16xf32>
    %eq3A_896 = arith.constant 2 : i32
    %eq3A_897 = vector.broadcast %eq3A_896 : i32 to vector<16xi32>
    %eq3A_898 = arith.cmpi eq, %iota3A, %eq3A_897 : vector<16xi32>
    %select_n3A_899 = arith.select %eq3A_898, %broadcast_in_dim3A_895, %select_n3A_890 : vector<16xi1>, vector<16xf32>
    %reduce_sum3A_900 = arith.constant true
    %reduce_sum3A_901 = vector.broadcast %reduce_sum3A_900 : i1 to vector<16xi1>
    %reduce_sum3A_902 = tpu.scan <sum>, %scan3A_867#3 masked %reduce_sum3A_901 : vector<16xf32>, vector<16xi1> -> vector<16xf32>
    %reduce_sum3A_903 = vector.extract %reduce_sum3A_902[15] : f32 from vector<16xf32>
    %broadcast_in_dim3A_904 = vector.broadcast %reduce_sum3A_903 : f32 to vector<16xf32>
    %eq3A_905 = arith.constant 3 : i32
    %eq3A_906 = vector.broadcast %eq3A_905 : i32 to vector<16xi32>
    %eq3A_907 = arith.cmpi eq, %iota3A, %eq3A_906 : vector<16xi32>
    %select_n3A_908 = arith.select %eq3A_907, %broadcast_in_dim3A_904, %select_n3A_899 : vector<16xi1>, vector<16xf32>
    %reduce_sum3A_909 = arith.constant true
    %reduce_sum3A_910 = vector.broadcast %reduce_sum3A_909 : i1 to vector<16xi1>
    %reduce_sum3A_911 = tpu.scan <sum>, %scan3A_867#4 masked %reduce_sum3A_910 : vector<16xf32>, vector<16xi1> -> vector<16xf32>
    %reduce_sum3A_912 = vector.extract %reduce_sum3A_911[15] : f32 from vector<16xf32>
    %broadcast_in_dim3A_913 = vector.broadcast %reduce_sum3A_912 : f32 to vector<16xf32>
    %eq3A_914 = arith.constant 4 : i32
    %eq3A_915 = vector.broadcast %eq3A_914 : i32 to vector<16xi32>
    %eq3A_916 = arith.cmpi eq, %iota3A, %eq3A_915 : vector<16xi32>
    %select_n3A_917 = arith.select %eq3A_916, %broadcast_in_dim3A_913, %select_n3A_908 : vector<16xi1>, vector<16xf32>
    %reduce_sum3A_918 = arith.constant true
    %reduce_sum3A_919 = vector.broadcast %reduce_sum3A_918 : i1 to vector<16xi1>
    %reduce_sum3A_920 = tpu.scan <sum>, %scan3A_867#5 masked %reduce_sum3A_919 : vector<16xf32>, vector<16xi1> -> vector<16xf32>
    %reduce_sum3A_921 = vector.extract %reduce_sum3A_920[15] : f32 from vector<16xf32>
    %broadcast_in_dim3A_922 = vector.broadcast %reduce_sum3A_921 : f32 to vector<16xf32>
    %eq3A_923 = arith.constant 5 : i32
    %eq3A_924 = vector.broadcast %eq3A_923 : i32 to vector<16xi32>
    %eq3A_925 = arith.cmpi eq, %iota3A, %eq3A_924 : vector<16xi32>
    %select_n3A_926 = arith.select %eq3A_925, %broadcast_in_dim3A_922, %select_n3A_917 : vector<16xi1>, vector<16xf32>
    %reduce_sum3A_927 = arith.constant true
    %reduce_sum3A_928 = vector.broadcast %reduce_sum3A_927 : i1 to vector<16xi1>
    %reduce_sum3A_929 = tpu.scan <sum>, %scan3A_867#6 masked %reduce_sum3A_928 : vector<16xf32>, vector<16xi1> -> vector<16xf32>
    %reduce_sum3A_930 = vector.extract %reduce_sum3A_929[15] : f32 from vector<16xf32>
    %broadcast_in_dim3A_931 = vector.broadcast %reduce_sum3A_930 : f32 to vector<16xf32>
    %eq3A_932 = arith.constant 6 : i32
    %eq3A_933 = vector.broadcast %eq3A_932 : i32 to vector<16xi32>
    %eq3A_934 = arith.cmpi eq, %iota3A, %eq3A_933 : vector<16xi32>
    %select_n3A_935 = arith.select %eq3A_934, %broadcast_in_dim3A_931, %select_n3A_926 : vector<16xi1>, vector<16xf32>
    %reduce_sum3A_936 = arith.constant true
    %reduce_sum3A_937 = vector.broadcast %reduce_sum3A_936 : i1 to vector<16xi1>
    %reduce_sum3A_938 = tpu.scan <sum>, %scan3A_867#7 masked %reduce_sum3A_937 : vector<16xf32>, vector<16xi1> -> vector<16xf32>
    %reduce_sum3A_939 = vector.extract %reduce_sum3A_938[15] : f32 from vector<16xf32>
    %broadcast_in_dim3A_940 = vector.broadcast %reduce_sum3A_939 : f32 to vector<16xf32>
    %eq3A_941 = arith.constant 7 : i32
    %eq3A_942 = vector.broadcast %eq3A_941 : i32 to vector<16xi32>
    %eq3A_943 = arith.cmpi eq, %iota3A, %eq3A_942 : vector<16xi32>
    %select_n3A_944 = arith.select %eq3A_943, %broadcast_in_dim3A_940, %select_n3A_935 : vector<16xi1>, vector<16xf32>
    %reduce_sum3A_945 = arith.constant true
    %reduce_sum3A_946 = vector.broadcast %reduce_sum3A_945 : i1 to vector<16xi1>
    %reduce_sum3A_947 = tpu.scan <sum>, %scan3A_867#8 masked %reduce_sum3A_946 : vector<16xf32>, vector<16xi1> -> vector<16xf32>
    %reduce_sum3A_948 = vector.extract %reduce_sum3A_947[15] : f32 from vector<16xf32>
    %broadcast_in_dim3A_949 = vector.broadcast %reduce_sum3A_948 : f32 to vector<16xf32>
    %eq3A_950 = arith.constant 8 : i32
    %eq3A_951 = vector.broadcast %eq3A_950 : i32 to vector<16xi32>
    %eq3A_952 = arith.cmpi eq, %iota3A, %eq3A_951 : vector<16xi32>
    %select_n3A_953 = arith.select %eq3A_952, %broadcast_in_dim3A_949, %select_n3A_944 : vector<16xi1>, vector<16xf32>
    %reduce_sum3A_954 = arith.constant true
    %reduce_sum3A_955 = vector.broadcast %reduce_sum3A_954 : i1 to vector<16xi1>
    %reduce_sum3A_956 = tpu.scan <sum>, %scan3A_867#9 masked %reduce_sum3A_955 : vector<16xf32>, vector<16xi1> -> vector<16xf32>
    %reduce_sum3A_957 = vector.extract %reduce_sum3A_956[15] : f32 from vector<16xf32>
    %broadcast_in_dim3A_958 = vector.broadcast %reduce_sum3A_957 : f32 to vector<16xf32>
    %eq3A_959 = arith.constant 9 : i32
    %eq3A_960 = vector.broadcast %eq3A_959 : i32 to vector<16xi32>
    %eq3A_961 = arith.cmpi eq, %iota3A, %eq3A_960 : vector<16xi32>
    %select_n3A_962 = arith.select %eq3A_961, %broadcast_in_dim3A_958, %select_n3A_953 : vector<16xi1>, vector<16xf32>
    %reduce_sum3A_963 = arith.constant true
    %reduce_sum3A_964 = vector.broadcast %reduce_sum3A_963 : i1 to vector<16xi1>
    %reduce_sum3A_965 = tpu.scan <sum>, %scan3A_867#10 masked %reduce_sum3A_964 : vector<16xf32>, vector<16xi1> -> vector<16xf32>
    %reduce_sum3A_966 = vector.extract %reduce_sum3A_965[15] : f32 from vector<16xf32>
    %broadcast_in_dim3A_967 = vector.broadcast %reduce_sum3A_966 : f32 to vector<16xf32>
    %eq3A_968 = arith.constant 10 : i32
    %eq3A_969 = vector.broadcast %eq3A_968 : i32 to vector<16xi32>
    %eq3A_970 = arith.cmpi eq, %iota3A, %eq3A_969 : vector<16xi32>
    %select_n3A_971 = arith.select %eq3A_970, %broadcast_in_dim3A_967, %select_n3A_962 : vector<16xi1>, vector<16xf32>
    %reduce_sum3A_972 = arith.constant true
    %reduce_sum3A_973 = vector.broadcast %reduce_sum3A_972 : i1 to vector<16xi1>
    %reduce_sum3A_974 = tpu.scan <sum>, %scan3A_867#11 masked %reduce_sum3A_973 : vector<16xf32>, vector<16xi1> -> vector<16xf32>
    %reduce_sum3A_975 = vector.extract %reduce_sum3A_974[15] : f32 from vector<16xf32>
    %broadcast_in_dim3A_976 = vector.broadcast %reduce_sum3A_975 : f32 to vector<16xf32>
    %eq3A_977 = arith.constant 11 : i32
    %eq3A_978 = vector.broadcast %eq3A_977 : i32 to vector<16xi32>
    %eq3A_979 = arith.cmpi eq, %iota3A, %eq3A_978 : vector<16xi32>
    %select_n3A_980 = arith.select %eq3A_979, %broadcast_in_dim3A_976, %select_n3A_971 : vector<16xi1>, vector<16xf32>
    %reduce_sum3A_981 = arith.constant true
    %reduce_sum3A_982 = vector.broadcast %reduce_sum3A_981 : i1 to vector<16xi1>
    %reduce_sum3A_983 = tpu.scan <sum>, %scan3A_867#12 masked %reduce_sum3A_982 : vector<16xf32>, vector<16xi1> -> vector<16xf32>
    %reduce_sum3A_984 = vector.extract %reduce_sum3A_983[15] : f32 from vector<16xf32>
    %broadcast_in_dim3A_985 = vector.broadcast %reduce_sum3A_984 : f32 to vector<16xf32>
    %eq3A_986 = arith.constant 12 : i32
    %eq3A_987 = vector.broadcast %eq3A_986 : i32 to vector<16xi32>
    %eq3A_988 = arith.cmpi eq, %iota3A, %eq3A_987 : vector<16xi32>
    %select_n3A_989 = arith.select %eq3A_988, %broadcast_in_dim3A_985, %select_n3A_980 : vector<16xi1>, vector<16xf32>
    %reduce_sum3A_990 = arith.constant true
    %reduce_sum3A_991 = vector.broadcast %reduce_sum3A_990 : i1 to vector<16xi1>
    %reduce_sum3A_992 = tpu.scan <sum>, %scan3A_867#13 masked %reduce_sum3A_991 : vector<16xf32>, vector<16xi1> -> vector<16xf32>
    %reduce_sum3A_993 = vector.extract %reduce_sum3A_992[15] : f32 from vector<16xf32>
    %broadcast_in_dim3A_994 = vector.broadcast %reduce_sum3A_993 : f32 to vector<16xf32>
    %eq3A_995 = arith.constant 13 : i32
    %eq3A_996 = vector.broadcast %eq3A_995 : i32 to vector<16xi32>
    %eq3A_997 = arith.cmpi eq, %iota3A, %eq3A_996 : vector<16xi32>
    %select_n3A_998 = arith.select %eq3A_997, %broadcast_in_dim3A_994, %select_n3A_989 : vector<16xi1>, vector<16xf32>
    %reduce_sum3A_999 = arith.constant true
    %reduce_sum3A_1000 = vector.broadcast %reduce_sum3A_999 : i1 to vector<16xi1>
    %reduce_sum3A_1001 = tpu.scan <sum>, %scan3A_867#14 masked %reduce_sum3A_1000 : vector<16xf32>, vector<16xi1> -> vector<16xf32>
    %reduce_sum3A_1002 = vector.extract %reduce_sum3A_1001[15] : f32 from vector<16xf32>
    %broadcast_in_dim3A_1003 = vector.broadcast %reduce_sum3A_1002 : f32 to vector<16xf32>
    %eq3A_1004 = arith.constant 14 : i32
    %eq3A_1005 = vector.broadcast %eq3A_1004 : i32 to vector<16xi32>
    %eq3A_1006 = arith.cmpi eq, %iota3A, %eq3A_1005 : vector<16xi32>
    %select_n3A_1007 = arith.select %eq3A_1006, %broadcast_in_dim3A_1003, %select_n3A_998 : vector<16xi1>, vector<16xf32>
    %reduce_sum3A_1008 = arith.constant true
    %reduce_sum3A_1009 = vector.broadcast %reduce_sum3A_1008 : i1 to vector<16xi1>
    %reduce_sum3A_1010 = tpu.scan <sum>, %scan3A_867#15 masked %reduce_sum3A_1009 : vector<16xf32>, vector<16xi1> -> vector<16xf32>
    %reduce_sum3A_1011 = vector.extract %reduce_sum3A_1010[15] : f32 from vector<16xf32>
    %broadcast_in_dim3A_1012 = vector.broadcast %reduce_sum3A_1011 : f32 to vector<16xf32>
    %eq3A_1013 = arith.constant 15 : i32
    %eq3A_1014 = vector.broadcast %eq3A_1013 : i32 to vector<16xi32>
    %eq3A_1015 = arith.cmpi eq, %iota3A, %eq3A_1014 : vector<16xi32>
    %select_n3A_1016 = arith.select %eq3A_1015, %broadcast_in_dim3A_1012, %select_n3A_1007 : vector<16xi1>, vector<16xf32>
    %reduce_sum3A_1017 = arith.constant true
    %reduce_sum3A_1018 = vector.broadcast %reduce_sum3A_1017 : i1 to vector<16xi1>
    %reduce_sum3A_1019 = tpu.scan <sum>, %scan3A_867#16 masked %reduce_sum3A_1018 : vector<16xf32>, vector<16xi1> -> vector<16xf32>
    %reduce_sum3A_1020 = vector.extract %reduce_sum3A_1019[15] : f32 from vector<16xf32>
    %broadcast_in_dim3A_1021 = vector.broadcast %reduce_sum3A_1020 : f32 to vector<16xf32>
    %eq3A_1022 = arith.constant 0 : i32
    %eq3A_1023 = vector.broadcast %eq3A_1022 : i32 to vector<16xi32>
    %eq3A_1024 = arith.cmpi eq, %iota3A, %eq3A_1023 : vector<16xi32>
    %select_n3A_1025 = arith.select %eq3A_1024, %broadcast_in_dim3A_1021, %broadcast_in_dim3A_872 : vector<16xi1>, vector<16xf32>
    %reduce_sum3A_1026 = arith.constant true
    %reduce_sum3A_1027 = vector.broadcast %reduce_sum3A_1026 : i1 to vector<16xi1>
    %reduce_sum3A_1028 = tpu.scan <sum>, %scan3A_867#17 masked %reduce_sum3A_1027 : vector<16xf32>, vector<16xi1> -> vector<16xf32>
    %reduce_sum3A_1029 = vector.extract %reduce_sum3A_1028[15] : f32 from vector<16xf32>
    %broadcast_in_dim3A_1030 = vector.broadcast %reduce_sum3A_1029 : f32 to vector<16xf32>
    %eq3A_1031 = arith.constant 1 : i32
    %eq3A_1032 = vector.broadcast %eq3A_1031 : i32 to vector<16xi32>
    %eq3A_1033 = arith.cmpi eq, %iota3A, %eq3A_1032 : vector<16xi32>
    %select_n3A_1034 = arith.select %eq3A_1033, %broadcast_in_dim3A_1030, %select_n3A_1025 : vector<16xi1>, vector<16xf32>
    %add3A_1035 = arith.constant 0 : i32
    %add3A_1036 = vector.broadcast %add3A_1035 : i32 to vector<16xi32>
    %add3A_1037 = arith.addi %iota3A, %add3A_1036 : vector<16xi32>
    tpu.vector_store_idx %arg20[%add3A_1037], %select_n3A_1016 : memref<64xf32, #tpu.memory_space<vmem>>[vector<16xi32>], vector<16xf32>,
    %add3A_1038 = arith.constant 0 : i32
    %add3A_1039 = vector.broadcast %add3A_1038 : i32 to vector<16xi32>
    %add3A_1040 = arith.addi %iota3A, %add3A_1039 : vector<16xi32>
    %add3A_1041 = arith.constant 16 : i32
    %add3A_1042 = vector.broadcast %add3A_1041 : i32 to vector<16xi32>
    %add3A_1043 = arith.addi %add3A_1040, %add3A_1042 : vector<16xi32>
    tpu.vector_store_idx %arg20[%add3A_1043], %select_n3A_1034 : memref<64xf32, #tpu.memory_space<vmem>>[vector<16xi32>], vector<16xf32>,
    %broadcast_in_dim3A_1044 = arith.constant 0.000000e+00 : f32
    %broadcast_in_dim3A_1045 = vector.broadcast %broadcast_in_dim3A_1044 : f32 to vector<16xf32>
    %broadcast_in_dim3A_1046 = arith.constant 0.000000e+00 : f32
    %broadcast_in_dim3A_1047 = vector.broadcast %broadcast_in_dim3A_1046 : f32 to vector<16xf32>
    %reduce_sum3A_1048 = arith.constant true
    %reduce_sum3A_1049 = vector.broadcast %reduce_sum3A_1048 : i1 to vector<16xi1>
    %reduce_sum3A_1050 = tpu.scan <sum>, %scan3A_867#18 masked %reduce_sum3A_1049 : vector<16xf32>, vector<16xi1> -> vector<16xf32>
    %reduce_sum3A_1051 = vector.extract %reduce_sum3A_1050[15] : f32 from vector<16xf32>
    %broadcast_in_dim3A_1052 = vector.broadcast %reduce_sum3A_1051 : f32 to vector<16xf32>
    %eq3A_1053 = arith.constant 0 : i32
    %eq3A_1054 = vector.broadcast %eq3A_1053 : i32 to vector<16xi32>
    %eq3A_1055 = arith.cmpi eq, %iota3A, %eq3A_1054 : vector<16xi32>
    %select_n3A_1056 = arith.select %eq3A_1055, %broadcast_in_dim3A_1052, %broadcast_in_dim3A_1045 : vector<16xi1>, vector<16xf32>
    %reduce_sum3A_1057 = arith.constant true
    %reduce_sum3A_1058 = vector.broadcast %reduce_sum3A_1057 : i1 to vector<16xi1>
    %reduce_sum3A_1059 = tpu.scan <sum>, %scan3A_867#19 masked %reduce_sum3A_1058 : vector<16xf32>, vector<16xi1> -> vector<16xf32>
    %reduce_sum3A_1060 = vector.extract %reduce_sum3A_1059[15] : f32 from vector<16xf32>
    %broadcast_in_dim3A_1061 = vector.broadcast %reduce_sum3A_1060 : f32 to vector<16xf32>
    %eq3A_1062 = arith.constant 1 : i32
    %eq3A_1063 = vector.broadcast %eq3A_1062 : i32 to vector<16xi32>
    %eq3A_1064 = arith.cmpi eq, %iota3A, %eq3A_1063 : vector<16xi32>
    %select_n3A_1065 = arith.select %eq3A_1064, %broadcast_in_dim3A_1061, %select_n3A_1056 : vector<16xi1>, vector<16xf32>
    %reduce_sum3A_1066 = arith.constant true
    %reduce_sum3A_1067 = vector.broadcast %reduce_sum3A_1066 : i1 to vector<16xi1>
    %reduce_sum3A_1068 = tpu.scan <sum>, %scan3A_867#20 masked %reduce_sum3A_1067 : vector<16xf32>, vector<16xi1> -> vector<16xf32>
    %reduce_sum3A_1069 = vector.extract %reduce_sum3A_1068[15] : f32 from vector<16xf32>
    %broadcast_in_dim3A_1070 = vector.broadcast %reduce_sum3A_1069 : f32 to vector<16xf32>
    %eq3A_1071 = arith.constant 2 : i32
    %eq3A_1072 = vector.broadcast %eq3A_1071 : i32 to vector<16xi32>
    %eq3A_1073 = arith.cmpi eq, %iota3A, %eq3A_1072 : vector<16xi32>
    %select_n3A_1074 = arith.select %eq3A_1073, %broadcast_in_dim3A_1070, %select_n3A_1065 : vector<16xi1>, vector<16xf32>
    %reduce_sum3A_1075 = arith.constant true
    %reduce_sum3A_1076 = vector.broadcast %reduce_sum3A_1075 : i1 to vector<16xi1>
    %reduce_sum3A_1077 = tpu.scan <sum>, %scan3A_867#21 masked %reduce_sum3A_1076 : vector<16xf32>, vector<16xi1> -> vector<16xf32>
    %reduce_sum3A_1078 = vector.extract %reduce_sum3A_1077[15] : f32 from vector<16xf32>
    %broadcast_in_dim3A_1079 = vector.broadcast %reduce_sum3A_1078 : f32 to vector<16xf32>
    %eq3A_1080 = arith.constant 3 : i32
    %eq3A_1081 = vector.broadcast %eq3A_1080 : i32 to vector<16xi32>
    %eq3A_1082 = arith.cmpi eq, %iota3A, %eq3A_1081 : vector<16xi32>
    %select_n3A_1083 = arith.select %eq3A_1082, %broadcast_in_dim3A_1079, %select_n3A_1074 : vector<16xi1>, vector<16xf32>
    %reduce_sum3A_1084 = arith.constant true
    %reduce_sum3A_1085 = vector.broadcast %reduce_sum3A_1084 : i1 to vector<16xi1>
    %reduce_sum3A_1086 = tpu.scan <sum>, %scan3A_867#22 masked %reduce_sum3A_1085 : vector<16xf32>, vector<16xi1> -> vector<16xf32>
    %reduce_sum3A_1087 = vector.extract %reduce_sum3A_1086[15] : f32 from vector<16xf32>
    %broadcast_in_dim3A_1088 = vector.broadcast %reduce_sum3A_1087 : f32 to vector<16xf32>
    %eq3A_1089 = arith.constant 4 : i32
    %eq3A_1090 = vector.broadcast %eq3A_1089 : i32 to vector<16xi32>
    %eq3A_1091 = arith.cmpi eq, %iota3A, %eq3A_1090 : vector<16xi32>
    %select_n3A_1092 = arith.select %eq3A_1091, %broadcast_in_dim3A_1088, %select_n3A_1083 : vector<16xi1>, vector<16xf32>
    %reduce_sum3A_1093 = arith.constant true
    %reduce_sum3A_1094 = vector.broadcast %reduce_sum3A_1093 : i1 to vector<16xi1>
    %reduce_sum3A_1095 = tpu.scan <sum>, %scan3A_867#23 masked %reduce_sum3A_1094 : vector<16xf32>, vector<16xi1> -> vector<16xf32>
    %reduce_sum3A_1096 = vector.extract %reduce_sum3A_1095[15] : f32 from vector<16xf32>
    %broadcast_in_dim3A_1097 = vector.broadcast %reduce_sum3A_1096 : f32 to vector<16xf32>
    %eq3A_1098 = arith.constant 5 : i32
    %eq3A_1099 = vector.broadcast %eq3A_1098 : i32 to vector<16xi32>
    %eq3A_1100 = arith.cmpi eq, %iota3A, %eq3A_1099 : vector<16xi32>
    %select_n3A_1101 = arith.select %eq3A_1100, %broadcast_in_dim3A_1097, %select_n3A_1092 : vector<16xi1>, vector<16xf32>
    %reduce_sum3A_1102 = arith.constant true
    %reduce_sum3A_1103 = vector.broadcast %reduce_sum3A_1102 : i1 to vector<16xi1>
    %reduce_sum3A_1104 = tpu.scan <sum>, %scan3A_867#24 masked %reduce_sum3A_1103 : vector<16xf32>, vector<16xi1> -> vector<16xf32>
    %reduce_sum3A_1105 = vector.extract %reduce_sum3A_1104[15] : f32 from vector<16xf32>
    %broadcast_in_dim3A_1106 = vector.broadcast %reduce_sum3A_1105 : f32 to vector<16xf32>
    %eq3A_1107 = arith.constant 6 : i32
    %eq3A_1108 = vector.broadcast %eq3A_1107 : i32 to vector<16xi32>
    %eq3A_1109 = arith.cmpi eq, %iota3A, %eq3A_1108 : vector<16xi32>
    %select_n3A_1110 = arith.select %eq3A_1109, %broadcast_in_dim3A_1106, %select_n3A_1101 : vector<16xi1>, vector<16xf32>
    %reduce_sum3A_1111 = arith.constant true
    %reduce_sum3A_1112 = vector.broadcast %reduce_sum3A_1111 : i1 to vector<16xi1>
    %reduce_sum3A_1113 = tpu.scan <sum>, %scan3A_867#25 masked %reduce_sum3A_1112 : vector<16xf32>, vector<16xi1> -> vector<16xf32>
    %reduce_sum3A_1114 = vector.extract %reduce_sum3A_1113[15] : f32 from vector<16xf32>
    %broadcast_in_dim3A_1115 = vector.broadcast %reduce_sum3A_1114 : f32 to vector<16xf32>
    %eq3A_1116 = arith.constant 7 : i32
    %eq3A_1117 = vector.broadcast %eq3A_1116 : i32 to vector<16xi32>
    %eq3A_1118 = arith.cmpi eq, %iota3A, %eq3A_1117 : vector<16xi32>
    %select_n3A_1119 = arith.select %eq3A_1118, %broadcast_in_dim3A_1115, %select_n3A_1110 : vector<16xi1>, vector<16xf32>
    %reduce_sum3A_1120 = arith.constant true
    %reduce_sum3A_1121 = vector.broadcast %reduce_sum3A_1120 : i1 to vector<16xi1>
    %reduce_sum3A_1122 = tpu.scan <sum>, %scan3A_867#26 masked %reduce_sum3A_1121 : vector<16xf32>, vector<16xi1> -> vector<16xf32>
    %reduce_sum3A_1123 = vector.extract %reduce_sum3A_1122[15] : f32 from vector<16xf32>
    %broadcast_in_dim3A_1124 = vector.broadcast %reduce_sum3A_1123 : f32 to vector<16xf32>
    %eq3A_1125 = arith.constant 8 : i32
    %eq3A_1126 = vector.broadcast %eq3A_1125 : i32 to vector<16xi32>
    %eq3A_1127 = arith.cmpi eq, %iota3A, %eq3A_1126 : vector<16xi32>
    %select_n3A_1128 = arith.select %eq3A_1127, %broadcast_in_dim3A_1124, %select_n3A_1119 : vector<16xi1>, vector<16xf32>
    %reduce_sum3A_1129 = arith.constant true
    %reduce_sum3A_1130 = vector.broadcast %reduce_sum3A_1129 : i1 to vector<16xi1>
    %reduce_sum3A_1131 = tpu.scan <sum>, %scan3A_867#27 masked %reduce_sum3A_1130 : vector<16xf32>, vector<16xi1> -> vector<16xf32>
    %reduce_sum3A_1132 = vector.extract %reduce_sum3A_1131[15] : f32 from vector<16xf32>
    %broadcast_in_dim3A_1133 = vector.broadcast %reduce_sum3A_1132 : f32 to vector<16xf32>
    %eq3A_1134 = arith.constant 9 : i32
    %eq3A_1135 = vector.broadcast %eq3A_1134 : i32 to vector<16xi32>
    %eq3A_1136 = arith.cmpi eq, %iota3A, %eq3A_1135 : vector<16xi32>
    %select_n3A_1137 = arith.select %eq3A_1136, %broadcast_in_dim3A_1133, %select_n3A_1128 : vector<16xi1>, vector<16xf32>
    %reduce_sum3A_1138 = arith.constant true
    %reduce_sum3A_1139 = vector.broadcast %reduce_sum3A_1138 : i1 to vector<16xi1>
    %reduce_sum3A_1140 = tpu.scan <sum>, %scan3A_867#28 masked %reduce_sum3A_1139 : vector<16xf32>, vector<16xi1> -> vector<16xf32>
    %reduce_sum3A_1141 = vector.extract %reduce_sum3A_1140[15] : f32 from vector<16xf32>
    %broadcast_in_dim3A_1142 = vector.broadcast %reduce_sum3A_1141 : f32 to vector<16xf32>
    %eq3A_1143 = arith.constant 10 : i32
    %eq3A_1144 = vector.broadcast %eq3A_1143 : i32 to vector<16xi32>
    %eq3A_1145 = arith.cmpi eq, %iota3A, %eq3A_1144 : vector<16xi32>
    %select_n3A_1146 = arith.select %eq3A_1145, %broadcast_in_dim3A_1142, %select_n3A_1137 : vector<16xi1>, vector<16xf32>
    %reduce_sum3A_1147 = arith.constant true
    %reduce_sum3A_1148 = vector.broadcast %reduce_sum3A_1147 : i1 to vector<16xi1>
    %reduce_sum3A_1149 = tpu.scan <sum>, %scan3A_867#29 masked %reduce_sum3A_1148 : vector<16xf32>, vector<16xi1> -> vector<16xf32>
    %reduce_sum3A_1150 = vector.extract %reduce_sum3A_1149[15] : f32 from vector<16xf32>
    %broadcast_in_dim3A_1151 = vector.broadcast %reduce_sum3A_1150 : f32 to vector<16xf32>
    %eq3A_1152 = arith.constant 11 : i32
    %eq3A_1153 = vector.broadcast %eq3A_1152 : i32 to vector<16xi32>
    %eq3A_1154 = arith.cmpi eq, %iota3A, %eq3A_1153 : vector<16xi32>
    %select_n3A_1155 = arith.select %eq3A_1154, %broadcast_in_dim3A_1151, %select_n3A_1146 : vector<16xi1>, vector<16xf32>
    %reduce_sum3A_1156 = arith.constant true
    %reduce_sum3A_1157 = vector.broadcast %reduce_sum3A_1156 : i1 to vector<16xi1>
    %reduce_sum3A_1158 = tpu.scan <sum>, %scan3A_867#30 masked %reduce_sum3A_1157 : vector<16xf32>, vector<16xi1> -> vector<16xf32>
    %reduce_sum3A_1159 = vector.extract %reduce_sum3A_1158[15] : f32 from vector<16xf32>
    %broadcast_in_dim3A_1160 = vector.broadcast %reduce_sum3A_1159 : f32 to vector<16xf32>
    %eq3A_1161 = arith.constant 12 : i32
    %eq3A_1162 = vector.broadcast %eq3A_1161 : i32 to vector<16xi32>
    %eq3A_1163 = arith.cmpi eq, %iota3A, %eq3A_1162 : vector<16xi32>
    %select_n3A_1164 = arith.select %eq3A_1163, %broadcast_in_dim3A_1160, %select_n3A_1155 : vector<16xi1>, vector<16xf32>
    %reduce_sum3A_1165 = arith.constant true
    %reduce_sum3A_1166 = vector.broadcast %reduce_sum3A_1165 : i1 to vector<16xi1>
    %reduce_sum3A_1167 = tpu.scan <sum>, %scan3A_867#31 masked %reduce_sum3A_1166 : vector<16xf32>, vector<16xi1> -> vector<16xf32>
    %reduce_sum3A_1168 = vector.extract %reduce_sum3A_1167[15] : f32 from vector<16xf32>
    %broadcast_in_dim3A_1169 = vector.broadcast %reduce_sum3A_1168 : f32 to vector<16xf32>
    %eq3A_1170 = arith.constant 13 : i32
    %eq3A_1171 = vector.broadcast %eq3A_1170 : i32 to vector<16xi32>
    %eq3A_1172 = arith.cmpi eq, %iota3A, %eq3A_1171 : vector<16xi32>
    %select_n3A_1173 = arith.select %eq3A_1172, %broadcast_in_dim3A_1169, %select_n3A_1164 : vector<16xi1>, vector<16xf32>
    %reduce_sum3A_1174 = arith.constant true
    %reduce_sum3A_1175 = vector.broadcast %reduce_sum3A_1174 : i1 to vector<16xi1>
    %reduce_sum3A_1176 = tpu.scan <sum>, %scan3A_867#32 masked %reduce_sum3A_1175 : vector<16xf32>, vector<16xi1> -> vector<16xf32>
    %reduce_sum3A_1177 = vector.extract %reduce_sum3A_1176[15] : f32 from vector<16xf32>
    %broadcast_in_dim3A_1178 = vector.broadcast %reduce_sum3A_1177 : f32 to vector<16xf32>
    %eq3A_1179 = arith.constant 14 : i32
    %eq3A_1180 = vector.broadcast %eq3A_1179 : i32 to vector<16xi32>
    %eq3A_1181 = arith.cmpi eq, %iota3A, %eq3A_1180 : vector<16xi32>
    %select_n3A_1182 = arith.select %eq3A_1181, %broadcast_in_dim3A_1178, %select_n3A_1173 : vector<16xi1>, vector<16xf32>
    %reduce_sum3A_1183 = arith.constant true
    %reduce_sum3A_1184 = vector.broadcast %reduce_sum3A_1183 : i1 to vector<16xi1>
    %reduce_sum3A_1185 = tpu.scan <sum>, %scan3A_867#33 masked %reduce_sum3A_1184 : vector<16xf32>, vector<16xi1> -> vector<16xf32>
    %reduce_sum3A_1186 = vector.extract %reduce_sum3A_1185[15] : f32 from vector<16xf32>
    %broadcast_in_dim3A_1187 = vector.broadcast %reduce_sum3A_1186 : f32 to vector<16xf32>
    %eq3A_1188 = arith.constant 15 : i32
    %eq3A_1189 = vector.broadcast %eq3A_1188 : i32 to vector<16xi32>
    %eq3A_1190 = arith.cmpi eq, %iota3A, %eq3A_1189 : vector<16xi32>
    %select_n3A_1191 = arith.select %eq3A_1190, %broadcast_in_dim3A_1187, %select_n3A_1182 : vector<16xi1>, vector<16xf32>
    %reduce_sum3A_1192 = arith.constant true
    %reduce_sum3A_1193 = vector.broadcast %reduce_sum3A_1192 : i1 to vector<16xi1>
    %reduce_sum3A_1194 = tpu.scan <sum>, %scan3A_867#34 masked %reduce_sum3A_1193 : vector<16xf32>, vector<16xi1> -> vector<16xf32>
    %reduce_sum3A_1195 = vector.extract %reduce_sum3A_1194[15] : f32 from vector<16xf32>
    %broadcast_in_dim3A_1196 = vector.broadcast %reduce_sum3A_1195 : f32 to vector<16xf32>
    %eq3A_1197 = arith.constant 0 : i32
    %eq3A_1198 = vector.broadcast %eq3A_1197 : i32 to vector<16xi32>
    %eq3A_1199 = arith.cmpi eq, %iota3A, %eq3A_1198 : vector<16xi32>
    %select_n3A_1200 = arith.select %eq3A_1199, %broadcast_in_dim3A_1196, %broadcast_in_dim3A_1047 : vector<16xi1>, vector<16xf32>
    %reduce_sum3A_1201 = arith.constant true
    %reduce_sum3A_1202 = vector.broadcast %reduce_sum3A_1201 : i1 to vector<16xi1>
    %reduce_sum3A_1203 = tpu.scan <sum>, %scan3A_867#35 masked %reduce_sum3A_1202 : vector<16xf32>, vector<16xi1> -> vector<16xf32>
    %reduce_sum3A_1204 = vector.extract %reduce_sum3A_1203[15] : f32 from vector<16xf32>
    %broadcast_in_dim3A_1205 = vector.broadcast %reduce_sum3A_1204 : f32 to vector<16xf32>
    %eq3A_1206 = arith.constant 1 : i32
    %eq3A_1207 = vector.broadcast %eq3A_1206 : i32 to vector<16xi32>
    %eq3A_1208 = arith.cmpi eq, %iota3A, %eq3A_1207 : vector<16xi32>
    %select_n3A_1209 = arith.select %eq3A_1208, %broadcast_in_dim3A_1205, %select_n3A_1200 : vector<16xi1>, vector<16xf32>
    %add3A_1210 = arith.constant 32 : i32
    %add3A_1211 = vector.broadcast %add3A_1210 : i32 to vector<16xi32>
    %add3A_1212 = arith.addi %iota3A, %add3A_1211 : vector<16xi32>
    tpu.vector_store_idx %arg20[%add3A_1212], %select_n3A_1191 : memref<64xf32, #tpu.memory_space<vmem>>[vector<16xi32>], vector<16xf32>,
    %add3A_1213 = arith.constant 32 : i32
    %add3A_1214 = vector.broadcast %add3A_1213 : i32 to vector<16xi32>
    %add3A_1215 = arith.addi %iota3A, %add3A_1214 : vector<16xi32>
    %add3A_1216 = arith.constant 16 : i32
    %add3A_1217 = vector.broadcast %add3A_1216 : i32 to vector<16xi32>
    %add3A_1218 = arith.addi %add3A_1215, %add3A_1217 : vector<16xi32>
    tpu.vector_store_idx %arg20[%add3A_1218], %select_n3A_1209 : memref<64xf32, #tpu.memory_space<vmem>>[vector<16xi32>], vector<16xf32>,
    %mul3A_1219 = arith.constant 16 : i32
    %mul3A_1220 = arith.muli %arg0, %mul3A_1219 : i32
    %add3A_1221 = arith.addi %mul3A_1220, %arg1 : i32
    "tpu.region"() ({
      %run_scoped3A = tpu.sem_alloc : memref<!tpu.dma_semaphore, #tpu.memory_space<semaphore_mem>>
      %dma_start3A_1225 = arith.constant 0 : i32
      %dma_start3A_1226 = tpu.memref_slice %arg8[%add3A_1221, %dma_start3A_1225] : memref<32x64xf32, #tpu.memory_space<hbm>> -> memref<1x64xf32, #tpu.memory_space<hbm>>
      %dma_start3A_1227 = tpu.memref_squeeze %dma_start3A_1226 : memref<1x64xf32, #tpu.memory_space<hbm>> -> memref<64xf32, #tpu.memory_space<hbm>>
      %dma_start3A_1228 = arith.constant 0 : i32
      %dma_start3A_1229 = tpu.memref_slice %arg8[%add3A_1221, %dma_start3A_1228] : memref<32x64xf32, #tpu.memory_space<hbm>> -> memref<1x64xf32, #tpu.memory_space<hbm>>
      %dma_start3A_1230 = tpu.memref_squeeze %dma_start3A_1229 : memref<1x64xf32, #tpu.memory_space<hbm>> -> memref<64xf32, #tpu.memory_space<hbm>>
      tpu.enqueue_dma source(%arg20 : memref<64xf32, #tpu.memory_space<vmem>>) target(%dma_start3A_1230 : memref<64xf32, #tpu.memory_space<hbm>>) target_semaphore(%run_scoped3A : memref<!tpu.dma_semaphore, #tpu.memory_space<semaphore_mem>>)
      %dma_wait3A_1231 = arith.constant 0 : i32
      %dma_wait3A_1232 = tpu.memref_slice %arg8[%add3A_1221, %dma_wait3A_1231] : memref<32x64xf32, #tpu.memory_space<hbm>> -> memref<1x64xf32, #tpu.memory_space<hbm>>
      %dma_wait3A_1233 = tpu.memref_squeeze %dma_wait3A_1232 : memref<1x64xf32, #tpu.memory_space<hbm>> -> memref<64xf32, #tpu.memory_space<hbm>>
      %dma_wait3A_1234 = arith.constant 0 : i32
      %dma_wait3A_1235 = tpu.memref_slice %arg8[%add3A_1221, %dma_wait3A_1234] : memref<32x64xf32, #tpu.memory_space<hbm>> -> memref<1x64xf32, #tpu.memory_space<hbm>>
      %dma_wait3A_1236 = tpu.memref_squeeze %dma_wait3A_1235 : memref<1x64xf32, #tpu.memory_space<hbm>> -> memref<64xf32, #tpu.memory_space<hbm>>
      tpu.wait_dma2 semaphore(%run_scoped3A : memref<!tpu.dma_semaphore, #tpu.memory_space<semaphore_mem>>) src(%arg20 : memref<64xf32, #tpu.memory_space<vmem>>) dst(%dma_wait3A_1236 : memref<64xf32, #tpu.memory_space<hbm>>)
      tpu.yield
    }) : () -> ()
    %eq3A_1222 = arith.constant 0 : i32
    %eq3A_1223 = arith.cmpi eq, %arg0, %eq3A_1222 : i32
    %convert_element_type3A = arith.extui %eq3A_1223 : i1 to i32
    %cond3A = arith.constant 0 : i32
    %cond3A_1224 = arith.cmpi ne, %convert_element_type3A, %cond3A : i32
    scf.if %cond3A_1224 {
      %add3A_1225 = arith.addi %and3A_27, %iota3A : vector<16xi32>
      %shift_right_arithmetic3A_1226 = arith.constant 4 : i32
      %shift_right_arithmetic3A_1227 = vector.broadcast %shift_right_arithmetic3A_1226 : i32 to vector<16xi32>
      %shift_right_arithmetic3A_1228 = arith.shrsi %add3A_1225, %shift_right_arithmetic3A_1227 : vector<16xi32>
      %and3A_1229 = arith.constant 15 : i32
      %and3A_1230 = vector.broadcast %and3A_1229 : i32 to vector<16xi32>
      %and3A_1231 = arith.andi %add3A_1225, %and3A_1230 : vector<16xi32>
      %gather3A_1232 = tpu.vector_load_idx %arg19[%shift_right_arithmetic3A_1228, %and3A_1231] : memref<16x16xf32, #tpu.memory_space<vmem>>[vector<16xi32>, vector<16xi32>], vector<16xf32>,
      tpu.vector_store_idx %arg21[%iota3A], %gather3A_1232 : memref<32xf32, #tpu.memory_space<vmem>>[vector<16xi32>], vector<16xf32>,
      %add3A_1233 = arith.constant 16 : i32
      %add3A_1234 = vector.broadcast %add3A_1233 : i32 to vector<16xi32>
      %add3A_1235 = arith.addi %iota3A, %add3A_1234 : vector<16xi32>
      %add3A_1236 = arith.constant 16 : i32
      %add3A_1237 = vector.broadcast %add3A_1236 : i32 to vector<16xi32>
      %add3A_1238 = arith.addi %iota3A, %add3A_1237 : vector<16xi32>
      %min3A = arith.constant 17 : i32
      %min3A_1239 = vector.broadcast %min3A : i32 to vector<16xi32>
      %min3A_1240 = arith.minsi %add3A_1238, %min3A_1239 : vector<16xi32>
      %add3A_1241 = arith.addi %and3A_27, %min3A_1240 : vector<16xi32>
      %shift_right_arithmetic3A_1242 = arith.constant 4 : i32
      %shift_right_arithmetic3A_1243 = vector.broadcast %shift_right_arithmetic3A_1242 : i32 to vector<16xi32>
      %shift_right_arithmetic3A_1244 = arith.shrsi %add3A_1241, %shift_right_arithmetic3A_1243 : vector<16xi32>
      %and3A_1245 = arith.constant 15 : i32
      %and3A_1246 = vector.broadcast %and3A_1245 : i32 to vector<16xi32>
      %and3A_1247 = arith.andi %add3A_1241, %and3A_1246 : vector<16xi32>
      %gather3A_1248 = tpu.vector_load_idx %arg19[%shift_right_arithmetic3A_1244, %and3A_1247] : memref<16x16xf32, #tpu.memory_space<vmem>>[vector<16xi32>, vector<16xi32>], vector<16xf32>,
      tpu.vector_store_idx %arg21[%add3A_1235], %gather3A_1248 : memref<32xf32, #tpu.memory_space<vmem>>[vector<16xi32>], vector<16xf32>,
      "tpu.region"() ({
        %run_scoped3A = tpu.sem_alloc : memref<!tpu.dma_semaphore, #tpu.memory_space<semaphore_mem>>
        %dma_start3A_1249 = arith.constant 0 : i32
        %dma_start3A_1250 = tpu.memref_slice %arg9[%arg1, %dma_start3A_1249] : memref<16x32xf32, #tpu.memory_space<hbm>> -> memref<1x32xf32, #tpu.memory_space<hbm>>
        %dma_start3A_1251 = tpu.memref_squeeze %dma_start3A_1250 : memref<1x32xf32, #tpu.memory_space<hbm>> -> memref<32xf32, #tpu.memory_space<hbm>>
        %dma_start3A_1252 = arith.constant 0 : i32
        %dma_start3A_1253 = tpu.memref_slice %arg9[%arg1, %dma_start3A_1252] : memref<16x32xf32, #tpu.memory_space<hbm>> -> memref<1x32xf32, #tpu.memory_space<hbm>>
        %dma_start3A_1254 = tpu.memref_squeeze %dma_start3A_1253 : memref<1x32xf32, #tpu.memory_space<hbm>> -> memref<32xf32, #tpu.memory_space<hbm>>
        tpu.enqueue_dma source(%arg21 : memref<32xf32, #tpu.memory_space<vmem>>) target(%dma_start3A_1254 : memref<32xf32, #tpu.memory_space<hbm>>) target_semaphore(%run_scoped3A : memref<!tpu.dma_semaphore, #tpu.memory_space<semaphore_mem>>)
        %dma_wait3A_1255 = arith.constant 0 : i32
        %dma_wait3A_1256 = tpu.memref_slice %arg9[%arg1, %dma_wait3A_1255] : memref<16x32xf32, #tpu.memory_space<hbm>> -> memref<1x32xf32, #tpu.memory_space<hbm>>
        %dma_wait3A_1257 = tpu.memref_squeeze %dma_wait3A_1256 : memref<1x32xf32, #tpu.memory_space<hbm>> -> memref<32xf32, #tpu.memory_space<hbm>>
        %dma_wait3A_1258 = arith.constant 0 : i32
        %dma_wait3A_1259 = tpu.memref_slice %arg9[%arg1, %dma_wait3A_1258] : memref<16x32xf32, #tpu.memory_space<hbm>> -> memref<1x32xf32, #tpu.memory_space<hbm>>
        %dma_wait3A_1260 = tpu.memref_squeeze %dma_wait3A_1259 : memref<1x32xf32, #tpu.memory_space<hbm>> -> memref<32xf32, #tpu.memory_space<hbm>>
        tpu.wait_dma2 semaphore(%run_scoped3A : memref<!tpu.dma_semaphore, #tpu.memory_space<semaphore_mem>>) src(%arg21 : memref<32xf32, #tpu.memory_space<vmem>>) dst(%dma_wait3A_1260 : memref<32xf32, #tpu.memory_space<hbm>>)
        tpu.yield
      }) : () -> ()
    } else {
    }
    return
  }
}

</mosaic_0001>

<sc_bundles>
// kernel: kernel.11.cloned.1.call-start
scs
__scs_entry_jumppad:
0x0: {  	(pc) =	sbr.rel $0x88, $3  }
0x1: {  	(tag) =	ssettag $0x0;
	lr =	simm.s32 $0x1  }
0x2: {  	[smem:$0x3F9B] =	sst lr;
	_ =	strace $0xD0000000  }
0x3: {  	_ = 	snop  }
0x4: {  	_ = 	snop  }
0x5: {  	_ = 	snop  }
0x6: {  	_ = 	snop  }
0x7: {  	_ = 	snop  }
__scs_overlays_trampoline_lowered:
0x8: {  	[smem:$0x3FAA] =	sst s0  }
0x9: {  	[smem:$0x3FAB] =	sst s1  }
0xa: {  	[smem:$0x3FAC] =	sst s2  }
0xb: {  	[smem:$0x3FAD] =	sst s3  }
0xc: {  	[smem:$0x3FAE] =	sst s4  }
0xd: {  	[smem:$0x3FAF] =	sst s5  }
0xe: {  	[smem:$0x3FB0] =	sst s6  }
0xf: {  	[smem:$0x3FB1] =	sst s7  }
0x10: {  	[smem:$0x3FB2] =	sst s8  }
0x11: {  	[smem:$0x3FB3] =	sst s9;
	s0 =	simm.s32 @!p0 $0x0  }
0x12: {  	s1 =	sld [smem:$0x3F99];
	s0 =	simm.s32 @p0 $0x1  }
0x13: {  	[smem:$0x3FB4] =	sst s0;
	s0 =	simm.s32 @!p1 $0x0  }
0x14: {  	s2 =	sld [smem:$0x3F98];
	s0 =	simm.s32 @p1 $0x1  }
0x15: {  	[smem:$0x3FB5] =	sst s0;
	s0 =	simm.s32 @!p2 $0x0  }
0x16: {  	s3 =	sld [smem:$0x3FDB];
	s0 =	simm.s32 @p2 $0x1  }
0x17: {  	s4 =	simm.s32 $0x1BF5;
	[smem:$0x3FB7] =	sst s0  }
0x18: {  	s0 =	sld [smem:$0x3F9A];
	_ =	swait.ge [sflag:s4], $0x0  }
0x19: {  	s7 =	sld [smem:$0x3F9B]  }
0x1a: {  	s8 =	sadd.s32 $0xFFFFE003, lr  }
0x1b: {  	s9 =	sadd.s32 $0xFFFFFEF7, lr;
	s5 =	simm.s32 $0xFFFFFFFF;
	p2 =	slt.u32 s8, $0xFFFFF086  }
0x1c: {  	p1 =	slt.u32 s9, $0xF7A;
	s5 =	simm.s32 @!p2 $0x0  }
0x1d: {  	s5 =	simm.s32 @p1 $0x1;
	p0 =	seq.s32 s7, s2  }
0x1e: {  	s7 =	smul.u32 @!p0 $0xF7A, s2;
	p2 =	seq.s32 @!p0 s5, $0x0  }
0x1f: {  	s9 =	smul.u32 $0xF7A, s1;
	s8 =	simm.s32 @!p0 $0x1BF5;
	p2 =	por !p2, p0  }
0x20: {  	[sflag:s8] =	ssyncset.s32 @!p0 $0xFFFFF086;
	s6 =	sadd.s32 @!p0 s3, s7;
	s7 =	simm.s32 @!p0 $0x108  }
0x21: {  	s3 =	sadd.s32 s3, s9;
	s6 =	sadd.s32 @!p0 $0x88, s6;
	s7 =	simm.s32 @p2 $0x1082  }
0x22: {  	[simem:s7], [sflag:s8] =	dma.local @!p0 [hbm:s6], $0xF7A  }
0x23: {  	s9 =	sor.u32 $0xD0000000, s2;
	s6 =	simm.s32 $0x108;
	_ =	swait.ge @!p0 [sflag:s8], $0x0  }
0x24: {  	s3 =	sadd.s32 $0x88, s3;
	s6 =	simm.s32 @!p1 $0x1082;
	[sflag:s4] =	ssyncset.s32 $0xFFFFF086  }
0x25: {  	[simem:s6], [sflag:s4] =	dma.local [hbm:s3], $0xF7A  }
0x26: {  	[smem:$0x3F9B] =	sst s1;
	(tag) =	ssettag s2;
	_ =	strace s9  }
0x27: {  	s1 =	sld [smem:$0x3FAB]  }
0x28: {  	s2 =	sld [smem:$0x3FAC]  }
0x29: {  	s4 =	sld [smem:$0x3FAE]  }
0x2a: {  	p0 =	seq.s32 s5, $0x0;
	s5 =	sld [smem:$0x3FAF]  }
0x2b: {  	s6 =	sld [smem:$0x3FB0]  }
0x2c: {  	s7 =	sld [smem:$0x3FB1]  }
0x2d: {  	s3 =	simm.s32 $0x108;
	s8 =	sld [smem:$0x3FB2]  }
0x2e: {  	s3 =	simm.s32 @!p0 $0x1082;
	s9 =	sld [smem:$0x3FB3]  }
0x2f: {  	lr =	sadd.s32 s0, s3;
	s0 =	sld [smem:$0x3FAA]  }
0x30: {  	s3 =	sld [smem:$0x3FAD]  }
0x31: {  	[smem:$0x3FB6] =	sst s10  }
0x32: {  	s10 =	sld [smem:$0x3FB4];
	_ =	sdelay $0x3  }
0x33: {  	p0 =	seq.s32 s10, $0x1;
	s10 =	sld [smem:$0x3FB6];
	_ =	sdelay $0x3  }
0x34: {  	[smem:$0x3FB6] =	sst s10  }
0x35: {  	s10 =	sld [smem:$0x3FB5];
	_ =	sdelay $0x3  }
0x36: {  	p1 =	seq.s32 s10, $0x1;
	s10 =	sld [smem:$0x3FB6];
	_ =	sdelay $0x3  }
0x37: {  	[smem:$0x3FB6] =	sst s10  }
0x38: {  	s10 =	sld [smem:$0x3FB7]  }
0x39: {  	_ = 	snop;
	(pc) =	sbr.ind lr, $3  }
0x3a: {  	_ = 	snop  }
0x3b: {  	_ = 	snop  }
0x3c: {  	p2 =	seq.s32 s10, $0x1;
	s10 =	sld [smem:$0x3FB6]  }
0x3d: {  	_ =	shalt  }
0x3e: {  	_ =	shalt  }
0x3f: {  	_ =	shalt  }
0x40: {  	_ =	shalt  }
0x41: {  	_ =	shalt  }
0x42: {  	_ =	shalt  }
0x43: {  	_ =	shalt  }
0x44: {  	_ =	shalt  }
0x45: {  	_ =	shalt  }
0x46: {  	_ =	shalt  }
0x47: {  	_ =	shalt  }
0x48: {  	_ =	shalt  }
0x49: {  	_ =	shalt  }
0x4a: {  	_ =	shalt  }
0x4b: {  	_ =	shalt  }
0x4c: {  	_ =	shalt  }
0x4d: {  	_ =	shalt  }
0x4e: {  	_ =	shalt  }
0x4f: {  	_ =	shalt  }
0x50: {  	_ =	shalt  }
0x51: {  	_ =	shalt  }
0x52: {  	_ =	shalt  }
0x53: {  	_ =	shalt  }
0x54: {  	_ =	shalt  }
0x55: {  	_ =	shalt  }
0x56: {  	_ =	shalt  }
0x57: {  	_ =	shalt  }
0x58: {  	_ =	shalt  }
0x59: {  	_ =	shalt  }
0x5a: {  	_ =	shalt  }
0x5b: {  	_ =	shalt  }
0x5c: {  	_ =	shalt  }
0x5d: {  	_ =	shalt  }
0x5e: {  	_ =	shalt  }
0x5f: {  	_ =	shalt  }
0x60: {  	_ =	shalt  }
0x61: {  	_ =	shalt  }
0x62: {  	_ =	shalt  }
0x63: {  	_ =	shalt  }
0x64: {  	_ =	shalt  }
0x65: {  	_ =	shalt  }
0x66: {  	_ =	shalt  }
0x67: {  	_ =	shalt  }
0x68: {  	_ =	shalt  }
0x69: {  	_ =	shalt  }
0x6a: {  	_ =	shalt  }
0x6b: {  	_ =	shalt  }
0x6c: {  	_ =	shalt  }
0x6d: {  	_ =	shalt  }
0x6e: {  	_ =	shalt  }
0x6f: {  	_ =	shalt  }
0x70: {  	_ =	shalt  }
0x71: {  	_ =	shalt  }
0x72: {  	_ =	shalt  }
0x73: {  	_ =	shalt  }
0x74: {  	_ =	shalt  }
0x75: {  	_ =	shalt  }
0x76: {  	_ =	shalt  }
0x77: {  	_ =	shalt  }
0x78: {  	_ =	shalt  }
0x79: {  	_ =	shalt  }
0x7a: {  	_ =	shalt  }
0x7b: {  	_ =	shalt  }
0x7c: {  	_ =	shalt  }
0x7d: {  	_ =	shalt  }
0x7e: {  	_ =	shalt  }
0x7f: {  	_ =	shalt  }
0x80: {  	_ =	shalt  }
0x81: {  	_ =	shalt  }
0x82: {  	_ =	shalt  }
0x83: {  	_ =	shalt  }
0x84: {  	_ =	shalt  }
0x85: {  	_ =	shalt  }
0x86: {  	_ =	shalt  }
0x87: {  	_ =	shalt  }
.Lfunc_end0:
.L_simem_size_0:
called_computation.2_lowered:
.L_overlay_start_0:
0x88: {  	s2 =	sld [smem:$0x3FD9]  }
0x89: {  	s3 =	sld [smem:$0x3FFE];
	_ =	sdelay $0x1  }
0x8a: {  	s1 =	srdreg.scid  }
0x8b: {  	s0 =	sand.u32 $0x1, s1  }
0x8c: {  	s14 =	sshll.u32 s0, $0xA;
	s2 =	sadd.s32 s3, s2  }
0x8d: {  	s2 =	sadd.s32 s2, s14  }
0x8e: {  	[smem:$0x3FC2] =	sst s2  }
0x8f: {  	_ = 	snop  }
0x90: {  	s2 =	sld [smem:$0x3FD0];
	_ =	sdelay $0x2  }
0x91: {  	s4 =	simm.s32 $0xB;
	s5 =	simm.s32 $0x10;
	s15 =	sld [smem:$0x3FC7]  }
0x92: {  	[smem:s5], [sflag:s4] =	dma.local [hbm:s2], $0x1  }
0x93: {  	_ =	swait.eq [sflag:s4], $0x1  }
0x94: {  	[sflag:s4] =	ssyncset.done $0x0  }
0x95: {  	s16 =	sld [smem:$0x10];
	[sflag:s4] =	ssyncadd.s32 $0xFFFFFFFF  }
0x96: {  	s17 =	sld [smem:$0x11];
	(tm) =	ssettm $0x1  }
0x97: {  	s18 =	sld [smem:$0x3FFB];
	_ =	sdelay $0x3  }
0x98: {  	_ =	strace s18  }
0x99: {  	s5 =	sld [smem:$0x3FFC];
	_ =	sdelay $0x3  }
0x9a: {  	_ =	strace s5  }
0x9b: {  	s5 =	sld [smem:$0x3FFD];
	_ =	sdelay $0x3  }
0x9c: {  	_ =	strace s5  }
0x9d: {  	_ =	strace $0x8FFFFFFF  }
0x9e: {  	s19 =	sld [smem:$0x3FDB];
	_ =	sdelay $0x1  }
0x9f: {  	s6 =	simm.s32 $_scs_section_size  }
0xa0: {  	s7 =	simm.s32 $_size__tile_overlayer_lowered;
	s8 =	simm.s32 $_tile_overlayer_lowered  }
0xa1: {  	s22 =	simm.s32 $0x1BFF;
	s21 =	sshll.u32 s8, $0x1;
	s5 =	sadd.s32 s6, s19  }
0xa2: {  	s9 =	simm.s32 $0x0;
	s20 =	sshll.u32 s7, $0x1;
	s7 =	sadd.s32 s21, s5  }
0xa3: {  	[timem:s9], [sflag:s22] =	dma.local [hbm:s7], s20  }
0xa4: {  	_ =	swait.ge [sflag:s22], s20  }
0xa5: {  	s6 =	ssub.s32 $0x0, s20;
	[sflag:s22] =	ssyncset.done $0x0  }
0xa6: {  	[sflag:s22] =	ssyncadd.s32 s6;
	_ =	sdelay $0x1  }
0xa7: {  	s23 =	simm.s32 $0x1B8B  }
0xa8: {  	_ =	swait.ge [sflag:s23], $0x1  }
0xa9: {  	[sflag:s23] =	ssyncset.done $0x0  }
0xaa: {  	s25 =	simm.s32 $0x1B8E;
	s24 =	sld [smem:$0x3FFE];
	[sflag:s23] =	ssyncadd.s32 $0xFFFFFFFF  }
0xab: {  	s26 =	simm.s32 $execute0_lowered;
	[smem:$0x3FD2] =	sst s25  }
0xac: {  	s7 =	sshll.u32 s26, $0x1;
	_ =	strace $0x8000004C;
	[dreg:$0x1] =	wrdreg $0xFFFFFFFF  }
0xad: {  	s28 =	simm.s32 $_size_execute0_lowered;
	s5 =	sadd.s32 s5, s7;
	[dreg:$0x0] =	wrdreg $0x0  }
0xae: {  	s7 =	sshll.u32 s28, $0x1;
	[dreg:$0x2] =	wrdreg s5  }
0xaf: {  	[dreg:$0x3] =	wrdreg s7  }
0xb0: {  	[dreg:$0x4] =	wrdreg $0xC0  }
0xb1: {  	_ =	task [dreg:s9], $0x5FFFF  }
0xb2: {  	[dreg:$0x1] =	wrdreg $0xFFFFFFFF  }
0xb3: {  	[dreg:$0x0] =	wrdreg $0x60  }
0xb4: {  	[dreg:$0x2] =	wrdreg s24  }
0xb5: {  	[dreg:$0x3] =	wrdreg s15  }
0xb6: {  	[dreg:$0x4] =	wrdreg s16  }
0xb7: {  	[dreg:$0x5] =	wrdreg s17  }
0xb8: {  	[dreg:$0x6] =	wrdreg $0x9  }
0xb9: {  	_ =	task.clear_ibuf [dreg:s9], $0x7FFFF;
	_ =	strace $0x9000004C  }
0xba: {  	s29 =	simm.s32 $0x9;
	_ =	strace $0x8000004E  }
0xbb: {  	_ =	swait.ge [sflag:s29], $0x1  }
0xbc: {  	[sflag:s29] =	ssyncadd.s32 $0xFFFFFFFF  }
0xbd: {  	_ =	strace $0x9000004E  }
0xbe: {  	_ =	sfence  }
0xbf: {  	s30 =	sld [smem:$0x0];
	_ =	sdelay $0x2  }
0xc0: {  	s31 =	sshll.u32 s1, $0xD;
	s1 =	sshrl.u32 s1, $0x2  }
0xc1: {  	s3 =	sand.u32 $0x4000, s31;
	s1 =	sadd.s32 s1, s30  }
0xc2: {  	s0 =	sor.u32 s3, s0;
	s1 =	sshll.u32 s1, $0x11  }
0xc3: {  	s0 =	sor.u32 s1, s0  }
0xc4: {  	s0 =	sadd.s32 $0x8F2B, s0  }
0xc5: {  	[sflag:s0] =	ssyncadd.remote.s32 $0x1  }
0xc6: {  	_ =	sfence.sel $0xFFFF  }
0xc7: {  	[dreg:$0x0] =	wrdreg $0xFFFFFFFF;
	(pc) =	sbr.abs _section_cstart, $3  }
0xc8: {  	[dreg:$0x1] =	wrdreg $0xFFFFFFFF  }
0xc9: {  	_ =	task.clear_ibuf [dreg:s9], $0x2FFFF;
	_ =	strace $0x9FFFFFFF  }
0xca: {  	(tm) =	ssettm $0x7FFFFFFF  }
0xcb: {  	_ =	shalt  }
tec
execute0_lowered:
.L_overlay_start_1:
0x0: {  	(tag) =	ssettag $0x1  }
0x1: {  	s0 =	rddreg [dreg:$0x0]  }
0x2: {  	s1 =	rddreg [dreg:$0x3]  }
0x3: {  	s2 =	srdreg.scid;
	s20 =	stileid.u32  }
0x4: {  	s4 =	simm.s32 $0x0;
	s13 =	simm.s32 $0x4;
	s14 =	simm.s32 $0x410  }
0x5: {  	s16 =	simm.s32 $0x830;
	s18 =	simm.s32 $0xA50;
	s21 =	simm.s32 $0x11670  }
0x6: {  	s22 =	simm.s32 $0x3;
	s23 =	simm.s32 $0x68;
	s29 =	simm.s32 $0xD90  }
0x7: {  	s28 =	simm.s32 $0xE60;
	s15 =	simm.s32 $0xEC8;
	s17 =	simm.s32 $0xF30  }
0x8: {  	s19 =	simm.s32 $0xF98;
	s30 =	simm.s32 $0x10D0;
	s3 =	sand.u32 $0x1, s2  }
0x9: {  	s5 =	sshll.u32 s20, $0xB;
	[smem:$0x7FF] =	sst s4;
	s7 =	sadd.s32 $0x103E00, s0  }
0xa: {  	s6 =	sadd.s32 $0xCBC00, s0;
	s11 =	sshll.u32 s20, $0x2;
	s24 =	sshll.u32 s20, $0x6  }
0xb: {  	s25 =	sshll.u32 s20, $0x8;
	v0 =	vmov s20;
	s20 =	simm.s32 $0x11770;
	s2 =	sshll.u32 s3, $0xA  }
0xc: {  	_ =	strace $0x8000004D;
	s10 =	ssub.s32 $0x2, s3;
	s5 =	sor.u32 s2, s5  }
0xd: {  	p0 =	sne.s32 s3, $0x0;
	s12 =	sshrl.u32 s10, $0x1;
	s8 =	sshrl.u32 s5, $0x3  }
0xe: {  	s5 =	sadd.s32 $0x4B800, s0;
	s10 =	ssub.s32 s10, s12;
	s12 =	simm.s32 $0x0  }
0xf: {  	s9 =	sadd.s32 s8, s0;
	s0 =	sadd.s32 s11, s0;
	s8 =	sadd.s32 s7, s8  }
0x10: {  	s11 =	sor.u32 s24, s2;
	s7 =	sadd.s32 s7, s25;
	s31 =	smax.u32 s10, $0x1  }
0x11: {  	v63 =	vmov s2;
	s24 =	simm.s32 $0x1270;
	s25 =	simm.s32 $0x9470;
	s2 =	simm.s32 $0x1208  }
0x12: {  	v61 =	vimm.s32 $0x7654321;
	v1 =	vimm.s32 $0x0;
	vm1 =	vcmask $0x704;
	s10 =	simm.s32 $0x1;
	[dreg:$0x5] =	wrdreg s8;
	s9 =	sadd.s32 $0x102C00, s9  }
0x13: {  	v62 =	vlaneseq.u32;
	v1 =	vsel vm1, $0x1, v1;
	[tilespmem:$0x1FFB0] =	vst v0;
	v0 =	vunpack.c.l.s4.s8 v61;
	[dreg:$0x7] =	wrdreg s7;
	s26 =	sshrl.u32 s11, $0x3;
	s0 =	sadd.s32 $0x2400, s0  }
0x14: {  	v7 =	vadd.s32 $0x1, v62;
	[tilespmem:$0x1FFC0] =	vst v1;
	[dreg:$0xa] =	wrdreg s31;
	s7 =	simm.s32 $0x1068;
	s8 =	simm.s32 $0x1138  }
0x15: {  	v22 =	vor.u32 $0xFFFFFFF8, v62;
	[tilespmem:$0x1FFD0] =	vst v7;
	v8 =	vunpack.c.0.s8.s32 v0;
	s11 =	simm.s32 $0x2;
	[dreg:$0x6] =	wrdreg s9;
	s1 =	sadd.s32 s1, s26  }
0x16: {  	vm0 =	vmmov $0x1;
	vm6 =	vmmov $0x3f;
	[tilespmem:$0x1FFF0] =	vst v22;
	[dreg:$0x9] =	wrdreg s0;
	s0 =	simm.s32 $0x820;
	s26 =	simm.s32 $0x1000  }
0x17: {  	vm7 =	vmmov $0x7f;
	vm8 =	vmmov $0xff;
	vm1 =	vcmask $0x308;
	[tilespmem:$0x1FFE0] =	vst v8;
	s9 =	simm.s32 $0x11A0;
	[dreg:$0x8] =	wrdreg s1;
	s1 =	simm.s32 $0xDF8  }
.LBB2_1:
0x18: {  	s3 =	rddreg [dreg:$0x5]  }
0x19: {  	[tilespmem:s4], [sflag:$0x4] =	stream.linear.gather [hbm4b:s3+s4], $0x410, $0x38;
	[tilespmem:$0x117D0] =	vst v63  }
0x1a: {  	_ =	swait.ge [sflag:s13], $0x410  }
0x1b: {  	[sflag:s13] =	ssyncset.done $0x0  }
0x1c: {  	s3 =	rddreg [dreg:$0x6];
	[sflag:s13] =	ssyncadd.s32 $0xFFFFFBF0  }
0x1d: {  	[tilespmem:s14], [sflag:$0x4] =	stream.linear.gather [hbm4b:s3+s4], $0x410, $0x38;
	[tilespmem:$0x117D0] =	vst v63  }
0x1e: {  	_ =	swait.ge [sflag:s13], $0x410  }
0x1f: {  	[sflag:s13] =	ssyncset.done $0x0  }
0x20: {  	[sflag:s13] =	ssyncadd.s32 $0xFFFFFBF0  }
0x21: {  	s3 =	rddreg [dreg:$0x1]  }
0x22: {  	[tilespmem:s0], [sflag:$0x4] =	stream.linear.gather [hbm4b:s3+s4], $0x10, $0x38;
	[tilespmem:$0x117D0] =	vst v63  }
0x23: {  	_ =	swait.ge [sflag:s13], $0x10  }
0x24: {  	[sflag:s13] =	ssyncset.done $0x0  }
0x25: {  	[sflag:s13] =	ssyncadd.s32 $0xFFFFFFF0  }
0x26: {  	s3 =	rddreg [dreg:$0x2]  }
0x27: {  	[tilespmem:s16], [sflag:$0x4] =	stream.linear.gather [hbm4b:s3+s4], $0x200, $0x38;
	[tilespmem:$0x117D0] =	vst v63  }
0x28: {  	_ =	swait.ge [sflag:s13], $0x200  }
0x29: {  	v0 =	vor.u32 s4, v62;
	[sflag:s13] =	ssyncset.done $0x0  }
0x2a: {  	s31 =	simm.s32 $0xA30;
	v2 =	vand.u32 v22, v0;
	s3 =	rddreg [dreg:$0x7];
	[sflag:s13] =	ssyncadd.s32 $0xFFFFFE00  }
0x2b: {  	[tilespmem:s31], [sflag:$0x4] =	stream.linear.gather [hbm4b:s3+s4], $0x10, $0x38;
	[tilespmem:$0x117D0] =	vst v63  }
0x2c: {  	_ =	swait.ge [sflag:s13], $0x10  }
0x2d: {  	[sflag:s13] =	ssyncset.done $0x0  }
0x2e: {  	[sflag:s13] =	ssyncadd.s32 $0xFFFFFFF0  }
0x2f: {  	v2 =	vld.idx.msk [tilespmem:v2+s4+$0x0], $0xffff;
	_ =	sdelay $0x2  }
0x30: {  	v1 =	vshll.u32 v0, $0x1;
	s31 =	simm.s32 $0x10  }
0x31: {  	v3 =	vor.u32 $0x1, v1;
	v0 =	vor.u32 s31, v62;
	s31 =	simm.s32 $0x20  }
.LBB2_2:
0x32: {  	p1 =	sne.s32 s31, $0x400;
	v4 =	vand.u32 v22, v0;
	v2 =	vmul.u32 $0x12, v2;
	_ =	sdelay $0x1  }
0x33: {  	v2 =	vshra.s32 v2, $0x4  }
0x34: {  	[tilespmem:v1+s18+$0x0] =	vst.idx.msk $0xffff, v2;
	v1 =	vadd.s32 $0x1, v2  }
0x35: {  	[tilespmem:v3+s18+$0x0] =	vst.idx.msk $0xffff, v1  }
0x36: {  	v2 =	vld.idx.msk [tilespmem:v4+s4+$0x0], $0xffff  }
.Ltmp0:
0x37: {  	(pc) =	sbr.rel @p1 .LBB2_2-.Ltmp0, $3  }
0x38: {  	_ =	sdelay $0x1  }
0x39: {  	v1 =	vshll.u32 v0, $0x1  }
0x3a: {  	v0 =	vor.u32 s31, v62;
	s31 =	sadd.s32 $0x10, s31;
	v3 =	vor.u32 $0x1, v1  }
0x3b: {  	_ = 	snop  }
0x3c: {  	v4 =	vand.u32 v22, v0;
	v2 =	vmul.u32 $0x12, v2;
	_ =	sdelay $0x1  }
0x3d: {  	v2 =	vshra.s32 v2, $0x4  }
0x3e: {  	[tilespmem:v1+s18+$0x0] =	vst.idx.msk $0xffff, v2;
	v1 =	vadd.s32 $0x1, v2  }
0x3f: {  	[tilespmem:v3+s18+$0x0] =	vst.idx.msk $0xffff, v1  }
0x40: {  	v1 =	vld.idx.msk [tilespmem:v4+s4+$0x0], $0xffff;
	_ =	sdelay $0x2  }
0x41: {  	v0 =	vshll.u32 v0, $0x1  }
0x42: {  	v2 =	vor.u32 $0x1, v0  }
0x43: {  	v1 =	vmul.u32 $0x12, v1;
	_ =	sdelay $0x1  }
0x44: {  	v1 =	vshra.s32 v1, $0x4  }
0x45: {  	[tilespmem:v0+s18+$0x0] =	vst.idx.msk $0xffff, v1;
	v0 =	vadd.s32 $0x1, v1  }
0x46: {  	s3 =	simm.s32 $0xA30;
	[tilespmem:v2+s18+$0x0] =	vst.idx.msk $0xffff, v0  }
0x47: {  	v0 =	vld.idx.msk [tilespmem:v62+s3+$0x0], $0xffff;
	_ =	sdelay $0x4  }
0x48: {  	v0 =	vnsel vm0, $0x0, v0  }
0x49: {  	(xrf0) =	vadd.scan.msk.s32 $0xffff, v0;
	_ =	sdelay $0x5  }
0x4a: {  	v0, _, _ =	vpop (xrf0)  }
0x4b: {  	v1 =	vld [tilespmem:$0x1FFC0];
	v0 =	vmul.u32 $0x12, v0;
	_ =	sdelay $0x1  }
0x4c: {  	v9 =	vbroadcast v0, $0xF;
	_ =	sdelay $0x1  }
0x4d: {  	v0 =	vshra.s32 v9, $0x4  }
0x4e: {  	s3 =	simm.s32 $0xA40;
	v0 =	vadd.s32 v1, v0  }
0x4f: {  	s31 =	simm.s32 $0x10;
	[tilespmem:v62+s3+$0x0] =	vst.idx.msk $0xffff, v0  }
0x50: {  	[tilespmem:s21], [sflag:$0x3] =	stream.indirect.gather [hbm4b:s5+s31], $0x10, s3, s31, $0xb8;
	[tilespmem:$0x117D0] =	vst v63  }
0x51: {  	_ =	swait.ge [sflag:s22], $0x100  }
0x52: {  	[sflag:s22] =	ssyncset.done $0x0  }
0x53: {  	[sflag:s22] =	ssyncadd.s32 $0xFFFFFF00  }
0x54: {  	[tilespmem:s24], [sflag:$0x1] =	stream.indirect.gather [hbm4b:s5+s23], $0x10, s18, s23, $0xb8;
	[tilespmem:$0x117D0] =	vst v63  }
0x55: {  	_ = 	snop  }
0x56: {  	[tilespmem:s25], [sflag:$0x2] =	stream.indirect.gather [hbm4b:s6+s23], $0x10, s18, s23, $0xb8;
	[tilespmem:$0x117D0] =	vst v63  }
0x57: {  	s3 =	simm.s32 $0xAB8;
	s31 =	simm.s32 $0x18F0  }
0x58: {  	[tilespmem:s31], [sflag:$0x1] =	stream.indirect.gather [hbm4b:s5+s23], $0x10, s3, s23, $0xb8;
	[tilespmem:$0x117D0] =	vst v63  }
0x59: {  	s31 =	simm.s32 $0x9AF0  }
0x5a: {  	[tilespmem:s31], [sflag:$0x2] =	stream.indirect.gather [hbm4b:s6+s23], $0x10, s3, s23, $0xb8;
	[tilespmem:$0x117D0] =	vst v63  }
0x5b: {  	s3 =	simm.s32 $0xB20;
	s31 =	simm.s32 $0x1F70  }
0x5c: {  	[tilespmem:s31], [sflag:$0x1] =	stream.indirect.gather [hbm4b:s5+s23], $0x10, s3, s23, $0xb8;
	[tilespmem:$0x117D0] =	vst v63  }
0x5d: {  	s31 =	simm.s32 $0xA170  }
0x5e: {  	[tilespmem:s31], [sflag:$0x2] =	stream.indirect.gather [hbm4b:s6+s23], $0x10, s3, s23, $0xb8;
	[tilespmem:$0x117D0] =	vst v63  }
0x5f: {  	s3 =	simm.s32 $0xB88;
	s31 =	simm.s32 $0x25F0  }
0x60: {  	[tilespmem:s31], [sflag:$0x1] =	stream.indirect.gather [hbm4b:s5+s23], $0x10, s3, s23, $0xb8;
	[tilespmem:$0x117D0] =	vst v63  }
0x61: {  	s31 =	simm.s32 $0xA7F0  }
0x62: {  	[tilespmem:s31], [sflag:$0x2] =	stream.indirect.gather [hbm4b:s6+s23], $0x10, s3, s23, $0xb8;
	[tilespmem:$0x117D0] =	vst v63  }
0x63: {  	s3 =	simm.s32 $0xBF0;
	s31 =	simm.s32 $0x2C70  }
0x64: {  	[tilespmem:s31], [sflag:$0x1] =	stream.indirect.gather [hbm4b:s5+s23], $0x10, s3, s23, $0xb8;
	[tilespmem:$0x117D0] =	vst v63  }
0x65: {  	s31 =	simm.s32 $0xAE70  }
0x66: {  	[tilespmem:s31], [sflag:$0x2] =	stream.indirect.gather [hbm4b:s6+s23], $0x10, s3, s23, $0xb8;
	[tilespmem:$0x117D0] =	vst v63  }
0x67: {  	s3 =	simm.s32 $0xC58;
	s31 =	simm.s32 $0x32F0  }
0x68: {  	[tilespmem:s31], [sflag:$0x1] =	stream.indirect.gather [hbm4b:s5+s23], $0x10, s3, s23, $0xb8;
	[tilespmem:$0x117D0] =	vst v63  }
0x69: {  	s31 =	simm.s32 $0xB4F0  }
0x6a: {  	[tilespmem:s31], [sflag:$0x2] =	stream.indirect.gather [hbm4b:s6+s23], $0x10, s3, s23, $0xb8;
	[tilespmem:$0x117D0] =	vst v63  }
0x6b: {  	s3 =	simm.s32 $0xCC0;
	s31 =	simm.s32 $0x3970  }
0x6c: {  	[tilespmem:s31], [sflag:$0x1] =	stream.indirect.gather [hbm4b:s5+s23], $0x10, s3, s23, $0xb8;
	[tilespmem:$0x117D0] =	vst v63  }
0x6d: {  	s31 =	simm.s32 $0xBB70  }
0x6e: {  	[tilespmem:s31], [sflag:$0x2] =	stream.indirect.gather [hbm4b:s6+s23], $0x10, s3, s23, $0xb8;
	[tilespmem:$0x117D0] =	vst v63  }
0x6f: {  	s3 =	simm.s32 $0xD28;
	s31 =	simm.s32 $0x3FF0  }
0x70: {  	[tilespmem:s31], [sflag:$0x1] =	stream.indirect.gather [hbm4b:s5+s23], $0x10, s3, s23, $0xb8;
	[tilespmem:$0x117D0] =	vst v63  }
0x71: {  	s31 =	simm.s32 $0xC1F0  }
0x72: {  	[tilespmem:s31], [sflag:$0x2] =	stream.indirect.gather [hbm4b:s6+s23], $0x10, s3, s23, $0xb8;
	[tilespmem:$0x117D0] =	vst v63  }
0x73: {  	s3 =	simm.s32 $0x4670  }
0x74: {  	[tilespmem:s3], [sflag:$0x1] =	stream.indirect.gather [hbm4b:s5+s23], $0x10, s29, s23, $0xb8;
	[tilespmem:$0x117D0] =	vst v63  }
0x75: {  	s3 =	simm.s32 $0xC870  }
0x76: {  	[tilespmem:s3], [sflag:$0x2] =	stream.indirect.gather [hbm4b:s6+s23], $0x10, s29, s23, $0xb8;
	[tilespmem:$0x117D0] =	vst v63  }
0x77: {  	s3 =	simm.s32 $0x4CF0  }
0x78: {  	[tilespmem:s3], [sflag:$0x1] =	stream.indirect.gather [hbm4b:s5+s23], $0x10, s1, s23, $0xb8;
	[tilespmem:$0x117D0] =	vst v63  }
0x79: {  	s3 =	simm.s32 $0xCEF0  }
0x7a: {  	[tilespmem:s3], [sflag:$0x2] =	stream.indirect.gather [hbm4b:s6+s23], $0x10, s1, s23, $0xb8;
	[tilespmem:$0x117D0] =	vst v63  }
0x7b: {  	s3 =	simm.s32 $0x5370  }
0x7c: {  	[tilespmem:s3], [sflag:$0x1] =	stream.indirect.gather [hbm4b:s5+s23], $0x10, s28, s23, $0xb8;
	[tilespmem:$0x117D0] =	vst v63  }
0x7d: {  	s3 =	simm.s32 $0xD570  }
0x7e: {  	[tilespmem:s3], [sflag:$0x2] =	stream.indirect.gather [hbm4b:s6+s23], $0x10, s28, s23, $0xb8;
	[tilespmem:$0x117D0] =	vst v63  }
0x7f: {  	s3 =	simm.s32 $0x59F0  }
0x80: {  	[tilespmem:s3], [sflag:$0x1] =	stream.indirect.gather [hbm4b:s5+s23], $0x10, s15, s23, $0xb8;
	[tilespmem:$0x117D0] =	vst v63  }
0x81: {  	s3 =	simm.s32 $0xDBF0  }
0x82: {  	[tilespmem:s3], [sflag:$0x2] =	stream.indirect.gather [hbm4b:s6+s23], $0x10, s15, s23, $0xb8;
	[tilespmem:$0x117D0] =	vst v63  }
0x83: {  	s3 =	simm.s32 $0x6070  }
0x84: {  	[tilespmem:s3], [sflag:$0x1] =	stream.indirect.gather [hbm4b:s5+s23], $0x10, s17, s23, $0xb8;
	[tilespmem:$0x117D0] =	vst v63  }
0x85: {  	s3 =	simm.s32 $0xE270  }
0x86: {  	[tilespmem:s3], [sflag:$0x2] =	stream.indirect.gather [hbm4b:s6+s23], $0x10, s17, s23, $0xb8;
	[tilespmem:$0x117D0] =	vst v63  }
0x87: {  	s3 =	simm.s32 $0x66F0  }
0x88: {  	[tilespmem:s3], [sflag:$0x1] =	stream.indirect.gather [hbm4b:s5+s23], $0x10, s19, s23, $0xb8;
	[tilespmem:$0x117D0] =	vst v63  }
0x89: {  	s3 =	simm.s32 $0xE8F0  }
0x8a: {  	[tilespmem:s3], [sflag:$0x2] =	stream.indirect.gather [hbm4b:s6+s23], $0x10, s19, s23, $0xb8;
	[tilespmem:$0x117D0] =	vst v63  }
0x8b: {  	s3 =	simm.s32 $0x6D70  }
0x8c: {  	[tilespmem:s3], [sflag:$0x1] =	stream.indirect.gather [hbm4b:s5+s23], $0x10, s26, s23, $0xb8;
	[tilespmem:$0x117D0] =	vst v63  }
0x8d: {  	s3 =	simm.s32 $0xEF70  }
0x8e: {  	[tilespmem:s3], [sflag:$0x2] =	stream.indirect.gather [hbm4b:s6+s23], $0x10, s26, s23, $0xb8;
	[tilespmem:$0x117D0] =	vst v63  }
0x8f: {  	s3 =	simm.s32 $0x73F0  }
0x90: {  	[tilespmem:s3], [sflag:$0x1] =	stream.indirect.gather [hbm4b:s5+s23], $0x10, s7, s23, $0xb8;
	[tilespmem:$0x117D0] =	vst v63  }
0x91: {  	s3 =	simm.s32 $0xF5F0  }
0x92: {  	[tilespmem:s3], [sflag:$0x2] =	stream.indirect.gather [hbm4b:s6+s23], $0x10, s7, s23, $0xb8;
	[tilespmem:$0x117D0] =	vst v63  }
0x93: {  	s3 =	simm.s32 $0x7A70  }
0x94: {  	[tilespmem:s3], [sflag:$0x1] =	stream.indirect.gather [hbm4b:s5+s23], $0x10, s30, s23, $0xb8;
	[tilespmem:$0x117D0] =	vst v63  }
0x95: {  	s3 =	simm.s32 $0xFC70  }
0x96: {  	[tilespmem:s3], [sflag:$0x2] =	stream.indirect.gather [hbm4b:s6+s23], $0x10, s30, s23, $0xb8;
	[tilespmem:$0x117D0] =	vst v63  }
0x97: {  	s3 =	simm.s32 $0x80F0  }
0x98: {  	[tilespmem:s3], [sflag:$0x1] =	stream.indirect.gather [hbm4b:s5+s23], $0x10, s8, s23, $0xb8;
	[tilespmem:$0x117D0] =	vst v63  }
0x99: {  	s3 =	simm.s32 $0x102F0  }
0x9a: {  	[tilespmem:s3], [sflag:$0x2] =	stream.indirect.gather [hbm4b:s6+s23], $0x10, s8, s23, $0xb8;
	[tilespmem:$0x117D0] =	vst v63  }
0x9b: {  	s3 =	simm.s32 $0x8770  }
0x9c: {  	[tilespmem:s3], [sflag:$0x1] =	stream.indirect.gather [hbm4b:s5+s23], $0x10, s9, s23, $0xb8;
	[tilespmem:$0x117D0] =	vst v63  }
0x9d: {  	s3 =	simm.s32 $0x10970  }
0x9e: {  	[tilespmem:s3], [sflag:$0x2] =	stream.indirect.gather [hbm4b:s6+s23], $0x10, s9, s23, $0xb8;
	[tilespmem:$0x117D0] =	vst v63  }
0x9f: {  	s3 =	simm.s32 $0x8DF0  }
0xa0: {  	[tilespmem:s3], [sflag:$0x1] =	stream.indirect.gather [hbm4b:s5+s23], $0x10, s2, s23, $0xb8;
	[tilespmem:$0x117D0] =	vst v63  }
0xa1: {  	s3 =	simm.s32 $0x10FF0  }
0xa2: {  	[tilespmem:s3], [sflag:$0x2] =	stream.indirect.gather [hbm4b:s6+s23], $0x10, s2, s23, $0xb8;
	[tilespmem:$0x117D0] =	vst v63  }
0xa3: {  	_ =	swait.ge [sflag:s10], $0x680  }
0xa4: {  	[sflag:s10] =	ssyncset.done $0x0  }
0xa5: {  	[sflag:s10] =	ssyncadd.s32 $0xFFFFF980  }
0xa6: {  	_ =	swait.ge [sflag:s11], $0x680  }
0xa7: {  	[sflag:s11] =	ssyncset.done $0x0  }
0xa8: {  	[sflag:s11] =	ssyncadd.s32 $0xFFFFF980  }
0xa9: {  	_ =	swait.ge [sflag:s10], $0x680  }
0xaa: {  	[sflag:s10] =	ssyncset.done $0x0  }
0xab: {  	[sflag:s10] =	ssyncadd.s32 $0xFFFFF980  }
0xac: {  	_ =	swait.ge [sflag:s11], $0x680  }
0xad: {  	[sflag:s11] =	ssyncset.done $0x0  }
0xae: {  	[sflag:s11] =	ssyncadd.s32 $0xFFFFF980  }
0xaf: {  	_ =	swait.ge [sflag:s10], $0x680  }
0xb0: {  	[sflag:s10] =	ssyncset.done $0x0  }
0xb1: {  	[sflag:s10] =	ssyncadd.s32 $0xFFFFF980  }
0xb2: {  	_ =	swait.ge [sflag:s11], $0x680  }
0xb3: {  	[sflag:s11] =	ssyncset.done $0x0  }
0xb4: {  	[sflag:s11] =	ssyncadd.s32 $0xFFFFF980  }
0xb5: {  	_ =	swait.ge [sflag:s10], $0x680  }
0xb6: {  	[sflag:s10] =	ssyncset.done $0x0  }
0xb7: {  	[sflag:s10] =	ssyncadd.s32 $0xFFFFF980  }
0xb8: {  	_ =	swait.ge [sflag:s11], $0x680  }
0xb9: {  	[sflag:s11] =	ssyncset.done $0x0  }
0xba: {  	[sflag:s11] =	ssyncadd.s32 $0xFFFFF980  }
0xbb: {  	_ =	swait.ge [sflag:s10], $0x680  }
0xbc: {  	[sflag:s10] =	ssyncset.done $0x0  }
0xbd: {  	[sflag:s10] =	ssyncadd.s32 $0xFFFFF980  }
0xbe: {  	_ =	swait.ge [sflag:s11], $0x680  }
0xbf: {  	[sflag:s11] =	ssyncset.done $0x0  }
0xc0: {  	[sflag:s11] =	ssyncadd.s32 $0xFFFFF980  }
0xc1: {  	_ =	swait.ge [sflag:s10], $0x680  }
0xc2: {  	[sflag:s10] =	ssyncset.done $0x0  }
0xc3: {  	[sflag:s10] =	ssyncadd.s32 $0xFFFFF980  }
0xc4: {  	_ =	swait.ge [sflag:s11], $0x680  }
0xc5: {  	[sflag:s11] =	ssyncset.done $0x0  }
0xc6: {  	[sflag:s11] =	ssyncadd.s32 $0xFFFFF980  }
0xc7: {  	_ =	swait.ge [sflag:s10], $0x680  }
0xc8: {  	[sflag:s10] =	ssyncset.done $0x0  }
0xc9: {  	[sflag:s10] =	ssyncadd.s32 $0xFFFFF980  }
0xca: {  	_ =	swait.ge [sflag:s11], $0x680  }
0xcb: {  	[sflag:s11] =	ssyncset.done $0x0  }
0xcc: {  	[sflag:s11] =	ssyncadd.s32 $0xFFFFF980  }
0xcd: {  	_ =	swait.ge [sflag:s10], $0x680  }
0xce: {  	[sflag:s10] =	ssyncset.done $0x0  }
0xcf: {  	[sflag:s10] =	ssyncadd.s32 $0xFFFFF980  }
0xd0: {  	_ =	swait.ge [sflag:s11], $0x680  }
0xd1: {  	[sflag:s11] =	ssyncset.done $0x0  }
0xd2: {  	[sflag:s11] =	ssyncadd.s32 $0xFFFFF980  }
0xd3: {  	_ =	swait.ge [sflag:s10], $0x680  }
0xd4: {  	[sflag:s10] =	ssyncset.done $0x0  }
0xd5: {  	[sflag:s10] =	ssyncadd.s32 $0xFFFFF980  }
0xd6: {  	_ =	swait.ge [sflag:s11], $0x680  }
0xd7: {  	[sflag:s11] =	ssyncset.done $0x0  }
0xd8: {  	[sflag:s11] =	ssyncadd.s32 $0xFFFFF980  }
0xd9: {  	_ =	swait.ge [sflag:s10], $0x680  }
0xda: {  	[sflag:s10] =	ssyncset.done $0x0  }
0xdb: {  	[sflag:s10] =	ssyncadd.s32 $0xFFFFF980  }
0xdc: {  	_ =	swait.ge [sflag:s11], $0x680  }
0xdd: {  	[sflag:s11] =	ssyncset.done $0x0  }
0xde: {  	[sflag:s11] =	ssyncadd.s32 $0xFFFFF980  }
0xdf: {  	_ =	swait.ge [sflag:s10], $0x680  }
0xe0: {  	[sflag:s10] =	ssyncset.done $0x0  }
0xe1: {  	[sflag:s10] =	ssyncadd.s32 $0xFFFFF980  }
0xe2: {  	_ =	swait.ge [sflag:s11], $0x680  }
0xe3: {  	[sflag:s11] =	ssyncset.done $0x0  }
0xe4: {  	[sflag:s11] =	ssyncadd.s32 $0xFFFFF980  }
0xe5: {  	_ =	swait.ge [sflag:s10], $0x680  }
0xe6: {  	[sflag:s10] =	ssyncset.done $0x0  }
0xe7: {  	[sflag:s10] =	ssyncadd.s32 $0xFFFFF980  }
0xe8: {  	_ =	swait.ge [sflag:s11], $0x680  }
0xe9: {  	[sflag:s11] =	ssyncset.done $0x0  }
0xea: {  	[sflag:s11] =	ssyncadd.s32 $0xFFFFF980  }
0xeb: {  	_ =	swait.ge [sflag:s10], $0x680  }
0xec: {  	[sflag:s10] =	ssyncset.done $0x0  }
0xed: {  	[sflag:s10] =	ssyncadd.s32 $0xFFFFF980  }
0xee: {  	_ =	swait.ge [sflag:s11], $0x680  }
0xef: {  	[sflag:s11] =	ssyncset.done $0x0  }
0xf0: {  	[sflag:s11] =	ssyncadd.s32 $0xFFFFF980  }
0xf1: {  	_ =	swait.ge [sflag:s10], $0x680  }
0xf2: {  	[sflag:s10] =	ssyncset.done $0x0  }
0xf3: {  	[sflag:s10] =	ssyncadd.s32 $0xFFFFF980  }
0xf4: {  	_ =	swait.ge [sflag:s11], $0x680  }
0xf5: {  	[sflag:s11] =	ssyncset.done $0x0  }
0xf6: {  	[sflag:s11] =	ssyncadd.s32 $0xFFFFF980  }
0xf7: {  	_ =	swait.ge [sflag:s10], $0x680  }
0xf8: {  	[sflag:s10] =	ssyncset.done $0x0  }
0xf9: {  	[sflag:s10] =	ssyncadd.s32 $0xFFFFF980  }
0xfa: {  	_ =	swait.ge [sflag:s11], $0x680  }
0xfb: {  	[sflag:s11] =	ssyncset.done $0x0  }
0xfc: {  	[sflag:s11] =	ssyncadd.s32 $0xFFFFF980  }
0xfd: {  	_ =	swait.ge [sflag:s10], $0x680  }
0xfe: {  	[sflag:s10] =	ssyncset.done $0x0  }
0xff: {  	[sflag:s10] =	ssyncadd.s32 $0xFFFFF980  }
0x100: {  	_ =	swait.ge [sflag:s11], $0x680  }
0x101: {  	[sflag:s11] =	ssyncset.done $0x0  }
0x102: {  	[sflag:s11] =	ssyncadd.s32 $0xFFFFF980  }
0x103: {  	_ =	swait.ge [sflag:s10], $0x680  }
0x104: {  	[sflag:s10] =	ssyncset.done $0x0  }
0x105: {  	[sflag:s10] =	ssyncadd.s32 $0xFFFFF980  }
0x106: {  	_ =	swait.ge [sflag:s11], $0x680  }
0x107: {  	[sflag:s11] =	ssyncset.done $0x0  }
0x108: {  	[sflag:s11] =	ssyncadd.s32 $0xFFFFF980  }
0x109: {  	_ =	swait.ge [sflag:s10], $0x680  }
0x10a: {  	[sflag:s10] =	ssyncset.done $0x0  }
0x10b: {  	[sflag:s10] =	ssyncadd.s32 $0xFFFFF980  }
0x10c: {  	_ =	swait.ge [sflag:s11], $0x680  }
0x10d: {  	[sflag:s11] =	ssyncset.done $0x0  }
0x10e: {  	[sflag:s11] =	ssyncadd.s32 $0xFFFFF980  }
0x10f: {  	_ =	swait.ge [sflag:s10], $0x680  }
0x110: {  	[sflag:s10] =	ssyncset.done $0x0  }
0x111: {  	[sflag:s10] =	ssyncadd.s32 $0xFFFFF980  }
0x112: {  	_ =	swait.ge [sflag:s11], $0x680  }
0x113: {  	[sflag:s11] =	ssyncset.done $0x0  }
0x114: {  	[sflag:s11] =	ssyncadd.s32 $0xFFFFF980  }
0x115: {  	_ =	swait.ge [sflag:s10], $0x680  }
0x116: {  	[sflag:s10] =	ssyncset.done $0x0  }
0x117: {  	[sflag:s10] =	ssyncadd.s32 $0xFFFFF980  }
0x118: {  	_ =	swait.ge [sflag:s11], $0x680  }
0x119: {  	v23 =	vand.u32 $0xE, v9;
	v4 =	vld [tilespmem:$0x1FFB0]  }
0x11a: {  	v0 =	vor.u32 $0x1, v23  }
0x11b: {  	v3 =	vadd.s32 $0x4, v23;
	_ =	sdelay $0x1  }
0x11c: {  	[sflag:s11] =	ssyncset.done $0x0  }
0x11d: {  	[sflag:s11] =	ssyncadd.s32 $0xFFFFF980  }
0x11e: {  	v0 =	vld.idx.msk [tilespmem:v0+s21+$0x0], $0xffff  }
0x11f: {  	v3 =	vld.idx.msk [tilespmem:v3+s21+$0x0], $0xffff  }
0x120: {  	v10 =	vld.idx.msk [tilespmem:v4+s0+$0x0], $0xffff;
	v4 =	vadd.s32 $0x5, v23;
	_ =	sdelay $0x3  }
0x121: {  	[tilespmem:$0x1FBA0] =	vst v0;
	v0 =	vadd.s32 $0x6, v23  }
0x122: {  	v5 =	vadd.s32 $0x7, v23;
	[tilespmem:$0x1FBE0] =	vst v3;
	v3 =	vld.idx.msk [tilespmem:v4+s21+$0x0], $0xffff;
	_ =	sdelay $0x3  }
0x123: {  	v0 =	vld.idx.msk [tilespmem:v0+s21+$0x0], $0xffff  }
0x124: {  	v4 =	vld.idx.msk [tilespmem:v5+s21+$0x0], $0xffff;
	[tilespmem:$0x1FBF0] =	vst v3;
	v3 =	vadd.s32 $0x9, v23;
	_ =	sdelay $0x1  }
0x125: {  	v2 =	vadd.s32 $0x3, v23  }
0x126: {  	v1 =	vadd.s32 $0x2, v23  }
0x127: {  	[tilespmem:$0x1FC00] =	vst v0;
	v0 =	vadd.s32 $0xA, v23  }
0x128: {  	[tilespmem:$0x1FC10] =	vst v4;
	v4 =	vadd.s32 $0xB, v23;
	v3 =	vld.idx.msk [tilespmem:v3+s21+$0x0], $0xffff;
	_ =	sdelay $0x1  }
0x129: {  	v2 =	vld.idx.msk [tilespmem:v2+s21+$0x0], $0xffff  }
0x12a: {  	v1 =	vld.idx.msk [tilespmem:v1+s21+$0x0], $0xffff  }
0x12b: {  	v0 =	vld.idx.msk [tilespmem:v0+s21+$0x0], $0xffff  }
0x12c: {  	s31 =	simm.s32 $0x0;
	v4 =	vld.idx.msk [tilespmem:v4+s21+$0x0], $0xffff;
	[tilespmem:$0x1FC30] =	vst v3;
	v3 =	vadd.s32 $0xD, v23  }
0x12d: {  	v7 =	vadd.s32 s31, v7  }
0x12e: {  	[tilespmem:$0x1FBD0] =	vst v2;
	v2 =	vand.u32 $0x7F8, v7  }
0x12f: {  	[tilespmem:$0x1FBB0] =	vst v1;
	v2 =	vor.u32 v8, v2  }
0x130: {  	v6 =	vadd.s32 $0x8, v23;
	[tilespmem:$0x1FC40] =	vst v0;
	v0 =	vadd.s32 $0xE, v23  }
0x131: {  	v6 =	vand.u32 $0x18, v6;
	v1 =	vand.u32 $0x6, v9;
	[tilespmem:$0x1FC50] =	vst v4;
	v4 =	vadd.s32 $0xF, v23;
	v3 =	vld.idx.msk [tilespmem:v3+s21+$0x0], $0xffff  }
0x132: {  	v1 =	vor.u32 v1, v6;
	v6 =	vor.u32 $0x11, v23;
	_ =	sdelay $0x1  }
0x133: {  	v5 =	vld.idx.msk [tilespmem:v2+s14+$0x0], $0xffff  }
0x134: {  	v0 =	vld.idx.msk [tilespmem:v0+s21+$0x0], $0xffff  }
0x135: {  	[tilespmem:$0x1FC70] =	vst v3;
	v3 =	vld.idx.msk [tilespmem:v4+s21+$0x0], $0xffff  }
0x136: {  	v4 =	vld.idx.msk [tilespmem:v6+s21+$0x0], $0xffff;
	_ =	sdelay $0x2  }
0x137: {  	v8 =	vmul.u32 $0x12, v5  }
0x138: {  	[tilespmem:$0x1FC80] =	vst v0  }
0x139: {  	v0 =	vor.u32 $0x1, v8;
	[tilespmem:$0x1FCB0] =	vst v4;
	v4 =	vadd.s32 $0xFFFFFFFF, v10  }
0x13a: {  	[tilespmem:$0x1FCD0] =	vst v4;
	v4 =	vadd.s32 $0x5, v8;
	_ =	sdelay $0x3  }
0x13b: {  	v50 =	vld.idx.msk [tilespmem:v0+s16+$0x0], $0xffff  }
0x13c: {  	v0 =	vld.idx.msk [tilespmem:v4+s16+$0x0], $0xffff;
	_ =	sdelay $0x1  }
0x13d: {  	v13 =	vadd.s32 $0x9, v8;
	_ =	sdelay $0x2  }
0x13e: {  	[tilespmem:$0x1FCF0] =	vst v0;
	v0 =	vimm.f32 $0.0e+00  }
0x13f: {  	[tilespmem:$0x1FD00] =	vst v0;
	v0 =	vimm.f32 $0.0e+00  }
0x140: {  	[tilespmem:$0x1FD10] =	vst v0;
	v0 =	vld.idx.msk [tilespmem:v13+s16+$0x0], $0xffff;
	_ =	sdelay $0x2  }
0x141: {  	v14 =	vadd.s32 $0xA, v8;
	_ =	sdelay $0x1  }
0x142: {  	[tilespmem:$0x1FD20] =	vst v0;
	v0 =	vimm.f32 $0.0e+00  }
0x143: {  	[tilespmem:$0x1FD30] =	vst v0;
	v0 =	vimm.f32 $0.0e+00  }
0x144: {  	[tilespmem:$0x1FD40] =	vst v0;
	v0 =	vimm.f32 $0.0e+00  }
0x145: {  	[tilespmem:$0x1FD50] =	vst v0;
	v0 =	vld.idx.msk [tilespmem:v14+s16+$0x0], $0xffff;
	_ =	sdelay $0x4  }
0x146: {  	[tilespmem:$0x1FD60] =	vst v0;
	v0 =	vimm.f32 $0.0e+00  }
0x147: {  	v16 =	vadd.s32 $0xC, v8;
	[tilespmem:$0x1FD70] =	vst v0;
	v0 =	vimm.f32 $0.0e+00  }
0x148: {  	[tilespmem:$0x1FD80] =	vst v0;
	v0 =	vimm.f32 $0.0e+00  }
0x149: {  	[tilespmem:$0x1FD90] =	vst v0;
	v0 =	vimm.f32 $0.0e+00  }
0x14a: {  	[tilespmem:$0x1FDA0] =	vst v0;
	v0 =	vimm.f32 $0.0e+00  }
0x14b: {  	[tilespmem:$0x1FDB0] =	vst v0;
	v0 =	vimm.f32 $0.0e+00  }
0x14c: {  	[tilespmem:$0x1FDC0] =	vst v0;
	v0 =	vld.idx.msk [tilespmem:v16+s16+$0x0], $0xffff;
	_ =	sdelay $0x2  }
0x14d: {  	v17 =	vadd.s32 $0xD, v8;
	_ =	sdelay $0x1  }
0x14e: {  	[tilespmem:$0x1FDD0] =	vst v0;
	v0 =	vimm.f32 $0.0e+00  }
0x14f: {  	[tilespmem:$0x1FDE0] =	vst v0;
	v0 =	vimm.f32 $0.0e+00  }
0x150: {  	[tilespmem:$0x1FDF0] =	vst v0;
	v0 =	vimm.f32 $0.0e+00  }
0x151: {  	[tilespmem:$0x1FE00] =	vst v0;
	v0 =	vld.idx.msk [tilespmem:v17+s16+$0x0], $0xffff;
	_ =	sdelay $0x2  }
0x152: {  	v18 =	vadd.s32 $0xE, v8;
	_ =	sdelay $0x1  }
0x153: {  	v1 =	vld.idx.msk [tilespmem:v1+s21+$0x0], $0xffff;
	[tilespmem:$0x1FE10] =	vst v0;
	v0 =	vimm.f32 $0.0e+00  }
0x154: {  	[tilespmem:$0x1FE20] =	vst v0;
	v0 =	vimm.f32 $0.0e+00  }
0x155: {  	[tilespmem:$0x1FE30] =	vst v0;
	v0 =	vimm.f32 $0.0e+00  }
0x156: {  	[tilespmem:$0x1FE40] =	vst v0;
	v0 =	vld.idx.msk [tilespmem:v18+s16+$0x0], $0xffff;
	_ =	sdelay $0x1  }
0x157: {  	[tilespmem:$0x1FC20] =	vst v1;
	v1 =	vadd.s32 $0xC, v23  }
0x158: {  	v19 =	vadd.s32 $0xF, v8;
	_ =	sdelay $0x1  }
0x159: {  	[tilespmem:$0x1FE50] =	vst v0;
	v0 =	vimm.f32 $0.0e+00  }
0x15a: {  	[tilespmem:$0x1FE60] =	vst v0;
	v0 =	vimm.f32 $0.0e+00  }
0x15b: {  	v1 =	vld.idx.msk [tilespmem:v1+s21+$0x0], $0xffff;
	[tilespmem:$0x1FE70] =	vst v0;
	v0 =	vimm.f32 $0.0e+00  }
0x15c: {  	[tilespmem:$0x1FE80] =	vst v0;
	v0 =	vld.idx.msk [tilespmem:v19+s16+$0x0], $0xffff;
	_ =	sdelay $0x1  }
0x15d: {  	[tilespmem:$0x1FBC0] =	vst v9  }
0x15e: {  	[tilespmem:$0x1FF30] =	vst v23  }
0x15f: {  	[tilespmem:$0x1FC60] =	vst v1  }
0x160: {  	[tilespmem:$0x1FE90] =	vst v0;
	v0 =	vimm.f32 $0.0e+00  }
0x161: {  	v2 =	vld.idx.msk [tilespmem:v2+s4+$0x0], $0xffff;
	v1 =	vor.u32 $0x10, v23;
	[tilespmem:$0x1FEA0] =	vst v0;
	v0 =	vimm.f32 $0.0e+00  }
0x162: {  	[tilespmem:$0x1FEB0] =	vst v0;
	v0 =	vimm.f32 $0.0e+00  }
0x163: {  	[tilespmem:$0x1FEC0] =	vst v0;
	v0 =	vimm.f32 $0.0e+00  }
0x164: {  	[tilespmem:$0x1FED0] =	vst v0;
	v0 =	vimm.f32 $0.0e+00  }
0x165: {  	[tilespmem:$0x1FEE0] =	vst v0;
	v0 =	vimm.f32 $0.0e+00  }
0x166: {  	v59 =	vshll.u32 v2, $0x1;
	v2 =	vadd.s32 $0x4, v8;
	v1 =	vld.idx.msk [tilespmem:v1+s21+$0x0], $0xffff;
	[tilespmem:$0x1FEF0] =	vst v0;
	v0 =	vimm.f32 $0.0e+00  }
0x167: {  	v5 =	vshll.u32 v7, $0x5;
	v7 =	vadd.s32 $0x6, v8;
	[tilespmem:$0x1FF00] =	vst v0;
	v0 =	vimm.f32 $0.0e+00  }
0x168: {  	v9 =	vadd.s32 $0x7, v8;
	[tilespmem:$0x1FF10] =	vst v0;
	v0 =	vimm.f32 $0.0e+00  }
0x169: {  	v11 =	vadd.s32 $0x8, v8;
	[tilespmem:$0x1FF20] =	vst v0;
	v0 =	vld.idx.msk [tilespmem:v23+s21+$0x0], $0xffff  }
0x16a: {  	[tilespmem:$0x1FCC0] =	vst v10;
	v15 =	vadd.s32 $0xB, v8;
	v48 =	vld.idx.msk [tilespmem:v8+s16+$0x0], $0xffff  }
0x16b: {  	v60 =	vand.u32 $0xE, v59;
	v21 =	vadd.s32 $0x10, v8;
	v27 =	vld.idx.msk [tilespmem:v2+s16+$0x0], $0xffff;
	[tilespmem:$0x1FCA0] =	vst v1;
	v6 =	vimm.f32 $0.0e+00  }
0x16c: {  	v55 =	vor.u32 v5, v60;
	v25 =	vld.idx.msk [tilespmem:v7+s16+$0x0], $0xffff;
	[tilespmem:$0x1FCE0] =	vst v6  }
0x16d: {  	v32 =	vld.idx.msk [tilespmem:v9+s16+$0x0], $0xffff;
	v1 =	vadd.s32 $0x3, v8;
	[tilespmem:$0x1FC90] =	vst v3  }
0x16e: {  	v56 =	vld.idx.msk [tilespmem:v11+s16+$0x0], $0xffff;
	v3 =	vadd.s32 $0x2, v8;
	v10 =	vor.u32 $0x10, v5;
	[tilespmem:$0x1FF40] =	vst v0;
	v0 =	vimm.f32 $0.0e+00  }
0x16f: {  	v33 =	vld.idx.msk [tilespmem:v15+s16+$0x0], $0xffff;
	v20 =	vor.u32 v10, v60;
	[tilespmem:$0x1FF50] =	vst v0;
	v0 =	vimm.f32 $0.0e+00  }
0x170: {  	v54 =	vld.idx.msk [tilespmem:v21+s16+$0x0], $0xffff;
	[tilespmem:$0x1FF60] =	vst v0;
	v0 =	vimm.f32 $0.0e+00  }
0x171: {  	v29 =	vld.idx.msk [tilespmem:v55+s24+$0x0], $0xffff;
	[tilespmem:$0x1FF70] =	vst v0;
	v0 =	vimm.f32 $0.0e+00  }
0x172: {  	v57 =	vor.u32 s31, v62;
	v12 =	vor.u32 $0x1, v60;
	v35 =	vld.idx.msk [tilespmem:v1+s16+$0x0], $0xffff;
	[tilespmem:$0x1FF80] =	vst v0;
	v0 =	vimm.f32 $0.0e+00  }
0x173: {  	v7 =	vadd.s32 $0x11, v8;
	v2 =	vadd.s32 $0x3, v55;
	v26 =	vld.idx.msk [tilespmem:v3+s16+$0x0], $0xffff;
	[tilespmem:$0x1FF90] =	vst v0;
	v0 =	vimm.f32 $0.0e+00  }
0x174: {  	s31 =	simm.s32 $0x10;
	v1 =	vadd.s32 $0x2, v55;
	v3 =	vor.u32 v5, v12;
	v4 =	vand.u32 v22, v57;
	v53 =	vld.idx.msk [tilespmem:v20+s24+$0x0], $0xffff;
	[tilespmem:$0x1FFA0] =	vst v0  }
.LBB2_4:
0x175: {  	_ =	sdelay $0x2  }
0x176: {  	v0 =	vld.idx.msk [tilespmem:v7+s16+$0x0], $0xffff  }
0x177: {  	v13 =	vld.idx.msk [tilespmem:v1+s24+$0x0], $0xffff;
	v1 =	vadd.s32 $0x6, v55;
	_ =	sdelay $0x3  }
0x178: {  	v17 =	vld.idx.msk [tilespmem:v2+s24+$0x0], $0xffff  }
0x179: {  	v2 =	vadd.s32 $0x7, v55;
	[tilespmem:$0x1FB00] =	vst v0;
	v0 =	vld.idx.msk [tilespmem:v1+s24+$0x0], $0xffff;
	_ =	sdelay $0x3  }
0x17a: {  	v8 =	vadd.s32 $0x4, v55  }
0x17b: {  	v14 =	vadd.s32 $0x9, v55;
	[tilespmem:$0x1FA80] =	vst v0;
	v0 =	vld.idx.msk [tilespmem:v2+s24+$0x0], $0xffff;
	_ =	sdelay $0x3  }
0x17c: {  	v11 =	vld.idx.msk [tilespmem:v8+s24+$0x0], $0xffff  }
0x17d: {  	v8 =	vadd.s32 $0xA, v55;
	[tilespmem:$0x1FA90] =	vst v0;
	v0 =	vld.idx.msk [tilespmem:v14+s24+$0x0], $0xffff;
	_ =	sdelay $0x4  }
0x17e: {  	v16 =	vadd.s32 $0xB, v55;
	[tilespmem:$0x1FAA0] =	vst v0;
	v0 =	vld.idx.msk [tilespmem:v8+s24+$0x0], $0xffff;
	_ =	sdelay $0x4  }
0x17f: {  	v18 =	vadd.s32 $0xC, v55;
	[tilespmem:$0x1FAB0] =	vst v0;
	v0 =	vld.idx.msk [tilespmem:v16+s24+$0x0], $0xffff;
	_ =	sdelay $0x4  }
0x180: {  	v2 =	vadd.s32 $0xD, v55;
	[tilespmem:$0x1FAC0] =	vst v0;
	v0 =	vld.idx.msk [tilespmem:v18+s24+$0x0], $0xffff  }
0x181: {  	v7 =	vld.idx.msk [tilespmem:v4+s4+$0x0], $0xffff;
	_ =	sdelay $0x1  }
0x182: {  	v12 =	vor.u32 v10, v12;
	_ =	sdelay $0x1  }
0x183: {  	[tilespmem:$0x1FAD0] =	vst v0;
	v0 =	vld.idx.msk [tilespmem:v2+s24+$0x0], $0xffff  }
0x184: {  	v7 =	vshll.u32 v7, $0x1;
	v2 =	vld.idx.msk [tilespmem:v4+s14+$0x0], $0xffff  }
0x185: {  	v23 =	vand.u32 $0xE, v7  }
0x186: {  	v1 =	vld.idx.msk [tilespmem:v12+s24+$0x0], $0xffff;
	v61 =	vadd.s32 $0x8, v23  }
0x187: {  	v21 =	vld.idx.msk [tilespmem:v3+s24+$0x0], $0xffff;
	v3 =	vadd.s32 $0x5, v55;
	v62 =	vshll.u32 v57, $0x5;
	v16 =	vand.u32 $0x18, v61  }
0x188: {  	v22 =	vadd.s32 $0xF, v55;
	v4 =	vand.u32 $0x6, v7;
	v7 =	vor.u32 v16, v62  }
0x189: {  	v8 =	vadd.s32 $0xE, v55;
	v4 =	vor.u32 v4, v7;
	v55 =	vmul.u32 $0x12, v2;
	_ =	sdelay $0x1  }
0x18a: {  	[tilespmem:$0x1FB10] =	vst v1;
	v1 =	vadd.s32 $0xA, v55  }
0x18b: {  	v51 =	vor.u32 $0x1, v23;
	[tilespmem:$0x1FB20] =	vst v1;
	v1 =	vadd.s32 $0xB, v55  }
0x18c: {  	v24 =	vor.u32 v62, v51;
	[tilespmem:$0x1FB30] =	vst v1;
	v1 =	vadd.s32 $0xC, v55  }
0x18d: {  	v2 =	vld.idx.msk [tilespmem:v4+s24+$0x0], $0xffff;
	[tilespmem:$0x1FB40] =	vst v1;
	v1 =	vadd.s32 $0xD, v55  }
0x18e: {  	v20 =	vadd.s32 $0x8, v60;
	v4 =	vld.idx.msk [tilespmem:v4+s25+$0x0], $0xffff;
	[tilespmem:$0x1FB50] =	vst v1;
	v1 =	vadd.s32 $0xE, v55  }
0x18f: {  	v14 =	vand.u32 $0x18, v20;
	[tilespmem:$0x1FB60] =	vst v1;
	v1 =	vadd.s32 $0xF, v55  }
0x190: {  	v19 =	vand.u32 $0x6, v59;
	v14 =	vor.u32 v14, v5;
	[tilespmem:$0x1FB70] =	vst v1;
	v1 =	vadd.s32 $0x10, v55  }
0x191: {  	v28 =	vld.idx.msk [tilespmem:v24+s25+$0x0], $0xffff;
	v19 =	vor.u32 v19, v14;
	[tilespmem:$0x1FB80] =	vst v1;
	v1 =	vadd.s32 $0x11, v55  }
0x192: {  	v30 =	vor.u32 v62, v23;
	v7 =	vor.u32 $0x10, v62;
	[tilespmem:$0x1FB90] =	vst v1;
	v1 =	vld [tilespmem:$0x1FC20]  }
0x193: {  	v49 =	vor.u32 v7, v51;
	v41 =	vor.u32 v7, v23;
	v7 =	vld.idx.msk [tilespmem:v24+s24+$0x0], $0xffff;
	v2 =	vadd.f32 v4, v2  }
0x194: {  	[tilespmem:$0x1FAE0] =	vst v0;
	v0 =	vld.idx.msk [tilespmem:v8+s24+$0x0], $0xffff;
	v8 =	vadd.s32 $0x2, v30  }
0x195: {  	v2 =	vmul.f32 $5.000000000e-01, v2  }
0x196: {  	v61 =	vld.idx.msk [tilespmem:v19+s24+$0x0], $0xffff;
	v12 =	vadd.s32 $0x8, v55  }
0x197: {  	v2 =	vsub.f32 v2, v1;
	v1 =	vld [tilespmem:$0x1FBA0]  }
0x198: {  	v7 =	vadd.f32 v28, v7  }
0x199: {  	[tilespmem:$0x1FAF0] =	vst v0;
	v0 =	vadd.s32 $0x7, v30;
	v47 =	vld.idx.msk [tilespmem:v8+s24+$0x0], $0xffff  }
0x19a: {  	v7 =	vmul.f32 $5.000000000e-01, v7;
	v31 =	vld.idx.msk [tilespmem:v8+s25+$0x0], $0xffff  }
0x19b: {  	v20 =	vld.idx.msk [tilespmem:v12+s16+$0x0], $0xffff  }
0x19c: {  	v52 =	vmul.f32 v56, v61;
	v61 =	vsub.f32 v7, v1;
	v1 =	vld [tilespmem:$0x1FCC0];
	_ =	sdelay $0x1  }
0x19d: {  	v16 =	vmov v48;
	v48 =	vld.idx.msk [tilespmem:v0+s24+$0x0], $0xffff  }
0x19e: {  	v9 =	vmov v63;
	v63 =	vor.u32 v63, v57;
	v57 =	vld.idx.msk [tilespmem:v0+s25+$0x0], $0xffff  }
0x19f: {  	v0 =	vld [tilespmem:$0x1FBB0]  }
0x1a0: {  	v47 =	vadd.f32 v31, v47;
	v2 =	vmul.f32 v2, v20;
	vm3 =	vlt.s32 v63, v1;
	v1 =	vld [tilespmem:$0x1FCE0]  }
0x1a1: {  	v34 =	vadd.s32 $0x3, v30;
	v4 =	vmul.f32 v20, v4  }
0x1a2: {  	vm2 =	vne.s32 v63, $0x0;
	v20 =	vmul.f32 v2, v2;
	v7 =	vmul.f32 $5.000000000e-01, v47  }
0x1a3: {  	vm3 =	vmand vm2, vm3  }
0x1a4: {  	v12 =	vsub.f32 v7, v0;
	v0 =	vsub.f32 v4, v52;
	v4 =	vnsel vm3, $0x0, v20  }
0x1a5: {  	v1 =	vadd.f32 v4, v1  }
0x1a6: {  	v36 =	vadd.s32 $0x4, v30;
	v8 =	vld.idx.msk [tilespmem:v34+s24+$0x0], $0xffff  }
0x1a7: {  	[tilespmem:$0x1FCE0] =	vst v1;
	v1 =	vld [tilespmem:$0x1FCD0]  }
0x1a8: {  	v34 =	vld.idx.msk [tilespmem:v34+s25+$0x0], $0xffff;
	_ =	sdelay $0x1  }
0x1a9: {  	v15 =	vld.idx.msk [tilespmem:v3+s24+$0x0], $0xffff  }
0x1aa: {  	v3 =	vmov v50;
	v38 =	vadd.s32 $0x5, v30;
	v50 =	vld.idx.msk [tilespmem:v36+s24+$0x0], $0xffff  }
0x1ab: {  	vm4 =	vlt.s32 v63, v1;
	v1 =	vld [tilespmem:$0x1FBD0]  }
0x1ac: {  	v36 =	vld.idx.msk [tilespmem:v36+s25+$0x0], $0xffff;
	v8 =	vadd.f32 v34, v8;
	_ =	sdelay $0x1  }
0x1ad: {  	v58 =	vadd.s32 $0x6, v30;
	v8 =	vmul.f32 $5.000000000e-01, v8  }
0x1ae: {  	v51 =	vld.idx.msk [tilespmem:v38+s24+$0x0], $0xffff  }
0x1af: {  	v63 =	vsub.f32 v8, v1;
	v1 =	vld [tilespmem:$0x1FBE0]  }
0x1b0: {  	v50 =	vadd.f32 v36, v50;
	v38 =	vld.idx.msk [tilespmem:v38+s25+$0x0], $0xffff;
	_ =	sdelay $0x1  }
0x1b1: {  	v56 =	vld.idx.msk [tilespmem:v58+s25+$0x0], $0xffff;
	v7 =	vmul.f32 $5.000000000e-01, v50  }
0x1b2: {  	v47 =	vld.idx.msk [tilespmem:v58+s24+$0x0], $0xffff  }
0x1b3: {  	v10 =	vsub.f32 v7, v1;
	v1 =	vld [tilespmem:$0x1FBF0]  }
0x1b4: {  	v21 =	vmul.f32 v3, v21;
	v3 =	vld [tilespmem:$0x1FA80];
	v20 =	vadd.f32 v38, v51;
	_ =	sdelay $0x1  }
0x1b5: {  	v7 =	vmul.f32 $5.000000000e-01, v20;
	_ =	sdelay $0x1  }
0x1b6: {  	v8 =	vadd.f32 v56, v47;
	v47 =	vsub.f32 v7, v1;
	v1 =	vld [tilespmem:$0x1FC00]  }
0x1b7: {  	v3 =	vmul.f32 v25, v3;
	v25 =	vld [tilespmem:$0x1FD20]  }
0x1b8: {  	v13 =	vmul.f32 v26, v13;
	v26 =	vld [tilespmem:$0x1FAA0]  }
0x1b9: {  	v8 =	vmul.f32 $5.000000000e-01, v8  }
0x1ba: {  	v6 =	vadd.s32 $0xA, v30  }
0x1bb: {  	v5 =	vadd.s32 $0x9, v30;
	v50 =	vsub.f32 v8, v1;
	v1 =	vld [tilespmem:$0x1FD00];
	_ =	sdelay $0x1  }
0x1bc: {  	v25 =	vmul.f32 v25, v26;
	v26 =	vld [tilespmem:$0x1FD60];
	v0 =	vmul.f32 v0, v0  }
0x1bd: {  	v11 =	vmul.f32 v27, v11;
	v27 =	vld [tilespmem:$0x1FAB0];
	vm2 =	vmand vm2, vm4  }
0x1be: {  	v43 =	vadd.s32 $0xB, v30;
	v58 =	vld.idx.msk [tilespmem:v6+s25+$0x0], $0xffff;
	v0 =	vnsel vm2, $0x0, v0  }
0x1bf: {  	v52 =	vld.idx.msk [tilespmem:v5+s24+$0x0], $0xffff;
	v1 =	vadd.f32 v0, v1  }
0x1c0: {  	v44 =	vadd.s32 $0xC, v30;
	v4 =	vld.idx.msk [tilespmem:v5+s25+$0x0], $0xffff  }
0x1c1: {  	[tilespmem:$0x1FD00] =	vst v1;
	v1 =	vld [tilespmem:$0x1FC10]  }
0x1c2: {  	v48 =	vadd.f32 v57, v48;
	v5 =	vld.idx.msk [tilespmem:v6+s24+$0x0], $0xffff  }
0x1c3: {  	v45 =	vadd.s32 $0xD, v30;
	v6 =	vld.idx.msk [tilespmem:v43+s24+$0x0], $0xffff  }
0x1c4: {  	v48 =	vmul.f32 $5.000000000e-01, v48;
	v7 =	vld.idx.msk [tilespmem:v43+s25+$0x0], $0xffff  }
0x1c5: {  	v43 =	vld.idx.msk [tilespmem:v44+s24+$0x0], $0xffff  }
0x1c6: {  	v59 =	vmul.f32 v16, v29;
	v52 =	vadd.f32 v4, v52;
	v16 =	vsub.f32 v48, v1;
	v1 =	vld [tilespmem:$0x1FC30]  }
0x1c7: {  	v8 =	vld.idx.msk [tilespmem:v44+s25+$0x0], $0xffff  }
0x1c8: {  	v44 =	vmul.f32 $5.000000000e-01, v52;
	v52 =	vld.idx.msk [tilespmem:v45+s25+$0x0], $0xffff  }
0x1c9: {  	v0 =	vld.idx.msk [tilespmem:v45+s24+$0x0], $0xffff  }
0x1ca: {  	v39 =	vadd.s32 $0x2, v55  }
0x1cb: {  	v44 =	vsub.f32 v44, v1;
	v1 =	vld [tilespmem:$0x1FC40]  }
0x1cc: {  	v26 =	vmul.f32 v26, v27;
	v27 =	vld [tilespmem:$0x1FC70];
	v48 =	vadd.f32 v58, v5  }
0x1cd: {  	v29 =	vld [tilespmem:$0x1FAC0]  }
0x1ce: {  	v24 =	vld [tilespmem:$0x1FA90];
	v0 =	vadd.f32 v52, v0;
	v48 =	vmul.f32 $5.000000000e-01, v48  }
0x1cf: {  	v62 =	vadd.s32 $0xF, v30;
	v39 =	vld.idx.msk [tilespmem:v39+s16+$0x0], $0xffff  }
0x1d0: {  	v0 =	vmul.f32 $5.000000000e-01, v0;
	v48 =	vsub.f32 v48, v1;
	v1 =	vld [tilespmem:$0x1FFD0]  }
0x1d1: {  	v46 =	vadd.s32 $0xE, v30;
	v2 =	vld [tilespmem:$0x1FC50]  }
0x1d2: {  	v27 =	vsub.f32 v0, v27;
	v0 =	vld [tilespmem:$0x1FFE0]  }
0x1d3: {  	v51 =	vld [tilespmem:$0x1FAD0]  }
0x1d4: {  	v20 =	vmul.f32 v54, v53;
	v53 =	vld.idx.msk [tilespmem:v62+s24+$0x0], $0xffff  }
0x1d5: {  	v17 =	vmul.f32 v35, v17;
	v54 =	vld.idx.msk [tilespmem:v62+s25+$0x0], $0xffff;
	v35 =	vadd.s32 s31, v1  }
0x1d6: {  	v42 =	vor.u32 $0x1, v55;
	v45 =	vld.idx.msk [tilespmem:v46+s24+$0x0], $0xffff;
	v62 =	vand.u32 $0x7F8, v35  }
0x1d7: {  	v0 =	vor.u32 v0, v62;
	v62 =	vmul.f32 v33, v29;
	v29 =	vld [tilespmem:$0x1FDD0]  }
0x1d8: {  	v40 =	vadd.s32 $0x3, v55;
	v46 =	vld.idx.msk [tilespmem:v46+s25+$0x0], $0xffff  }
0x1d9: {  	v31 =	vmul.f32 v39, v31;
	v12 =	vmul.f32 v12, v39;
	v39 =	vld [tilespmem:$0x1FB20]  }
0x1da: {  	v6 =	vadd.f32 v7, v6;
	v1 =	vld [tilespmem:$0x1FCF0]  }
0x1db: {  	v42 =	vld.idx.msk [tilespmem:v42+s16+$0x0], $0xffff  }
0x1dc: {  	v6 =	vmul.f32 $5.000000000e-01, v6;
	v29 =	vmul.f32 v29, v51;
	v51 =	vld [tilespmem:$0x1FC80]  }
0x1dd: {  	v40 =	vld.idx.msk [tilespmem:v40+s16+$0x0], $0xffff;
	v45 =	vadd.f32 v46, v45  }
0x1de: {  	v6 =	vsub.f32 v6, v2;
	v2 =	vld.idx.msk [tilespmem:v49+s25+$0x0], $0xffff  }
0x1df: {  	v45 =	vmul.f32 $5.000000000e-01, v45;
	v15 =	vmul.f32 v1, v15;
	v1 =	vld.idx.msk [tilespmem:v49+s24+$0x0], $0xffff  }
0x1e0: {  	v28 =	vmul.f32 v42, v28;
	v49 =	vmul.f32 v32, v24;
	v32 =	vld [tilespmem:$0x1FE10]  }
0x1e1: {  	v45 =	vsub.f32 v45, v51;
	v51 =	vld [tilespmem:$0x1FAE0]  }
0x1e2: {  	v21 =	vsub.f32 v28, v21;
	v28 =	vmul.f32 v40, v34;
	v34 =	vld.idx.msk [tilespmem:v39+s16+$0x0], $0xffff  }
0x1e3: {  	v24 =	vld [tilespmem:$0x1FC60]  }
0x1e4: {  	v39 =	vmul.f32 v63, v40;
	v63 =	vmov v9;
	v9 =	vld [tilespmem:$0x1FB30];
	v43 =	vadd.f32 v8, v43  }
0x1e5: {  	v33 =	vld [tilespmem:$0x1FE50]  }
0x1e6: {  	v43 =	vmul.f32 $5.000000000e-01, v43;
	v32 =	vmul.f32 v32, v51;
	v51 =	vld [tilespmem:$0x1FAF0];
	_ =	sdelay $0x1  }
0x1e7: {  	v43 =	vsub.f32 v43, v24;
	v24 =	vld.idx.msk [tilespmem:v41+s24+$0x0], $0xffff  }
0x1e8: {  	v41 =	vld.idx.msk [tilespmem:v41+s25+$0x0], $0xffff  }
0x1e9: {  	v60 =	vld.idx.msk [tilespmem:v22+s24+$0x0], $0xffff  }
0x1ea: {  	v33 =	vmul.f32 v33, v51;
	v51 =	vld [tilespmem:$0x1FE90]  }
0x1eb: {  	v40 =	vld.idx.msk [tilespmem:v9+s16+$0x0], $0xffff  }
0x1ec: {  	v9 =	vld [tilespmem:$0x1FCA0]  }
0x1ed: {  	v24 =	vadd.f32 v41, v24;
	_ =	sdelay $0x1  }
0x1ee: {  	v5 =	vshll.u32 v35, $0x5;
	v24 =	vmul.f32 $5.000000000e-01, v24;
	v35 =	vmul.f32 v51, v60;
	v60 =	vld [tilespmem:$0x1FC90]  }
0x1ef: {  	v53 =	vadd.f32 v54, v53  }
0x1f0: {  	v24 =	vsub.f32 v24, v9;
	v9 =	vld [tilespmem:$0x1FB40]  }
0x1f1: {  	v53 =	vmul.f32 $5.000000000e-01, v53  }
0x1f2: {  	v51 =	vld [tilespmem:$0x1FB00]  }
0x1f3: {  	v53 =	vsub.f32 v53, v60;
	v60 =	vld [tilespmem:$0x1FB10];
	_ =	sdelay $0x1  }
0x1f4: {  	v19 =	vld.idx.msk [tilespmem:v30+s24+$0x0], $0xffff;
	v22 =	vadd.s32 $0x7, v55  }
0x1f5: {  	v42 =	vmul.f32 v61, v42;
	v61 =	vld [tilespmem:$0x1FCB0]  }
0x1f6: {  	v14 =	vadd.s32 $0x5, v55;
	v30 =	vld.idx.msk [tilespmem:v30+s25+$0x0], $0xffff;
	v1 =	vadd.f32 v2, v1  }
0x1f7: {  	v51 =	vmul.f32 v51, v60;
	v60 =	vld.idx.msk [tilespmem:v9+s16+$0x0], $0xffff  }
0x1f8: {  	v1 =	vmul.f32 $5.000000000e-01, v1;
	v9 =	vld [tilespmem:$0x1FB50]  }
0x1f9: {  	v18 =	vadd.s32 $0x6, v55;
	v22 =	vld.idx.msk [tilespmem:v22+s16+$0x0], $0xffff  }
0x1fa: {  	v1 =	vsub.f32 v1, v61;
	v61 =	vld [tilespmem:$0x1FF40]  }
0x1fb: {  	v14 =	vld.idx.msk [tilespmem:v14+s16+$0x0], $0xffff;
	v19 =	vadd.f32 v30, v19;
	_ =	sdelay $0x1  }
0x1fc: {  	v19 =	vmul.f32 $5.000000000e-01, v19  }
0x1fd: {  	v18 =	vld.idx.msk [tilespmem:v18+s16+$0x0], $0xffff  }
0x1fe: {  	v19 =	vsub.f32 v19, v61;
	v61 =	vmul.f32 v22, v57;
	v57 =	vld [tilespmem:$0x1FB90]  }
0x1ff: {  	v13 =	vsub.f32 v31, v13;
	v31 =	vmul.f32 v14, v38;
	v38 =	vld.idx.msk [tilespmem:v9+s16+$0x0], $0xffff  }
0x200: {  	v9 =	vld [tilespmem:$0x1FB60]  }
0x201: {  	v23 =	vadd.s32 $0x9, v55;
	_ =	sdelay $0x1  }
0x202: {  	v17 =	vsub.f32 v28, v17;
	v28 =	vmul.f32 v18, v56;
	v18 =	vmul.f32 v50, v18;
	v50 =	vld [tilespmem:$0x1FB70];
	_ =	sdelay $0x2  }
0x203: {  	v23 =	vld.idx.msk [tilespmem:v23+s16+$0x0], $0xffff  }
0x204: {  	v3 =	vsub.f32 v28, v3;
	v28 =	vmul.f32 v34, v58;
	v58 =	vld.idx.msk [tilespmem:v57+s16+$0x0], $0xffff  }
0x205: {  	v14 =	vmul.f32 v47, v14;
	v47 =	vld.idx.msk [tilespmem:v9+s16+$0x0], $0xffff  }
0x206: {  	v9 =	vmul.f32 v16, v22;
	v16 =	vld.idx.msk [tilespmem:v55+s16+$0x0], $0xffff;
	_ =	sdelay $0x1  }
0x207: {  	v22 =	vld.idx.msk [tilespmem:v50+s16+$0x0], $0xffff  }
0x208: {  	v50 =	vld.idx.msk [tilespmem:v0+s14+$0x0], $0xffff  }
0x209: {  	v4 =	vmul.f32 v23, v4;
	v0 =	vld.idx.msk [tilespmem:v0+s4+$0x0], $0xffff  }
0x20a: {  	v37 =	vadd.s32 $0x4, v55;
	v55 =	vmul.f32 v1, v58;
	v1 =	vmul.f32 v16, v30  }
0x20b: {  	v4 =	vsub.f32 v4, v25;
	v25 =	vsub.f32 v28, v26;
	v28 =	vmul.f32 v38, v52  }
0x20c: {  	v52 =	vmul.f32 v22, v54;
	v57 =	vsub.f32 v1, v59;
	v59 =	vmul.f32 v55, v55;
	_ =	sdelay $0x1  }
0x20d: {  	v30 =	vsub.f32 v52, v35;
	v35 =	vnsel vm3, $0x0, v59;
	v59 =	vshll.u32 v0, $0x1;
	v0 =	vld [tilespmem:$0x1FD40];
	_ =	sdelay $0x1  }
0x20e: {  	v37 =	vld.idx.msk [tilespmem:v37+s16+$0x0], $0xffff;
	v2 =	vmul.f32 v58, v2;
	v58 =	vmul.f32 v39, v39;
	_ =	sdelay $0x1  }
0x20f: {  	v28 =	vsub.f32 v28, v32;
	v32 =	vnsel vm3, $0x0, v58  }
0x210: {  	v0 =	vadd.f32 v32, v0;
	_ =	sdelay $0x1  }
0x211: {  	v10 =	vmul.f32 v10, v37;
	[tilespmem:$0x1FD40] =	vst v0;
	v0 =	vld [tilespmem:$0x1FD50];
	_ =	sdelay $0x1  }
0x212: {  	v10 =	vmul.f32 v10, v10;
	_ =	sdelay $0x1  }
0x213: {  	v10 =	vnsel vm3, $0x0, v10  }
0x214: {  	v0 =	vadd.f32 v10, v0;
	_ =	sdelay $0x1  }
0x215: {  	[tilespmem:$0x1FD50] =	vst v0;
	v0 =	vld [tilespmem:$0x1FD70];
	_ =	sdelay $0x1  }
0x216: {  	v14 =	vmul.f32 v14, v14;
	_ =	sdelay $0x1  }
0x217: {  	v14 =	vnsel vm3, $0x0, v14  }
0x218: {  	v0 =	vadd.f32 v14, v0;
	_ =	sdelay $0x1  }
0x219: {  	[tilespmem:$0x1FD70] =	vst v0;
	v0 =	vld [tilespmem:$0x1FD80];
	_ =	sdelay $0x1  }
0x21a: {  	v18 =	vmul.f32 v18, v18;
	_ =	sdelay $0x1  }
0x21b: {  	v18 =	vnsel vm3, $0x0, v18  }
0x21c: {  	v0 =	vadd.f32 v18, v0;
	_ =	sdelay $0x1  }
0x21d: {  	[tilespmem:$0x1FD80] =	vst v0;
	v0 =	vld [tilespmem:$0x1FD90];
	_ =	sdelay $0x1  }
0x21e: {  	v9 =	vmul.f32 v9, v9;
	_ =	sdelay $0x1  }
0x21f: {  	v9 =	vnsel vm3, $0x0, v9  }
0x220: {  	v34 =	vmul.f32 v48, v34;
	v0 =	vadd.f32 v9, v0;
	v9 =	vld [tilespmem:$0x1FDB0];
	_ =	sdelay $0x1  }
0x221: {  	v34 =	vmul.f32 v34, v34;
	_ =	sdelay $0x1  }
0x222: {  	v34 =	vnsel vm3, $0x0, v34  }
0x223: {  	v9 =	vadd.f32 v34, v9;
	_ =	sdelay $0x1  }
0x224: {  	v6 =	vmul.f32 v6, v40;
	[tilespmem:$0x1FDB0] =	vst v9;
	v9 =	vld [tilespmem:$0x1FDC0];
	_ =	sdelay $0x1  }
0x225: {  	v6 =	vmul.f32 v6, v6;
	_ =	sdelay $0x1  }
0x226: {  	v6 =	vnsel vm3, $0x0, v6  }
0x227: {  	v9 =	vadd.f32 v6, v9;
	_ =	sdelay $0x1  }
0x228: {  	v26 =	vmul.f32 v43, v60;
	[tilespmem:$0x1FDC0] =	vst v9;
	v9 =	vld [tilespmem:$0x1FDE0];
	_ =	sdelay $0x1  }
0x229: {  	v26 =	vmul.f32 v26, v26;
	_ =	sdelay $0x1  }
0x22a: {  	v26 =	vnsel vm3, $0x0, v26  }
0x22b: {  	v9 =	vadd.f32 v26, v9;
	_ =	sdelay $0x1  }
0x22c: {  	v27 =	vmul.f32 v27, v38;
	[tilespmem:$0x1FDE0] =	vst v9;
	v9 =	vld [tilespmem:$0x1FDF0];
	_ =	sdelay $0x1  }
0x22d: {  	v27 =	vmul.f32 v27, v27;
	_ =	sdelay $0x1  }
0x22e: {  	v27 =	vnsel vm3, $0x0, v27  }
0x22f: {  	v8 =	vmul.f32 v60, v8;
	v9 =	vadd.f32 v27, v9;
	_ =	sdelay $0x1  }
0x230: {  	v8 =	vsub.f32 v8, v29;
	v29 =	vmul.f32 v45, v47;
	[tilespmem:$0x1FDF0] =	vst v9;
	v9 =	vld [tilespmem:$0x1FE00];
	_ =	sdelay $0x1  }
0x231: {  	v29 =	vmul.f32 v29, v29;
	_ =	sdelay $0x1  }
0x232: {  	v29 =	vnsel vm3, $0x0, v29  }
0x233: {  	v9 =	vadd.f32 v29, v9;
	_ =	sdelay $0x1  }
0x234: {  	v22 =	vmul.f32 v53, v22;
	[tilespmem:$0x1FE00] =	vst v9;
	v9 =	vld [tilespmem:$0x1FE20];
	_ =	sdelay $0x1  }
0x235: {  	v22 =	vmul.f32 v22, v22;
	_ =	sdelay $0x1  }
0x236: {  	v22 =	vnsel vm3, $0x0, v22  }
0x237: {  	v9 =	vadd.f32 v22, v9;
	_ =	sdelay $0x1  }
0x238: {  	v19 =	vmul.f32 v19, v16;
	[tilespmem:$0x1FE20] =	vst v9;
	v9 =	vld [tilespmem:$0x1FE30];
	_ =	sdelay $0x1  }
0x239: {  	v19 =	vmul.f32 v19, v19;
	_ =	sdelay $0x1  }
0x23a: {  	v19 =	vnsel vm3, $0x0, v19  }
0x23b: {  	v9 =	vadd.f32 v19, v9;
	_ =	sdelay $0x1  }
0x23c: {  	[tilespmem:$0x1FE30] =	vst v9;
	v9 =	vld [tilespmem:$0x1FE40]  }
0x23d: {  	v56 =	vld [tilespmem:$0x1FB80];
	_ =	sdelay $0x3  }
0x23e: {  	v9 =	vadd.f32 v35, v9;
	_ =	sdelay $0x1  }
0x23f: {  	[tilespmem:$0x1FE40] =	vst v9;
	v9 =	vld [tilespmem:$0x1FE60];
	_ =	sdelay $0x1  }
0x240: {  	v21 =	vmul.f32 v21, v21;
	v15 =	vsub.f32 v31, v15;
	v31 =	vld.idx.msk [tilespmem:v56+s16+$0x0], $0xffff;
	_ =	sdelay $0x1  }
0x241: {  	v21 =	vnsel vm2, $0x0, v21  }
0x242: {  	v9 =	vadd.f32 v21, v9;
	_ =	sdelay $0x1  }
0x243: {  	v24 =	vmul.f32 v24, v31;
	[tilespmem:$0x1FE60] =	vst v9;
	v9 =	vld [tilespmem:$0x1FE70];
	_ =	sdelay $0x1  }
0x244: {  	v24 =	vmul.f32 v24, v24;
	_ =	sdelay $0x1  }
0x245: {  	v24 =	vnsel vm3, $0x0, v24  }
0x246: {  	v9 =	vadd.f32 v24, v9;
	_ =	sdelay $0x1  }
0x247: {  	[tilespmem:$0x1FE70] =	vst v9;
	v9 =	vld [tilespmem:$0x1FE80];
	_ =	sdelay $0x1  }
0x248: {  	v13 =	vmul.f32 v13, v13;
	_ =	sdelay $0x1  }
0x249: {  	v13 =	vnsel vm2, $0x0, v13  }
0x24a: {  	v9 =	vadd.f32 v13, v9;
	_ =	sdelay $0x1  }
0x24b: {  	[tilespmem:$0x1FE80] =	vst v9;
	v9 =	vld [tilespmem:$0x1FEA0];
	_ =	sdelay $0x1  }
0x24c: {  	v17 =	vmul.f32 v17, v17;
	_ =	sdelay $0x1  }
0x24d: {  	v17 =	vnsel vm2, $0x0, v17  }
0x24e: {  	v36 =	vmul.f32 v37, v36;
	v9 =	vadd.f32 v17, v9;
	_ =	sdelay $0x1  }
0x24f: {  	v11 =	vsub.f32 v36, v11;
	[tilespmem:$0x1FEA0] =	vst v9;
	v9 =	vld [tilespmem:$0x1FEB0];
	_ =	sdelay $0x1  }
0x250: {  	v11 =	vmul.f32 v11, v11;
	_ =	sdelay $0x1  }
0x251: {  	v11 =	vnsel vm2, $0x0, v11  }
0x252: {  	v9 =	vadd.f32 v11, v9;
	_ =	sdelay $0x1  }
0x253: {  	[tilespmem:$0x1FEB0] =	vst v9;
	v9 =	vld [tilespmem:$0x1FEC0];
	_ =	sdelay $0x1  }
0x254: {  	v15 =	vmul.f32 v15, v15;
	_ =	sdelay $0x1  }
0x255: {  	v15 =	vnsel vm2, $0x0, v15  }
0x256: {  	v9 =	vadd.f32 v15, v9;
	_ =	sdelay $0x1  }
0x257: {  	[tilespmem:$0x1FEC0] =	vst v9;
	v9 =	vld [tilespmem:$0x1FED0];
	_ =	sdelay $0x1  }
0x258: {  	v3 =	vmul.f32 v3, v3;
	_ =	sdelay $0x1  }
0x259: {  	v3 =	vnsel vm2, $0x0, v3  }
0x25a: {  	v9 =	vadd.f32 v3, v9;
	_ =	sdelay $0x1  }
0x25b: {  	[tilespmem:$0x1FED0] =	vst v9;
	v9 =	vld [tilespmem:$0x1FEF0];
	_ =	sdelay $0x1  }
0x25c: {  	v4 =	vmul.f32 v4, v4;
	_ =	sdelay $0x1  }
0x25d: {  	v4 =	vnsel vm2, $0x0, v4  }
0x25e: {  	v7 =	vmul.f32 v40, v7;
	v9 =	vadd.f32 v4, v9;
	_ =	sdelay $0x1  }
0x25f: {  	v7 =	vsub.f32 v7, v62;
	[tilespmem:$0x1FEF0] =	vst v9;
	v9 =	vld [tilespmem:$0x1FF10];
	_ =	sdelay $0x1  }
0x260: {  	v7 =	vmul.f32 v7, v7;
	_ =	sdelay $0x1  }
0x261: {  	v7 =	vnsel vm2, $0x0, v7  }
0x262: {  	v9 =	vadd.f32 v7, v9;
	v7 =	vld [tilespmem:$0x1FF20];
	_ =	sdelay $0x1  }
0x263: {  	v8 =	vmul.f32 v8, v8;
	_ =	sdelay $0x1  }
0x264: {  	v8 =	vnsel vm2, $0x0, v8  }
0x265: {  	v7 =	vadd.f32 v8, v7;
	_ =	sdelay $0x1  }
0x266: {  	[tilespmem:$0x1FF20] =	vst v7;
	v7 =	vld [tilespmem:$0x1FF50];
	_ =	sdelay $0x1  }
0x267: {  	v28 =	vmul.f32 v28, v28;
	_ =	sdelay $0x1  }
0x268: {  	v28 =	vnsel vm2, $0x0, v28  }
0x269: {  	v36 =	vsub.f32 v61, v49;
	v49 =	vmul.f32 v47, v46;
	v7 =	vadd.f32 v28, v7;
	_ =	sdelay $0x1  }
0x26a: {  	v33 =	vsub.f32 v49, v33;
	[tilespmem:$0x1FF50] =	vst v7;
	v7 =	vld [tilespmem:$0x1FF60];
	_ =	sdelay $0x1  }
0x26b: {  	v33 =	vmul.f32 v33, v33;
	_ =	sdelay $0x1  }
0x26c: {  	v33 =	vnsel vm2, $0x0, v33  }
0x26d: {  	v23 =	vmul.f32 v44, v23;
	[tilespmem:$0x1FD90] =	vst v0;
	v0 =	vld [tilespmem:$0x1FDA0];
	v7 =	vadd.f32 v33, v7  }
0x26e: {  	v3 =	vld [tilespmem:$0x1FEE0]  }
0x26f: {  	v23 =	vmul.f32 v23, v23;
	[tilespmem:$0x1FF60] =	vst v7;
	v7 =	vld [tilespmem:$0x1FF70]  }
0x270: {  	v36 =	vmul.f32 v36, v36;
	v1 =	vmul.u32 $0x12, v50;
	v4 =	vld [tilespmem:$0x1FF00]  }
0x271: {  	v25 =	vmul.f32 v25, v25;
	v23 =	vnsel vm3, $0x0, v23;
	v30 =	vmul.f32 v30, v30  }
0x272: {  	v36 =	vnsel vm2, $0x0, v36;
	v61 =	vadd.s32 $0x5, v1;
	v0 =	vadd.f32 v23, v0  }
0x273: {  	v30 =	vnsel vm2, $0x0, v30;
	v3 =	vadd.f32 v36, v3  }
0x274: {  	v25 =	vnsel vm2, $0x0, v25;
	[tilespmem:$0x1FDA0] =	vst v0;
	v0 =	vor.u32 $0x1, v1;
	v7 =	vadd.f32 v30, v7  }
0x275: {  	v6 =	vadd.s32 $0x2, v1;
	[tilespmem:$0x1FEE0] =	vst v3;
	v4 =	vadd.f32 v25, v4  }
0x276: {  	v2 =	vsub.f32 v2, v51;
	v10 =	vadd.s32 $0x3, v1;
	[tilespmem:$0x1FF70] =	vst v7;
	v7 =	vld [tilespmem:$0x1FF80]  }
0x277: {  	v3 =	vadd.s32 $0x9, v1;
	[tilespmem:$0x1FF00] =	vst v4;
	v4 =	vld.idx.msk [tilespmem:v61+s16+$0x0], $0xffff  }
0x278: {  	v2 =	vmul.f32 v2, v2;
	v60 =	vld [tilespmem:$0x1FD10]  }
0x279: {  	v50 =	vld.idx.msk [tilespmem:v0+s16+$0x0], $0xffff;
	v0 =	vadd.s32 $0x6, v1  }
0x27a: {  	v2 =	vnsel vm2, $0x0, v2;
	v26 =	vld.idx.msk [tilespmem:v6+s16+$0x0], $0xffff  }
0x27b: {  	v6 =	vadd.s32 $0x7, v1;
	v35 =	vld.idx.msk [tilespmem:v10+s16+$0x0], $0xffff;
	v7 =	vadd.f32 v2, v7  }
0x27c: {  	v54 =	vmul.f32 v31, v41;
	v31 =	vmul.f32 v42, v42;
	v10 =	vadd.s32 $0x8, v1;
	v3 =	vld.idx.msk [tilespmem:v3+s16+$0x0], $0xffff;
	[tilespmem:$0x1FCF0] =	vst v4  }
0x27d: {  	v4 =	vadd.s32 $0xA, v1;
	[tilespmem:$0x1FF80] =	vst v7;
	v7 =	vld [tilespmem:$0x1FF90]  }
0x27e: {  	v31 =	vnsel vm3, $0x0, v31;
	v25 =	vld.idx.msk [tilespmem:v0+s16+$0x0], $0xffff;
	v0 =	vadd.s32 $0xB, v1  }
0x27f: {  	v56 =	vsub.f32 v54, v20;
	v37 =	vadd.f32 v31, v60;
	v31 =	vld [tilespmem:$0x1FD30];
	v20 =	vmul.f32 v57, v57  }
0x280: {  	v32 =	vld.idx.msk [tilespmem:v6+s16+$0x0], $0xffff;
	v2 =	vadd.s32 $0xD, v1  }
0x281: {  	v16 =	vmul.f32 v56, v56;
	v60 =	vand.u32 $0xE, v59;
	v20 =	vnsel vm2, $0x0, v20;
	v56 =	vld.idx.msk [tilespmem:v10+s16+$0x0], $0xffff  }
0x282: {  	v6 =	vadd.s32 $0xC, v1;
	v10 =	vor.u32 $0x10, v5;
	[tilespmem:$0x1FD20] =	vst v3;
	v3 =	vld.idx.msk [tilespmem:v4+s16+$0x0], $0xffff;
	v7 =	vadd.f32 v20, v7  }
0x283: {  	v33 =	vld.idx.msk [tilespmem:v0+s16+$0x0], $0xffff;
	v0 =	vor.u32 v10, v60  }
0x284: {  	[tilespmem:$0x1FF90] =	vst v7;
	v7 =	vld [tilespmem:$0x1FFA0]  }
0x285: {  	v12 =	vmul.f32 v12, v12;
	v4 =	vadd.s32 $0xF, v1;
	v2 =	vld.idx.msk [tilespmem:v2+s16+$0x0], $0xffff  }
0x286: {  	v48 =	vld.idx.msk [tilespmem:v1+s16+$0x0], $0xffff;
	v8 =	vadd.s32 $0xE, v1  }
0x287: {  	v12 =	vnsel vm3, $0x0, v12;
	[tilespmem:$0x1FD60] =	vst v3;
	v3 =	vld.idx.msk [tilespmem:v6+s16+$0x0], $0xffff  }
0x288: {  	v31 =	vadd.f32 v12, v31;
	v12 =	vnsel vm2, $0x0, v16;
	v53 =	vld.idx.msk [tilespmem:v0+s24+$0x0], $0xffff  }
0x289: {  	[tilespmem:$0x1FD10] =	vst v37;
	v14 =	vadd.s32 $0x4, v1;
	v0 =	vld [tilespmem:$0x1FFF0];
	v7 =	vadd.f32 v12, v7  }
0x28a: {  	v55 =	vor.u32 v5, v60;
	[tilespmem:$0x1FE10] =	vst v2;
	v2 =	vld.idx.msk [tilespmem:v4+s16+$0x0], $0xffff  }
0x28b: {  	p1 =	sne.s32 s31, $0x3F0;
	v6 =	vadd.s32 $0x10, v1;
	[tilespmem:$0x1FFA0] =	vst v7;
	v7 =	vadd.s32 $0x11, v1;
	v1 =	vld.idx.msk [tilespmem:v8+s16+$0x0], $0xffff  }
.Ltmp1:
0x28c: {  	[tilespmem:$0x1FD30] =	vst v31;
	(pc) =	sbr.rel @p1 .LBB2_4-.Ltmp1, $4  }
0x28d: {  	v62 =	vlaneseq.u32;
	[tilespmem:$0x1FF10] =	vst v9  }
0x28e: {  	v57 =	vor.u32 s31, v62;
	v27 =	vld.idx.msk [tilespmem:v14+s16+$0x0], $0xffff;
	[tilespmem:$0x1FDD0] =	vst v3  }
0x28f: {  	v29 =	vld.idx.msk [tilespmem:v55+s24+$0x0], $0xffff;
	v4 =	vand.u32 v0, v57;
	v12 =	vor.u32 $0x1, v60;
	[tilespmem:$0x1FE90] =	vst v2  }
0x290: {  	s31 =	sadd.s32 $0x10, s31;
	v54 =	vld.idx.msk [tilespmem:v6+s16+$0x0], $0xffff;
	v3 =	vor.u32 v5, v12;
	v2 =	vadd.s32 $0x3, v55;
	[tilespmem:$0x1FE50] =	vst v1;
	v1 =	vadd.s32 $0x2, v55  }
0x291: {  	_ =	sdelay $0x3  }
0x292: {  	v0 =	vld.idx.msk [tilespmem:v7+s16+$0x0], $0xffff  }
0x293: {  	v30 =	vld.idx.msk [tilespmem:v3+s24+$0x0], $0xffff  }
0x294: {  	v19 =	vadd.s32 $0x4, v55;
	v8 =	vld.idx.msk [tilespmem:v4+s4+$0x0], $0xffff  }
0x295: {  	v24 =	vadd.s32 $0x5, v55;
	v6 =	vld.idx.msk [tilespmem:v1+s24+$0x0], $0xffff  }
0x296: {  	v7 =	vadd.s32 $0x6, v55;
	v28 =	vld.idx.msk [tilespmem:v2+s24+$0x0], $0xffff  }
0x297: {  	v34 =	vadd.s32 $0x7, v55;
	v4 =	vld.idx.msk [tilespmem:v4+s14+$0x0], $0xffff  }
0x298: {  	v36 =	vadd.s32 $0x9, v55;
	v9 =	vld [tilespmem:$0x1FBA0]  }
0x299: {  	v13 =	vadd.s32 $0xA, v55;
	[tilespmem:$0x1FA60] =	vst v0;
	v0 =	vld.idx.msk [tilespmem:v19+s24+$0x0], $0xffff  }
0x29a: {  	v37 =	vadd.s32 $0x8, v60;
	v38 =	vadd.s32 $0xC, v55;
	v22 =	vld.idx.msk [tilespmem:v24+s24+$0x0], $0xffff  }
0x29b: {  	v39 =	vadd.s32 $0xD, v55;
	v3 =	vand.u32 $0x18, v37;
	v18 =	vld.idx.msk [tilespmem:v7+s24+$0x0], $0xffff  }
0x29c: {  	v14 =	vand.u32 $0x6, v59;
	v41 =	vadd.s32 $0xE, v55;
	v3 =	vor.u32 v3, v5;
	v19 =	vld.idx.msk [tilespmem:v34+s24+$0x0], $0xffff  }
0x29d: {  	v3 =	vor.u32 v14, v3;
	v20 =	vld.idx.msk [tilespmem:v36+s24+$0x0], $0xffff  }
0x29e: {  	v7 =	vshll.u32 v8, $0x1;
	v8 =	vadd.s32 $0xB, v55;
	v21 =	vld.idx.msk [tilespmem:v13+s24+$0x0], $0xffff  }
0x29f: {  	v23 =	vld.idx.msk [tilespmem:v38+s24+$0x0], $0xffff  }
0x2a0: {  	v17 =	vshll.u32 v57, $0x5;
	v59 =	vmov v25;
	v25 =	vld.idx.msk [tilespmem:v39+s24+$0x0], $0xffff;
	v5 =	vand.u32 $0xE, v7  }
0x2a1: {  	v11 =	vld.idx.msk [tilespmem:v41+s24+$0x0], $0xffff;
	v36 =	vor.u32 v10, v12;
	v15 =	vadd.s32 $0x8, v5;
	v42 =	vor.u32 $0x1, v5  }
0x2a2: {  	v40 =	vand.u32 $0x18, v15;
	v43 =	vor.u32 v17, v42;
	v15 =	vld.idx.msk [tilespmem:v3+s24+$0x0], $0xffff  }
0x2a3: {  	v24 =	vor.u32 v17, v5;
	v58 =	vld.idx.msk [tilespmem:v8+s24+$0x0], $0xffff  }
0x2a4: {  	v60 =	vmovc v32;
	v3 =	vmul.u32 $0x12, v4;
	v4 =	vadd.s32 $0x2, v24;
	v18 =	vmul.f32 v59, v18;
	v59 =	vld [tilespmem:$0x1FC60]  }
0x2a5: {  	v19 =	vmul.f32 v60, v19;
	v60 =	vld [tilespmem:$0x1FD20]  }
0x2a6: {  	v45 =	vadd.s32 $0x3, v24;
	v36 =	vld.idx.msk [tilespmem:v36+s24+$0x0], $0xffff  }
0x2a7: {  	v46 =	vadd.s32 $0x4, v24;
	v31 =	vld.idx.msk [tilespmem:v43+s24+$0x0], $0xffff  }
0x2a8: {  	v16 =	vld.idx.msk [tilespmem:v43+s25+$0x0], $0xffff  }
0x2a9: {  	v47 =	vld.idx.msk [tilespmem:v4+s24+$0x0], $0xffff  }
0x2aa: {  	v7 =	vand.u32 $0x6, v7;
	v49 =	vadd.s32 $0x5, v24;
	v13 =	vor.u32 v40, v17;
	v14 =	vld.idx.msk [tilespmem:v4+s25+$0x0], $0xffff  }
0x2ab: {  	v7 =	vor.u32 v7, v13;
	v34 =	vld.idx.msk [tilespmem:v45+s24+$0x0], $0xffff  }
0x2ac: {  	v61 =	vmov v35;
	v35 =	vld.idx.msk [tilespmem:v46+s24+$0x0], $0xffff  }
0x2ad: {  	v44 =	vadd.s32 $0x8, v3;
	v12 =	vld.idx.msk [tilespmem:v46+s25+$0x0], $0xffff  }
0x2ae: {  	v43 =	vld [tilespmem:$0x1FC20]  }
0x2af: {  	v41 =	vadd.s32 $0x6, v24;
	v17 =	vor.u32 $0x10, v17;
	v10 =	vld.idx.msk [tilespmem:v49+s24+$0x0], $0xffff  }
0x2b0: {  	v51 =	vmov v26;
	v37 =	vor.u32 v17, v42;
	v42 =	vadd.s32 $0x7, v24;
	v13 =	vld.idx.msk [tilespmem:v7+s24+$0x0], $0xffff  }
0x2b1: {  	v52 =	vmov v27;
	v6 =	vmul.f32 v51, v6;
	v7 =	vld.idx.msk [tilespmem:v7+s25+$0x0], $0xffff  }
0x2b2: {  	v51 =	vmul.f32 v52, v0;
	v52 =	vor.u32 $0x1, v3;
	v4 =	vld.idx.msk [tilespmem:v44+s16+$0x0], $0xffff;
	v31 =	vadd.f32 v16, v31  }
0x2b3: {  	v44 =	vmul.f32 v56, v15;
	v15 =	vld.idx.msk [tilespmem:v49+s25+$0x0], $0xffff  }
0x2b4: {  	v38 =	vor.u32 v17, v5;
	v46 =	vadd.s32 $0xA, v24;
	v56 =	vld.idx.msk [tilespmem:v41+s24+$0x0], $0xffff;
	v5 =	vmul.f32 $5.000000000e-01, v31  }
0x2b5: {  	v17 =	vld.idx.msk [tilespmem:v42+s25+$0x0], $0xffff  }
0x2b6: {  	v32 =	vsub.f32 v5, v9;
	v9 =	vld [tilespmem:$0x1FCC0]  }
0x2b7: {  	v52 =	vld.idx.msk [tilespmem:v52+s16+$0x0], $0xffff  }
0x2b8: {  	v20 =	vmul.f32 v60, v20;
	v60 =	vld [tilespmem:$0x1FE50]  }
0x2b9: {  	v26 =	vld.idx.msk [tilespmem:v46+s25+$0x0], $0xffff;
	v40 =	vadd.f32 v7, v13  }
0x2ba: {  	v13 =	vld.idx.msk [tilespmem:v45+s25+$0x0], $0xffff;
	v45 =	vor.u32 v63, v57  }
0x2bb: {  	v8 =	vmov v33;
	v33 =	vmul.f32 $5.000000000e-01, v40;
	vm2 =	vlt.s32 v45, v9;
	v9 =	vld [tilespmem:$0x1FCD0]  }
0x2bc: {  	v31 =	vld.idx.msk [tilespmem:v42+s24+$0x0], $0xffff  }
0x2bd: {  	v49 =	vadd.s32 $0x9, v24;
	v2 =	vsub.f32 v33, v43;
	v33 =	vld.idx.msk [tilespmem:v46+s24+$0x0], $0xffff  }
0x2be: {  	v47 =	vadd.f32 v14, v47;
	v46 =	vld [tilespmem:$0x1FBD0]  }
0x2bf: {  	v57 =	vadd.s32 $0xD, v24;
	v5 =	vmul.f32 v4, v7;
	v2 =	vmul.f32 v2, v4;
	v4 =	vld.idx.msk [tilespmem:v41+s25+$0x0], $0xffff  }
0x2c0: {  	v16 =	vmul.f32 v52, v16;
	v7 =	vmul.f32 $5.000000000e-01, v47;
	vm3 =	vlt.s32 v45, v9;
	v9 =	vld [tilespmem:$0x1FBB0]  }
0x2c1: {  	v40 =	vadd.s32 $0xB, v24;
	v32 =	vmul.f32 v32, v52;
	v52 =	vld [tilespmem:$0x1FCB0];
	v47 =	vadd.f32 v13, v34  }
0x2c2: {  	v35 =	vadd.f32 v12, v35;
	v34 =	vld.idx.msk [tilespmem:v49+s24+$0x0], $0xffff  }
0x2c3: {  	v41 =	vadd.s32 $0xC, v24;
	v42 =	vmul.f32 $5.000000000e-01, v47;
	v47 =	vld [tilespmem:$0x1FBE0]  }
0x2c4: {  	v35 =	vmul.f32 $5.000000000e-01, v35;
	v27 =	vld.idx.msk [tilespmem:v57+s25+$0x0], $0xffff  }
0x2c5: {  	vm4 =	vne.s32 v45, $0x0;
	v56 =	vadd.f32 v4, v56;
	v39 =	vsub.f32 v7, v9;
	v9 =	vld [tilespmem:$0x1FCE0]  }
0x2c6: {  	v5 =	vsub.f32 v5, v44;
	v44 =	vld.idx.msk [tilespmem:v40+s24+$0x0], $0xffff;
	v2 =	vmul.f32 v2, v2;
	v42 =	vsub.f32 v42, v46  }
0x2c7: {  	v46 =	vadd.s32 $0xF, v55;
	v55 =	vld [tilespmem:$0x1FC00];
	v43 =	vmul.f32 $5.000000000e-01, v56;
	v56 =	vadd.s32 $0xE, v24  }
0x2c8: {  	vm2 =	vmand vm4, vm2;
	v35 =	vsub.f32 v35, v47;
	v47 =	vld.idx.msk [tilespmem:v41+s24+$0x0], $0xffff  }
0x2c9: {  	v7 =	vld.idx.msk [tilespmem:v49+s25+$0x0], $0xffff;
	v49 =	vnsel vm2, $0x0, v2  }
0x2ca: {  	v1 =	vadd.f32 v49, v9;
	v49 =	vld [tilespmem:$0x1FBF0]  }
0x2cb: {  	v10 =	vadd.f32 v15, v10;
	v2 =	vld.idx.msk [tilespmem:v40+s25+$0x0], $0xffff  }
0x2cc: {  	v30 =	vmul.f32 v50, v30;
	v50 =	vld.idx.msk [tilespmem:v56+s24+$0x0], $0xffff  }
0x2cd: {  	v10 =	vmul.f32 $5.000000000e-01, v10;
	v40 =	vsub.f32 v43, v55;
	v43 =	vld.idx.msk [tilespmem:v56+s25+$0x0], $0xffff  }
0x2ce: {  	v56 =	vld [tilespmem:$0x1FCF0]  }
0x2cf: {  	v45 =	vsub.f32 v10, v49;
	v10 =	vmul.f32 v48, v29;
	v48 =	vld.idx.msk [tilespmem:v57+s24+$0x0], $0xffff  }
0x2d0: {  	v57 =	vld [tilespmem:$0x1FD00]  }
0x2d1: {  	v46 =	vld.idx.msk [tilespmem:v46+s24+$0x0], $0xffff  }
0x2d2: {  	v28 =	vmul.f32 v61, v28;
	v5 =	vmul.f32 v5, v5;
	v9 =	vadd.f32 v7, v34;
	v34 =	vld.idx.msk [tilespmem:v41+s25+$0x0], $0xffff  }
0x2d3: {  	vm3 =	vmand vm4, vm3;
	v41 =	vadd.s32 $0xF, v24;
	v61 =	vadd.f32 v43, v50;
	v50 =	vld.idx.msk [tilespmem:v24+s24+$0x0], $0xffff  }
0x2d4: {  	v5 =	vnsel vm3, $0x0, v5;
	v22 =	vmul.f32 v56, v22;
	v56 =	vld [tilespmem:$0x1FC70]  }
0x2d5: {  	v49 =	vmul.f32 $5.000000000e-01, v9;
	v9 =	vadd.f32 v5, v57;
	v57 =	vld [tilespmem:$0x1FC50]  }
0x2d6: {  	v44 =	vadd.f32 v2, v44;
	v5 =	vmul.f32 v54, v53;
	v54 =	vld [tilespmem:$0x1FC40]  }
0x2d7: {  	v33 =	vadd.f32 v26, v33;
	v29 =	vld [tilespmem:$0x1FC10];
	v55 =	vadd.f32 v34, v47  }
0x2d8: {  	v44 =	vmul.f32 $5.000000000e-01, v44;
	v47 =	vld.idx.msk [tilespmem:v41+s24+$0x0], $0xffff  }
0x2d9: {  	v33 =	vmul.f32 $5.000000000e-01, v33;
	v41 =	vld.idx.msk [tilespmem:v41+s25+$0x0], $0xffff;
	v0 =	vmul.f32 $5.000000000e-01, v55  }
0x2da: {  	v31 =	vadd.f32 v17, v31;
	v44 =	vsub.f32 v44, v57;
	v57 =	vld [tilespmem:$0x1FDD0]  }
0x2db: {  	v33 =	vsub.f32 v33, v54;
	v54 =	vsub.f32 v0, v59;
	v59 =	vld [tilespmem:$0x1FC80]  }
0x2dc: {  	v31 =	vmul.f32 $5.000000000e-01, v31;
	v55 =	vld [tilespmem:$0x1FD60]  }
0x2dd: {  	v53 =	vld [tilespmem:$0x1FC30]  }
0x2de: {  	v24 =	vld.idx.msk [tilespmem:v24+s25+$0x0], $0xffff;
	v31 =	vsub.f32 v31, v29;
	v0 =	vmul.f32 $5.000000000e-01, v61  }
0x2df: {  	v48 =	vadd.f32 v27, v48;
	v29 =	vmul.f32 v8, v58;
	v8 =	vmul.f32 v60, v11;
	v60 =	vld [tilespmem:$0x1FC90]  }
0x2e0: {  	v47 =	vadd.f32 v41, v47;
	v23 =	vmul.f32 v57, v23;
	v57 =	vsub.f32 v0, v59;
	v59 =	vld [tilespmem:$0x1FE90]  }
0x2e1: {  	v58 =	vld [tilespmem:$0x1FE10];
	v48 =	vmul.f32 $5.000000000e-01, v48;
	v21 =	vmul.f32 v55, v21;
	v55 =	vadd.s32 $0x2, v3  }
0x2e2: {  	v49 =	vsub.f32 v49, v53;
	v53 =	vld.idx.msk [tilespmem:v37+s24+$0x0], $0xffff  }
0x2e3: {  	v48 =	vsub.f32 v48, v56;
	v56 =	vadd.s32 $0x3, v3;
	v37 =	vld.idx.msk [tilespmem:v37+s25+$0x0], $0xffff;
	v61 =	vmul.f32 $5.000000000e-01, v47  }
0x2e4: {  	v47 =	vld.idx.msk [tilespmem:v38+s24+$0x0], $0xffff  }
0x2e5: {  	v46 =	vmul.f32 v59, v46;
	v59 =	vsub.f32 v61, v60;
	v61 =	vld [tilespmem:$0x1FA60]  }
0x2e6: {  	v0 =	vld.idx.msk [tilespmem:v55+s16+$0x0], $0xffff;
	v55 =	vadd.s32 $0x5, v3  }
0x2e7: {  	v38 =	vld.idx.msk [tilespmem:v38+s25+$0x0], $0xffff  }
0x2e8: {  	v56 =	vld.idx.msk [tilespmem:v56+s16+$0x0], $0xffff;
	v53 =	vadd.f32 v37, v53  }
0x2e9: {  	v50 =	vadd.f32 v24, v50;
	v25 =	vmul.f32 v58, v25;
	v58 =	vadd.s32 $0x4, v3  }
0x2ea: {  	v60 =	vadd.s32 $0x7, v3;
	v11 =	vmul.f32 v61, v36;
	v36 =	vmul.f32 $5.000000000e-01, v53;
	v61 =	vld [tilespmem:$0x1FF40]  }
0x2eb: {  	v16 =	vsub.f32 v16, v30;
	v50 =	vmul.f32 $5.000000000e-01, v50;
	v30 =	vld.idx.msk [tilespmem:v55+s16+$0x0], $0xffff;
	v55 =	vadd.s32 $0xB, v3  }
0x2ec: {  	v47 =	vadd.f32 v38, v47;
	v36 =	vsub.f32 v36, v52;
	v52 =	vadd.s32 $0x9, v3  }
0x2ed: {  	v13 =	vmul.f32 v56, v13;
	v14 =	vmul.f32 v0, v14;
	v53 =	vadd.s32 $0x6, v3  }
0x2ee: {  	v58 =	vld.idx.msk [tilespmem:v58+s16+$0x0], $0xffff;
	v39 =	vmul.f32 v39, v0;
	v0 =	vmul.f32 $5.000000000e-01, v47;
	v47 =	vadd.s32 $0xC, v3  }
0x2ef: {  	v42 =	vmul.f32 v42, v56;
	v56 =	vld.idx.msk [tilespmem:v60+s16+$0x0], $0xffff;
	v50 =	vsub.f32 v50, v61;
	v61 =	vadd.s32 $0xA, v3  }
0x2f0: {  	v13 =	vsub.f32 v13, v28;
	v28 =	vld.idx.msk [tilespmem:v55+s16+$0x0], $0xffff  }
0x2f1: {  	v6 =	vsub.f32 v14, v6;
	v14 =	vld.idx.msk [tilespmem:v52+s16+$0x0], $0xffff  }
0x2f2: {  	v53 =	vld.idx.msk [tilespmem:v53+s16+$0x0], $0xffff;
	v52 =	vadd.s32 $0xE, v3  }
0x2f3: {  	v15 =	vmul.f32 v30, v15;
	v30 =	vmul.f32 v45, v30;
	v45 =	vld.idx.msk [tilespmem:v47+s16+$0x0], $0xffff;
	v47 =	vadd.s32 $0x10, v3  }
0x2f4: {  	v12 =	vmul.f32 v58, v12;
	v35 =	vmul.f32 v35, v58;
	v55 =	vadd.s32 $0x11, v3;
	v58 =	vld.idx.msk [tilespmem:v61+s16+$0x0], $0xffff  }
0x2f5: {  	[tilespmem:$0x1FA70] =	vst v1;
	v1 =	vld [tilespmem:$0x1FCA0];
	v17 =	vmul.f32 v56, v17  }
0x2f6: {  	v15 =	vsub.f32 v15, v22;
	v22 =	vmul.f32 v31, v56;
	v61 =	vld.idx.msk [tilespmem:v3+s16+$0x0], $0xffff;
	v7 =	vmul.f32 v14, v7  }
0x2f7: {  	v2 =	vmul.f32 v28, v2;
	v4 =	vmul.f32 v53, v4;
	v31 =	vld.idx.msk [tilespmem:v52+s16+$0x0], $0xffff  }
0x2f8: {  	v17 =	vsub.f32 v17, v19;
	v7 =	vsub.f32 v7, v20;
	v20 =	vmul.f32 v44, v28;
	v28 =	vld.idx.msk [tilespmem:v47+s16+$0x0], $0xffff  }
0x2f9: {  	v18 =	vsub.f32 v4, v18;
	v4 =	vmul.f32 v58, v26;
	v19 =	vmul.f32 v33, v58;
	v58 =	vld.idx.msk [tilespmem:v55+s16+$0x0], $0xffff  }
0x2fa: {  	v0 =	vsub.f32 v0, v1;
	v1 =	vadd.s32 $0xF, v3;
	_ =	sdelay $0x1  }
0x2fb: {  	v60 =	vadd.s32 $0xD, v3;
	v40 =	vmul.f32 v40, v53;
	v24 =	vmul.f32 v61, v24  }
0x2fc: {  	v21 =	vsub.f32 v4, v21;
	v4 =	vmul.f32 v57, v31;
	v57 =	vmul.f32 v28, v38  }
0x2fd: {  	v53 =	vsub.f32 v2, v29;
	v2 =	vmul.f32 v36, v58;
	v36 =	vmul.f32 v50, v61;
	v61 =	vld [tilespmem:$0x1FD30]  }
0x2fe: {  	v56 =	vld.idx.msk [tilespmem:v1+s16+$0x0], $0xffff  }
0x2ff: {  	v26 =	vsub.f32 v57, v5;
	v5 =	vmul.f32 v39, v39  }
0x300: {  	v12 =	vsub.f32 v12, v51;
	v51 =	vld.idx.msk [tilespmem:v60+s16+$0x0], $0xffff;
	v60 =	vmul.f32 v45, v34  }
0x301: {  	v5 =	vnsel vm2, $0x0, v5  }
0x302: {  	v23 =	vsub.f32 v60, v23;
	v60 =	vmul.f32 v35, v35;
	v35 =	vadd.f32 v5, v61;
	v5 =	vld [tilespmem:$0x1FD40]  }
0x303: {  	v3 =	vmul.f32 v59, v56;
	v55 =	vmul.f32 v56, v41  }
0x304: {  	v56 =	vmul.f32 v58, v37;
	v58 =	vmul.f32 v42, v42  }
0x305: {  	v41 =	vld [tilespmem:$0x1FD80]  }
0x306: {  	v33 =	vnsel vm2, $0x0, v58  }
0x307: {  	v33 =	vadd.f32 v33, v5;
	v5 =	vmul.f32 v40, v40;
	_ =	sdelay $0x1  }
0x308: {  	v5 =	vnsel vm2, $0x0, v5  }
0x309: {  	v37 =	vadd.f32 v5, v41;
	v5 =	vld [tilespmem:$0x1FD90];
	_ =	sdelay $0x1  }
0x30a: {  	v22 =	vmul.f32 v22, v22;
	_ =	sdelay $0x1  }
0x30b: {  	v22 =	vnsel vm2, $0x0, v22  }
0x30c: {  	v5 =	vadd.f32 v22, v5;
	v22 =	vld [tilespmem:$0x1FE60];
	_ =	sdelay $0x1  }
0x30d: {  	v16 =	vmul.f32 v16, v16;
	_ =	sdelay $0x1  }
0x30e: {  	v16 =	vnsel vm3, $0x0, v16  }
0x30f: {  	v10 =	vsub.f32 v24, v10;
	v16 =	vadd.f32 v16, v22;
	v22 =	vld [tilespmem:$0x1FF90];
	_ =	sdelay $0x1  }
0x310: {  	v10 =	vmul.f32 v10, v10;
	_ =	sdelay $0x1  }
0x311: {  	v10 =	vnsel vm3, $0x0, v10  }
0x312: {  	v10 =	vadd.f32 v10, v22;
	v22 =	vld [tilespmem:$0x1FE80]  }
0x313: {  	v32 =	vmul.f32 v32, v32  }
0x314: {  	v13 =	vmul.f32 v13, v13;
	v6 =	vmul.f32 v6, v6  }
0x315: {  	v32 =	vnsel vm2, $0x0, v32  }
0x316: {  	v12 =	vmul.f32 v12, v12;
	v13 =	vnsel vm3, $0x0, v13;
	v6 =	vnsel vm3, $0x0, v6;
	v59 =	vld [tilespmem:$0x1FD10]  }
0x317: {  	v15 =	vmul.f32 v15, v15;
	v52 =	vmul.f32 v51, v27;
	v6 =	vadd.f32 v6, v22;
	v22 =	vld [tilespmem:$0x1FEA0]  }
0x318: {  	v12 =	vnsel vm3, $0x0, v12;
	v34 =	vmul.f32 v54, v45;
	v54 =	vmul.f32 v31, v43;
	v43 =	vld [tilespmem:$0x1FEB0]  }
0x319: {  	v15 =	vnsel vm3, $0x0, v15;
	v29 =	vmul.f32 v48, v51;
	v25 =	vsub.f32 v52, v25;
	v44 =	vld [tilespmem:$0x1FEC0]  }
0x31a: {  	v14 =	vmul.f32 v49, v14;
	v49 =	vmul.f32 v53, v53;
	v31 =	vsub.f32 v55, v46;
	v46 =	vld [tilespmem:$0x1FED0]  }
0x31b: {  	v47 =	vld [tilespmem:$0x1FEE0];
	v7 =	vmul.f32 v7, v7;
	v52 =	vmul.f32 v25, v25;
	v24 =	vadd.f32 v32, v59;
	(xrf2) =	vadd.scan.msk.f32 $0xffff, v10  }
0x31c: {  	v51 =	vld [tilespmem:$0x1FEF0];
	v32 =	vnsel vm2, $0x0, v60;
	v10 =	vmul.f32 v18, v18;
	(xrf2) =	vadd.scan.msk.f32 $0xffff, v16;
	v13 =	vadd.f32 v13, v22  }
0x31d: {  	v53 =	vld [tilespmem:$0x1FF00];
	v7 =	vnsel vm3, $0x0, v7;
	v42 =	vmul.f32 v17, v17;
	v12 =	vadd.f32 v12, v43;
	(xrf2) =	vadd.scan.msk.f32 $0xffff, v6  }
0x31e: {  	v55 =	vld [tilespmem:$0x1FF20];
	v8 =	vsub.f32 v54, v8;
	v15 =	vadd.f32 v15, v44;
	v10 =	vnsel vm3, $0x0, v10;
	(xrf2) =	vadd.scan.msk.f32 $0xffff, v13  }
0x31f: {  	v48 =	vmul.f32 v21, v21;
	v54 =	vld [tilespmem:$0x1FF10];
	v45 =	vnsel vm3, $0x0, v42;
	v10 =	vadd.f32 v10, v46;
	(xrf2) =	vadd.scan.msk.f32 $0xffff, v12  }
0x320: {  	v8 =	vmul.f32 v8, v8;
	v11 =	vsub.f32 v56, v11;
	v56 =	vld [tilespmem:$0x1FF50];
	v13 =	vadd.f32 v45, v47;
	(xrf2) =	vadd.scan.msk.f32 $0xffff, v15  }
0x321: {  	v60 =	vld [tilespmem:$0x1FF60];
	v7 =	vadd.f32 v7, v51;
	v58 =	vmul.f32 v26, v26;
	(xrf2) =	vadd.scan.msk.f32 $0xffff, v10;
	v10 =	vmul.f32 v23, v23  }
0x322: {  	v8 =	vnsel vm3, $0x0, v8;
	v61 =	vld [tilespmem:$0x1FF70];
	v6 =	vmul.f32 v14, v14;
	v12 =	vnsel vm3, $0x0, v48;
	(xrf2) =	vadd.scan.msk.f32 $0xffff, v13  }
0x323: {  	v27 =	vld [tilespmem:$0x1FFA0];
	v14 =	vnsel vm3, $0x0, v49;
	v12 =	vadd.f32 v12, v53;
	(xrf2) =	vadd.scan.msk.f32 $0xffff, v9;
	v9 =	vnsel vm3, $0x0, v10  }
0x324: {  	v26 =	vld [tilespmem:$0x1FF80];
	v10 =	vnsel vm3, $0x0, v52;
	(xrf2) =	vadd.scan.msk.f32 $0xffff, v7;
	v7 =	vmul.f32 v31, v31;
	v9 =	vadd.f32 v9, v55  }
0x325: {  	v14 =	vadd.f32 v14, v54;
	v10 =	vadd.f32 v10, v56;
	v31 =	vmul.f32 v20, v20;
	v20 =	vld [tilespmem:$0x1FDC0]  }
0x326: {  	v11 =	vmul.f32 v11, v11;
	v8 =	vadd.f32 v8, v60;
	v57, _, _ =	vpop (xrf2);
	(xrf2) =	vadd.scan.msk.f32 $0xffff, v12;
	v7 =	vnsel vm3, $0x0, v7  }
0x327: {  	v38 =	vld [tilespmem:$0x1FE30];
	v59, _, _ =	vpop (xrf2);
	(xrf2) =	vadd.scan.msk.f32 $0xffff, v14;
	v7 =	vadd.f32 v7, v61  }
0x328: {  	v25 =	vmul.f32 v36, v36;
	v11 =	vnsel vm3, $0x0, v11;
	v40 =	vld [tilespmem:$0x1FD70];
	(xrf2) =	vadd.scan.msk.f32 $0xffff, v9;
	v9, _, _ =	vpop (xrf2)  }
0x329: {  	v1 =	vld [tilespmem:$0x1FD50];
	v11 =	vadd.f32 v11, v26;
	v13 =	vnsel vm3, $0x0, v58;
	v17 =	vnsel vm2, $0x0, v31;
	(xrf2) =	vadd.scan.msk.f32 $0xffff, v10;
	v10, _, _ =	vpop (xrf2)  }
0x32a: {  	v30 =	vmul.f32 v30, v30;
	v13 =	vadd.f32 v13, v27;
	(xrf2) =	vadd.scan.msk.f32 $0xffff, v8;
	v17 =	vadd.f32 v17, v20;
	v20 =	vld [tilespmem:$0x1FDE0];
	v8, _, _ =	vpop (xrf2)  }
0x32b: {  	v21 =	vld [tilespmem:$0x1FDF0];
	v16 =	vnsel vm2, $0x0, v25;
	(xrf2) =	vadd.scan.msk.f32 $0xffff, v7;
	v7, _, _ =	vpop (xrf2)  }
0x32c: {  	v30 =	vnsel vm2, $0x0, v30;
	v34 =	vmul.f32 v34, v34;
	v16 =	vadd.f32 v16, v38;
	(xrf2) =	vadd.scan.msk.f32 $0xffff, v13;
	v39, _, _ =	vpop (xrf2)  }
0x32d: {  	v3 =	vmul.f32 v3, v3;
	v30 =	vadd.f32 v30, v40;
	v40 =	vmul.f32 v29, v29;
	v22 =	vld [tilespmem:$0x1FE00];
	(xrf2) =	vadd.scan.msk.f32 $0xffff, v11;
	v11, _, _ =	vpop (xrf2)  }
0x32e: {  	v32 =	vadd.f32 v32, v1;
	v1 =	vmul.f32 v19, v19;
	v50 =	vld [tilespmem:$0x1FDA0];
	v18 =	vnsel vm2, $0x0, v34;
	(xrf2) =	vadd.scan.msk.f32 $0xffff, v16;
	v41, _, _ =	vpop (xrf2)  }
0x32f: {  	v4 =	vmul.f32 v4, v4;
	v19 =	vnsel vm2, $0x0, v40;
	v23 =	vld [tilespmem:$0x1FE20];
	v18 =	vadd.f32 v18, v20;
	(xrf2) =	vadd.scan.msk.f32 $0xffff, v24;
	v20, _, _ =	vpop (xrf2)  }
0x330: {  	vm5 =	vmmov $0xf;
	v0 =	vmul.f32 v0, v28;
	v19 =	vadd.f32 v19, v21;
	(xrf2) =	vadd.scan.msk.f32 $0xffff, v35;
	v21, _, _ =	vpop (xrf2)  }
0x331: {  	vm4 =	vmmov $0x7;
	v3 =	vnsel vm2, $0x0, v3;
	v4 =	vnsel vm2, $0x0, v4;
	(xrf2) =	vadd.scan.msk.f32 $0xffff, v33;
	v42, _, _ =	vpop (xrf2)  }
0x332: {  	v0 =	vmul.f32 v0, v0;
	v45 =	vld [tilespmem:$0x1FA70];
	v4 =	vadd.f32 v4, v22;
	v12 =	vbroadcast v57, $0xF;
	(xrf2) =	vadd.scan.msk.f32 $0xffff, v32;
	v22, _, _ =	vpop (xrf2)  }
0x333: {  	v6 =	vnsel vm2, $0x0, v6;
	v14 =	vbroadcast v59, $0xF;
	v10 =	vbroadcast v10, $0xF;
	(xrf2) =	vadd.scan.msk.f32 $0xffff, v30;
	v43, _, _ =	vpop (xrf2)  }
0x334: {  	v6 =	vadd.f32 v6, v50;
	v3 =	vadd.f32 v3, v23;
	v9 =	vbroadcast v9, $0xF;
	(xrf2) =	vadd.scan.msk.f32 $0xffff, v37;
	v23, _, _ =	vpop (xrf2)  }
0x335: {  	v2 =	vmul.f32 v2, v2;
	vm3 =	vmmov $0x3;
	v12 =	vsel vm0, v12, v14;
	(xrf2) =	vadd.scan.msk.f32 $0xffff, v5;
	v5, _, _ =	vpop (xrf2)  }
0x336: {  	v36 =	vld [tilespmem:$0x1FDB0];
	v0 =	vnsel vm2, $0x0, v0;
	v9 =	vsel vm3, v12, v9;
	v8 =	vbroadcast v8, $0xF;
	v46, _, _ =	vpop (xrf2)  }
0x337: {  	v44 =	vld [tilespmem:$0x1FE40];
	v2 =	vnsel vm2, $0x0, v2;
	v9 =	vsel vm4, v9, v10;
	v7 =	vbroadcast v7, $0xF;
	(xrf2) =	vadd.scan.msk.f32 $0xffff, v45;
	v10, _, _ =	vpop (xrf2)  }
0x338: {  	v47 =	vld [tilespmem:$0x1FE70];
	v15 =	vnsel vm2, $0x0, v1;
	vm2 =	vmmov $0x1f;
	v8 =	vsel vm5, v9, v8;
	(xrf2) =	vadd.scan.msk.f32 $0xffff, v6;
	v6, _, _ =	vpop (xrf2)  }
0x339: {  	v7 =	vsel vm2, v8, v7;
	v8 =	vbroadcast v11, $0xF;
	v11, _, _ =	vpop (xrf2)  }
0x33a: {  	v11 =	vbroadcast v11, $0xF  }
0x33b: {  	v15 =	vadd.f32 v15, v36  }
0x33c: {  	v9 =	vbroadcast v39, $0xF;
	v6 =	vbroadcast v6, $0xF;
	v48, _, _ =	vpop (xrf2)  }
0x33d: {  	v2 =	vadd.f32 v2, v44;
	v0 =	vadd.f32 v0, v47;
	(xrf2) =	vadd.scan.msk.f32 $0xffff, v15;
	v49, _, _ =	vpop (xrf2)  }
0x33e: {  	v7 =	vsel vm6, v7, v9;
	v9 =	vbroadcast v41, $0xF;
	v6 =	vsel vm0, v6, v11;
	v11, _, _ =	vpop (xrf2)  }
0x33f: {  	v7 =	vsel vm7, v7, v8;
	v8 =	vbroadcast v48, $0xF;
	v11 =	vbroadcast v11, $0xF  }
0x340: {  	v59 =	vor.u32 $0x20, v62;
	v7 =	vsel vm8, v7, v9;
	(xrf2) =	vadd.scan.msk.f32 $0xffff, v17;
	v9 =	vbroadcast v49, $0xF  }
0x341: {  	v1 =	vbroadcast v46, $0xF;
	v6 =	vsel vm3, v6, v8;
	v8 =	vbroadcast v20, $0xF;
	(xrf2) =	vadd.scan.msk.f32 $0xffff, v18;
	v50, _, _ =	vpop (xrf2)  }
0x342: {  	vm3 =	vmmov $0x1ff;
	v6 =	vsel vm4, v6, v9;
	(xrf2) =	vadd.scan.msk.f32 $0xffff, v19;
	v9 =	vbroadcast v50, $0xF;
	v51, _, _ =	vpop (xrf2)  }
0x343: {  	v7 =	vsel vm3, v7, v8;
	(xrf2) =	vadd.scan.msk.f32 $0xffff, v4;
	v6 =	vsel vm5, v6, v11;
	v8 =	vbroadcast v51, $0xF;
	v11, _, _ =	vpop (xrf2)  }
0x344: {  	v1 =	vnsel vm0, $0x0, v1;
	v6 =	vsel vm2, v6, v9;
	(xrf2) =	vadd.scan.msk.f32 $0xffff, v3;
	v11 =	vbroadcast v11, $0xF;
	v4, _, _ =	vpop (xrf2)  }
0x345: {  	vm4 =	vmmov $0x7ff;
	v6 =	vsel vm6, v6, v8;
	(xrf2) =	vadd.scan.msk.f32 $0xffff, v0;
	v52 =	vbroadcast v4, $0xF  }
0x346: {  	v9 =	vbroadcast v21, $0xF;
	vm2 =	vmmov $0x3ff;
	v53, _, _ =	vpop (xrf2);
	(xrf2) =	vadd.scan.msk.f32 $0xffff, v2;
	v6 =	vsel vm7, v6, v11  }
0x347: {  	v54, _, _ =	vpop (xrf2);
	v0 =	vbroadcast v53, $0xF;
	v3 =	vsel vm8, v6, v52;
	v6 =	vbroadcast v42, $0xF  }
0x348: {  	v4 =	vsel vm2, v7, v9;
	v7 =	vbroadcast v22, $0xF;
	v2 =	vbroadcast v54, $0xF  }
0x349: {  	v0 =	vsel vm3, v3, v0;
	v4 =	vsel vm4, v4, v6;
	v6 =	vbroadcast v43, $0xF  }
0x34a: {  	vm5 =	vmmov $0x3fff;
	v55, _, _ =	vpop (xrf2);
	vm3 =	vmmov $0xfff;
	v0 =	vsel vm2, v0, v2  }
0x34b: {  	v56, _, _ =	vpop (xrf2);
	vm2 =	vmmov $0x1fff;
	v4 =	vsel vm3, v4, v7;
	v7 =	vbroadcast v23, $0xF  }
0x34c: {  	v9 =	vbroadcast v10, $0xF;
	v3 =	vbroadcast v55, $0xF;
	v8, _, _ =	vpop (xrf2);
	v4 =	vsel vm2, v4, v6  }
0x34d: {  	v2 =	vbroadcast v56, $0xF;
	v4 =	vsel vm5, v4, v7;
	v7 =	vor.u32 $0x10, v62;
	v6, _, _ =	vpop (xrf2)  }
0x34e: {  	v10 =	vor.u32 $0x30, v62;
	v0 =	vsel vm4, v0, v3;
	v57 =	vbroadcast v8, $0xF;
	v58, _, _ =	vpop (xrf2)  }
0x34f: {  	vm4 =	vmmov $0x7fff;
	v0 =	vsel vm3, v0, v2;
	v6 =	vbroadcast v6, $0xF;
	v8, _, _ =	vpop (xrf2)  }
0x350: {  	v0 =	vsel vm2, v0, v57;
	v4 =	vsel vm4, v4, v5;
	v5 =	vbroadcast v8, $0xF;
	v8, _, _ =	vpop (xrf2)  }
0x351: {  	v1 =	vsel vm1, v1, v9;
	[tilespmem:v62+s20+$0x0] =	vst.idx.msk $0xffff, v4;
	v0 =	vsel vm5, v0, v6;
	v4 =	vbroadcast v8, $0xF  }
0x352: {  	[tilespmem:v7+s20+$0x0] =	vst.idx.msk $0xffff, v1;
	v0 =	vsel vm4, v0, v58;
	v60 =	vnsel vm0, $0x0, v5  }
0x353: {  	[tilespmem:v59+s20+$0x0] =	vst.idx.msk $0xffff, v0;
	v0 =	vld [tilespmem:$0x1FF30];
	v61 =	vsel vm1, v60, v4  }
0x354: {  	s3 =	rddreg [dreg:$0x8];
	[tilespmem:v10+s20+$0x0] =	vst.idx.msk $0xffff, v61  }
0x355: {  	[hbm4b:s3+s4] =	stream.linear.scatter [tilespmem:s20], [sflag:$0x4], $0x40, $0x38;
	[tilespmem:$0x117D0] =	vst v63  }
0x356: {  	_ =	swait.ge [sflag:s13], $0x40  }
0x357: {  	v1 =	vlaneseq.u32 @!p0;
	v3 =	vld [tilespmem:$0x1FBC0]  }
0x358: {  	v0 =	vadd.s32 @!p0 v1, v0;
	_ =	sdelay $0x2  }
0x359: {  	v2 =	vimm.s32 @!p0 $0x1;
	vm2 =	vcmask @!p0 $0x300;
	[sflag:s13] =	ssyncset.done $0x0  }
0x35a: {  	s31 =	simm.s32 @!p0 $0x11670;
	v2 =	vsel @!p0 vm2, $0x0, v2;
	[sflag:s13] =	ssyncadd.s32 $0xFFFFFFC0;
	v3 =	vand.u32 @!p0 $0xF, v3  }
0x35b: {  	v0 =	vld.idx.msk @!p0 [tilespmem:v0+s31+$0x0], $0xffff;
	v2 =	vor.u32 @!p0 v2, v3  }
0x35c: {  	v2 =	vor.u32 @!p0 $0x10, v2;
	_ =	sdelay $0x2  }
0x35d: {  	s3 =	simm.s32 @!p0 $0x117B0  }
0x35e: {  	[tilespmem:v1+s3+$0x0] =	vst.idx.msk @!p0 $0xffff, v0  }
0x35f: {  	v1 =	vor.u32 @!p0 $0x10, v1;
	v0 =	vld.idx.msk @!p0 [tilespmem:v2+s31+$0x0], $0xffff;
	_ =	sdelay $0x4  }
0x360: {  	s0 =	rddreg [dreg:$0x9];
	s31 =	simm.s32 @!p0 $0x0;
	[tilespmem:v1+s3+$0x0] =	vst.idx.msk @!p0 $0xffff, v0  }
0x361: {  	[hbm4b:s0+s31] =	stream.linear.scatter @!p0 [tilespmem:s3], [sflag:$0x4], $0x20, $0x38;
	[tilespmem:$0x117D0] =	vst v63  }
0x362: {  	s3 =	simm.s32 @!p0 $0x4  }
0x363: {  	_ =	swait.ge @!p0 [sflag:s3], $0x20  }
0x364: {  	s12 =	sadd.s32 $0x1, s12;
	s31 =	rddreg [dreg:$0xa]  }
0x365: {  	p1 =	sne.s32 s12, s31  }
.Ltmp2:
0x366: {  	v22 =	vld [tilespmem:$0x1FFF0];
	(pc) =	sbr.rel @p1 .LBB2_1-.Ltmp2, $3  }
0x367: {  	_ =	sdelay $0x1  }
0x368: {  	[sflag:s3] =	ssyncset.done @!p0 $0x0;
	v7 =	vld [tilespmem:$0x1FFD0]  }
0x369: {  	s0 =	simm.s32 $0x820;
	v8 =	vld [tilespmem:$0x1FFE0];
	[sflag:s3] =	ssyncadd.s32 @!p0 $0xFFFFFFE0  }
0x36a: {  	_ =	sfence.sel $0x180000  }
0x36b: {  	[bflag:$0x0] =	sbarrier.arrive $0xFFFF  }
0x36c: {  	_ =	strace $0x9000004D  }
0x36d: {  	s0 =	stileid.u32;
	[bflag:$0x2] =	sbarrier.arrive $0xFFFF  }
0x36e: {  	p0 =	sne.s32 s0, $0x0;
	s0 =	rddreg [dreg:$0x4]  }
0x36f: {  	s0 =	sadd.s32 @!p0 $0x100000, s0  }
0x370: {  	[sflag:s0] =	ssyncadd.tile.s32 @!p0 $0x1;
	_ =	shalt  }
.Lfunc_end2:
_tile_overlayer_lowered:
.L_overlay_start_2:
0x371: {  	(tag) =	ssettag $0x2  }
0x372: {  	s0 =	rddreg [dreg:$0x0];
	s2 =	stileid.u32  }
0x373: {  	s1 =	rddreg [dreg:$0x1];
	p0 =	sne.s32 s2, $0x0  }
0x374: {  	s3 =	rddreg [dreg:$0x2];
	[bflag:$0x3] =	sbarrier.arrive $0xFFFF;
	s2 =	simm.s32 @!p0 $0x1C04  }
0x375: {  	[timem:s3], [sflag:s2] =	dma.local @!p0 [hbm:s0], s1  }
0x376: {  	s0 =	simm.s32 @!p0 $0x4  }
0x377: {  	_ =	swait.ge @!p0 [sflag:s0], s1  }
0x378: {  	s1 =	ssub.s32 @!p0 $0x0, s1;
	[sflag:s0] =	ssyncset.done @!p0 $0x0  }
0x379: {  	[sflag:s0] =	ssyncadd.s32 @!p0 s1  }
0x37a: {  	[bflag:$0x3] =	sbarrier.arrive $0xFFFF  }
0x37b: {  	_ =	shalt  }

// kernel: kernel.5.cloned.1.call-start
scs
__scs_entry_jumppad:
0x0: {  	(pc) =	sbr.rel $0x88, $3  }
0x1: {  	(tag) =	ssettag $0x0;
	lr =	simm.s32 $0x1  }
0x2: {  	[smem:$0x3F9B] =	sst lr;
	_ =	strace $0xD0000000  }
0x3: {  	_ = 	snop  }
0x4: {  	_ = 	snop  }
0x5: {  	_ = 	snop  }
0x6: {  	_ = 	snop  }
0x7: {  	_ = 	snop  }
__scs_overlays_trampoline_lowered:
0x8: {  	[smem:$0x3FAA] =	sst s0  }
0x9: {  	[smem:$0x3FAB] =	sst s1  }
0xa: {  	[smem:$0x3FAC] =	sst s2  }
0xb: {  	[smem:$0x3FAD] =	sst s3  }
0xc: {  	[smem:$0x3FAE] =	sst s4  }
0xd: {  	[smem:$0x3FAF] =	sst s5  }
0xe: {  	[smem:$0x3FB0] =	sst s6  }
0xf: {  	[smem:$0x3FB1] =	sst s7  }
0x10: {  	[smem:$0x3FB2] =	sst s8  }
0x11: {  	[smem:$0x3FB3] =	sst s9;
	s0 =	simm.s32 @!p0 $0x0  }
0x12: {  	s1 =	sld [smem:$0x3F99];
	s0 =	simm.s32 @p0 $0x1  }
0x13: {  	[smem:$0x3FB4] =	sst s0;
	s0 =	simm.s32 @!p1 $0x0  }
0x14: {  	s2 =	sld [smem:$0x3F98];
	s0 =	simm.s32 @p1 $0x1  }
0x15: {  	[smem:$0x3FB5] =	sst s0;
	s0 =	simm.s32 @!p2 $0x0  }
0x16: {  	s3 =	sld [smem:$0x3FDB];
	s0 =	simm.s32 @p2 $0x1  }
0x17: {  	s4 =	simm.s32 $0x1BF5;
	[smem:$0x3FB7] =	sst s0  }
0x18: {  	s0 =	sld [smem:$0x3F9A];
	_ =	swait.ge [sflag:s4], $0x0  }
0x19: {  	s7 =	sld [smem:$0x3F9B]  }
0x1a: {  	s8 =	sadd.s32 $0xFFFFE003, lr  }
0x1b: {  	s9 =	sadd.s32 $0xFFFFFEF7, lr;
	s5 =	simm.s32 $0xFFFFFFFF;
	p2 =	slt.u32 s8, $0xFFFFF086  }
0x1c: {  	p1 =	slt.u32 s9, $0xF7A;
	s5 =	simm.s32 @!p2 $0x0  }
0x1d: {  	s5 =	simm.s32 @p1 $0x1;
	p0 =	seq.s32 s7, s2  }
0x1e: {  	s7 =	smul.u32 @!p0 $0xF7A, s2;
	p2 =	seq.s32 @!p0 s5, $0x0  }
0x1f: {  	s9 =	smul.u32 $0xF7A, s1;
	s8 =	simm.s32 @!p0 $0x1BF5;
	p2 =	por !p2, p0  }
0x20: {  	[sflag:s8] =	ssyncset.s32 @!p0 $0xFFFFF086;
	s6 =	sadd.s32 @!p0 s3, s7;
	s7 =	simm.s32 @!p0 $0x108  }
0x21: {  	s3 =	sadd.s32 s3, s9;
	s6 =	sadd.s32 @!p0 $0x88, s6;
	s7 =	simm.s32 @p2 $0x1082  }
0x22: {  	[simem:s7], [sflag:s8] =	dma.local @!p0 [hbm:s6], $0xF7A  }
0x23: {  	s9 =	sor.u32 $0xD0000000, s2;
	s6 =	simm.s32 $0x108;
	_ =	swait.ge @!p0 [sflag:s8], $0x0  }
0x24: {  	s3 =	sadd.s32 $0x88, s3;
	s6 =	simm.s32 @!p1 $0x1082;
	[sflag:s4] =	ssyncset.s32 $0xFFFFF086  }
0x25: {  	[simem:s6], [sflag:s4] =	dma.local [hbm:s3], $0xF7A  }
0x26: {  	[smem:$0x3F9B] =	sst s1;
	(tag) =	ssettag s2;
	_ =	strace s9  }
0x27: {  	s1 =	sld [smem:$0x3FAB]  }
0x28: {  	s2 =	sld [smem:$0x3FAC]  }
0x29: {  	s4 =	sld [smem:$0x3FAE]  }
0x2a: {  	p0 =	seq.s32 s5, $0x0;
	s5 =	sld [smem:$0x3FAF]  }
0x2b: {  	s6 =	sld [smem:$0x3FB0]  }
0x2c: {  	s7 =	sld [smem:$0x3FB1]  }
0x2d: {  	s3 =	simm.s32 $0x108;
	s8 =	sld [smem:$0x3FB2]  }
0x2e: {  	s3 =	simm.s32 @!p0 $0x1082;
	s9 =	sld [smem:$0x3FB3]  }
0x2f: {  	lr =	sadd.s32 s0, s3;
	s0 =	sld [smem:$0x3FAA]  }
0x30: {  	s3 =	sld [smem:$0x3FAD]  }
0x31: {  	[smem:$0x3FB6] =	sst s10  }
0x32: {  	s10 =	sld [smem:$0x3FB4];
	_ =	sdelay $0x3  }
0x33: {  	p0 =	seq.s32 s10, $0x1;
	s10 =	sld [smem:$0x3FB6];
	_ =	sdelay $0x3  }
0x34: {  	[smem:$0x3FB6] =	sst s10  }
0x35: {  	s10 =	sld [smem:$0x3FB5];
	_ =	sdelay $0x3  }
0x36: {  	p1 =	seq.s32 s10, $0x1;
	s10 =	sld [smem:$0x3FB6];
	_ =	sdelay $0x3  }
0x37: {  	[smem:$0x3FB6] =	sst s10  }
0x38: {  	s10 =	sld [smem:$0x3FB7]  }
0x39: {  	_ = 	snop;
	(pc) =	sbr.ind lr, $3  }
0x3a: {  	_ = 	snop  }
0x3b: {  	_ = 	snop  }
0x3c: {  	p2 =	seq.s32 s10, $0x1;
	s10 =	sld [smem:$0x3FB6]  }
0x3d: {  	_ =	shalt  }
0x3e: {  	_ =	shalt  }
0x3f: {  	_ =	shalt  }
0x40: {  	_ =	shalt  }
0x41: {  	_ =	shalt  }
0x42: {  	_ =	shalt  }
0x43: {  	_ =	shalt  }
0x44: {  	_ =	shalt  }
0x45: {  	_ =	shalt  }
0x46: {  	_ =	shalt  }
0x47: {  	_ =	shalt  }
0x48: {  	_ =	shalt  }
0x49: {  	_ =	shalt  }
0x4a: {  	_ =	shalt  }
0x4b: {  	_ =	shalt  }
0x4c: {  	_ =	shalt  }
0x4d: {  	_ =	shalt  }
0x4e: {  	_ =	shalt  }
0x4f: {  	_ =	shalt  }
0x50: {  	_ =	shalt  }
0x51: {  	_ =	shalt  }
0x52: {  	_ =	shalt  }
0x53: {  	_ =	shalt  }
0x54: {  	_ =	shalt  }
0x55: {  	_ =	shalt  }
0x56: {  	_ =	shalt  }
0x57: {  	_ =	shalt  }
0x58: {  	_ =	shalt  }
0x59: {  	_ =	shalt  }
0x5a: {  	_ =	shalt  }
0x5b: {  	_ =	shalt  }
0x5c: {  	_ =	shalt  }
0x5d: {  	_ =	shalt  }
0x5e: {  	_ =	shalt  }
0x5f: {  	_ =	shalt  }
0x60: {  	_ =	shalt  }
0x61: {  	_ =	shalt  }
0x62: {  	_ =	shalt  }
0x63: {  	_ =	shalt  }
0x64: {  	_ =	shalt  }
0x65: {  	_ =	shalt  }
0x66: {  	_ =	shalt  }
0x67: {  	_ =	shalt  }
0x68: {  	_ =	shalt  }
0x69: {  	_ =	shalt  }
0x6a: {  	_ =	shalt  }
0x6b: {  	_ =	shalt  }
0x6c: {  	_ =	shalt  }
0x6d: {  	_ =	shalt  }
0x6e: {  	_ =	shalt  }
0x6f: {  	_ =	shalt  }
0x70: {  	_ =	shalt  }
0x71: {  	_ =	shalt  }
0x72: {  	_ =	shalt  }
0x73: {  	_ =	shalt  }
0x74: {  	_ =	shalt  }
0x75: {  	_ =	shalt  }
0x76: {  	_ =	shalt  }
0x77: {  	_ =	shalt  }
0x78: {  	_ =	shalt  }
0x79: {  	_ =	shalt  }
0x7a: {  	_ =	shalt  }
0x7b: {  	_ =	shalt  }
0x7c: {  	_ =	shalt  }
0x7d: {  	_ =	shalt  }
0x7e: {  	_ =	shalt  }
0x7f: {  	_ =	shalt  }
0x80: {  	_ =	shalt  }
0x81: {  	_ =	shalt  }
0x82: {  	_ =	shalt  }
0x83: {  	_ =	shalt  }
0x84: {  	_ =	shalt  }
0x85: {  	_ =	shalt  }
0x86: {  	_ =	shalt  }
0x87: {  	_ =	shalt  }
.Lfunc_end0:
.L_simem_size_0:
called_computation_lowered:
.L_overlay_start_0:
0x88: {  	s2 =	sld [smem:$0x3FD9]  }
0x89: {  	s3 =	sld [smem:$0x3FFE];
	_ =	sdelay $0x1  }
0x8a: {  	s1 =	srdreg.scid  }
0x8b: {  	s0 =	sand.u32 $0x1, s1  }
0x8c: {  	s16 =	sshll.u32 s0, $0xA;
	s2 =	sadd.s32 s3, s2  }
0x8d: {  	s2 =	sadd.s32 s2, s16  }
0x8e: {  	[smem:$0x3FC2] =	sst s2  }
0x8f: {  	_ = 	snop  }
0x90: {  	(tm) =	ssettm $0x1  }
0x91: {  	s17 =	sld [smem:$0x3FFB];
	_ =	sdelay $0x3  }
0x92: {  	_ =	strace s17  }
0x93: {  	s2 =	sld [smem:$0x3FFC];
	_ =	sdelay $0x3  }
0x94: {  	_ =	strace s2  }
0x95: {  	s2 =	sld [smem:$0x3FFD];
	_ =	sdelay $0x3  }
0x96: {  	_ =	strace s2  }
0x97: {  	_ =	strace $0x8FFFFFFF  }
0x98: {  	s18 =	sld [smem:$0x3FDB];
	_ =	sdelay $0x1  }
0x99: {  	s19 =	simm.s32 $_scs_section_size  }
0x9a: {  	s4 =	simm.s32 $_size__tile_overlayer_lowered;
	s5 =	simm.s32 $_tile_overlayer_lowered  }
0x9b: {  	s22 =	simm.s32 $0x1BFF;
	s21 =	sshll.u32 s5, $0x1;
	s2 =	sadd.s32 s19, s18  }
0x9c: {  	s6 =	simm.s32 $0x0;
	s20 =	sshll.u32 s4, $0x1;
	s4 =	sadd.s32 s21, s2  }
0x9d: {  	[timem:s6], [sflag:s22] =	dma.local [hbm:s4], s20  }
0x9e: {  	_ =	swait.ge [sflag:s22], s20  }
0x9f: {  	s3 =	ssub.s32 $0x0, s20;
	[sflag:s22] =	ssyncset.done $0x0  }
0xa0: {  	[sflag:s22] =	ssyncadd.s32 s3;
	_ =	sdelay $0x1  }
0xa1: {  	s23 =	simm.s32 $0x1B8B  }
0xa2: {  	_ =	swait.ge [sflag:s23], $0x1  }
0xa3: {  	[sflag:s23] =	ssyncset.done $0x0  }
0xa4: {  	s25 =	simm.s32 $0x1B8E;
	s24 =	sld [smem:$0x3FFE];
	[sflag:s23] =	ssyncadd.s32 $0xFFFFFFFF  }
0xa5: {  	s26 =	simm.s32 $execute0_lowered;
	[smem:$0x3FD2] =	sst s25  }
0xa6: {  	s4 =	sshll.u32 s26, $0x1;
	_ =	strace $0x80000046;
	[dreg:$0x1] =	wrdreg $0xFFFFFFFF  }
0xa7: {  	s28 =	simm.s32 $_size_execute0_lowered;
	s2 =	sadd.s32 s2, s4;
	[dreg:$0x0] =	wrdreg $0x0  }
0xa8: {  	s4 =	sshll.u32 s28, $0x1;
	[dreg:$0x2] =	wrdreg s2  }
0xa9: {  	[dreg:$0x3] =	wrdreg s4  }
0xaa: {  	[dreg:$0x4] =	wrdreg $0xC0  }
0xab: {  	_ =	task [dreg:s6], $0x5FFFF  }
0xac: {  	[dreg:$0x1] =	wrdreg $0xFFFFFFFF  }
0xad: {  	[dreg:$0x0] =	wrdreg $0x60  }
0xae: {  	[dreg:$0x2] =	wrdreg s24  }
0xaf: {  	[dreg:$0x3] =	wrdreg $0x9  }
0xb0: {  	_ =	task.clear_ibuf [dreg:s6], $0x4FFFF;
	_ =	strace $0x90000046  }
0xb1: {  	s29 =	simm.s32 $0x9;
	_ =	strace $0x80000048  }
0xb2: {  	_ =	swait.ge [sflag:s29], $0x1  }
0xb3: {  	[sflag:s29] =	ssyncadd.s32 $0xFFFFFFFF  }
0xb4: {  	_ =	strace $0x90000048  }
0xb5: {  	_ =	sfence  }
0xb6: {  	s30 =	sld [smem:$0x0];
	_ =	sdelay $0x2  }
0xb7: {  	s31 =	sshll.u32 s1, $0xD;
	s1 =	sshrl.u32 s1, $0x2  }
0xb8: {  	s3 =	sand.u32 $0x4000, s31;
	s1 =	sadd.s32 s1, s30  }
0xb9: {  	s0 =	sor.u32 s3, s0;
	s1 =	sshll.u32 s1, $0x11  }
0xba: {  	s0 =	sor.u32 s1, s0  }
0xbb: {  	s0 =	sadd.s32 $0x8F2B, s0  }
0xbc: {  	[sflag:s0] =	ssyncadd.remote.s32 $0x1  }
0xbd: {  	_ =	sfence.sel $0xFFFF  }
0xbe: {  	[dreg:$0x0] =	wrdreg $0xFFFFFFFF;
	(pc) =	sbr.abs _section_cstart, $3  }
0xbf: {  	[dreg:$0x1] =	wrdreg $0xFFFFFFFF  }
0xc0: {  	_ =	task.clear_ibuf [dreg:s6], $0x2FFFF;
	_ =	strace $0x9FFFFFFF  }
0xc1: {  	(tm) =	ssettm $0x7FFFFFFF  }
tec
execute0_lowered:
.L_overlay_start_1:
0x0: {  	(tag) =	ssettag $0x1  }
0x1: {  	v0 =	vimm.s32 $0x21201F1E  }
0x2: {  	v1 =	vimm.s32 $0x25242322;
	v2 =	vimm.s32 $0x19181110;
	v3 =	vimm.s32 $0x1D1C1B1A  }
0x3: {  	vm0 =	vcmask $0x1F10;
	v4 =	vimm.s32 $0x3B3A3938;
	v5 =	vimm.s32 $0x33323130  }
0x4: {  	v6 =	vimm.s32 $0x4D4C4B4A;
	v7 =	vimm.s32 $0x51504F4E;
	v8 =	vimm.s32 $0x3F3E3D3C  }
0x5: {  	v9 =	vimm.s32 $0x49484140;
	v10 =	vimm.s32 $0x7D7C7B7A;
	v11 =	vimm.s32 $0x85848382  }
0x6: {  	v12 =	vimm.s32 $0x9F9E9D9C;
	v13 =	vimm.s32 $0xA9A8A1A0;
	v14 =	vimm.s32 $0x97969594  }
0x7: {  	v15 =	vimm.s32 $0x9B9A9998;
	v0 =	vunpack.c.0.s8.s32 v0;
	v1 =	vunpack.c.0.s8.s32 v1  }
0x8: {  	v2 =	vunpack.c.0.s8.s32 v2;
	v3 =	vunpack.c.0.s8.s32 v3;
	v5 =	vunpack.c.0.s8.s32 v5  }
0x9: {  	v6 =	vunpack.c.0.s8.s32 v6;
	v7 =	vunpack.c.0.s8.s32 v7;
	v8 =	vunpack.c.0.s8.s32 v8  }
0xa: {  	v9 =	vunpack.c.0.s8.s32 v9;
	v10 =	vunpack.c.0.s8.s32 v10;
	v11 =	vunpack.c.0.s8.s32 v11  }
0xb: {  	v0 =	vsel vm0, v1, v0;
	v1 =	vimm.s32 $0x37363534;
	v2 =	vsel vm0, v3, v2  }
0xc: {  	v3 =	vunpack.c.0.s8.s32 v4;
	v4 =	vimm.s32 $0x29282726;
	v1 =	vunpack.c.0.s8.s32 v1  }
0xd: {  	v12 =	vunpack.c.0.s8.s32 v12;
	v13 =	vunpack.c.0.s8.s32 v13;
	v4 =	vunpack.c.0.s8.s32 v4  }
0xe: {  	v14 =	vunpack.c.0.s8.s32 v14;
	v0 =	vcombine.low v2, v0;
	v1 =	vsel vm0, v3, v1  }
0xf: {  	v2 =	vsel vm0, v5, v4;
	v3 =	vsel vm0, v7, v6;
	v4 =	vsel vm0, v9, v8  }
0x10: {  	v5 =	vimm.s32 $0x63626160;
	v6 =	vimm.s32 $0x67666564;
	v7 =	vimm.s32 $0x55545352  }
0x11: {  	s0 =	srdreg.scid;
	v8 =	vimm.s32 $0x59585756;
	v9 =	vimm.s32 $0x79787170;
	v5 =	vunpack.c.0.s8.s32 v5  }
0x12: {  	s5 =	sand.u32 $0x1, s0;
	v6 =	vunpack.c.0.s8.s32 v6;
	v7 =	vunpack.c.0.s8.s32 v7;
	v8 =	vunpack.c.0.s8.s32 v8  }
0x13: {  	s0 =	stileid.u32;
	v15 =	vunpack.c.0.s8.s32 v15;
	s2 =	smul.u32 $0xFFFFFE79, s5;
	v9 =	vunpack.c.0.s8.s32 v9;
	v1 =	vcombine.low v2, v1  }
0x14: {  	s3 =	smul.u32 $0xFFFFFCF2, s0;
	v2 =	vcombine.low v4, v3;
	v4 =	vsel vm0, v6, v5;
	v5 =	vsel vm0, v8, v7  }
0x15: {  	s4 =	rddreg [dreg:$0x0];
	s1 =	simm.s32 $0x0;
	v6 =	vsel vm0, v10, v9;
	v7 =	vimm.s32 $0x89888786;
	v8 =	vimm.s32 $0x93929190  }
0x16: {  	s10 =	simm.s32 $0x0;
	[smem:$0x7FF] =	sst s1;
	s2 =	sadd.s32 s3, s2;
	v10 =	vimm.s32 $0x81807F7E;
	v7 =	vunpack.c.0.s8.s32 v7;
	v8 =	vunpack.c.0.s8.s32 v8  }
0x17: {  	s7 =	ssub.s32 $0x2, s5;
	s9 =	sshll.u32 s0, $0x1;
	s3 =	sadd.s32 $0x30D4, s2;
	v3 =	vimm.s32 $0x6B6A6968;
	v9 =	vimm.s32 $0x6F6E6D6C;
	v10 =	vunpack.c.0.s8.s32 v10  }
0x18: {  	s8 =	sshrl.u32 s7, $0x1;
	s5 =	sor.u32 s5, s9;
	s6 =	smin.u32 s3, $0x187;
	v3 =	vunpack.c.0.s8.s32 v3;
	v7 =	vsel vm0, v8, v7;
	v8 =	vunpack.c.0.s8.s32 v9  }
0x19: {  	s9 =	simm.s32 $0x2400;
	s7 =	ssub.s32 s7, s8;
	s6 =	smul.u32 $0x556, s6;
	v9 =	vsel vm0, v11, v10;
	v10 =	vsel vm0, v13, v12;
	v11 =	vsel vm0, v15, v14  }
0x1a: {  	s5 =	smul.u32 $0x187, s5;
	s8 =	simm.s32 $0x1;
	s2 =	rddreg [dreg:$0x1];
	v7 =	vcombine.low v9, v7;
	v9 =	vcombine.low v11, v10;
	v8 =	vsel vm0, v8, v3  }
0x1b: {  	_ =	strace $0x80000047;
	s7 =	smax.u32 s7, $0x1;
	s6 =	sadd.s32 $0xFACA, s6;
	v4 =	vcombine.low v5, v4;
	v3 =	vlaneseq.u32;
	v5 =	vcombine.low v8, v6  }
0x1c: {  	s3 =	sadd.s32 $0x2400, s4;
	s4 =	sadd.s32 $0x4B800, s4;
	s6 =	sshrl.u32 s6, $0x10;
	v6 =	vand.u32 $0xFF, v7;
	v7 =	vand.u32 $0xFF, v9;
	v8 =	vadd.s32 $0xAA, v3  }
.LBB2_1:
0x1d: {  	s11 =	simm.s32 $0x0  }
.LBB2_2:
0x1e: {  	s12 =	smul.u32 $0x30, s11  }
0x1f: {  	s13 =	simm.s32 $0x0  }
0x20: {  	v9 =	vmov s13;
	s12 =	sadd.s32 s5, s12  }
0x21: {  	v9 =	vmul.u32 $0x18, v9;
	p0 =	slt.s32 s12, $0x30A4  }
0x22: {  	s12 =	simm.s32 @!p0 $0x30A4  }
0x23: {  	v10 =	vbroadcast v9, $0x0;
	s14 =	smul.u32 $0x18, s12;
	_ =	sdelay $0x1  }
0x24: {  	v9 =	vor.u32 v3, v10;
	s14 =	sadd.s32 s3, s14  }
0x25: {  	[tilespmem:s13], [sflag:$0x1] =	stream.linear.gather [hbm4b:s14+s13], $0x2400, $0x38;
	[tilespmem:$0x3F00] =	vst v63  }
0x26: {  	_ =	swait.ge [sflag:s8], $0x2400  }
0x27: {  	[sflag:s8] =	ssyncset.done $0x0  }
0x28: {  	s24 =	simm.s32 $0x0;
	[sflag:s8] =	ssyncadd.s32 $0xFFFFDC00  }
0x29: {  	v11 =	vor.u32 s24, v3;
	v9 =	vld.idx.msk [tilespmem:v9+s1+$0x0], $0xffff  }
0x2a: {  	v12 =	vor.u32 v0, v10;
	_ =	sdelay $0x3  }
0x2b: {  	s25 =	simm.s32 $0x10;
	[tilespmem:v11+s9+$0x0] =	vst.idx.msk $0xffff, v9  }
0x2c: {  	v11 =	vor.u32 s25, v3;
	v9 =	vld.idx.msk [tilespmem:v12+s1+$0x0], $0xffff  }
0x2d: {  	v12 =	vor.u32 v1, v10;
	_ =	sdelay $0x3  }
0x2e: {  	s26 =	simm.s32 $0x20;
	[tilespmem:v11+s9+$0x0] =	vst.idx.msk $0xffff, v9  }
0x2f: {  	v11 =	vor.u32 s26, v3;
	v9 =	vld.idx.msk [tilespmem:v12+s1+$0x0], $0xffff  }
0x30: {  	v12 =	vadd.s32 v2, v10;
	_ =	sdelay $0x3  }
0x31: {  	s28 =	simm.s32 $0x30;
	[tilespmem:v11+s9+$0x0] =	vst.idx.msk $0xffff, v9  }
0x32: {  	v11 =	vor.u32 s28, v3;
	v9 =	vld.idx.msk [tilespmem:v12+s1+$0x0], $0xffff  }
0x33: {  	v12 =	vadd.s32 v4, v10;
	_ =	sdelay $0x3  }
0x34: {  	s29 =	simm.s32 $0x40;
	[tilespmem:v11+s9+$0x0] =	vst.idx.msk $0xffff, v9  }
0x35: {  	v11 =	vor.u32 s29, v3;
	v9 =	vld.idx.msk [tilespmem:v12+s1+$0x0], $0xffff  }
0x36: {  	v12 =	vadd.s32 v5, v10;
	_ =	sdelay $0x3  }
0x37: {  	s30 =	simm.s32 $0x50;
	[tilespmem:v11+s9+$0x0] =	vst.idx.msk $0xffff, v9  }
0x38: {  	v11 =	vor.u32 s30, v3;
	v9 =	vld.idx.msk [tilespmem:v12+s1+$0x0], $0xffff  }
0x39: {  	v12 =	vadd.s32 v6, v10;
	_ =	sdelay $0x3  }
0x3a: {  	s31 =	simm.s32 $0x60;
	[tilespmem:v11+s9+$0x0] =	vst.idx.msk $0xffff, v9  }
0x3b: {  	v11 =	vor.u32 s31, v3;
	v9 =	vld.idx.msk [tilespmem:v12+s1+$0x0], $0xffff  }
0x3c: {  	v12 =	vadd.s32 v7, v10;
	_ =	sdelay $0x3  }
0x3d: {  	s16 =	simm.s32 $0x70;
	[tilespmem:v11+s9+$0x0] =	vst.idx.msk $0xffff, v9  }
0x3e: {  	v11 =	vor.u32 s16, v3;
	v9 =	vld.idx.msk [tilespmem:v12+s1+$0x0], $0xffff  }
0x3f: {  	v10 =	vadd.s32 v8, v10  }
0x40: {  	s14 =	simm.s32 $0x8  }
0x41: {  	s15 =	simm.s32 $0x80;
	s13 =	simm.s32 $0x11;
	s16 =	simm.s32 $0x1A;
	v12 =	vmov s14  }
.LBB2_3:
0x42: {  	p0 =	sne.s32 s16, $0x1AF;
	v12 =	vmul.u32 $0x18, v12  }
0x43: {  	[tilespmem:v11+s9+$0x0] =	vst.idx.msk $0xffff, v9  }
0x44: {  	v12 =	vbroadcast v12, $0x0;
	v9 =	vld.idx.msk [tilespmem:v10+s1+$0x0], $0xffff  }
0x45: {  	v10 =	vor.u32 s15, v3  }
0x46: {  	v11 =	vor.u32 v3, v12;
	_ =	sdelay $0x3  }
0x47: {  	s15 =	sshll.u32 s13, $0x4;
	s13 =	smov.u32 s16;
	[tilespmem:v10+s9+$0x0] =	vst.idx.msk $0xffff, v9  }
0x48: {  	s17 =	sadd.s32 $0xFFFFFF80, s15;
	v9 =	vld.idx.msk [tilespmem:v11+s1+$0x0], $0xffff  }
0x49: {  	v10 =	vor.u32 s17, v3  }
0x4a: {  	v11 =	vor.u32 v0, v12;
	_ =	sdelay $0x3  }
0x4b: {  	[tilespmem:v10+s9+$0x0] =	vst.idx.msk $0xffff, v9  }
0x4c: {  	s17 =	sadd.s32 $0xFFFFFF90, s15;
	v9 =	vld.idx.msk [tilespmem:v11+s1+$0x0], $0xffff  }
0x4d: {  	v10 =	vor.u32 s17, v3  }
0x4e: {  	v11 =	vor.u32 v1, v12;
	_ =	sdelay $0x3  }
0x4f: {  	[tilespmem:v10+s9+$0x0] =	vst.idx.msk $0xffff, v9  }
0x50: {  	s17 =	sadd.s32 $0xFFFFFFA0, s15;
	v9 =	vld.idx.msk [tilespmem:v11+s1+$0x0], $0xffff  }
0x51: {  	v10 =	vor.u32 s17, v3  }
0x52: {  	v11 =	vadd.s32 v2, v12;
	_ =	sdelay $0x3  }
0x53: {  	[tilespmem:v10+s9+$0x0] =	vst.idx.msk $0xffff, v9  }
0x54: {  	s17 =	sadd.s32 $0xFFFFFFB0, s15;
	v9 =	vld.idx.msk [tilespmem:v11+s1+$0x0], $0xffff  }
0x55: {  	v10 =	vor.u32 s17, v3  }
0x56: {  	v11 =	vadd.s32 v4, v12;
	_ =	sdelay $0x3  }
0x57: {  	[tilespmem:v10+s9+$0x0] =	vst.idx.msk $0xffff, v9  }
0x58: {  	s17 =	sadd.s32 $0xFFFFFFC0, s15;
	v9 =	vld.idx.msk [tilespmem:v11+s1+$0x0], $0xffff  }
0x59: {  	v10 =	vor.u32 s17, v3  }
0x5a: {  	v11 =	vadd.s32 v5, v12;
	_ =	sdelay $0x3  }
0x5b: {  	[tilespmem:v10+s9+$0x0] =	vst.idx.msk $0xffff, v9  }
0x5c: {  	s17 =	sadd.s32 $0xFFFFFFD0, s15;
	v9 =	vld.idx.msk [tilespmem:v11+s1+$0x0], $0xffff  }
0x5d: {  	v10 =	vor.u32 s17, v3  }
0x5e: {  	v11 =	vadd.s32 v6, v12;
	_ =	sdelay $0x3  }
0x5f: {  	[tilespmem:v10+s9+$0x0] =	vst.idx.msk $0xffff, v9  }
0x60: {  	s17 =	sadd.s32 $0xFFFFFFE0, s15;
	v9 =	vld.idx.msk [tilespmem:v11+s1+$0x0], $0xffff  }
0x61: {  	v10 =	vor.u32 s17, v3  }
0x62: {  	v11 =	vadd.s32 v7, v12;
	_ =	sdelay $0x3  }
0x63: {  	[tilespmem:v10+s9+$0x0] =	vst.idx.msk $0xffff, v9  }
.Ltmp0:
0x64: {  	s17 =	sadd.s32 $0xFFFFFFF0, s15;
	v9 =	vld.idx.msk [tilespmem:v11+s1+$0x0], $0xffff;
	(pc) =	sbr.rel @p0 .LBB2_3-.Ltmp0, $4  }
0x65: {  	v11 =	vor.u32 s17, v3  }
0x66: {  	v10 =	vadd.s32 v8, v12  }
0x67: {  	s14 =	sadd.s32 $0x8, s14  }
0x68: {  	s16 =	sadd.s32 $0x9, s16;
	v12 =	vmov s14  }
0x69: {  	_ =	sdelay $0x1  }
0x6a: {  	v12 =	vmul.u32 $0x18, v12;
	_ =	sdelay $0x1  }
0x6b: {  	[tilespmem:v11+s9+$0x0] =	vst.idx.msk $0xffff, v9;
	v9 =	vbroadcast v12, $0x0  }
0x6c: {  	v11 =	vor.u32 s15, v3;
	v10 =	vld.idx.msk [tilespmem:v10+s1+$0x0], $0xffff  }
0x6d: {  	v12 =	vor.u32 v3, v9;
	_ =	sdelay $0x2  }
0x6e: {  	s13 =	sshll.u32 s13, $0x4  }
0x6f: {  	s14 =	sadd.s32 $0xFFFFFF80, s13;
	[tilespmem:v11+s9+$0x0] =	vst.idx.msk $0xffff, v10  }
0x70: {  	v11 =	vor.u32 s14, v3;
	v10 =	vld.idx.msk [tilespmem:v12+s1+$0x0], $0xffff  }
0x71: {  	v57 =	vor.u32 v0, v9;
	_ =	sdelay $0x3  }
0x72: {  	s24 =	sadd.s32 $0xFFFFFF90, s13;
	[tilespmem:v11+s9+$0x0] =	vst.idx.msk $0xffff, v10  }
0x73: {  	v11 =	vor.u32 s24, v3;
	v10 =	vld.idx.msk [tilespmem:v57+s1+$0x0], $0xffff  }
0x74: {  	v58 =	vor.u32 v1, v9;
	_ =	sdelay $0x3  }
0x75: {  	s25 =	sadd.s32 $0xFFFFFFA0, s13;
	[tilespmem:v11+s9+$0x0] =	vst.idx.msk $0xffff, v10  }
0x76: {  	v11 =	vor.u32 s25, v3;
	v10 =	vld.idx.msk [tilespmem:v58+s1+$0x0], $0xffff  }
0x77: {  	v59 =	vadd.s32 v2, v9;
	_ =	sdelay $0x3  }
0x78: {  	s26 =	sadd.s32 $0xFFFFFFB0, s13;
	[tilespmem:v11+s9+$0x0] =	vst.idx.msk $0xffff, v10  }
0x79: {  	v11 =	vor.u32 s26, v3;
	v10 =	vld.idx.msk [tilespmem:v59+s1+$0x0], $0xffff  }
0x7a: {  	v60 =	vadd.s32 v4, v9;
	_ =	sdelay $0x3  }
0x7b: {  	s28 =	sadd.s32 $0xFFFFFFC0, s13;
	[tilespmem:v11+s9+$0x0] =	vst.idx.msk $0xffff, v10  }
0x7c: {  	v11 =	vor.u32 s28, v3;
	v10 =	vld.idx.msk [tilespmem:v60+s1+$0x0], $0xffff  }
0x7d: {  	v61 =	vadd.s32 v5, v9;
	_ =	sdelay $0x3  }
0x7e: {  	s29 =	sadd.s32 $0xFFFFFFD0, s13;
	[tilespmem:v11+s9+$0x0] =	vst.idx.msk $0xffff, v10  }
0x7f: {  	v11 =	vor.u32 s29, v3;
	v10 =	vld.idx.msk [tilespmem:v61+s1+$0x0], $0xffff  }
0x80: {  	v62 =	vadd.s32 v6, v9;
	_ =	sdelay $0x3  }
0x81: {  	s30 =	sadd.s32 $0xFFFFFFE0, s13;
	[tilespmem:v11+s9+$0x0] =	vst.idx.msk $0xffff, v10  }
0x82: {  	v11 =	vor.u32 s30, v3;
	v10 =	vld.idx.msk [tilespmem:v62+s1+$0x0], $0xffff  }
0x83: {  	v63 =	vadd.s32 v7, v9;
	_ =	sdelay $0x3  }
0x84: {  	s31 =	sadd.s32 $0xFFFFFFF0, s13;
	[tilespmem:v11+s9+$0x0] =	vst.idx.msk $0xffff, v10  }
0x85: {  	v11 =	vor.u32 s31, v3;
	v10 =	vld.idx.msk [tilespmem:v63+s1+$0x0], $0xffff  }
0x86: {  	v9 =	vadd.s32 v8, v9;
	_ =	sdelay $0x3  }
0x87: {  	[tilespmem:v11+s9+$0x0] =	vst.idx.msk $0xffff, v10  }
0x88: {  	v10 =	vor.u32 s13, v3;
	v9 =	vld.idx.msk [tilespmem:v9+s1+$0x0], $0xffff;
	_ =	sdelay $0x2  }
0x89: {  	s12 =	smul.u32 $0x12, s12;
	s11 =	sadd.s32 $0x1, s11  }
0x8a: {  	p0 =	sne.s32 s11, s6  }
.Ltmp1:
0x8b: {  	s12 =	sadd.s32 s4, s12;
	[tilespmem:v10+s9+$0x0] =	vst.idx.msk $0xffff, v9;
	(pc) =	sbr.rel @p0 .LBB2_2-.Ltmp1, $4  }
0x8c: {  	[hbm4b:s12+s1] =	stream.linear.scatter [tilespmem:s9], [sflag:$0x1], $0x1B00, $0x38;
	[tilespmem:$0x3F00] =	vst v63  }
0x8d: {  	_ =	swait.ge [sflag:s8], $0x1B00  }
0x8e: {  	[sflag:s8] =	ssyncset.done $0x0  }
0x8f: {  	[sflag:s8] =	ssyncadd.s32 $0xFFFFE500  }
0x90: {  	s10 =	sadd.s32 $0x1, s10  }
0x91: {  	p0 =	sne.s32 s10, s7  }
.Ltmp2:
0x92: {  	_ = 	snop;
	(pc) =	sbr.rel @p0 .LBB2_1-.Ltmp2, $1  }
0x93: {  	_ =	sdelay $0x3  }
0x94: {  	_ =	sfence.sel $0x180000  }
0x95: {  	[bflag:$0x0] =	sbarrier.arrive $0xFFFF  }
0x96: {  	p0 =	sne.s32 s0, $0x0;
	_ =	strace $0x90000047  }
0x97: {  	s0 =	sadd.s32 @!p0 $0x100000, s2;
	[bflag:$0x2] =	sbarrier.arrive $0xFFFF  }
0x98: {  	[sflag:s0] =	ssyncadd.tile.s32 @!p0 $0x1;
	_ =	shalt  }
.Lfunc_end2:
_tile_overlayer_lowered:
.L_overlay_start_2:
0x99: {  	(tag) =	ssettag $0x2  }
0x9a: {  	s0 =	rddreg [dreg:$0x0];
	s2 =	stileid.u32  }
0x9b: {  	s1 =	rddreg [dreg:$0x1];
	p0 =	sne.s32 s2, $0x0  }
0x9c: {  	s3 =	rddreg [dreg:$0x2];
	[bflag:$0x3] =	sbarrier.arrive $0xFFFF;
	s2 =	simm.s32 @!p0 $0x1C01  }
0x9d: {  	[timem:s3], [sflag:s2] =	dma.local @!p0 [hbm:s0], s1  }
0x9e: {  	s0 =	simm.s32 @!p0 $0x1  }
0x9f: {  	_ =	swait.ge @!p0 [sflag:s0], s1  }
0xa0: {  	s1 =	ssub.s32 @!p0 $0x0, s1;
	[sflag:s0] =	ssyncset.done @!p0 $0x0  }
0xa1: {  	[sflag:s0] =	ssyncadd.s32 @!p0 s1  }
0xa2: {  	[bflag:$0x3] =	sbarrier.arrive $0xFFFF  }
0xa3: {  	_ =	shalt  }

// kernel: kernel.8.cloned.1.call-start
scs
__scs_entry_jumppad:
0x0: {  	(pc) =	sbr.rel $0x88, $3  }
0x1: {  	(tag) =	ssettag $0x0;
	lr =	simm.s32 $0x1  }
0x2: {  	[smem:$0x3F9B] =	sst lr;
	_ =	strace $0xD0000000  }
0x3: {  	_ = 	snop  }
0x4: {  	_ = 	snop  }
0x5: {  	_ = 	snop  }
0x6: {  	_ = 	snop  }
0x7: {  	_ = 	snop  }
__scs_overlays_trampoline_lowered:
0x8: {  	[smem:$0x3FAA] =	sst s0  }
0x9: {  	[smem:$0x3FAB] =	sst s1  }
0xa: {  	[smem:$0x3FAC] =	sst s2  }
0xb: {  	[smem:$0x3FAD] =	sst s3  }
0xc: {  	[smem:$0x3FAE] =	sst s4  }
0xd: {  	[smem:$0x3FAF] =	sst s5  }
0xe: {  	[smem:$0x3FB0] =	sst s6  }
0xf: {  	[smem:$0x3FB1] =	sst s7  }
0x10: {  	[smem:$0x3FB2] =	sst s8  }
0x11: {  	[smem:$0x3FB3] =	sst s9;
	s0 =	simm.s32 @!p0 $0x0  }
0x12: {  	s1 =	sld [smem:$0x3F99];
	s0 =	simm.s32 @p0 $0x1  }
0x13: {  	[smem:$0x3FB4] =	sst s0;
	s0 =	simm.s32 @!p1 $0x0  }
0x14: {  	s2 =	sld [smem:$0x3F98];
	s0 =	simm.s32 @p1 $0x1  }
0x15: {  	[smem:$0x3FB5] =	sst s0;
	s0 =	simm.s32 @!p2 $0x0  }
0x16: {  	s3 =	sld [smem:$0x3FDB];
	s0 =	simm.s32 @p2 $0x1  }
0x17: {  	s4 =	simm.s32 $0x1BF5;
	[smem:$0x3FB7] =	sst s0  }
0x18: {  	s0 =	sld [smem:$0x3F9A];
	_ =	swait.ge [sflag:s4], $0x0  }
0x19: {  	s7 =	sld [smem:$0x3F9B]  }
0x1a: {  	s8 =	sadd.s32 $0xFFFFE003, lr  }
0x1b: {  	s9 =	sadd.s32 $0xFFFFFEF7, lr;
	s5 =	simm.s32 $0xFFFFFFFF;
	p2 =	slt.u32 s8, $0xFFFFF086  }
0x1c: {  	p1 =	slt.u32 s9, $0xF7A;
	s5 =	simm.s32 @!p2 $0x0  }
0x1d: {  	s5 =	simm.s32 @p1 $0x1;
	p0 =	seq.s32 s7, s2  }
0x1e: {  	s7 =	smul.u32 @!p0 $0xF7A, s2;
	p2 =	seq.s32 @!p0 s5, $0x0  }
0x1f: {  	s9 =	smul.u32 $0xF7A, s1;
	s8 =	simm.s32 @!p0 $0x1BF5;
	p2 =	por !p2, p0  }
0x20: {  	[sflag:s8] =	ssyncset.s32 @!p0 $0xFFFFF086;
	s6 =	sadd.s32 @!p0 s3, s7;
	s7 =	simm.s32 @!p0 $0x108  }
0x21: {  	s3 =	sadd.s32 s3, s9;
	s6 =	sadd.s32 @!p0 $0x88, s6;
	s7 =	simm.s32 @p2 $0x1082  }
0x22: {  	[simem:s7], [sflag:s8] =	dma.local @!p0 [hbm:s6], $0xF7A  }
0x23: {  	s9 =	sor.u32 $0xD0000000, s2;
	s6 =	simm.s32 $0x108;
	_ =	swait.ge @!p0 [sflag:s8], $0x0  }
0x24: {  	s3 =	sadd.s32 $0x88, s3;
	s6 =	simm.s32 @!p1 $0x1082;
	[sflag:s4] =	ssyncset.s32 $0xFFFFF086  }
0x25: {  	[simem:s6], [sflag:s4] =	dma.local [hbm:s3], $0xF7A  }
0x26: {  	[smem:$0x3F9B] =	sst s1;
	(tag) =	ssettag s2;
	_ =	strace s9  }
0x27: {  	s1 =	sld [smem:$0x3FAB]  }
0x28: {  	s2 =	sld [smem:$0x3FAC]  }
0x29: {  	s4 =	sld [smem:$0x3FAE]  }
0x2a: {  	p0 =	seq.s32 s5, $0x0;
	s5 =	sld [smem:$0x3FAF]  }
0x2b: {  	s6 =	sld [smem:$0x3FB0]  }
0x2c: {  	s7 =	sld [smem:$0x3FB1]  }
0x2d: {  	s3 =	simm.s32 $0x108;
	s8 =	sld [smem:$0x3FB2]  }
0x2e: {  	s3 =	simm.s32 @!p0 $0x1082;
	s9 =	sld [smem:$0x3FB3]  }
0x2f: {  	lr =	sadd.s32 s0, s3;
	s0 =	sld [smem:$0x3FAA]  }
0x30: {  	s3 =	sld [smem:$0x3FAD]  }
0x31: {  	[smem:$0x3FB6] =	sst s10  }
0x32: {  	s10 =	sld [smem:$0x3FB4];
	_ =	sdelay $0x3  }
0x33: {  	p0 =	seq.s32 s10, $0x1;
	s10 =	sld [smem:$0x3FB6];
	_ =	sdelay $0x3  }
0x34: {  	[smem:$0x3FB6] =	sst s10  }
0x35: {  	s10 =	sld [smem:$0x3FB5];
	_ =	sdelay $0x3  }
0x36: {  	p1 =	seq.s32 s10, $0x1;
	s10 =	sld [smem:$0x3FB6];
	_ =	sdelay $0x3  }
0x37: {  	[smem:$0x3FB6] =	sst s10  }
0x38: {  	s10 =	sld [smem:$0x3FB7]  }
0x39: {  	_ = 	snop;
	(pc) =	sbr.ind lr, $3  }
0x3a: {  	_ = 	snop  }
0x3b: {  	_ = 	snop  }
0x3c: {  	p2 =	seq.s32 s10, $0x1;
	s10 =	sld [smem:$0x3FB6]  }
0x3d: {  	_ =	shalt  }
0x3e: {  	_ =	shalt  }
0x3f: {  	_ =	shalt  }
0x40: {  	_ =	shalt  }
0x41: {  	_ =	shalt  }
0x42: {  	_ =	shalt  }
0x43: {  	_ =	shalt  }
0x44: {  	_ =	shalt  }
0x45: {  	_ =	shalt  }
0x46: {  	_ =	shalt  }
0x47: {  	_ =	shalt  }
0x48: {  	_ =	shalt  }
0x49: {  	_ =	shalt  }
0x4a: {  	_ =	shalt  }
0x4b: {  	_ =	shalt  }
0x4c: {  	_ =	shalt  }
0x4d: {  	_ =	shalt  }
0x4e: {  	_ =	shalt  }
0x4f: {  	_ =	shalt  }
0x50: {  	_ =	shalt  }
0x51: {  	_ =	shalt  }
0x52: {  	_ =	shalt  }
0x53: {  	_ =	shalt  }
0x54: {  	_ =	shalt  }
0x55: {  	_ =	shalt  }
0x56: {  	_ =	shalt  }
0x57: {  	_ =	shalt  }
0x58: {  	_ =	shalt  }
0x59: {  	_ =	shalt  }
0x5a: {  	_ =	shalt  }
0x5b: {  	_ =	shalt  }
0x5c: {  	_ =	shalt  }
0x5d: {  	_ =	shalt  }
0x5e: {  	_ =	shalt  }
0x5f: {  	_ =	shalt  }
0x60: {  	_ =	shalt  }
0x61: {  	_ =	shalt  }
0x62: {  	_ =	shalt  }
0x63: {  	_ =	shalt  }
0x64: {  	_ =	shalt  }
0x65: {  	_ =	shalt  }
0x66: {  	_ =	shalt  }
0x67: {  	_ =	shalt  }
0x68: {  	_ =	shalt  }
0x69: {  	_ =	shalt  }
0x6a: {  	_ =	shalt  }
0x6b: {  	_ =	shalt  }
0x6c: {  	_ =	shalt  }
0x6d: {  	_ =	shalt  }
0x6e: {  	_ =	shalt  }
0x6f: {  	_ =	shalt  }
0x70: {  	_ =	shalt  }
0x71: {  	_ =	shalt  }
0x72: {  	_ =	shalt  }
0x73: {  	_ =	shalt  }
0x74: {  	_ =	shalt  }
0x75: {  	_ =	shalt  }
0x76: {  	_ =	shalt  }
0x77: {  	_ =	shalt  }
0x78: {  	_ =	shalt  }
0x79: {  	_ =	shalt  }
0x7a: {  	_ =	shalt  }
0x7b: {  	_ =	shalt  }
0x7c: {  	_ =	shalt  }
0x7d: {  	_ =	shalt  }
0x7e: {  	_ =	shalt  }
0x7f: {  	_ =	shalt  }
0x80: {  	_ =	shalt  }
0x81: {  	_ =	shalt  }
0x82: {  	_ =	shalt  }
0x83: {  	_ =	shalt  }
0x84: {  	_ =	shalt  }
0x85: {  	_ =	shalt  }
0x86: {  	_ =	shalt  }
0x87: {  	_ =	shalt  }
.Lfunc_end0:
.L_simem_size_0:
called_computation.1_lowered:
.L_overlay_start_0:
0x88: {  	s2 =	sld [smem:$0x3FD9]  }
0x89: {  	s3 =	sld [smem:$0x3FFE];
	_ =	sdelay $0x1  }
0x8a: {  	s1 =	srdreg.scid  }
0x8b: {  	s0 =	sand.u32 $0x1, s1  }
0x8c: {  	s17 =	sshll.u32 s0, $0xA;
	s2 =	sadd.s32 s3, s2  }
0x8d: {  	s2 =	sadd.s32 s2, s17  }
0x8e: {  	[smem:$0x3FC2] =	sst s2  }
0x8f: {  	_ = 	snop  }
0x90: {  	(tm) =	ssettm $0x1  }
0x91: {  	s18 =	sld [smem:$0x3FFB];
	_ =	sdelay $0x3  }
0x92: {  	_ =	strace s18  }
0x93: {  	s2 =	sld [smem:$0x3FFC];
	_ =	sdelay $0x3  }
0x94: {  	_ =	strace s2  }
0x95: {  	s2 =	sld [smem:$0x3FFD];
	_ =	sdelay $0x3  }
0x96: {  	_ =	strace s2  }
0x97: {  	_ =	strace $0x8FFFFFFF  }
0x98: {  	s19 =	sld [smem:$0x3FDB];
	_ =	sdelay $0x1  }
0x99: {  	s20 =	simm.s32 $_scs_section_size  }
0x9a: {  	s4 =	simm.s32 $_size__tile_overlayer_lowered;
	s5 =	simm.s32 $_tile_overlayer_lowered  }
0x9b: {  	s6 =	simm.s32 $0x1BFF;
	s21 =	sshll.u32 s5, $0x1;
	s3 =	sadd.s32 s20, s19  }
0x9c: {  	s22 =	simm.s32 $0x0;
	s4 =	sshll.u32 s4, $0x1;
	s5 =	sadd.s32 s21, s3  }
0x9d: {  	[timem:s22], [sflag:s6] =	dma.local [hbm:s5], s4  }
0x9e: {  	_ =	swait.ge [sflag:s6], s4  }
0x9f: {  	s4 =	ssub.s32 $0x0, s4;
	[sflag:s6] =	ssyncset.done $0x0  }
0xa0: {  	[sflag:s6] =	ssyncadd.s32 s4;
	_ =	sdelay $0x1  }
0xa1: {  	s23 =	simm.s32 $0x1B8B  }
0xa2: {  	_ =	swait.ge [sflag:s23], $0x1  }
0xa3: {  	[sflag:s23] =	ssyncset.done $0x0  }
0xa4: {  	[sflag:s23] =	ssyncadd.s32 $0xFFFFFFFF  }
0xa5: {  	s4 =	sld [smem:$0x0]  }
0xa6: {  	s5 =	sand.u32 $0xFFFFFFFE, s1  }
0xa7: {  	p0 =	sne.s32 s1, s5  }
0xa8: {  	s5 =	sshll.u32 @p0 s5, $0xE  }
0xa9: {  	s5 =	sadd.s32 @p0 $0x11B8D, s5;
	s6 =	sshll.u32 @p0 s4, $0x11  }
0xaa: {  	s5 =	sor.u32 @p0 s6, s5  }
0xab: {  	[sflag:s5] =	ssyncadd.remote.s32 @p0 $0x1;
	_ =	sdelay $0x1  }
0xac: {  	s5 =	simm.s32 @p0 $0x1B8D  }
0xad: {  	_ =	swait.eq @p0 [sflag:s5], $0x1  }
0xae: {  	[sflag:s5] =	ssyncadd.s32 @p0 $0xFFFFFFFF  }
0xaf: {  	s6 =	sshll.u32 @!p0 s1, $0xE  }
0xb0: {  	s6 =	sor.u32 @!p0 $0x4000, s6;
	s5 =	simm.s32 @!p0 $0x1B8D  }
0xb1: {  	s4 =	sshll.u32 @!p0 s4, $0x11;
	s6 =	sadd.s32 @!p0 $0x11B8D, s6;
	_ =	swait.eq @!p0 [sflag:s5], $0x1  }
0xb2: {  	s4 =	sor.u32 @!p0 s4, s6;
	[sflag:s5] =	ssyncadd.s32 @!p0 $0xFFFFFFFF  }
0xb3: {  	s25 =	simm.s32 $0x1B8E;
	s24 =	sld [smem:$0x3FFE];
	[sflag:s4] =	ssyncadd.remote.s32 @!p0 $0x1  }
0xb4: {  	s26 =	simm.s32 $execute0_lowered;
	[smem:$0x3FD2] =	sst s25  }
0xb5: {  	s5 =	sshll.u32 s26, $0x1;
	_ =	strace $0x80000049;
	[dreg:$0x1] =	wrdreg $0xFFFFFFFF  }
0xb6: {  	s28 =	simm.s32 $_size_execute0_lowered;
	s3 =	sadd.s32 s3, s5;
	[dreg:$0x0] =	wrdreg $0x0  }
0xb7: {  	s5 =	sshll.u32 s28, $0x1;
	[dreg:$0x2] =	wrdreg s3  }
0xb8: {  	[dreg:$0x3] =	wrdreg s5  }
0xb9: {  	[dreg:$0x4] =	wrdreg $0xC0  }
0xba: {  	_ =	task [dreg:s22], $0x5FFFF  }
0xbb: {  	[dreg:$0x1] =	wrdreg $0xFFFFFFFF  }
0xbc: {  	[dreg:$0x0] =	wrdreg $0x60  }
0xbd: {  	[dreg:$0x2] =	wrdreg s24  }
0xbe: {  	[dreg:$0x3] =	wrdreg $0xA  }
0xbf: {  	_ =	task.clear_ibuf [dreg:s22], $0x4FFFF;
	_ =	strace $0x90000049  }
0xc0: {  	s29 =	simm.s32 $0xA;
	_ =	strace $0x8000004B  }
0xc1: {  	_ =	swait.ge [sflag:s29], $0x1  }
0xc2: {  	[sflag:s29] =	ssyncadd.s32 $0xFFFFFFFF  }
0xc3: {  	_ =	strace $0x9000004B  }
0xc4: {  	_ =	sfence  }
0xc5: {  	s30 =	sld [smem:$0x0];
	_ =	sdelay $0x2  }
0xc6: {  	s31 =	sshll.u32 s1, $0xD;
	s1 =	sshrl.u32 s1, $0x2  }
0xc7: {  	s4 =	sand.u32 $0x4000, s31;
	s1 =	sadd.s32 s1, s30  }
0xc8: {  	s0 =	sor.u32 s4, s0;
	s1 =	sshll.u32 s1, $0x11  }
0xc9: {  	s0 =	sor.u32 s1, s0  }
0xca: {  	s0 =	sadd.s32 $0x8F2B, s0  }
0xcb: {  	[sflag:s0] =	ssyncadd.remote.s32 $0x1  }
0xcc: {  	_ =	sfence.sel $0xFFFF  }
0xcd: {  	[dreg:$0x0] =	wrdreg $0xFFFFFFFF;
	(pc) =	sbr.abs _section_cstart, $3  }
0xce: {  	[dreg:$0x1] =	wrdreg $0xFFFFFFFF  }
0xcf: {  	_ =	task.clear_ibuf [dreg:s22], $0x2FFFF;
	_ =	strace $0x9FFFFFFF  }
0xd0: {  	(tm) =	ssettm $0x7FFFFFFF  }
0xd1: {  	_ =	shalt  }
tec
execute0_lowered:
.L_overlay_start_1:
0x0: {  	(tag) =	ssettag $0x1  }
0x1: {  	v0 =	vimm.s32 $0x21201F1E  }
0x2: {  	v1 =	vimm.s32 $0x25242322;
	v2 =	vimm.s32 $0x19181110;
	v3 =	vimm.s32 $0x1D1C1B1A  }
0x3: {  	vm0 =	vcmask $0x1F10;
	v4 =	vimm.s32 $0x3B3A3938;
	v5 =	vimm.s32 $0x33323130  }
0x4: {  	v6 =	vimm.s32 $0x4D4C4B4A;
	v7 =	vimm.s32 $0x51504F4E;
	v8 =	vimm.s32 $0x3F3E3D3C  }
0x5: {  	v9 =	vimm.s32 $0x49484140;
	v10 =	vimm.s32 $0x7D7C7B7A;
	v11 =	vimm.s32 $0x85848382  }
0x6: {  	v12 =	vimm.s32 $0x9F9E9D9C;
	v13 =	vimm.s32 $0xA9A8A1A0;
	v14 =	vimm.s32 $0x97969594  }
0x7: {  	v15 =	vimm.s32 $0x9B9A9998;
	v0 =	vunpack.c.0.s8.s32 v0;
	v1 =	vunpack.c.0.s8.s32 v1  }
0x8: {  	v2 =	vunpack.c.0.s8.s32 v2;
	v3 =	vunpack.c.0.s8.s32 v3;
	v5 =	vunpack.c.0.s8.s32 v5  }
0x9: {  	v6 =	vunpack.c.0.s8.s32 v6;
	v7 =	vunpack.c.0.s8.s32 v7;
	v8 =	vunpack.c.0.s8.s32 v8  }
0xa: {  	v9 =	vunpack.c.0.s8.s32 v9;
	v10 =	vunpack.c.0.s8.s32 v10;
	v11 =	vunpack.c.0.s8.s32 v11  }
0xb: {  	v0 =	vsel vm0, v1, v0;
	v1 =	vimm.s32 $0x37363534;
	v2 =	vsel vm0, v3, v2  }
0xc: {  	v3 =	vunpack.c.0.s8.s32 v4;
	v4 =	vimm.s32 $0x29282726;
	v1 =	vunpack.c.0.s8.s32 v1  }
0xd: {  	v12 =	vunpack.c.0.s8.s32 v12;
	v13 =	vunpack.c.0.s8.s32 v13;
	v4 =	vunpack.c.0.s8.s32 v4  }
0xe: {  	v14 =	vunpack.c.0.s8.s32 v14;
	v0 =	vcombine.low v2, v0;
	v1 =	vsel vm0, v3, v1  }
0xf: {  	v2 =	vsel vm0, v5, v4;
	v3 =	vsel vm0, v7, v6;
	v4 =	vsel vm0, v9, v8  }
0x10: {  	v5 =	vimm.s32 $0x63626160;
	v6 =	vimm.s32 $0x67666564;
	v7 =	vimm.s32 $0x55545352  }
0x11: {  	s0 =	srdreg.scid;
	v8 =	vimm.s32 $0x59585756;
	v9 =	vimm.s32 $0x79787170;
	v5 =	vunpack.c.0.s8.s32 v5  }
0x12: {  	s5 =	sand.u32 $0x1, s0;
	v6 =	vunpack.c.0.s8.s32 v6;
	v7 =	vunpack.c.0.s8.s32 v7;
	v8 =	vunpack.c.0.s8.s32 v8  }
0x13: {  	s0 =	stileid.u32;
	v15 =	vunpack.c.0.s8.s32 v15;
	s2 =	smul.u32 $0xFFFFFE79, s5;
	v9 =	vunpack.c.0.s8.s32 v9;
	v1 =	vcombine.low v2, v1  }
0x14: {  	s3 =	smul.u32 $0xFFFFFCF2, s0;
	v2 =	vcombine.low v4, v3;
	v4 =	vsel vm0, v6, v5;
	v5 =	vsel vm0, v8, v7  }
0x15: {  	s4 =	rddreg [dreg:$0x0];
	s1 =	simm.s32 $0x0;
	v6 =	vsel vm0, v10, v9;
	v7 =	vimm.s32 $0x89888786;
	v8 =	vimm.s32 $0x93929190  }
0x16: {  	s10 =	simm.s32 $0x0;
	[smem:$0x7FF] =	sst s1;
	s2 =	sadd.s32 s3, s2;
	v10 =	vimm.s32 $0x81807F7E;
	v7 =	vunpack.c.0.s8.s32 v7;
	v8 =	vunpack.c.0.s8.s32 v8  }
0x17: {  	s7 =	ssub.s32 $0x2, s5;
	s9 =	sshll.u32 s0, $0x1;
	s3 =	sadd.s32 $0x30D4, s2;
	v3 =	vimm.s32 $0x6B6A6968;
	v9 =	vimm.s32 $0x6F6E6D6C;
	v10 =	vunpack.c.0.s8.s32 v10  }
0x18: {  	s8 =	sshrl.u32 s7, $0x1;
	s5 =	sor.u32 s5, s9;
	s6 =	smin.u32 s3, $0x187;
	v3 =	vunpack.c.0.s8.s32 v3;
	v7 =	vsel vm0, v8, v7;
	v8 =	vunpack.c.0.s8.s32 v9  }
0x19: {  	s9 =	simm.s32 $0x2400;
	s7 =	ssub.s32 s7, s8;
	s6 =	smul.u32 $0x556, s6;
	v9 =	vsel vm0, v11, v10;
	v10 =	vsel vm0, v13, v12;
	v11 =	vsel vm0, v15, v14  }
0x1a: {  	s5 =	smul.u32 $0x187, s5;
	s8 =	simm.s32 $0x1;
	s2 =	rddreg [dreg:$0x1];
	v7 =	vcombine.low v9, v7;
	v9 =	vcombine.low v11, v10;
	v8 =	vsel vm0, v8, v3  }
0x1b: {  	_ =	strace $0x8000004A;
	s7 =	smax.u32 s7, $0x1;
	s6 =	sadd.s32 $0xFACA, s6;
	v4 =	vcombine.low v5, v4;
	v3 =	vlaneseq.u32;
	v5 =	vcombine.low v8, v6  }
0x1c: {  	s3 =	sadd.s32 $0x82800, s4;
	s4 =	sadd.s32 $0xCBC00, s4;
	s6 =	sshrl.u32 s6, $0x10;
	v6 =	vand.u32 $0xFF, v7;
	v7 =	vand.u32 $0xFF, v9;
	v8 =	vadd.s32 $0xAA, v3  }
.LBB2_1:
0x1d: {  	s11 =	simm.s32 $0x0  }
.LBB2_2:
0x1e: {  	s12 =	smul.u32 $0x30, s11  }
0x1f: {  	s13 =	simm.s32 $0x0  }
0x20: {  	v9 =	vmov s13;
	s12 =	sadd.s32 s5, s12  }
0x21: {  	v9 =	vmul.u32 $0x18, v9;
	p0 =	slt.s32 s12, $0x30A4  }
0x22: {  	s12 =	simm.s32 @!p0 $0x30A4  }
0x23: {  	v10 =	vbroadcast v9, $0x0;
	s14 =	smul.u32 $0x18, s12;
	_ =	sdelay $0x1  }
0x24: {  	v9 =	vor.u32 v3, v10;
	s14 =	sadd.s32 s3, s14  }
0x25: {  	[tilespmem:s13], [sflag:$0x1] =	stream.linear.gather [hbm4b:s14+s13], $0x2400, $0x38;
	[tilespmem:$0x3F00] =	vst v63  }
0x26: {  	_ =	swait.ge [sflag:s8], $0x2400  }
0x27: {  	[sflag:s8] =	ssyncset.done $0x0  }
0x28: {  	s24 =	simm.s32 $0x0;
	[sflag:s8] =	ssyncadd.s32 $0xFFFFDC00  }
0x29: {  	v11 =	vor.u32 s24, v3;
	v9 =	vld.idx.msk [tilespmem:v9+s1+$0x0], $0xffff  }
0x2a: {  	v12 =	vor.u32 v0, v10;
	_ =	sdelay $0x3  }
0x2b: {  	s25 =	simm.s32 $0x10;
	[tilespmem:v11+s9+$0x0] =	vst.idx.msk $0xffff, v9  }
0x2c: {  	v11 =	vor.u32 s25, v3;
	v9 =	vld.idx.msk [tilespmem:v12+s1+$0x0], $0xffff  }
0x2d: {  	v12 =	vor.u32 v1, v10;
	_ =	sdelay $0x3  }
0x2e: {  	s26 =	simm.s32 $0x20;
	[tilespmem:v11+s9+$0x0] =	vst.idx.msk $0xffff, v9  }
0x2f: {  	v11 =	vor.u32 s26, v3;
	v9 =	vld.idx.msk [tilespmem:v12+s1+$0x0], $0xffff  }
0x30: {  	v12 =	vadd.s32 v2, v10;
	_ =	sdelay $0x3  }
0x31: {  	s28 =	simm.s32 $0x30;
	[tilespmem:v11+s9+$0x0] =	vst.idx.msk $0xffff, v9  }
0x32: {  	v11 =	vor.u32 s28, v3;
	v9 =	vld.idx.msk [tilespmem:v12+s1+$0x0], $0xffff  }
0x33: {  	v12 =	vadd.s32 v4, v10;
	_ =	sdelay $0x3  }
0x34: {  	s29 =	simm.s32 $0x40;
	[tilespmem:v11+s9+$0x0] =	vst.idx.msk $0xffff, v9  }
0x35: {  	v11 =	vor.u32 s29, v3;
	v9 =	vld.idx.msk [tilespmem:v12+s1+$0x0], $0xffff  }
0x36: {  	v12 =	vadd.s32 v5, v10;
	_ =	sdelay $0x3  }
0x37: {  	s30 =	simm.s32 $0x50;
	[tilespmem:v11+s9+$0x0] =	vst.idx.msk $0xffff, v9  }
0x38: {  	v11 =	vor.u32 s30, v3;
	v9 =	vld.idx.msk [tilespmem:v12+s1+$0x0], $0xffff  }
0x39: {  	v12 =	vadd.s32 v6, v10;
	_ =	sdelay $0x3  }
0x3a: {  	s31 =	simm.s32 $0x60;
	[tilespmem:v11+s9+$0x0] =	vst.idx.msk $0xffff, v9  }
0x3b: {  	v11 =	vor.u32 s31, v3;
	v9 =	vld.idx.msk [tilespmem:v12+s1+$0x0], $0xffff  }
0x3c: {  	v12 =	vadd.s32 v7, v10;
	_ =	sdelay $0x3  }
0x3d: {  	s16 =	simm.s32 $0x70;
	[tilespmem:v11+s9+$0x0] =	vst.idx.msk $0xffff, v9  }
0x3e: {  	v11 =	vor.u32 s16, v3;
	v9 =	vld.idx.msk [tilespmem:v12+s1+$0x0], $0xffff  }
0x3f: {  	v10 =	vadd.s32 v8, v10  }
0x40: {  	s14 =	simm.s32 $0x8  }
0x41: {  	s15 =	simm.s32 $0x80;
	s13 =	simm.s32 $0x11;
	s16 =	simm.s32 $0x1A;
	v12 =	vmov s14  }
.LBB2_3:
0x42: {  	p0 =	sne.s32 s16, $0x1AF;
	v12 =	vmul.u32 $0x18, v12  }
0x43: {  	[tilespmem:v11+s9+$0x0] =	vst.idx.msk $0xffff, v9  }
0x44: {  	v12 =	vbroadcast v12, $0x0;
	v9 =	vld.idx.msk [tilespmem:v10+s1+$0x0], $0xffff  }
0x45: {  	v10 =	vor.u32 s15, v3  }
0x46: {  	v11 =	vor.u32 v3, v12;
	_ =	sdelay $0x3  }
0x47: {  	s15 =	sshll.u32 s13, $0x4;
	s13 =	smov.u32 s16;
	[tilespmem:v10+s9+$0x0] =	vst.idx.msk $0xffff, v9  }
0x48: {  	s17 =	sadd.s32 $0xFFFFFF80, s15;
	v9 =	vld.idx.msk [tilespmem:v11+s1+$0x0], $0xffff  }
0x49: {  	v10 =	vor.u32 s17, v3  }
0x4a: {  	v11 =	vor.u32 v0, v12;
	_ =	sdelay $0x3  }
0x4b: {  	[tilespmem:v10+s9+$0x0] =	vst.idx.msk $0xffff, v9  }
0x4c: {  	s17 =	sadd.s32 $0xFFFFFF90, s15;
	v9 =	vld.idx.msk [tilespmem:v11+s1+$0x0], $0xffff  }
0x4d: {  	v10 =	vor.u32 s17, v3  }
0x4e: {  	v11 =	vor.u32 v1, v12;
	_ =	sdelay $0x3  }
0x4f: {  	[tilespmem:v10+s9+$0x0] =	vst.idx.msk $0xffff, v9  }
0x50: {  	s17 =	sadd.s32 $0xFFFFFFA0, s15;
	v9 =	vld.idx.msk [tilespmem:v11+s1+$0x0], $0xffff  }
0x51: {  	v10 =	vor.u32 s17, v3  }
0x52: {  	v11 =	vadd.s32 v2, v12;
	_ =	sdelay $0x3  }
0x53: {  	[tilespmem:v10+s9+$0x0] =	vst.idx.msk $0xffff, v9  }
0x54: {  	s17 =	sadd.s32 $0xFFFFFFB0, s15;
	v9 =	vld.idx.msk [tilespmem:v11+s1+$0x0], $0xffff  }
0x55: {  	v10 =	vor.u32 s17, v3  }
0x56: {  	v11 =	vadd.s32 v4, v12;
	_ =	sdelay $0x3  }
0x57: {  	[tilespmem:v10+s9+$0x0] =	vst.idx.msk $0xffff, v9  }
0x58: {  	s17 =	sadd.s32 $0xFFFFFFC0, s15;
	v9 =	vld.idx.msk [tilespmem:v11+s1+$0x0], $0xffff  }
0x59: {  	v10 =	vor.u32 s17, v3  }
0x5a: {  	v11 =	vadd.s32 v5, v12;
	_ =	sdelay $0x3  }
0x5b: {  	[tilespmem:v10+s9+$0x0] =	vst.idx.msk $0xffff, v9  }
0x5c: {  	s17 =	sadd.s32 $0xFFFFFFD0, s15;
	v9 =	vld.idx.msk [tilespmem:v11+s1+$0x0], $0xffff  }
0x5d: {  	v10 =	vor.u32 s17, v3  }
0x5e: {  	v11 =	vadd.s32 v6, v12;
	_ =	sdelay $0x3  }
0x5f: {  	[tilespmem:v10+s9+$0x0] =	vst.idx.msk $0xffff, v9  }
0x60: {  	s17 =	sadd.s32 $0xFFFFFFE0, s15;
	v9 =	vld.idx.msk [tilespmem:v11+s1+$0x0], $0xffff  }
0x61: {  	v10 =	vor.u32 s17, v3  }
0x62: {  	v11 =	vadd.s32 v7, v12;
	_ =	sdelay $0x3  }
0x63: {  	[tilespmem:v10+s9+$0x0] =	vst.idx.msk $0xffff, v9  }
.Ltmp0:
0x64: {  	s17 =	sadd.s32 $0xFFFFFFF0, s15;
	v9 =	vld.idx.msk [tilespmem:v11+s1+$0x0], $0xffff;
	(pc) =	sbr.rel @p0 .LBB2_3-.Ltmp0, $4  }
0x65: {  	v11 =	vor.u32 s17, v3  }
0x66: {  	v10 =	vadd.s32 v8, v12  }
0x67: {  	s14 =	sadd.s32 $0x8, s14  }
0x68: {  	s16 =	sadd.s32 $0x9, s16;
	v12 =	vmov s14  }
0x69: {  	_ =	sdelay $0x1  }
0x6a: {  	v12 =	vmul.u32 $0x18, v12;
	_ =	sdelay $0x1  }
0x6b: {  	[tilespmem:v11+s9+$0x0] =	vst.idx.msk $0xffff, v9;
	v9 =	vbroadcast v12, $0x0  }
0x6c: {  	v11 =	vor.u32 s15, v3;
	v10 =	vld.idx.msk [tilespmem:v10+s1+$0x0], $0xffff  }
0x6d: {  	v12 =	vor.u32 v3, v9;
	_ =	sdelay $0x2  }
0x6e: {  	s13 =	sshll.u32 s13, $0x4  }
0x6f: {  	s14 =	sadd.s32 $0xFFFFFF80, s13;
	[tilespmem:v11+s9+$0x0] =	vst.idx.msk $0xffff, v10  }
0x70: {  	v11 =	vor.u32 s14, v3;
	v10 =	vld.idx.msk [tilespmem:v12+s1+$0x0], $0xffff  }
0x71: {  	v57 =	vor.u32 v0, v9;
	_ =	sdelay $0x3  }
0x72: {  	s24 =	sadd.s32 $0xFFFFFF90, s13;
	[tilespmem:v11+s9+$0x0] =	vst.idx.msk $0xffff, v10  }
0x73: {  	v11 =	vor.u32 s24, v3;
	v10 =	vld.idx.msk [tilespmem:v57+s1+$0x0], $0xffff  }
0x74: {  	v58 =	vor.u32 v1, v9;
	_ =	sdelay $0x3  }
0x75: {  	s25 =	sadd.s32 $0xFFFFFFA0, s13;
	[tilespmem:v11+s9+$0x0] =	vst.idx.msk $0xffff, v10  }
0x76: {  	v11 =	vor.u32 s25, v3;
	v10 =	vld.idx.msk [tilespmem:v58+s1+$0x0], $0xffff  }
0x77: {  	v59 =	vadd.s32 v2, v9;
	_ =	sdelay $0x3  }
0x78: {  	s26 =	sadd.s32 $0xFFFFFFB0, s13;
	[tilespmem:v11+s9+$0x0] =	vst.idx.msk $0xffff, v10  }
0x79: {  	v11 =	vor.u32 s26, v3;
	v10 =	vld.idx.msk [tilespmem:v59+s1+$0x0], $0xffff  }
0x7a: {  	v60 =	vadd.s32 v4, v9;
	_ =	sdelay $0x3  }
0x7b: {  	s28 =	sadd.s32 $0xFFFFFFC0, s13;
	[tilespmem:v11+s9+$0x0] =	vst.idx.msk $0xffff, v10  }
0x7c: {  	v11 =	vor.u32 s28, v3;
	v10 =	vld.idx.msk [tilespmem:v60+s1+$0x0], $0xffff  }
0x7d: {  	v61 =	vadd.s32 v5, v9;
	_ =	sdelay $0x3  }
0x7e: {  	s29 =	sadd.s32 $0xFFFFFFD0, s13;
	[tilespmem:v11+s9+$0x0] =	vst.idx.msk $0xffff, v10  }
0x7f: {  	v11 =	vor.u32 s29, v3;
	v10 =	vld.idx.msk [tilespmem:v61+s1+$0x0], $0xffff  }
0x80: {  	v62 =	vadd.s32 v6, v9;
	_ =	sdelay $0x3  }
0x81: {  	s30 =	sadd.s32 $0xFFFFFFE0, s13;
	[tilespmem:v11+s9+$0x0] =	vst.idx.msk $0xffff, v10  }
0x82: {  	v11 =	vor.u32 s30, v3;
	v10 =	vld.idx.msk [tilespmem:v62+s1+$0x0], $0xffff  }
0x83: {  	v63 =	vadd.s32 v7, v9;
	_ =	sdelay $0x3  }
0x84: {  	s31 =	sadd.s32 $0xFFFFFFF0, s13;
	[tilespmem:v11+s9+$0x0] =	vst.idx.msk $0xffff, v10  }
0x85: {  	v11 =	vor.u32 s31, v3;
	v10 =	vld.idx.msk [tilespmem:v63+s1+$0x0], $0xffff  }
0x86: {  	v9 =	vadd.s32 v8, v9;
	_ =	sdelay $0x3  }
0x87: {  	[tilespmem:v11+s9+$0x0] =	vst.idx.msk $0xffff, v10  }
0x88: {  	v10 =	vor.u32 s13, v3;
	v9 =	vld.idx.msk [tilespmem:v9+s1+$0x0], $0xffff;
	_ =	sdelay $0x2  }
0x89: {  	s12 =	smul.u32 $0x12, s12;
	s11 =	sadd.s32 $0x1, s11  }
0x8a: {  	p0 =	sne.s32 s11, s6  }
.Ltmp1:
0x8b: {  	s12 =	sadd.s32 s4, s12;
	[tilespmem:v10+s9+$0x0] =	vst.idx.msk $0xffff, v9;
	(pc) =	sbr.rel @p0 .LBB2_2-.Ltmp1, $4  }
0x8c: {  	[hbm4b:s12+s1] =	stream.linear.scatter [tilespmem:s9], [sflag:$0x1], $0x1B00, $0x38;
	[tilespmem:$0x3F00] =	vst v63  }
0x8d: {  	_ =	swait.ge [sflag:s8], $0x1B00  }
0x8e: {  	[sflag:s8] =	ssyncset.done $0x0  }
0x8f: {  	[sflag:s8] =	ssyncadd.s32 $0xFFFFE500  }
0x90: {  	s10 =	sadd.s32 $0x1, s10  }
0x91: {  	p0 =	sne.s32 s10, s7  }
.Ltmp2:
0x92: {  	_ = 	snop;
	(pc) =	sbr.rel @p0 .LBB2_1-.Ltmp2, $1  }
0x93: {  	_ =	sdelay $0x3  }
0x94: {  	_ =	sfence.sel $0x180000  }
0x95: {  	[bflag:$0x0] =	sbarrier.arrive $0xFFFF  }
0x96: {  	p0 =	sne.s32 s0, $0x0;
	_ =	strace $0x9000004A  }
0x97: {  	s0 =	sadd.s32 @!p0 $0x100000, s2;
	[bflag:$0x2] =	sbarrier.arrive $0xFFFF  }
0x98: {  	[sflag:s0] =	ssyncadd.tile.s32 @!p0 $0x1;
	_ =	shalt  }
.Lfunc_end2:
_tile_overlayer_lowered:
.L_overlay_start_2:
0x99: {  	(tag) =	ssettag $0x2  }
0x9a: {  	s0 =	rddreg [dreg:$0x0];
	s2 =	stileid.u32  }
0x9b: {  	s1 =	rddreg [dreg:$0x1];
	p0 =	sne.s32 s2, $0x0  }
0x9c: {  	s3 =	rddreg [dreg:$0x2];
	[bflag:$0x3] =	sbarrier.arrive $0xFFFF;
	s2 =	simm.s32 @!p0 $0x1C01  }
0x9d: {  	[timem:s3], [sflag:s2] =	dma.local @!p0 [hbm:s0], s1  }
0x9e: {  	s0 =	simm.s32 @!p0 $0x1  }
0x9f: {  	_ =	swait.ge @!p0 [sflag:s0], s1  }
0xa0: {  	s1 =	ssub.s32 @!p0 $0x0, s1;
	[sflag:s0] =	ssyncset.done @!p0 $0x0  }
0xa1: {  	[sflag:s0] =	ssyncadd.s32 @!p0 s1  }
0xa2: {  	[bflag:$0x3] =	sbarrier.arrive $0xFFFF  }
0xa3: {  	_ =	shalt  }

</sc_bundles>
